<compile_context>
chip_gen: v7x
topology: tpu7x:2x2x1
jax: 0.10.2.dev20260603
libtpu: 0.0.44.dev20260713+nightly
codegen_flags: <defaults>
</compile_context>

<pallas_src>
import functools

import jax
import jax.numpy as jnp
import numpy as np
from jax import lax
from jax.experimental import pallas as pl
from jax.experimental.pallas import tpu as pltpu
from jax.experimental.pallas import tpu_sc as plsc

NUM_FIELDS = 26
VOCAB = 100000
EMBED = 32
BATCH = 4096

NC = 2
NS = 16
L = 16
NW = NC * NS
B_PER_W = BATCH // NW
LOOKUPS_PER_W = B_PER_W * NUM_FIELDS
CHUNK = 128
CHUNKS = LOOKUPS_PER_W // CHUNK
GROUP = 2
NGROUPS = CHUNKS // GROUP

_OFFSETS = ((np.arange(CHUNKS * CHUNK, dtype=np.int64) % NUM_FIELDS)
            * VOCAB).astype(np.int32).reshape(CHUNKS, CHUNK)


def _body(tbl_hbm, idx_hbm, off_hbm, out_hbm, idx_v, off_v, rows_v,
          gsems, osem):
    wid = lax.axis_index("s") * NC + lax.axis_index("c")
    pltpu.sync_copy(idx_hbm.at[wid], idx_v)
    pltpu.sync_copy(off_hbm, off_v)
    gathers = []
    for j in range(CHUNKS):
        for k in range(CHUNK // L):
            s = pl.ds(k * L, L)
            idx_v[j, s] = idx_v[j, s] + off_v[j, s]
        gathers.append(pltpu.async_copy(
            tbl_hbm.at[idx_v.at[j]],
            rows_v.at[pl.ds(j * CHUNK, CHUNK)],
            gsems.at[j // GROUP]))
    out_copies = []
    for g in range(NGROUPS):
        for j in range(g * GROUP, (g + 1) * GROUP):
            gathers[j].wait()
        span = GROUP * CHUNK
        out_copies.append(pltpu.async_copy(
            rows_v.at[pl.ds(g * span, span)],
            out_hbm.at[pl.ds(wid * LOOKUPS_PER_W + g * span, span)],
            osem))
    for c in out_copies:
        c.wait()


@jax.jit
def _sc_gather(tbl, idx3, offsets):
    mesh = plsc.VectorSubcoreMesh(core_axis_name="c", subcore_axis_name="s")
    f = functools.partial(
        pl.kernel,
        mesh=mesh,
        out_type=jax.ShapeDtypeStruct((BATCH * NUM_FIELDS, EMBED),
                                      jnp.float32),
        scratch_types=[
            pltpu.VMEM((CHUNKS, CHUNK), jnp.int32),
            pltpu.VMEM((CHUNKS, CHUNK), jnp.int32),
            pltpu.VMEM((CHUNKS * CHUNK, EMBED), jnp.float32),
            pltpu.SemaphoreType.DMA((NGROUPS,)),
            pltpu.SemaphoreType.DMA,
        ],
        compiler_params=pltpu.CompilerParams(use_tc_tiling_on_sc=False),
    )(_body)
    return f(tbl, idx3, offsets)


def kernel(sparse_features, tables):
    tbl = tables.reshape(NUM_FIELDS * VOCAB, EMBED)
    idx3 = sparse_features.reshape(NW, CHUNKS, CHUNK)
    out = _sc_gather(tbl, idx3, jnp.asarray(_OFFSETS))
    return out.reshape(BATCH, NUM_FIELDS * EMBED)

# --- scband reference (transcript-rebuilt; emitter-appended) ---
"""Pipeline reference for scband-feature-embedding-78838419685659 (READ-ONLY COPY).

The authoritative reference and input builder live on the scoring server;
editing this copy changes nothing except your own understanding.
"""

import jax, jax.numpy as jnp
import numpy as np

NUM_FIELDS = 26
VOCAB = 100000
EMBED = 32
BATCH = 4096


def setup_inputs(seed: int = 0) -> dict:
    key = jax.random.key(seed)
    k_idx, k_tab = jax.random.split(key)
    sparse_features = jax.random.randint(k_idx, (BATCH, NUM_FIELDS), 0, VOCAB, dtype=jnp.int32)
    # One embedding table per feature, stacked: [NUM_FIELDS, VOCAB, EMBED]
    tables = jax.random.normal(k_tab, (NUM_FIELDS, VOCAB, EMBED), dtype=jnp.float32) * 0.02
    return {"sparse_features": sparse_features, "tables": tables}


def reference(sparse_features, tables):
    # For each field i: embeddings[feat_i](sparse_features[:, i]) -> [B, EMBED]
    # then concat along last dim -> [B, NUM_FIELDS * EMBED]
    # vmap over fields: gather rows from per-field table.
    embedded = jax.vmap(lambda tab, idx: jnp.take(tab, idx, axis=0), in_axes=(0, 1), out_axes=1)(tables, sparse_features)
    # embedded: [B, NUM_FIELDS, EMBED] -> reshape matches torch.cat(dim=-1) ordering
    return embedded.reshape(embedded.shape[0], NUM_FIELDS * EMBED)

if __name__ == "__main__":
    import jax
    _d = setup_inputs()
    print(jax.jit(kernel)(*tuple(_d.values())))

</pallas_src>

<mosaic_0001>
#map = affine_map<(d0, d1) -> (0, 0)>
#map1 = affine_map<(d0, d1) -> (0, 0, 0)>
module attributes {stable_mosaic.version = 14 : i64} {
  func.func @_body(%arg0: i32, %arg1: i32, %arg2: memref<2600000x32xf32, #tpu.memory_space<hbm>>, %arg3: memref<32x26x128xi32, #tpu.memory_space<hbm>>, %arg4: memref<26x128xi32, #tpu.memory_space<hbm>>, %arg5: memref<106496x32xf32, #tpu.memory_space<hbm>>, %arg6: memref<26x128xi32, #tpu.memory_space<vmem>>, %arg7: memref<26x128xi32, #tpu.memory_space<vmem>>, %arg8: memref<3328x32xf32, #tpu.memory_space<vmem>>, %arg9: memref<13x!tpu.dma_semaphore, #tpu.memory_space<semaphore_mem>>, %arg10: memref<!tpu.dma_semaphore, #tpu.memory_space<semaphore_mem>>) attributes {dimension_semantics = [#tpu.dimension_semantics<core_parallel>, #tpu.dimension_semantics<subcore_parallel>], iteration_bounds = array<i64: 2, 16>, scalar_prefetch = 0 : i64, scratch_operands = 5 : i64, tpu.core_type = #tpu.core_type<sc_vector_subcore>, window_params = [{transform_indices = #map}, {transform_indices = #map1}, {transform_indices = #map}, {transform_indices = #map}]} {
    %mul3A = arith.constant 2 : i32
    %mul3A_0 = arith.muli %arg1, %mul3A : i32
    %add3A = arith.addi %mul3A_0, %arg0 : i32
    "tpu.region"() ({
      %run_scoped3A = tpu.sem_alloc : memref<!tpu.dma_semaphore, #tpu.memory_space<semaphore_mem>>
      %dma_start3A_4521 = arith.constant 0 : i32
      %dma_start3A_4522 = arith.constant 0 : i32
      %dma_start3A_4523 = tpu.memref_slice %arg3[%add3A, %dma_start3A_4521, %dma_start3A_4522] : memref<32x26x128xi32, #tpu.memory_space<hbm>> -> memref<1x26x128xi32, #tpu.memory_space<hbm>>
      %dma_start3A_4524 = tpu.memref_squeeze %dma_start3A_4523 : memref<1x26x128xi32, #tpu.memory_space<hbm>> -> memref<26x128xi32, #tpu.memory_space<hbm>>
      %dma_start3A_4525 = arith.constant 0 : i32
      %dma_start3A_4526 = arith.constant 0 : i32
      %dma_start3A_4527 = tpu.memref_slice %arg3[%add3A, %dma_start3A_4525, %dma_start3A_4526] : memref<32x26x128xi32, #tpu.memory_space<hbm>> -> memref<1x26x128xi32, #tpu.memory_space<hbm>>
      %dma_start3A_4528 = tpu.memref_squeeze %dma_start3A_4527 : memref<1x26x128xi32, #tpu.memory_space<hbm>> -> memref<26x128xi32, #tpu.memory_space<hbm>>
      tpu.enqueue_dma source(%dma_start3A_4528 : memref<26x128xi32, #tpu.memory_space<hbm>>) target(%arg6 : memref<26x128xi32, #tpu.memory_space<vmem>>) target_semaphore(%run_scoped3A : memref<!tpu.dma_semaphore, #tpu.memory_space<semaphore_mem>>)
      %dma_wait3A_4529 = arith.constant 0 : i32
      %dma_wait3A_4530 = arith.constant 0 : i32
      %dma_wait3A_4531 = tpu.memref_slice %arg3[%add3A, %dma_wait3A_4529, %dma_wait3A_4530] : memref<32x26x128xi32, #tpu.memory_space<hbm>> -> memref<1x26x128xi32, #tpu.memory_space<hbm>>
      %dma_wait3A_4532 = tpu.memref_squeeze %dma_wait3A_4531 : memref<1x26x128xi32, #tpu.memory_space<hbm>> -> memref<26x128xi32, #tpu.memory_space<hbm>>
      %dma_wait3A_4533 = arith.constant 0 : i32
      %dma_wait3A_4534 = arith.constant 0 : i32
      %dma_wait3A_4535 = tpu.memref_slice %arg3[%add3A, %dma_wait3A_4533, %dma_wait3A_4534] : memref<32x26x128xi32, #tpu.memory_space<hbm>> -> memref<1x26x128xi32, #tpu.memory_space<hbm>>
      %dma_wait3A_4536 = tpu.memref_squeeze %dma_wait3A_4535 : memref<1x26x128xi32, #tpu.memory_space<hbm>> -> memref<26x128xi32, #tpu.memory_space<hbm>>
      tpu.wait_dma2 semaphore(%run_scoped3A : memref<!tpu.dma_semaphore, #tpu.memory_space<semaphore_mem>>) src(%dma_wait3A_4536 : memref<26x128xi32, #tpu.memory_space<hbm>>) dst(%arg6 : memref<26x128xi32, #tpu.memory_space<vmem>>)
      tpu.yield
    }) : () -> ()
    "tpu.region"() ({
      %run_scoped3A = tpu.sem_alloc : memref<!tpu.dma_semaphore, #tpu.memory_space<semaphore_mem>>
      tpu.enqueue_dma source(%arg4 : memref<26x128xi32, #tpu.memory_space<hbm>>) target(%arg7 : memref<26x128xi32, #tpu.memory_space<vmem>>) target_semaphore(%run_scoped3A : memref<!tpu.dma_semaphore, #tpu.memory_space<semaphore_mem>>)
      tpu.wait_dma2 semaphore(%run_scoped3A : memref<!tpu.dma_semaphore, #tpu.memory_space<semaphore_mem>>) src(%arg4 : memref<26x128xi32, #tpu.memory_space<hbm>>) dst(%arg7 : memref<26x128xi32, #tpu.memory_space<vmem>>)
      tpu.yield
    }) : () -> ()
    %get3A = arith.constant 0 : i32
    %get3A_1 = arith.index_cast %get3A : i32 to index
    %get3A_2 = arith.constant 0 : index
    %get3A_3 = tpu.vector_load %arg6[%get3A_1, %get3A_2] {strides = array<i32>} : memref<26x128xi32, #tpu.memory_space<vmem>>, vector<1x16xi32>,
    %get3A_4 = vector.shape_cast %get3A_3 : vector<1x16xi32> to vector<16xi32>
    %get3A_5 = arith.constant 0 : i32
    %get3A_6 = arith.index_cast %get3A_5 : i32 to index
    %get3A_7 = arith.constant 0 : index
    %get3A_8 = tpu.vector_load %arg7[%get3A_6, %get3A_7] {strides = array<i32>} : memref<26x128xi32, #tpu.memory_space<vmem>>, vector<1x16xi32>,
    %get3A_9 = vector.shape_cast %get3A_8 : vector<1x16xi32> to vector<16xi32>
    %add3A_10 = arith.addi %get3A_4, %get3A_9 : vector<16xi32>
    %swap3A = arith.constant 0 : i32
    %swap3A_11 = arith.index_cast %swap3A : i32 to index
    %swap3A_12 = arith.constant 0 : index
    %swap3A_13 = tpu.vector_load %arg6[%swap3A_11, %swap3A_12] {strides = array<i32>} : memref<26x128xi32, #tpu.memory_space<vmem>>, vector<1x16xi32>,
    %swap3A_14 = vector.shape_cast %swap3A_13 : vector<1x16xi32> to vector<16xi32>
    %swap3A_15 = vector.shape_cast %add3A_10 : vector<16xi32> to vector<1x16xi32>
    tpu.vector_store %arg6[%swap3A_11, %swap3A_12], %swap3A_15 {strides = array<i32>} : memref<26x128xi32, #tpu.memory_space<vmem>>, vector<1x16xi32>,
    %get3A_16 = arith.constant 0 : i32
    %get3A_17 = arith.index_cast %get3A_16 : i32 to index
    %get3A_18 = arith.constant 16 : index
    %get3A_19 = tpu.vector_load %arg6[%get3A_17, %get3A_18] {strides = array<i32>} : memref<26x128xi32, #tpu.memory_space<vmem>>, vector<1x16xi32>,
    %get3A_20 = vector.shape_cast %get3A_19 : vector<1x16xi32> to vector<16xi32>
    %get3A_21 = arith.constant 0 : i32
    %get3A_22 = arith.index_cast %get3A_21 : i32 to index
    %get3A_23 = arith.constant 16 : index
    %get3A_24 = tpu.vector_load %arg7[%get3A_22, %get3A_23] {strides = array<i32>} : memref<26x128xi32, #tpu.memory_space<vmem>>, vector<1x16xi32>,
    %get3A_25 = vector.shape_cast %get3A_24 : vector<1x16xi32> to vector<16xi32>
    %add3A_26 = arith.addi %get3A_20, %get3A_25 : vector<16xi32>
    %swap3A_27 = arith.constant 0 : i32
    %swap3A_28 = arith.index_cast %swap3A_27 : i32 to index
    %swap3A_29 = arith.constant 16 : index
    %swap3A_30 = tpu.vector_load %arg6[%swap3A_28, %swap3A_29] {strides = array<i32>} : memref<26x128xi32, #tpu.memory_space<vmem>>, vector<1x16xi32>,
    %swap3A_31 = vector.shape_cast %swap3A_30 : vector<1x16xi32> to vector<16xi32>
    %swap3A_32 = vector.shape_cast %add3A_26 : vector<16xi32> to vector<1x16xi32>
    tpu.vector_store %arg6[%swap3A_28, %swap3A_29], %swap3A_32 {strides = array<i32>} : memref<26x128xi32, #tpu.memory_space<vmem>>, vector<1x16xi32>,
    %get3A_33 = arith.constant 0 : i32
    %get3A_34 = arith.index_cast %get3A_33 : i32 to index
    %get3A_35 = arith.constant 32 : index
    %get3A_36 = tpu.vector_load %arg6[%get3A_34, %get3A_35] {strides = array<i32>} : memref<26x128xi32, #tpu.memory_space<vmem>>, vector<1x16xi32>,
    %get3A_37 = vector.shape_cast %get3A_36 : vector<1x16xi32> to vector<16xi32>
    %get3A_38 = arith.constant 0 : i32
    %get3A_39 = arith.index_cast %get3A_38 : i32 to index
    %get3A_40 = arith.constant 32 : index
    %get3A_41 = tpu.vector_load %arg7[%get3A_39, %get3A_40] {strides = array<i32>} : memref<26x128xi32, #tpu.memory_space<vmem>>, vector<1x16xi32>,
    %get3A_42 = vector.shape_cast %get3A_41 : vector<1x16xi32> to vector<16xi32>
    %add3A_43 = arith.addi %get3A_37, %get3A_42 : vector<16xi32>
    %swap3A_44 = arith.constant 0 : i32
    %swap3A_45 = arith.index_cast %swap3A_44 : i32 to index
    %swap3A_46 = arith.constant 32 : index
    %swap3A_47 = tpu.vector_load %arg6[%swap3A_45, %swap3A_46] {strides = array<i32>} : memref<26x128xi32, #tpu.memory_space<vmem>>, vector<1x16xi32>,
    %swap3A_48 = vector.shape_cast %swap3A_47 : vector<1x16xi32> to vector<16xi32>
    %swap3A_49 = vector.shape_cast %add3A_43 : vector<16xi32> to vector<1x16xi32>
    tpu.vector_store %arg6[%swap3A_45, %swap3A_46], %swap3A_49 {strides = array<i32>} : memref<26x128xi32, #tpu.memory_space<vmem>>, vector<1x16xi32>,
    %get3A_50 = arith.constant 0 : i32
    %get3A_51 = arith.index_cast %get3A_50 : i32 to index
    %get3A_52 = arith.constant 48 : index
    %get3A_53 = tpu.vector_load %arg6[%get3A_51, %get3A_52] {strides = array<i32>} : memref<26x128xi32, #tpu.memory_space<vmem>>, vector<1x16xi32>,
    %get3A_54 = vector.shape_cast %get3A_53 : vector<1x16xi32> to vector<16xi32>
    %get3A_55 = arith.constant 0 : i32
    %get3A_56 = arith.index_cast %get3A_55 : i32 to index
    %get3A_57 = arith.constant 48 : index
    %get3A_58 = tpu.vector_load %arg7[%get3A_56, %get3A_57] {strides = array<i32>} : memref<26x128xi32, #tpu.memory_space<vmem>>, vector<1x16xi32>,
    %get3A_59 = vector.shape_cast %get3A_58 : vector<1x16xi32> to vector<16xi32>
    %add3A_60 = arith.addi %get3A_54, %get3A_59 : vector<16xi32>
    %swap3A_61 = arith.constant 0 : i32
    %swap3A_62 = arith.index_cast %swap3A_61 : i32 to index
    %swap3A_63 = arith.constant 48 : index
    %swap3A_64 = tpu.vector_load %arg6[%swap3A_62, %swap3A_63] {strides = array<i32>} : memref<26x128xi32, #tpu.memory_space<vmem>>, vector<1x16xi32>,
    %swap3A_65 = vector.shape_cast %swap3A_64 : vector<1x16xi32> to vector<16xi32>
    %swap3A_66 = vector.shape_cast %add3A_60 : vector<16xi32> to vector<1x16xi32>
    tpu.vector_store %arg6[%swap3A_62, %swap3A_63], %swap3A_66 {strides = array<i32>} : memref<26x128xi32, #tpu.memory_space<vmem>>, vector<1x16xi32>,
    %get3A_67 = arith.constant 0 : i32
    %get3A_68 = arith.index_cast %get3A_67 : i32 to index
    %get3A_69 = arith.constant 64 : index
    %get3A_70 = tpu.vector_load %arg6[%get3A_68, %get3A_69] {strides = array<i32>} : memref<26x128xi32, #tpu.memory_space<vmem>>, vector<1x16xi32>,
    %get3A_71 = vector.shape_cast %get3A_70 : vector<1x16xi32> to vector<16xi32>
    %get3A_72 = arith.constant 0 : i32
    %get3A_73 = arith.index_cast %get3A_72 : i32 to index
    %get3A_74 = arith.constant 64 : index
    %get3A_75 = tpu.vector_load %arg7[%get3A_73, %get3A_74] {strides = array<i32>} : memref<26x128xi32, #tpu.memory_space<vmem>>, vector<1x16xi32>,
    %get3A_76 = vector.shape_cast %get3A_75 : vector<1x16xi32> to vector<16xi32>
    %add3A_77 = arith.addi %get3A_71, %get3A_76 : vector<16xi32>
    %swap3A_78 = arith.constant 0 : i32
    %swap3A_79 = arith.index_cast %swap3A_78 : i32 to index
    %swap3A_80 = arith.constant 64 : index
    %swap3A_81 = tpu.vector_load %arg6[%swap3A_79, %swap3A_80] {strides = array<i32>} : memref<26x128xi32, #tpu.memory_space<vmem>>, vector<1x16xi32>,
    %swap3A_82 = vector.shape_cast %swap3A_81 : vector<1x16xi32> to vector<16xi32>
    %swap3A_83 = vector.shape_cast %add3A_77 : vector<16xi32> to vector<1x16xi32>
    tpu.vector_store %arg6[%swap3A_79, %swap3A_80], %swap3A_83 {strides = array<i32>} : memref<26x128xi32, #tpu.memory_space<vmem>>, vector<1x16xi32>,
    %get3A_84 = arith.constant 0 : i32
    %get3A_85 = arith.index_cast %get3A_84 : i32 to index
    %get3A_86 = arith.constant 80 : index
    %get3A_87 = tpu.vector_load %arg6[%get3A_85, %get3A_86] {strides = array<i32>} : memref<26x128xi32, #tpu.memory_space<vmem>>, vector<1x16xi32>,
    %get3A_88 = vector.shape_cast %get3A_87 : vector<1x16xi32> to vector<16xi32>
    %get3A_89 = arith.constant 0 : i32
    %get3A_90 = arith.index_cast %get3A_89 : i32 to index
    %get3A_91 = arith.constant 80 : index
    %get3A_92 = tpu.vector_load %arg7[%get3A_90, %get3A_91] {strides = array<i32>} : memref<26x128xi32, #tpu.memory_space<vmem>>, vector<1x16xi32>,
    %get3A_93 = vector.shape_cast %get3A_92 : vector<1x16xi32> to vector<16xi32>
    %add3A_94 = arith.addi %get3A_88, %get3A_93 : vector<16xi32>
    %swap3A_95 = arith.constant 0 : i32
    %swap3A_96 = arith.index_cast %swap3A_95 : i32 to index
    %swap3A_97 = arith.constant 80 : index
    %swap3A_98 = tpu.vector_load %arg6[%swap3A_96, %swap3A_97] {strides = array<i32>} : memref<26x128xi32, #tpu.memory_space<vmem>>, vector<1x16xi32>,
    %swap3A_99 = vector.shape_cast %swap3A_98 : vector<1x16xi32> to vector<16xi32>
    %swap3A_100 = vector.shape_cast %add3A_94 : vector<16xi32> to vector<1x16xi32>
    tpu.vector_store %arg6[%swap3A_96, %swap3A_97], %swap3A_100 {strides = array<i32>} : memref<26x128xi32, #tpu.memory_space<vmem>>, vector<1x16xi32>,
    %get3A_101 = arith.constant 0 : i32
    %get3A_102 = arith.index_cast %get3A_101 : i32 to index
    %get3A_103 = arith.constant 96 : index
    %get3A_104 = tpu.vector_load %arg6[%get3A_102, %get3A_103] {strides = array<i32>} : memref<26x128xi32, #tpu.memory_space<vmem>>, vector<1x16xi32>,
    %get3A_105 = vector.shape_cast %get3A_104 : vector<1x16xi32> to vector<16xi32>
    %get3A_106 = arith.constant 0 : i32
    %get3A_107 = arith.index_cast %get3A_106 : i32 to index
    %get3A_108 = arith.constant 96 : index
    %get3A_109 = tpu.vector_load %arg7[%get3A_107, %get3A_108] {strides = array<i32>} : memref<26x128xi32, #tpu.memory_space<vmem>>, vector<1x16xi32>,
    %get3A_110 = vector.shape_cast %get3A_109 : vector<1x16xi32> to vector<16xi32>
    %add3A_111 = arith.addi %get3A_105, %get3A_110 : vector<16xi32>
    %swap3A_112 = arith.constant 0 : i32
    %swap3A_113 = arith.index_cast %swap3A_112 : i32 to index
    %swap3A_114 = arith.constant 96 : index
    %swap3A_115 = tpu.vector_load %arg6[%swap3A_113, %swap3A_114] {strides = array<i32>} : memref<26x128xi32, #tpu.memory_space<vmem>>, vector<1x16xi32>,
    %swap3A_116 = vector.shape_cast %swap3A_115 : vector<1x16xi32> to vector<16xi32>
    %swap3A_117 = vector.shape_cast %add3A_111 : vector<16xi32> to vector<1x16xi32>
    tpu.vector_store %arg6[%swap3A_113, %swap3A_114], %swap3A_117 {strides = array<i32>} : memref<26x128xi32, #tpu.memory_space<vmem>>, vector<1x16xi32>,
    %get3A_118 = arith.constant 0 : i32
    %get3A_119 = arith.index_cast %get3A_118 : i32 to index
    %get3A_120 = arith.constant 112 : index
    %get3A_121 = tpu.vector_load %arg6[%get3A_119, %get3A_120] {strides = array<i32>} : memref<26x128xi32, #tpu.memory_space<vmem>>, vector<1x16xi32>,
    %get3A_122 = vector.shape_cast %get3A_121 : vector<1x16xi32> to vector<16xi32>
    %get3A_123 = arith.constant 0 : i32
    %get3A_124 = arith.index_cast %get3A_123 : i32 to index
    %get3A_125 = arith.constant 112 : index
    %get3A_126 = tpu.vector_load %arg7[%get3A_124, %get3A_125] {strides = array<i32>} : memref<26x128xi32, #tpu.memory_space<vmem>>, vector<1x16xi32>,
    %get3A_127 = vector.shape_cast %get3A_126 : vector<1x16xi32> to vector<16xi32>
    %add3A_128 = arith.addi %get3A_122, %get3A_127 : vector<16xi32>
    %swap3A_129 = arith.constant 0 : i32
    %swap3A_130 = arith.index_cast %swap3A_129 : i32 to index
    %swap3A_131 = arith.constant 112 : index
    %swap3A_132 = tpu.vector_load %arg6[%swap3A_130, %swap3A_131] {strides = array<i32>} : memref<26x128xi32, #tpu.memory_space<vmem>>, vector<1x16xi32>,
    %swap3A_133 = vector.shape_cast %swap3A_132 : vector<1x16xi32> to vector<16xi32>
    %swap3A_134 = vector.shape_cast %add3A_128 : vector<16xi32> to vector<1x16xi32>
    tpu.vector_store %arg6[%swap3A_130, %swap3A_131], %swap3A_134 {strides = array<i32>} : memref<26x128xi32, #tpu.memory_space<vmem>>, vector<1x16xi32>,
    %dma_start3A = arith.constant 0 : i32
    %dma_start3A_135 = arith.constant 0 : i32
    %dma_start3A_136 = arith.constant 0 : i32
    %dma_start3A_137 = arith.constant 0 : i32
    %dma_start3A_138 = tpu.memref_slice %arg8[%dma_start3A_136, %dma_start3A_137] : memref<3328x32xf32, #tpu.memory_space<vmem>> -> memref<128x32xf32, #tpu.memory_space<vmem>>
    %dma_start3A_139 = arith.constant 0 : i32
    %dma_start3A_140 = tpu.memref_slice %arg6[%dma_start3A, %dma_start3A_139] : memref<26x128xi32, #tpu.memory_space<vmem>> -> memref<1x128xi32, #tpu.memory_space<vmem>>
    %dma_start3A_141 = tpu.memref_squeeze %dma_start3A_140 : memref<1x128xi32, #tpu.memory_space<vmem>> -> memref<128xi32, #tpu.memory_space<vmem>>
    %dma_start3A_142 = arith.constant 0 : i32
    %dma_start3A_143 = arith.constant 0 : i32
    %dma_start3A_144 = tpu.memref_slice %arg2[%dma_start3A_142, %dma_start3A_143] : memref<2600000x32xf32, #tpu.memory_space<hbm>> -> memref<2600000x32xf32, #tpu.memory_space<hbm>>
    %dma_start3A_145 = tpu.memref_slice %arg9[%dma_start3A_135] : memref<13x!tpu.dma_semaphore, #tpu.memory_space<semaphore_mem>> -> memref<1x!tpu.dma_semaphore, #tpu.memory_space<semaphore_mem>>
    %dma_start3A_146 = tpu.memref_squeeze %dma_start3A_145 : memref<1x!tpu.dma_semaphore, #tpu.memory_space<semaphore_mem>> -> memref<!tpu.dma_semaphore, #tpu.memory_space<semaphore_mem>>
    tpu.enqueue_indirect_dma source(%dma_start3A_144 : memref<2600000x32xf32, #tpu.memory_space<hbm>>) target(%dma_start3A_138 : memref<128x32xf32, #tpu.memory_space<vmem>>) offsets(%dma_start3A_141 : memref<128xi32, #tpu.memory_space<vmem>>) semaphore(%dma_start3A_146 : memref<!tpu.dma_semaphore, #tpu.memory_space<semaphore_mem>>)
    %get3A_147 = arith.constant 1 : i32
    %get3A_148 = arith.index_cast %get3A_147 : i32 to index
    %get3A_149 = arith.constant 0 : index
    %get3A_150 = tpu.vector_load %arg6[%get3A_148, %get3A_149] {strides = array<i32>} : memref<26x128xi32, #tpu.memory_space<vmem>>, vector<1x16xi32>,
    %get3A_151 = vector.shape_cast %get3A_150 : vector<1x16xi32> to vector<16xi32>
    %get3A_152 = arith.constant 1 : i32
    %get3A_153 = arith.index_cast %get3A_152 : i32 to index
    %get3A_154 = arith.constant 0 : index
    %get3A_155 = tpu.vector_load %arg7[%get3A_153, %get3A_154] {strides = array<i32>} : memref<26x128xi32, #tpu.memory_space<vmem>>, vector<1x16xi32>,
    %get3A_156 = vector.shape_cast %get3A_155 : vector<1x16xi32> to vector<16xi32>
    %add3A_157 = arith.addi %get3A_151, %get3A_156 : vector<16xi32>
    %swap3A_158 = arith.constant 1 : i32
    %swap3A_159 = arith.index_cast %swap3A_158 : i32 to index
    %swap3A_160 = arith.constant 0 : index
    %swap3A_161 = tpu.vector_load %arg6[%swap3A_159, %swap3A_160] {strides = array<i32>} : memref<26x128xi32, #tpu.memory_space<vmem>>, vector<1x16xi32>,
    %swap3A_162 = vector.shape_cast %swap3A_161 : vector<1x16xi32> to vector<16xi32>
    %swap3A_163 = vector.shape_cast %add3A_157 : vector<16xi32> to vector<1x16xi32>
    tpu.vector_store %arg6[%swap3A_159, %swap3A_160], %swap3A_163 {strides = array<i32>} : memref<26x128xi32, #tpu.memory_space<vmem>>, vector<1x16xi32>,
    %get3A_164 = arith.constant 1 : i32
    %get3A_165 = arith.index_cast %get3A_164 : i32 to index
    %get3A_166 = arith.constant 16 : index
    %get3A_167 = tpu.vector_load %arg6[%get3A_165, %get3A_166] {strides = array<i32>} : memref<26x128xi32, #tpu.memory_space<vmem>>, vector<1x16xi32>,
    %get3A_168 = vector.shape_cast %get3A_167 : vector<1x16xi32> to vector<16xi32>
    %get3A_169 = arith.constant 1 : i32
    %get3A_170 = arith.index_cast %get3A_169 : i32 to index
    %get3A_171 = arith.constant 16 : index
    %get3A_172 = tpu.vector_load %arg7[%get3A_170, %get3A_171] {strides = array<i32>} : memref<26x128xi32, #tpu.memory_space<vmem>>, vector<1x16xi32>,
    %get3A_173 = vector.shape_cast %get3A_172 : vector<1x16xi32> to vector<16xi32>
    %add3A_174 = arith.addi %get3A_168, %get3A_173 : vector<16xi32>
    %swap3A_175 = arith.constant 1 : i32
    %swap3A_176 = arith.index_cast %swap3A_175 : i32 to index
    %swap3A_177 = arith.constant 16 : index
    %swap3A_178 = tpu.vector_load %arg6[%swap3A_176, %swap3A_177] {strides = array<i32>} : memref<26x128xi32, #tpu.memory_space<vmem>>, vector<1x16xi32>,
    %swap3A_179 = vector.shape_cast %swap3A_178 : vector<1x16xi32> to vector<16xi32>
    %swap3A_180 = vector.shape_cast %add3A_174 : vector<16xi32> to vector<1x16xi32>
    tpu.vector_store %arg6[%swap3A_176, %swap3A_177], %swap3A_180 {strides = array<i32>} : memref<26x128xi32, #tpu.memory_space<vmem>>, vector<1x16xi32>,
    %get3A_181 = arith.constant 1 : i32
    %get3A_182 = arith.index_cast %get3A_181 : i32 to index
    %get3A_183 = arith.constant 32 : index
    %get3A_184 = tpu.vector_load %arg6[%get3A_182, %get3A_183] {strides = array<i32>} : memref<26x128xi32, #tpu.memory_space<vmem>>, vector<1x16xi32>,
    %get3A_185 = vector.shape_cast %get3A_184 : vector<1x16xi32> to vector<16xi32>
    %get3A_186 = arith.constant 1 : i32
    %get3A_187 = arith.index_cast %get3A_186 : i32 to index
    %get3A_188 = arith.constant 32 : index
    %get3A_189 = tpu.vector_load %arg7[%get3A_187, %get3A_188] {strides = array<i32>} : memref<26x128xi32, #tpu.memory_space<vmem>>, vector<1x16xi32>,
    %get3A_190 = vector.shape_cast %get3A_189 : vector<1x16xi32> to vector<16xi32>
    %add3A_191 = arith.addi %get3A_185, %get3A_190 : vector<16xi32>
    %swap3A_192 = arith.constant 1 : i32
    %swap3A_193 = arith.index_cast %swap3A_192 : i32 to index
    %swap3A_194 = arith.constant 32 : index
    %swap3A_195 = tpu.vector_load %arg6[%swap3A_193, %swap3A_194] {strides = array<i32>} : memref<26x128xi32, #tpu.memory_space<vmem>>, vector<1x16xi32>,
    %swap3A_196 = vector.shape_cast %swap3A_195 : vector<1x16xi32> to vector<16xi32>
    %swap3A_197 = vector.shape_cast %add3A_191 : vector<16xi32> to vector<1x16xi32>
    tpu.vector_store %arg6[%swap3A_193, %swap3A_194], %swap3A_197 {strides = array<i32>} : memref<26x128xi32, #tpu.memory_space<vmem>>, vector<1x16xi32>,
    %get3A_198 = arith.constant 1 : i32
    %get3A_199 = arith.index_cast %get3A_198 : i32 to index
    %get3A_200 = arith.constant 48 : index
    %get3A_201 = tpu.vector_load %arg6[%get3A_199, %get3A_200] {strides = array<i32>} : memref<26x128xi32, #tpu.memory_space<vmem>>, vector<1x16xi32>,
    %get3A_202 = vector.shape_cast %get3A_201 : vector<1x16xi32> to vector<16xi32>
    %get3A_203 = arith.constant 1 : i32
    %get3A_204 = arith.index_cast %get3A_203 : i32 to index
    %get3A_205 = arith.constant 48 : index
    %get3A_206 = tpu.vector_load %arg7[%get3A_204, %get3A_205] {strides = array<i32>} : memref<26x128xi32, #tpu.memory_space<vmem>>, vector<1x16xi32>,
    %get3A_207 = vector.shape_cast %get3A_206 : vector<1x16xi32> to vector<16xi32>
    %add3A_208 = arith.addi %get3A_202, %get3A_207 : vector<16xi32>
    %swap3A_209 = arith.constant 1 : i32
    %swap3A_210 = arith.index_cast %swap3A_209 : i32 to index
    %swap3A_211 = arith.constant 48 : index
    %swap3A_212 = tpu.vector_load %arg6[%swap3A_210, %swap3A_211] {strides = array<i32>} : memref<26x128xi32, #tpu.memory_space<vmem>>, vector<1x16xi32>,
    %swap3A_213 = vector.shape_cast %swap3A_212 : vector<1x16xi32> to vector<16xi32>
    %swap3A_214 = vector.shape_cast %add3A_208 : vector<16xi32> to vector<1x16xi32>
    tpu.vector_store %arg6[%swap3A_210, %swap3A_211], %swap3A_214 {strides = array<i32>} : memref<26x128xi32, #tpu.memory_space<vmem>>, vector<1x16xi32>,
    %get3A_215 = arith.constant 1 : i32
    %get3A_216 = arith.index_cast %get3A_215 : i32 to index
    %get3A_217 = arith.constant 64 : index
    %get3A_218 = tpu.vector_load %arg6[%get3A_216, %get3A_217] {strides = array<i32>} : memref<26x128xi32, #tpu.memory_space<vmem>>, vector<1x16xi32>,
    %get3A_219 = vector.shape_cast %get3A_218 : vector<1x16xi32> to vector<16xi32>
    %get3A_220 = arith.constant 1 : i32
    %get3A_221 = arith.index_cast %get3A_220 : i32 to index
    %get3A_222 = arith.constant 64 : index
    %get3A_223 = tpu.vector_load %arg7[%get3A_221, %get3A_222] {strides = array<i32>} : memref<26x128xi32, #tpu.memory_space<vmem>>, vector<1x16xi32>,
    %get3A_224 = vector.shape_cast %get3A_223 : vector<1x16xi32> to vector<16xi32>
    %add3A_225 = arith.addi %get3A_219, %get3A_224 : vector<16xi32>
    %swap3A_226 = arith.constant 1 : i32
    %swap3A_227 = arith.index_cast %swap3A_226 : i32 to index
    %swap3A_228 = arith.constant 64 : index
    %swap3A_229 = tpu.vector_load %arg6[%swap3A_227, %swap3A_228] {strides = array<i32>} : memref<26x128xi32, #tpu.memory_space<vmem>>, vector<1x16xi32>,
    %swap3A_230 = vector.shape_cast %swap3A_229 : vector<1x16xi32> to vector<16xi32>
    %swap3A_231 = vector.shape_cast %add3A_225 : vector<16xi32> to vector<1x16xi32>
    tpu.vector_store %arg6[%swap3A_227, %swap3A_228], %swap3A_231 {strides = array<i32>} : memref<26x128xi32, #tpu.memory_space<vmem>>, vector<1x16xi32>,
    %get3A_232 = arith.constant 1 : i32
    %get3A_233 = arith.index_cast %get3A_232 : i32 to index
    %get3A_234 = arith.constant 80 : index
    %get3A_235 = tpu.vector_load %arg6[%get3A_233, %get3A_234] {strides = array<i32>} : memref<26x128xi32, #tpu.memory_space<vmem>>, vector<1x16xi32>,
    %get3A_236 = vector.shape_cast %get3A_235 : vector<1x16xi32> to vector<16xi32>
    %get3A_237 = arith.constant 1 : i32
    %get3A_238 = arith.index_cast %get3A_237 : i32 to index
    %get3A_239 = arith.constant 80 : index
    %get3A_240 = tpu.vector_load %arg7[%get3A_238, %get3A_239] {strides = array<i32>} : memref<26x128xi32, #tpu.memory_space<vmem>>, vector<1x16xi32>,
    %get3A_241 = vector.shape_cast %get3A_240 : vector<1x16xi32> to vector<16xi32>
    %add3A_242 = arith.addi %get3A_236, %get3A_241 : vector<16xi32>
    %swap3A_243 = arith.constant 1 : i32
    %swap3A_244 = arith.index_cast %swap3A_243 : i32 to index
    %swap3A_245 = arith.constant 80 : index
    %swap3A_246 = tpu.vector_load %arg6[%swap3A_244, %swap3A_245] {strides = array<i32>} : memref<26x128xi32, #tpu.memory_space<vmem>>, vector<1x16xi32>,
    %swap3A_247 = vector.shape_cast %swap3A_246 : vector<1x16xi32> to vector<16xi32>
    %swap3A_248 = vector.shape_cast %add3A_242 : vector<16xi32> to vector<1x16xi32>
    tpu.vector_store %arg6[%swap3A_244, %swap3A_245], %swap3A_248 {strides = array<i32>} : memref<26x128xi32, #tpu.memory_space<vmem>>, vector<1x16xi32>,
    %get3A_249 = arith.constant 1 : i32
    %get3A_250 = arith.index_cast %get3A_249 : i32 to index
    %get3A_251 = arith.constant 96 : index
    %get3A_252 = tpu.vector_load %arg6[%get3A_250, %get3A_251] {strides = array<i32>} : memref<26x128xi32, #tpu.memory_space<vmem>>, vector<1x16xi32>,
    %get3A_253 = vector.shape_cast %get3A_252 : vector<1x16xi32> to vector<16xi32>
    %get3A_254 = arith.constant 1 : i32
    %get3A_255 = arith.index_cast %get3A_254 : i32 to index
    %get3A_256 = arith.constant 96 : index
    %get3A_257 = tpu.vector_load %arg7[%get3A_255, %get3A_256] {strides = array<i32>} : memref<26x128xi32, #tpu.memory_space<vmem>>, vector<1x16xi32>,
    %get3A_258 = vector.shape_cast %get3A_257 : vector<1x16xi32> to vector<16xi32>
    %add3A_259 = arith.addi %get3A_253, %get3A_258 : vector<16xi32>
    %swap3A_260 = arith.constant 1 : i32
    %swap3A_261 = arith.index_cast %swap3A_260 : i32 to index
    %swap3A_262 = arith.constant 96 : index
    %swap3A_263 = tpu.vector_load %arg6[%swap3A_261, %swap3A_262] {strides = array<i32>} : memref<26x128xi32, #tpu.memory_space<vmem>>, vector<1x16xi32>,
    %swap3A_264 = vector.shape_cast %swap3A_263 : vector<1x16xi32> to vector<16xi32>
    %swap3A_265 = vector.shape_cast %add3A_259 : vector<16xi32> to vector<1x16xi32>
    tpu.vector_store %arg6[%swap3A_261, %swap3A_262], %swap3A_265 {strides = array<i32>} : memref<26x128xi32, #tpu.memory_space<vmem>>, vector<1x16xi32>,
    %get3A_266 = arith.constant 1 : i32
    %get3A_267 = arith.index_cast %get3A_266 : i32 to index
    %get3A_268 = arith.constant 112 : index
    %get3A_269 = tpu.vector_load %arg6[%get3A_267, %get3A_268] {strides = array<i32>} : memref<26x128xi32, #tpu.memory_space<vmem>>, vector<1x16xi32>,
    %get3A_270 = vector.shape_cast %get3A_269 : vector<1x16xi32> to vector<16xi32>
    %get3A_271 = arith.constant 1 : i32
    %get3A_272 = arith.index_cast %get3A_271 : i32 to index
    %get3A_273 = arith.constant 112 : index
    %get3A_274 = tpu.vector_load %arg7[%get3A_272, %get3A_273] {strides = array<i32>} : memref<26x128xi32, #tpu.memory_space<vmem>>, vector<1x16xi32>,
    %get3A_275 = vector.shape_cast %get3A_274 : vector<1x16xi32> to vector<16xi32>
    %add3A_276 = arith.addi %get3A_270, %get3A_275 : vector<16xi32>
    %swap3A_277 = arith.constant 1 : i32
    %swap3A_278 = arith.index_cast %swap3A_277 : i32 to index
    %swap3A_279 = arith.constant 112 : index
    %swap3A_280 = tpu.vector_load %arg6[%swap3A_278, %swap3A_279] {strides = array<i32>} : memref<26x128xi32, #tpu.memory_space<vmem>>, vector<1x16xi32>,
    %swap3A_281 = vector.shape_cast %swap3A_280 : vector<1x16xi32> to vector<16xi32>
    %swap3A_282 = vector.shape_cast %add3A_276 : vector<16xi32> to vector<1x16xi32>
    tpu.vector_store %arg6[%swap3A_278, %swap3A_279], %swap3A_282 {strides = array<i32>} : memref<26x128xi32, #tpu.memory_space<vmem>>, vector<1x16xi32>,
    %dma_start3A_283 = arith.constant 1 : i32
    %dma_start3A_284 = arith.constant 0 : i32
    %dma_start3A_285 = arith.constant 128 : i32
    %dma_start3A_286 = arith.constant 0 : i32
    %dma_start3A_287 = tpu.memref_slice %arg8[%dma_start3A_285, %dma_start3A_286] : memref<3328x32xf32, #tpu.memory_space<vmem>> -> memref<128x32xf32, #tpu.memory_space<vmem>>
    %dma_start3A_288 = arith.constant 0 : i32
    %dma_start3A_289 = tpu.memref_slice %arg6[%dma_start3A_283, %dma_start3A_288] : memref<26x128xi32, #tpu.memory_space<vmem>> -> memref<1x128xi32, #tpu.memory_space<vmem>>
    %dma_start3A_290 = tpu.memref_squeeze %dma_start3A_289 : memref<1x128xi32, #tpu.memory_space<vmem>> -> memref<128xi32, #tpu.memory_space<vmem>>
    %dma_start3A_291 = arith.constant 0 : i32
    %dma_start3A_292 = arith.constant 0 : i32
    %dma_start3A_293 = tpu.memref_slice %arg2[%dma_start3A_291, %dma_start3A_292] : memref<2600000x32xf32, #tpu.memory_space<hbm>> -> memref<2600000x32xf32, #tpu.memory_space<hbm>>
    %dma_start3A_294 = tpu.memref_slice %arg9[%dma_start3A_284] : memref<13x!tpu.dma_semaphore, #tpu.memory_space<semaphore_mem>> -> memref<1x!tpu.dma_semaphore, #tpu.memory_space<semaphore_mem>>
    %dma_start3A_295 = tpu.memref_squeeze %dma_start3A_294 : memref<1x!tpu.dma_semaphore, #tpu.memory_space<semaphore_mem>> -> memref<!tpu.dma_semaphore, #tpu.memory_space<semaphore_mem>>
    tpu.enqueue_indirect_dma source(%dma_start3A_293 : memref<2600000x32xf32, #tpu.memory_space<hbm>>) target(%dma_start3A_287 : memref<128x32xf32, #tpu.memory_space<vmem>>) offsets(%dma_start3A_290 : memref<128xi32, #tpu.memory_space<vmem>>) semaphore(%dma_start3A_295 : memref<!tpu.dma_semaphore, #tpu.memory_space<semaphore_mem>>)
    %get3A_296 = arith.constant 2 : i32
    %get3A_297 = arith.index_cast %get3A_296 : i32 to index
    %get3A_298 = arith.constant 0 : index
    %get3A_299 = tpu.vector_load %arg6[%get3A_297, %get3A_298] {strides = array<i32>} : memref<26x128xi32, #tpu.memory_space<vmem>>, vector<1x16xi32>,
    %get3A_300 = vector.shape_cast %get3A_299 : vector<1x16xi32> to vector<16xi32>
    %get3A_301 = arith.constant 2 : i32
    %get3A_302 = arith.index_cast %get3A_301 : i32 to index
    %get3A_303 = arith.constant 0 : index
    %get3A_304 = tpu.vector_load %arg7[%get3A_302, %get3A_303] {strides = array<i32>} : memref<26x128xi32, #tpu.memory_space<vmem>>, vector<1x16xi32>,
    %get3A_305 = vector.shape_cast %get3A_304 : vector<1x16xi32> to vector<16xi32>
    %add3A_306 = arith.addi %get3A_300, %get3A_305 : vector<16xi32>
    %swap3A_307 = arith.constant 2 : i32
    %swap3A_308 = arith.index_cast %swap3A_307 : i32 to index
    %swap3A_309 = arith.constant 0 : index
    %swap3A_310 = tpu.vector_load %arg6[%swap3A_308, %swap3A_309] {strides = array<i32>} : memref<26x128xi32, #tpu.memory_space<vmem>>, vector<1x16xi32>,
    %swap3A_311 = vector.shape_cast %swap3A_310 : vector<1x16xi32> to vector<16xi32>
    %swap3A_312 = vector.shape_cast %add3A_306 : vector<16xi32> to vector<1x16xi32>
    tpu.vector_store %arg6[%swap3A_308, %swap3A_309], %swap3A_312 {strides = array<i32>} : memref<26x128xi32, #tpu.memory_space<vmem>>, vector<1x16xi32>,
    %get3A_313 = arith.constant 2 : i32
    %get3A_314 = arith.index_cast %get3A_313 : i32 to index
    %get3A_315 = arith.constant 16 : index
    %get3A_316 = tpu.vector_load %arg6[%get3A_314, %get3A_315] {strides = array<i32>} : memref<26x128xi32, #tpu.memory_space<vmem>>, vector<1x16xi32>,
    %get3A_317 = vector.shape_cast %get3A_316 : vector<1x16xi32> to vector<16xi32>
    %get3A_318 = arith.constant 2 : i32
    %get3A_319 = arith.index_cast %get3A_318 : i32 to index
    %get3A_320 = arith.constant 16 : index
    %get3A_321 = tpu.vector_load %arg7[%get3A_319, %get3A_320] {strides = array<i32>} : memref<26x128xi32, #tpu.memory_space<vmem>>, vector<1x16xi32>,
    %get3A_322 = vector.shape_cast %get3A_321 : vector<1x16xi32> to vector<16xi32>
    %add3A_323 = arith.addi %get3A_317, %get3A_322 : vector<16xi32>
    %swap3A_324 = arith.constant 2 : i32
    %swap3A_325 = arith.index_cast %swap3A_324 : i32 to index
    %swap3A_326 = arith.constant 16 : index
    %swap3A_327 = tpu.vector_load %arg6[%swap3A_325, %swap3A_326] {strides = array<i32>} : memref<26x128xi32, #tpu.memory_space<vmem>>, vector<1x16xi32>,
    %swap3A_328 = vector.shape_cast %swap3A_327 : vector<1x16xi32> to vector<16xi32>
    %swap3A_329 = vector.shape_cast %add3A_323 : vector<16xi32> to vector<1x16xi32>
    tpu.vector_store %arg6[%swap3A_325, %swap3A_326], %swap3A_329 {strides = array<i32>} : memref<26x128xi32, #tpu.memory_space<vmem>>, vector<1x16xi32>,
    %get3A_330 = arith.constant 2 : i32
    %get3A_331 = arith.index_cast %get3A_330 : i32 to index
    %get3A_332 = arith.constant 32 : index
    %get3A_333 = tpu.vector_load %arg6[%get3A_331, %get3A_332] {strides = array<i32>} : memref<26x128xi32, #tpu.memory_space<vmem>>, vector<1x16xi32>,
    %get3A_334 = vector.shape_cast %get3A_333 : vector<1x16xi32> to vector<16xi32>
    %get3A_335 = arith.constant 2 : i32
    %get3A_336 = arith.index_cast %get3A_335 : i32 to index
    %get3A_337 = arith.constant 32 : index
    %get3A_338 = tpu.vector_load %arg7[%get3A_336, %get3A_337] {strides = array<i32>} : memref<26x128xi32, #tpu.memory_space<vmem>>, vector<1x16xi32>,
    %get3A_339 = vector.shape_cast %get3A_338 : vector<1x16xi32> to vector<16xi32>
    %add3A_340 = arith.addi %get3A_334, %get3A_339 : vector<16xi32>
    %swap3A_341 = arith.constant 2 : i32
    %swap3A_342 = arith.index_cast %swap3A_341 : i32 to index
    %swap3A_343 = arith.constant 32 : index
    %swap3A_344 = tpu.vector_load %arg6[%swap3A_342, %swap3A_343] {strides = array<i32>} : memref<26x128xi32, #tpu.memory_space<vmem>>, vector<1x16xi32>,
    %swap3A_345 = vector.shape_cast %swap3A_344 : vector<1x16xi32> to vector<16xi32>
    %swap3A_346 = vector.shape_cast %add3A_340 : vector<16xi32> to vector<1x16xi32>
    tpu.vector_store %arg6[%swap3A_342, %swap3A_343], %swap3A_346 {strides = array<i32>} : memref<26x128xi32, #tpu.memory_space<vmem>>, vector<1x16xi32>,
    %get3A_347 = arith.constant 2 : i32
    %get3A_348 = arith.index_cast %get3A_347 : i32 to index
    %get3A_349 = arith.constant 48 : index
    %get3A_350 = tpu.vector_load %arg6[%get3A_348, %get3A_349] {strides = array<i32>} : memref<26x128xi32, #tpu.memory_space<vmem>>, vector<1x16xi32>,
    %get3A_351 = vector.shape_cast %get3A_350 : vector<1x16xi32> to vector<16xi32>
    %get3A_352 = arith.constant 2 : i32
    %get3A_353 = arith.index_cast %get3A_352 : i32 to index
    %get3A_354 = arith.constant 48 : index
    %get3A_355 = tpu.vector_load %arg7[%get3A_353, %get3A_354] {strides = array<i32>} : memref<26x128xi32, #tpu.memory_space<vmem>>, vector<1x16xi32>,
    %get3A_356 = vector.shape_cast %get3A_355 : vector<1x16xi32> to vector<16xi32>
    %add3A_357 = arith.addi %get3A_351, %get3A_356 : vector<16xi32>
    %swap3A_358 = arith.constant 2 : i32
    %swap3A_359 = arith.index_cast %swap3A_358 : i32 to index
    %swap3A_360 = arith.constant 48 : index
    %swap3A_361 = tpu.vector_load %arg6[%swap3A_359, %swap3A_360] {strides = array<i32>} : memref<26x128xi32, #tpu.memory_space<vmem>>, vector<1x16xi32>,
    %swap3A_362 = vector.shape_cast %swap3A_361 : vector<1x16xi32> to vector<16xi32>
    %swap3A_363 = vector.shape_cast %add3A_357 : vector<16xi32> to vector<1x16xi32>
    tpu.vector_store %arg6[%swap3A_359, %swap3A_360], %swap3A_363 {strides = array<i32>} : memref<26x128xi32, #tpu.memory_space<vmem>>, vector<1x16xi32>,
    %get3A_364 = arith.constant 2 : i32
    %get3A_365 = arith.index_cast %get3A_364 : i32 to index
    %get3A_366 = arith.constant 64 : index
    %get3A_367 = tpu.vector_load %arg6[%get3A_365, %get3A_366] {strides = array<i32>} : memref<26x128xi32, #tpu.memory_space<vmem>>, vector<1x16xi32>,
    %get3A_368 = vector.shape_cast %get3A_367 : vector<1x16xi32> to vector<16xi32>
    %get3A_369 = arith.constant 2 : i32
    %get3A_370 = arith.index_cast %get3A_369 : i32 to index
    %get3A_371 = arith.constant 64 : index
    %get3A_372 = tpu.vector_load %arg7[%get3A_370, %get3A_371] {strides = array<i32>} : memref<26x128xi32, #tpu.memory_space<vmem>>, vector<1x16xi32>,
    %get3A_373 = vector.shape_cast %get3A_372 : vector<1x16xi32> to vector<16xi32>
    %add3A_374 = arith.addi %get3A_368, %get3A_373 : vector<16xi32>
    %swap3A_375 = arith.constant 2 : i32
    %swap3A_376 = arith.index_cast %swap3A_375 : i32 to index
    %swap3A_377 = arith.constant 64 : index
    %swap3A_378 = tpu.vector_load %arg6[%swap3A_376, %swap3A_377] {strides = array<i32>} : memref<26x128xi32, #tpu.memory_space<vmem>>, vector<1x16xi32>,
    %swap3A_379 = vector.shape_cast %swap3A_378 : vector<1x16xi32> to vector<16xi32>
    %swap3A_380 = vector.shape_cast %add3A_374 : vector<16xi32> to vector<1x16xi32>
    tpu.vector_store %arg6[%swap3A_376, %swap3A_377], %swap3A_380 {strides = array<i32>} : memref<26x128xi32, #tpu.memory_space<vmem>>, vector<1x16xi32>,
    %get3A_381 = arith.constant 2 : i32
    %get3A_382 = arith.index_cast %get3A_381 : i32 to index
    %get3A_383 = arith.constant 80 : index
    %get3A_384 = tpu.vector_load %arg6[%get3A_382, %get3A_383] {strides = array<i32>} : memref<26x128xi32, #tpu.memory_space<vmem>>, vector<1x16xi32>,
    %get3A_385 = vector.shape_cast %get3A_384 : vector<1x16xi32> to vector<16xi32>
    %get3A_386 = arith.constant 2 : i32
    %get3A_387 = arith.index_cast %get3A_386 : i32 to index
    %get3A_388 = arith.constant 80 : index
    %get3A_389 = tpu.vector_load %arg7[%get3A_387, %get3A_388] {strides = array<i32>} : memref<26x128xi32, #tpu.memory_space<vmem>>, vector<1x16xi32>,
    %get3A_390 = vector.shape_cast %get3A_389 : vector<1x16xi32> to vector<16xi32>
    %add3A_391 = arith.addi %get3A_385, %get3A_390 : vector<16xi32>
    %swap3A_392 = arith.constant 2 : i32
    %swap3A_393 = arith.index_cast %swap3A_392 : i32 to index
    %swap3A_394 = arith.constant 80 : index
    %swap3A_395 = tpu.vector_load %arg6[%swap3A_393, %swap3A_394] {strides = array<i32>} : memref<26x128xi32, #tpu.memory_space<vmem>>, vector<1x16xi32>,
    %swap3A_396 = vector.shape_cast %swap3A_395 : vector<1x16xi32> to vector<16xi32>
    %swap3A_397 = vector.shape_cast %add3A_391 : vector<16xi32> to vector<1x16xi32>
    tpu.vector_store %arg6[%swap3A_393, %swap3A_394], %swap3A_397 {strides = array<i32>} : memref<26x128xi32, #tpu.memory_space<vmem>>, vector<1x16xi32>,
    %get3A_398 = arith.constant 2 : i32
    %get3A_399 = arith.index_cast %get3A_398 : i32 to index
    %get3A_400 = arith.constant 96 : index
    %get3A_401 = tpu.vector_load %arg6[%get3A_399, %get3A_400] {strides = array<i32>} : memref<26x128xi32, #tpu.memory_space<vmem>>, vector<1x16xi32>,
    %get3A_402 = vector.shape_cast %get3A_401 : vector<1x16xi32> to vector<16xi32>
    %get3A_403 = arith.constant 2 : i32
    %get3A_404 = arith.index_cast %get3A_403 : i32 to index
    %get3A_405 = arith.constant 96 : index
    %get3A_406 = tpu.vector_load %arg7[%get3A_404, %get3A_405] {strides = array<i32>} : memref<26x128xi32, #tpu.memory_space<vmem>>, vector<1x16xi32>,
    %get3A_407 = vector.shape_cast %get3A_406 : vector<1x16xi32> to vector<16xi32>
    %add3A_408 = arith.addi %get3A_402, %get3A_407 : vector<16xi32>
    %swap3A_409 = arith.constant 2 : i32
    %swap3A_410 = arith.index_cast %swap3A_409 : i32 to index
    %swap3A_411 = arith.constant 96 : index
    %swap3A_412 = tpu.vector_load %arg6[%swap3A_410, %swap3A_411] {strides = array<i32>} : memref<26x128xi32, #tpu.memory_space<vmem>>, vector<1x16xi32>,
    %swap3A_413 = vector.shape_cast %swap3A_412 : vector<1x16xi32> to vector<16xi32>
    %swap3A_414 = vector.shape_cast %add3A_408 : vector<16xi32> to vector<1x16xi32>
    tpu.vector_store %arg6[%swap3A_410, %swap3A_411], %swap3A_414 {strides = array<i32>} : memref<26x128xi32, #tpu.memory_space<vmem>>, vector<1x16xi32>,
    %get3A_415 = arith.constant 2 : i32
    %get3A_416 = arith.index_cast %get3A_415 : i32 to index
    %get3A_417 = arith.constant 112 : index
    %get3A_418 = tpu.vector_load %arg6[%get3A_416, %get3A_417] {strides = array<i32>} : memref<26x128xi32, #tpu.memory_space<vmem>>, vector<1x16xi32>,
    %get3A_419 = vector.shape_cast %get3A_418 : vector<1x16xi32> to vector<16xi32>
    %get3A_420 = arith.constant 2 : i32
    %get3A_421 = arith.index_cast %get3A_420 : i32 to index
    %get3A_422 = arith.constant 112 : index
    %get3A_423 = tpu.vector_load %arg7[%get3A_421, %get3A_422] {strides = array<i32>} : memref<26x128xi32, #tpu.memory_space<vmem>>, vector<1x16xi32>,
    %get3A_424 = vector.shape_cast %get3A_423 : vector<1x16xi32> to vector<16xi32>
    %add3A_425 = arith.addi %get3A_419, %get3A_424 : vector<16xi32>
    %swap3A_426 = arith.constant 2 : i32
    %swap3A_427 = arith.index_cast %swap3A_426 : i32 to index
    %swap3A_428 = arith.constant 112 : index
    %swap3A_429 = tpu.vector_load %arg6[%swap3A_427, %swap3A_428] {strides = array<i32>} : memref<26x128xi32, #tpu.memory_space<vmem>>, vector<1x16xi32>,
    %swap3A_430 = vector.shape_cast %swap3A_429 : vector<1x16xi32> to vector<16xi32>
    %swap3A_431 = vector.shape_cast %add3A_425 : vector<16xi32> to vector<1x16xi32>
    tpu.vector_store %arg6[%swap3A_427, %swap3A_428], %swap3A_431 {strides = array<i32>} : memref<26x128xi32, #tpu.memory_space<vmem>>, vector<1x16xi32>,
    %dma_start3A_432 = arith.constant 2 : i32
    %dma_start3A_433 = arith.constant 1 : i32
    %dma_start3A_434 = arith.constant 256 : i32
    %dma_start3A_435 = arith.constant 0 : i32
    %dma_start3A_436 = tpu.memref_slice %arg8[%dma_start3A_434, %dma_start3A_435] : memref<3328x32xf32, #tpu.memory_space<vmem>> -> memref<128x32xf32, #tpu.memory_space<vmem>>
    %dma_start3A_437 = arith.constant 0 : i32
    %dma_start3A_438 = tpu.memref_slice %arg6[%dma_start3A_432, %dma_start3A_437] : memref<26x128xi32, #tpu.memory_space<vmem>> -> memref<1x128xi32, #tpu.memory_space<vmem>>
    %dma_start3A_439 = tpu.memref_squeeze %dma_start3A_438 : memref<1x128xi32, #tpu.memory_space<vmem>> -> memref<128xi32, #tpu.memory_space<vmem>>
    %dma_start3A_440 = arith.constant 0 : i32
    %dma_start3A_441 = arith.constant 0 : i32
    %dma_start3A_442 = tpu.memref_slice %arg2[%dma_start3A_440, %dma_start3A_441] : memref<2600000x32xf32, #tpu.memory_space<hbm>> -> memref<2600000x32xf32, #tpu.memory_space<hbm>>
    %dma_start3A_443 = tpu.memref_slice %arg9[%dma_start3A_433] : memref<13x!tpu.dma_semaphore, #tpu.memory_space<semaphore_mem>> -> memref<1x!tpu.dma_semaphore, #tpu.memory_space<semaphore_mem>>
    %dma_start3A_444 = tpu.memref_squeeze %dma_start3A_443 : memref<1x!tpu.dma_semaphore, #tpu.memory_space<semaphore_mem>> -> memref<!tpu.dma_semaphore, #tpu.memory_space<semaphore_mem>>
    tpu.enqueue_indirect_dma source(%dma_start3A_442 : memref<2600000x32xf32, #tpu.memory_space<hbm>>) target(%dma_start3A_436 : memref<128x32xf32, #tpu.memory_space<vmem>>) offsets(%dma_start3A_439 : memref<128xi32, #tpu.memory_space<vmem>>) semaphore(%dma_start3A_444 : memref<!tpu.dma_semaphore, #tpu.memory_space<semaphore_mem>>)
    %get3A_445 = arith.constant 3 : i32
    %get3A_446 = arith.index_cast %get3A_445 : i32 to index
    %get3A_447 = arith.constant 0 : index
    %get3A_448 = tpu.vector_load %arg6[%get3A_446, %get3A_447] {strides = array<i32>} : memref<26x128xi32, #tpu.memory_space<vmem>>, vector<1x16xi32>,
    %get3A_449 = vector.shape_cast %get3A_448 : vector<1x16xi32> to vector<16xi32>
    %get3A_450 = arith.constant 3 : i32
    %get3A_451 = arith.index_cast %get3A_450 : i32 to index
    %get3A_452 = arith.constant 0 : index
    %get3A_453 = tpu.vector_load %arg7[%get3A_451, %get3A_452] {strides = array<i32>} : memref<26x128xi32, #tpu.memory_space<vmem>>, vector<1x16xi32>,
    %get3A_454 = vector.shape_cast %get3A_453 : vector<1x16xi32> to vector<16xi32>
    %add3A_455 = arith.addi %get3A_449, %get3A_454 : vector<16xi32>
    %swap3A_456 = arith.constant 3 : i32
    %swap3A_457 = arith.index_cast %swap3A_456 : i32 to index
    %swap3A_458 = arith.constant 0 : index
    %swap3A_459 = tpu.vector_load %arg6[%swap3A_457, %swap3A_458] {strides = array<i32>} : memref<26x128xi32, #tpu.memory_space<vmem>>, vector<1x16xi32>,
    %swap3A_460 = vector.shape_cast %swap3A_459 : vector<1x16xi32> to vector<16xi32>
    %swap3A_461 = vector.shape_cast %add3A_455 : vector<16xi32> to vector<1x16xi32>
    tpu.vector_store %arg6[%swap3A_457, %swap3A_458], %swap3A_461 {strides = array<i32>} : memref<26x128xi32, #tpu.memory_space<vmem>>, vector<1x16xi32>,
    %get3A_462 = arith.constant 3 : i32
    %get3A_463 = arith.index_cast %get3A_462 : i32 to index
    %get3A_464 = arith.constant 16 : index
    %get3A_465 = tpu.vector_load %arg6[%get3A_463, %get3A_464] {strides = array<i32>} : memref<26x128xi32, #tpu.memory_space<vmem>>, vector<1x16xi32>,
    %get3A_466 = vector.shape_cast %get3A_465 : vector<1x16xi32> to vector<16xi32>
    %get3A_467 = arith.constant 3 : i32
    %get3A_468 = arith.index_cast %get3A_467 : i32 to index
    %get3A_469 = arith.constant 16 : index
    %get3A_470 = tpu.vector_load %arg7[%get3A_468, %get3A_469] {strides = array<i32>} : memref<26x128xi32, #tpu.memory_space<vmem>>, vector<1x16xi32>,
    %get3A_471 = vector.shape_cast %get3A_470 : vector<1x16xi32> to vector<16xi32>
    %add3A_472 = arith.addi %get3A_466, %get3A_471 : vector<16xi32>
    %swap3A_473 = arith.constant 3 : i32
    %swap3A_474 = arith.index_cast %swap3A_473 : i32 to index
    %swap3A_475 = arith.constant 16 : index
    %swap3A_476 = tpu.vector_load %arg6[%swap3A_474, %swap3A_475] {strides = array<i32>} : memref<26x128xi32, #tpu.memory_space<vmem>>, vector<1x16xi32>,
    %swap3A_477 = vector.shape_cast %swap3A_476 : vector<1x16xi32> to vector<16xi32>
    %swap3A_478 = vector.shape_cast %add3A_472 : vector<16xi32> to vector<1x16xi32>
    tpu.vector_store %arg6[%swap3A_474, %swap3A_475], %swap3A_478 {strides = array<i32>} : memref<26x128xi32, #tpu.memory_space<vmem>>, vector<1x16xi32>,
    %get3A_479 = arith.constant 3 : i32
    %get3A_480 = arith.index_cast %get3A_479 : i32 to index
    %get3A_481 = arith.constant 32 : index
    %get3A_482 = tpu.vector_load %arg6[%get3A_480, %get3A_481] {strides = array<i32>} : memref<26x128xi32, #tpu.memory_space<vmem>>, vector<1x16xi32>,
    %get3A_483 = vector.shape_cast %get3A_482 : vector<1x16xi32> to vector<16xi32>
    %get3A_484 = arith.constant 3 : i32
    %get3A_485 = arith.index_cast %get3A_484 : i32 to index
    %get3A_486 = arith.constant 32 : index
    %get3A_487 = tpu.vector_load %arg7[%get3A_485, %get3A_486] {strides = array<i32>} : memref<26x128xi32, #tpu.memory_space<vmem>>, vector<1x16xi32>,
    %get3A_488 = vector.shape_cast %get3A_487 : vector<1x16xi32> to vector<16xi32>
    %add3A_489 = arith.addi %get3A_483, %get3A_488 : vector<16xi32>
    %swap3A_490 = arith.constant 3 : i32
    %swap3A_491 = arith.index_cast %swap3A_490 : i32 to index
    %swap3A_492 = arith.constant 32 : index
    %swap3A_493 = tpu.vector_load %arg6[%swap3A_491, %swap3A_492] {strides = array<i32>} : memref<26x128xi32, #tpu.memory_space<vmem>>, vector<1x16xi32>,
    %swap3A_494 = vector.shape_cast %swap3A_493 : vector<1x16xi32> to vector<16xi32>
    %swap3A_495 = vector.shape_cast %add3A_489 : vector<16xi32> to vector<1x16xi32>
    tpu.vector_store %arg6[%swap3A_491, %swap3A_492], %swap3A_495 {strides = array<i32>} : memref<26x128xi32, #tpu.memory_space<vmem>>, vector<1x16xi32>,
    %get3A_496 = arith.constant 3 : i32
    %get3A_497 = arith.index_cast %get3A_496 : i32 to index
    %get3A_498 = arith.constant 48 : index
    %get3A_499 = tpu.vector_load %arg6[%get3A_497, %get3A_498] {strides = array<i32>} : memref<26x128xi32, #tpu.memory_space<vmem>>, vector<1x16xi32>,
    %get3A_500 = vector.shape_cast %get3A_499 : vector<1x16xi32> to vector<16xi32>
    %get3A_501 = arith.constant 3 : i32
    %get3A_502 = arith.index_cast %get3A_501 : i32 to index
    %get3A_503 = arith.constant 48 : index
    %get3A_504 = tpu.vector_load %arg7[%get3A_502, %get3A_503] {strides = array<i32>} : memref<26x128xi32, #tpu.memory_space<vmem>>, vector<1x16xi32>,
    %get3A_505 = vector.shape_cast %get3A_504 : vector<1x16xi32> to vector<16xi32>
    %add3A_506 = arith.addi %get3A_500, %get3A_505 : vector<16xi32>
    %swap3A_507 = arith.constant 3 : i32
    %swap3A_508 = arith.index_cast %swap3A_507 : i32 to index
    %swap3A_509 = arith.constant 48 : index
    %swap3A_510 = tpu.vector_load %arg6[%swap3A_508, %swap3A_509] {strides = array<i32>} : memref<26x128xi32, #tpu.memory_space<vmem>>, vector<1x16xi32>,
    %swap3A_511 = vector.shape_cast %swap3A_510 : vector<1x16xi32> to vector<16xi32>
    %swap3A_512 = vector.shape_cast %add3A_506 : vector<16xi32> to vector<1x16xi32>
    tpu.vector_store %arg6[%swap3A_508, %swap3A_509], %swap3A_512 {strides = array<i32>} : memref<26x128xi32, #tpu.memory_space<vmem>>, vector<1x16xi32>,
    %get3A_513 = arith.constant 3 : i32
    %get3A_514 = arith.index_cast %get3A_513 : i32 to index
    %get3A_515 = arith.constant 64 : index
    %get3A_516 = tpu.vector_load %arg6[%get3A_514, %get3A_515] {strides = array<i32>} : memref<26x128xi32, #tpu.memory_space<vmem>>, vector<1x16xi32>,
    %get3A_517 = vector.shape_cast %get3A_516 : vector<1x16xi32> to vector<16xi32>
    %get3A_518 = arith.constant 3 : i32
    %get3A_519 = arith.index_cast %get3A_518 : i32 to index
    %get3A_520 = arith.constant 64 : index
    %get3A_521 = tpu.vector_load %arg7[%get3A_519, %get3A_520] {strides = array<i32>} : memref<26x128xi32, #tpu.memory_space<vmem>>, vector<1x16xi32>,
    %get3A_522 = vector.shape_cast %get3A_521 : vector<1x16xi32> to vector<16xi32>
    %add3A_523 = arith.addi %get3A_517, %get3A_522 : vector<16xi32>
    %swap3A_524 = arith.constant 3 : i32
    %swap3A_525 = arith.index_cast %swap3A_524 : i32 to index
    %swap3A_526 = arith.constant 64 : index
    %swap3A_527 = tpu.vector_load %arg6[%swap3A_525, %swap3A_526] {strides = array<i32>} : memref<26x128xi32, #tpu.memory_space<vmem>>, vector<1x16xi32>,
    %swap3A_528 = vector.shape_cast %swap3A_527 : vector<1x16xi32> to vector<16xi32>
    %swap3A_529 = vector.shape_cast %add3A_523 : vector<16xi32> to vector<1x16xi32>
    tpu.vector_store %arg6[%swap3A_525, %swap3A_526], %swap3A_529 {strides = array<i32>} : memref<26x128xi32, #tpu.memory_space<vmem>>, vector<1x16xi32>,
    %get3A_530 = arith.constant 3 : i32
    %get3A_531 = arith.index_cast %get3A_530 : i32 to index
    %get3A_532 = arith.constant 80 : index
    %get3A_533 = tpu.vector_load %arg6[%get3A_531, %get3A_532] {strides = array<i32>} : memref<26x128xi32, #tpu.memory_space<vmem>>, vector<1x16xi32>,
    %get3A_534 = vector.shape_cast %get3A_533 : vector<1x16xi32> to vector<16xi32>
    %get3A_535 = arith.constant 3 : i32
    %get3A_536 = arith.index_cast %get3A_535 : i32 to index
    %get3A_537 = arith.constant 80 : index
    %get3A_538 = tpu.vector_load %arg7[%get3A_536, %get3A_537] {strides = array<i32>} : memref<26x128xi32, #tpu.memory_space<vmem>>, vector<1x16xi32>,
    %get3A_539 = vector.shape_cast %get3A_538 : vector<1x16xi32> to vector<16xi32>
    %add3A_540 = arith.addi %get3A_534, %get3A_539 : vector<16xi32>
    %swap3A_541 = arith.constant 3 : i32
    %swap3A_542 = arith.index_cast %swap3A_541 : i32 to index
    %swap3A_543 = arith.constant 80 : index
    %swap3A_544 = tpu.vector_load %arg6[%swap3A_542, %swap3A_543] {strides = array<i32>} : memref<26x128xi32, #tpu.memory_space<vmem>>, vector<1x16xi32>,
    %swap3A_545 = vector.shape_cast %swap3A_544 : vector<1x16xi32> to vector<16xi32>
    %swap3A_546 = vector.shape_cast %add3A_540 : vector<16xi32> to vector<1x16xi32>
    tpu.vector_store %arg6[%swap3A_542, %swap3A_543], %swap3A_546 {strides = array<i32>} : memref<26x128xi32, #tpu.memory_space<vmem>>, vector<1x16xi32>,
    %get3A_547 = arith.constant 3 : i32
    %get3A_548 = arith.index_cast %get3A_547 : i32 to index
    %get3A_549 = arith.constant 96 : index
    %get3A_550 = tpu.vector_load %arg6[%get3A_548, %get3A_549] {strides = array<i32>} : memref<26x128xi32, #tpu.memory_space<vmem>>, vector<1x16xi32>,
    %get3A_551 = vector.shape_cast %get3A_550 : vector<1x16xi32> to vector<16xi32>
    %get3A_552 = arith.constant 3 : i32
    %get3A_553 = arith.index_cast %get3A_552 : i32 to index
    %get3A_554 = arith.constant 96 : index
    %get3A_555 = tpu.vector_load %arg7[%get3A_553, %get3A_554] {strides = array<i32>} : memref<26x128xi32, #tpu.memory_space<vmem>>, vector<1x16xi32>,
    %get3A_556 = vector.shape_cast %get3A_555 : vector<1x16xi32> to vector<16xi32>
    %add3A_557 = arith.addi %get3A_551, %get3A_556 : vector<16xi32>
    %swap3A_558 = arith.constant 3 : i32
    %swap3A_559 = arith.index_cast %swap3A_558 : i32 to index
    %swap3A_560 = arith.constant 96 : index
    %swap3A_561 = tpu.vector_load %arg6[%swap3A_559, %swap3A_560] {strides = array<i32>} : memref<26x128xi32, #tpu.memory_space<vmem>>, vector<1x16xi32>,
    %swap3A_562 = vector.shape_cast %swap3A_561 : vector<1x16xi32> to vector<16xi32>
    %swap3A_563 = vector.shape_cast %add3A_557 : vector<16xi32> to vector<1x16xi32>
    tpu.vector_store %arg6[%swap3A_559, %swap3A_560], %swap3A_563 {strides = array<i32>} : memref<26x128xi32, #tpu.memory_space<vmem>>, vector<1x16xi32>,
    %get3A_564 = arith.constant 3 : i32
    %get3A_565 = arith.index_cast %get3A_564 : i32 to index
    %get3A_566 = arith.constant 112 : index
    %get3A_567 = tpu.vector_load %arg6[%get3A_565, %get3A_566] {strides = array<i32>} : memref<26x128xi32, #tpu.memory_space<vmem>>, vector<1x16xi32>,
    %get3A_568 = vector.shape_cast %get3A_567 : vector<1x16xi32> to vector<16xi32>
    %get3A_569 = arith.constant 3 : i32
    %get3A_570 = arith.index_cast %get3A_569 : i32 to index
    %get3A_571 = arith.constant 112 : index
    %get3A_572 = tpu.vector_load %arg7[%get3A_570, %get3A_571] {strides = array<i32>} : memref<26x128xi32, #tpu.memory_space<vmem>>, vector<1x16xi32>,
    %get3A_573 = vector.shape_cast %get3A_572 : vector<1x16xi32> to vector<16xi32>
    %add3A_574 = arith.addi %get3A_568, %get3A_573 : vector<16xi32>
    %swap3A_575 = arith.constant 3 : i32
    %swap3A_576 = arith.index_cast %swap3A_575 : i32 to index
    %swap3A_577 = arith.constant 112 : index
    %swap3A_578 = tpu.vector_load %arg6[%swap3A_576, %swap3A_577] {strides = array<i32>} : memref<26x128xi32, #tpu.memory_space<vmem>>, vector<1x16xi32>,
    %swap3A_579 = vector.shape_cast %swap3A_578 : vector<1x16xi32> to vector<16xi32>
    %swap3A_580 = vector.shape_cast %add3A_574 : vector<16xi32> to vector<1x16xi32>
    tpu.vector_store %arg6[%swap3A_576, %swap3A_577], %swap3A_580 {strides = array<i32>} : memref<26x128xi32, #tpu.memory_space<vmem>>, vector<1x16xi32>,
    %dma_start3A_581 = arith.constant 3 : i32
    %dma_start3A_582 = arith.constant 1 : i32
    %dma_start3A_583 = arith.constant 384 : i32
    %dma_start3A_584 = arith.constant 0 : i32
    %dma_start3A_585 = tpu.memref_slice %arg8[%dma_start3A_583, %dma_start3A_584] : memref<3328x32xf32, #tpu.memory_space<vmem>> -> memref<128x32xf32, #tpu.memory_space<vmem>>
    %dma_start3A_586 = arith.constant 0 : i32
    %dma_start3A_587 = tpu.memref_slice %arg6[%dma_start3A_581, %dma_start3A_586] : memref<26x128xi32, #tpu.memory_space<vmem>> -> memref<1x128xi32, #tpu.memory_space<vmem>>
    %dma_start3A_588 = tpu.memref_squeeze %dma_start3A_587 : memref<1x128xi32, #tpu.memory_space<vmem>> -> memref<128xi32, #tpu.memory_space<vmem>>
    %dma_start3A_589 = arith.constant 0 : i32
    %dma_start3A_590 = arith.constant 0 : i32
    %dma_start3A_591 = tpu.memref_slice %arg2[%dma_start3A_589, %dma_start3A_590] : memref<2600000x32xf32, #tpu.memory_space<hbm>> -> memref<2600000x32xf32, #tpu.memory_space<hbm>>
    %dma_start3A_592 = tpu.memref_slice %arg9[%dma_start3A_582] : memref<13x!tpu.dma_semaphore, #tpu.memory_space<semaphore_mem>> -> memref<1x!tpu.dma_semaphore, #tpu.memory_space<semaphore_mem>>
    %dma_start3A_593 = tpu.memref_squeeze %dma_start3A_592 : memref<1x!tpu.dma_semaphore, #tpu.memory_space<semaphore_mem>> -> memref<!tpu.dma_semaphore, #tpu.memory_space<semaphore_mem>>
    tpu.enqueue_indirect_dma source(%dma_start3A_591 : memref<2600000x32xf32, #tpu.memory_space<hbm>>) target(%dma_start3A_585 : memref<128x32xf32, #tpu.memory_space<vmem>>) offsets(%dma_start3A_588 : memref<128xi32, #tpu.memory_space<vmem>>) semaphore(%dma_start3A_593 : memref<!tpu.dma_semaphore, #tpu.memory_space<semaphore_mem>>)
    %get3A_594 = arith.constant 4 : i32
    %get3A_595 = arith.index_cast %get3A_594 : i32 to index
    %get3A_596 = arith.constant 0 : index
    %get3A_597 = tpu.vector_load %arg6[%get3A_595, %get3A_596] {strides = array<i32>} : memref<26x128xi32, #tpu.memory_space<vmem>>, vector<1x16xi32>,
    %get3A_598 = vector.shape_cast %get3A_597 : vector<1x16xi32> to vector<16xi32>
    %get3A_599 = arith.constant 4 : i32
    %get3A_600 = arith.index_cast %get3A_599 : i32 to index
    %get3A_601 = arith.constant 0 : index
    %get3A_602 = tpu.vector_load %arg7[%get3A_600, %get3A_601] {strides = array<i32>} : memref<26x128xi32, #tpu.memory_space<vmem>>, vector<1x16xi32>,
    %get3A_603 = vector.shape_cast %get3A_602 : vector<1x16xi32> to vector<16xi32>
    %add3A_604 = arith.addi %get3A_598, %get3A_603 : vector<16xi32>
    %swap3A_605 = arith.constant 4 : i32
    %swap3A_606 = arith.index_cast %swap3A_605 : i32 to index
    %swap3A_607 = arith.constant 0 : index
    %swap3A_608 = tpu.vector_load %arg6[%swap3A_606, %swap3A_607] {strides = array<i32>} : memref<26x128xi32, #tpu.memory_space<vmem>>, vector<1x16xi32>,
    %swap3A_609 = vector.shape_cast %swap3A_608 : vector<1x16xi32> to vector<16xi32>
    %swap3A_610 = vector.shape_cast %add3A_604 : vector<16xi32> to vector<1x16xi32>
    tpu.vector_store %arg6[%swap3A_606, %swap3A_607], %swap3A_610 {strides = array<i32>} : memref<26x128xi32, #tpu.memory_space<vmem>>, vector<1x16xi32>,
    %get3A_611 = arith.constant 4 : i32
    %get3A_612 = arith.index_cast %get3A_611 : i32 to index
    %get3A_613 = arith.constant 16 : index
    %get3A_614 = tpu.vector_load %arg6[%get3A_612, %get3A_613] {strides = array<i32>} : memref<26x128xi32, #tpu.memory_space<vmem>>, vector<1x16xi32>,
    %get3A_615 = vector.shape_cast %get3A_614 : vector<1x16xi32> to vector<16xi32>
    %get3A_616 = arith.constant 4 : i32
    %get3A_617 = arith.index_cast %get3A_616 : i32 to index
    %get3A_618 = arith.constant 16 : index
    %get3A_619 = tpu.vector_load %arg7[%get3A_617, %get3A_618] {strides = array<i32>} : memref<26x128xi32, #tpu.memory_space<vmem>>, vector<1x16xi32>,
    %get3A_620 = vector.shape_cast %get3A_619 : vector<1x16xi32> to vector<16xi32>
    %add3A_621 = arith.addi %get3A_615, %get3A_620 : vector<16xi32>
    %swap3A_622 = arith.constant 4 : i32
    %swap3A_623 = arith.index_cast %swap3A_622 : i32 to index
    %swap3A_624 = arith.constant 16 : index
    %swap3A_625 = tpu.vector_load %arg6[%swap3A_623, %swap3A_624] {strides = array<i32>} : memref<26x128xi32, #tpu.memory_space<vmem>>, vector<1x16xi32>,
    %swap3A_626 = vector.shape_cast %swap3A_625 : vector<1x16xi32> to vector<16xi32>
    %swap3A_627 = vector.shape_cast %add3A_621 : vector<16xi32> to vector<1x16xi32>
    tpu.vector_store %arg6[%swap3A_623, %swap3A_624], %swap3A_627 {strides = array<i32>} : memref<26x128xi32, #tpu.memory_space<vmem>>, vector<1x16xi32>,
    %get3A_628 = arith.constant 4 : i32
    %get3A_629 = arith.index_cast %get3A_628 : i32 to index
    %get3A_630 = arith.constant 32 : index
    %get3A_631 = tpu.vector_load %arg6[%get3A_629, %get3A_630] {strides = array<i32>} : memref<26x128xi32, #tpu.memory_space<vmem>>, vector<1x16xi32>,
    %get3A_632 = vector.shape_cast %get3A_631 : vector<1x16xi32> to vector<16xi32>
    %get3A_633 = arith.constant 4 : i32
    %get3A_634 = arith.index_cast %get3A_633 : i32 to index
    %get3A_635 = arith.constant 32 : index
    %get3A_636 = tpu.vector_load %arg7[%get3A_634, %get3A_635] {strides = array<i32>} : memref<26x128xi32, #tpu.memory_space<vmem>>, vector<1x16xi32>,
    %get3A_637 = vector.shape_cast %get3A_636 : vector<1x16xi32> to vector<16xi32>
    %add3A_638 = arith.addi %get3A_632, %get3A_637 : vector<16xi32>
    %swap3A_639 = arith.constant 4 : i32
    %swap3A_640 = arith.index_cast %swap3A_639 : i32 to index
    %swap3A_641 = arith.constant 32 : index
    %swap3A_642 = tpu.vector_load %arg6[%swap3A_640, %swap3A_641] {strides = array<i32>} : memref<26x128xi32, #tpu.memory_space<vmem>>, vector<1x16xi32>,
    %swap3A_643 = vector.shape_cast %swap3A_642 : vector<1x16xi32> to vector<16xi32>
    %swap3A_644 = vector.shape_cast %add3A_638 : vector<16xi32> to vector<1x16xi32>
    tpu.vector_store %arg6[%swap3A_640, %swap3A_641], %swap3A_644 {strides = array<i32>} : memref<26x128xi32, #tpu.memory_space<vmem>>, vector<1x16xi32>,
    %get3A_645 = arith.constant 4 : i32
    %get3A_646 = arith.index_cast %get3A_645 : i32 to index
    %get3A_647 = arith.constant 48 : index
    %get3A_648 = tpu.vector_load %arg6[%get3A_646, %get3A_647] {strides = array<i32>} : memref<26x128xi32, #tpu.memory_space<vmem>>, vector<1x16xi32>,
    %get3A_649 = vector.shape_cast %get3A_648 : vector<1x16xi32> to vector<16xi32>
    %get3A_650 = arith.constant 4 : i32
    %get3A_651 = arith.index_cast %get3A_650 : i32 to index
    %get3A_652 = arith.constant 48 : index
    %get3A_653 = tpu.vector_load %arg7[%get3A_651, %get3A_652] {strides = array<i32>} : memref<26x128xi32, #tpu.memory_space<vmem>>, vector<1x16xi32>,
    %get3A_654 = vector.shape_cast %get3A_653 : vector<1x16xi32> to vector<16xi32>
    %add3A_655 = arith.addi %get3A_649, %get3A_654 : vector<16xi32>
    %swap3A_656 = arith.constant 4 : i32
    %swap3A_657 = arith.index_cast %swap3A_656 : i32 to index
    %swap3A_658 = arith.constant 48 : index
    %swap3A_659 = tpu.vector_load %arg6[%swap3A_657, %swap3A_658] {strides = array<i32>} : memref<26x128xi32, #tpu.memory_space<vmem>>, vector<1x16xi32>,
    %swap3A_660 = vector.shape_cast %swap3A_659 : vector<1x16xi32> to vector<16xi32>
    %swap3A_661 = vector.shape_cast %add3A_655 : vector<16xi32> to vector<1x16xi32>
    tpu.vector_store %arg6[%swap3A_657, %swap3A_658], %swap3A_661 {strides = array<i32>} : memref<26x128xi32, #tpu.memory_space<vmem>>, vector<1x16xi32>,
    %get3A_662 = arith.constant 4 : i32
    %get3A_663 = arith.index_cast %get3A_662 : i32 to index
    %get3A_664 = arith.constant 64 : index
    %get3A_665 = tpu.vector_load %arg6[%get3A_663, %get3A_664] {strides = array<i32>} : memref<26x128xi32, #tpu.memory_space<vmem>>, vector<1x16xi32>,
    %get3A_666 = vector.shape_cast %get3A_665 : vector<1x16xi32> to vector<16xi32>
    %get3A_667 = arith.constant 4 : i32
    %get3A_668 = arith.index_cast %get3A_667 : i32 to index
    %get3A_669 = arith.constant 64 : index
    %get3A_670 = tpu.vector_load %arg7[%get3A_668, %get3A_669] {strides = array<i32>} : memref<26x128xi32, #tpu.memory_space<vmem>>, vector<1x16xi32>,
    %get3A_671 = vector.shape_cast %get3A_670 : vector<1x16xi32> to vector<16xi32>
    %add3A_672 = arith.addi %get3A_666, %get3A_671 : vector<16xi32>
    %swap3A_673 = arith.constant 4 : i32
    %swap3A_674 = arith.index_cast %swap3A_673 : i32 to index
    %swap3A_675 = arith.constant 64 : index
    %swap3A_676 = tpu.vector_load %arg6[%swap3A_674, %swap3A_675] {strides = array<i32>} : memref<26x128xi32, #tpu.memory_space<vmem>>, vector<1x16xi32>,
    %swap3A_677 = vector.shape_cast %swap3A_676 : vector<1x16xi32> to vector<16xi32>
    %swap3A_678 = vector.shape_cast %add3A_672 : vector<16xi32> to vector<1x16xi32>
    tpu.vector_store %arg6[%swap3A_674, %swap3A_675], %swap3A_678 {strides = array<i32>} : memref<26x128xi32, #tpu.memory_space<vmem>>, vector<1x16xi32>,
    %get3A_679 = arith.constant 4 : i32
    %get3A_680 = arith.index_cast %get3A_679 : i32 to index
    %get3A_681 = arith.constant 80 : index
    %get3A_682 = tpu.vector_load %arg6[%get3A_680, %get3A_681] {strides = array<i32>} : memref<26x128xi32, #tpu.memory_space<vmem>>, vector<1x16xi32>,
    %get3A_683 = vector.shape_cast %get3A_682 : vector<1x16xi32> to vector<16xi32>
    %get3A_684 = arith.constant 4 : i32
    %get3A_685 = arith.index_cast %get3A_684 : i32 to index
    %get3A_686 = arith.constant 80 : index
    %get3A_687 = tpu.vector_load %arg7[%get3A_685, %get3A_686] {strides = array<i32>} : memref<26x128xi32, #tpu.memory_space<vmem>>, vector<1x16xi32>,
    %get3A_688 = vector.shape_cast %get3A_687 : vector<1x16xi32> to vector<16xi32>
    %add3A_689 = arith.addi %get3A_683, %get3A_688 : vector<16xi32>
    %swap3A_690 = arith.constant 4 : i32
    %swap3A_691 = arith.index_cast %swap3A_690 : i32 to index
    %swap3A_692 = arith.constant 80 : index
    %swap3A_693 = tpu.vector_load %arg6[%swap3A_691, %swap3A_692] {strides = array<i32>} : memref<26x128xi32, #tpu.memory_space<vmem>>, vector<1x16xi32>,
    %swap3A_694 = vector.shape_cast %swap3A_693 : vector<1x16xi32> to vector<16xi32>
    %swap3A_695 = vector.shape_cast %add3A_689 : vector<16xi32> to vector<1x16xi32>
    tpu.vector_store %arg6[%swap3A_691, %swap3A_692], %swap3A_695 {strides = array<i32>} : memref<26x128xi32, #tpu.memory_space<vmem>>, vector<1x16xi32>,
    %get3A_696 = arith.constant 4 : i32
    %get3A_697 = arith.index_cast %get3A_696 : i32 to index
    %get3A_698 = arith.constant 96 : index
    %get3A_699 = tpu.vector_load %arg6[%get3A_697, %get3A_698] {strides = array<i32>} : memref<26x128xi32, #tpu.memory_space<vmem>>, vector<1x16xi32>,
    %get3A_700 = vector.shape_cast %get3A_699 : vector<1x16xi32> to vector<16xi32>
    %get3A_701 = arith.constant 4 : i32
    %get3A_702 = arith.index_cast %get3A_701 : i32 to index
    %get3A_703 = arith.constant 96 : index
    %get3A_704 = tpu.vector_load %arg7[%get3A_702, %get3A_703] {strides = array<i32>} : memref<26x128xi32, #tpu.memory_space<vmem>>, vector<1x16xi32>,
    %get3A_705 = vector.shape_cast %get3A_704 : vector<1x16xi32> to vector<16xi32>
    %add3A_706 = arith.addi %get3A_700, %get3A_705 : vector<16xi32>
    %swap3A_707 = arith.constant 4 : i32
    %swap3A_708 = arith.index_cast %swap3A_707 : i32 to index
    %swap3A_709 = arith.constant 96 : index
    %swap3A_710 = tpu.vector_load %arg6[%swap3A_708, %swap3A_709] {strides = array<i32>} : memref<26x128xi32, #tpu.memory_space<vmem>>, vector<1x16xi32>,
    %swap3A_711 = vector.shape_cast %swap3A_710 : vector<1x16xi32> to vector<16xi32>
    %swap3A_712 = vector.shape_cast %add3A_706 : vector<16xi32> to vector<1x16xi32>
    tpu.vector_store %arg6[%swap3A_708, %swap3A_709], %swap3A_712 {strides = array<i32>} : memref<26x128xi32, #tpu.memory_space<vmem>>, vector<1x16xi32>,
    %get3A_713 = arith.constant 4 : i32
    %get3A_714 = arith.index_cast %get3A_713 : i32 to index
    %get3A_715 = arith.constant 112 : index
    %get3A_716 = tpu.vector_load %arg6[%get3A_714, %get3A_715] {strides = array<i32>} : memref<26x128xi32, #tpu.memory_space<vmem>>, vector<1x16xi32>,
    %get3A_717 = vector.shape_cast %get3A_716 : vector<1x16xi32> to vector<16xi32>
    %get3A_718 = arith.constant 4 : i32
    %get3A_719 = arith.index_cast %get3A_718 : i32 to index
    %get3A_720 = arith.constant 112 : index
    %get3A_721 = tpu.vector_load %arg7[%get3A_719, %get3A_720] {strides = array<i32>} : memref<26x128xi32, #tpu.memory_space<vmem>>, vector<1x16xi32>,
    %get3A_722 = vector.shape_cast %get3A_721 : vector<1x16xi32> to vector<16xi32>
    %add3A_723 = arith.addi %get3A_717, %get3A_722 : vector<16xi32>
    %swap3A_724 = arith.constant 4 : i32
    %swap3A_725 = arith.index_cast %swap3A_724 : i32 to index
    %swap3A_726 = arith.constant 112 : index
    %swap3A_727 = tpu.vector_load %arg6[%swap3A_725, %swap3A_726] {strides = array<i32>} : memref<26x128xi32, #tpu.memory_space<vmem>>, vector<1x16xi32>,
    %swap3A_728 = vector.shape_cast %swap3A_727 : vector<1x16xi32> to vector<16xi32>
    %swap3A_729 = vector.shape_cast %add3A_723 : vector<16xi32> to vector<1x16xi32>
    tpu.vector_store %arg6[%swap3A_725, %swap3A_726], %swap3A_729 {strides = array<i32>} : memref<26x128xi32, #tpu.memory_space<vmem>>, vector<1x16xi32>,
    %dma_start3A_730 = arith.constant 4 : i32
    %dma_start3A_731 = arith.constant 2 : i32
    %dma_start3A_732 = arith.constant 512 : i32
    %dma_start3A_733 = arith.constant 0 : i32
    %dma_start3A_734 = tpu.memref_slice %arg8[%dma_start3A_732, %dma_start3A_733] : memref<3328x32xf32, #tpu.memory_space<vmem>> -> memref<128x32xf32, #tpu.memory_space<vmem>>
    %dma_start3A_735 = arith.constant 0 : i32
    %dma_start3A_736 = tpu.memref_slice %arg6[%dma_start3A_730, %dma_start3A_735] : memref<26x128xi32, #tpu.memory_space<vmem>> -> memref<1x128xi32, #tpu.memory_space<vmem>>
    %dma_start3A_737 = tpu.memref_squeeze %dma_start3A_736 : memref<1x128xi32, #tpu.memory_space<vmem>> -> memref<128xi32, #tpu.memory_space<vmem>>
    %dma_start3A_738 = arith.constant 0 : i32
    %dma_start3A_739 = arith.constant 0 : i32
    %dma_start3A_740 = tpu.memref_slice %arg2[%dma_start3A_738, %dma_start3A_739] : memref<2600000x32xf32, #tpu.memory_space<hbm>> -> memref<2600000x32xf32, #tpu.memory_space<hbm>>
    %dma_start3A_741 = tpu.memref_slice %arg9[%dma_start3A_731] : memref<13x!tpu.dma_semaphore, #tpu.memory_space<semaphore_mem>> -> memref<1x!tpu.dma_semaphore, #tpu.memory_space<semaphore_mem>>
    %dma_start3A_742 = tpu.memref_squeeze %dma_start3A_741 : memref<1x!tpu.dma_semaphore, #tpu.memory_space<semaphore_mem>> -> memref<!tpu.dma_semaphore, #tpu.memory_space<semaphore_mem>>
    tpu.enqueue_indirect_dma source(%dma_start3A_740 : memref<2600000x32xf32, #tpu.memory_space<hbm>>) target(%dma_start3A_734 : memref<128x32xf32, #tpu.memory_space<vmem>>) offsets(%dma_start3A_737 : memref<128xi32, #tpu.memory_space<vmem>>) semaphore(%dma_start3A_742 : memref<!tpu.dma_semaphore, #tpu.memory_space<semaphore_mem>>)
    %get3A_743 = arith.constant 5 : i32
    %get3A_744 = arith.index_cast %get3A_743 : i32 to index
    %get3A_745 = arith.constant 0 : index
    %get3A_746 = tpu.vector_load %arg6[%get3A_744, %get3A_745] {strides = array<i32>} : memref<26x128xi32, #tpu.memory_space<vmem>>, vector<1x16xi32>,
    %get3A_747 = vector.shape_cast %get3A_746 : vector<1x16xi32> to vector<16xi32>
    %get3A_748 = arith.constant 5 : i32
    %get3A_749 = arith.index_cast %get3A_748 : i32 to index
    %get3A_750 = arith.constant 0 : index
    %get3A_751 = tpu.vector_load %arg7[%get3A_749, %get3A_750] {strides = array<i32>} : memref<26x128xi32, #tpu.memory_space<vmem>>, vector<1x16xi32>,
    %get3A_752 = vector.shape_cast %get3A_751 : vector<1x16xi32> to vector<16xi32>
    %add3A_753 = arith.addi %get3A_747, %get3A_752 : vector<16xi32>
    %swap3A_754 = arith.constant 5 : i32
    %swap3A_755 = arith.index_cast %swap3A_754 : i32 to index
    %swap3A_756 = arith.constant 0 : index
    %swap3A_757 = tpu.vector_load %arg6[%swap3A_755, %swap3A_756] {strides = array<i32>} : memref<26x128xi32, #tpu.memory_space<vmem>>, vector<1x16xi32>,
    %swap3A_758 = vector.shape_cast %swap3A_757 : vector<1x16xi32> to vector<16xi32>
    %swap3A_759 = vector.shape_cast %add3A_753 : vector<16xi32> to vector<1x16xi32>
    tpu.vector_store %arg6[%swap3A_755, %swap3A_756], %swap3A_759 {strides = array<i32>} : memref<26x128xi32, #tpu.memory_space<vmem>>, vector<1x16xi32>,
    %get3A_760 = arith.constant 5 : i32
    %get3A_761 = arith.index_cast %get3A_760 : i32 to index
    %get3A_762 = arith.constant 16 : index
    %get3A_763 = tpu.vector_load %arg6[%get3A_761, %get3A_762] {strides = array<i32>} : memref<26x128xi32, #tpu.memory_space<vmem>>, vector<1x16xi32>,
    %get3A_764 = vector.shape_cast %get3A_763 : vector<1x16xi32> to vector<16xi32>
    %get3A_765 = arith.constant 5 : i32
    %get3A_766 = arith.index_cast %get3A_765 : i32 to index
    %get3A_767 = arith.constant 16 : index
    %get3A_768 = tpu.vector_load %arg7[%get3A_766, %get3A_767] {strides = array<i32>} : memref<26x128xi32, #tpu.memory_space<vmem>>, vector<1x16xi32>,
    %get3A_769 = vector.shape_cast %get3A_768 : vector<1x16xi32> to vector<16xi32>
    %add3A_770 = arith.addi %get3A_764, %get3A_769 : vector<16xi32>
    %swap3A_771 = arith.constant 5 : i32
    %swap3A_772 = arith.index_cast %swap3A_771 : i32 to index
    %swap3A_773 = arith.constant 16 : index
    %swap3A_774 = tpu.vector_load %arg6[%swap3A_772, %swap3A_773] {strides = array<i32>} : memref<26x128xi32, #tpu.memory_space<vmem>>, vector<1x16xi32>,
    %swap3A_775 = vector.shape_cast %swap3A_774 : vector<1x16xi32> to vector<16xi32>
    %swap3A_776 = vector.shape_cast %add3A_770 : vector<16xi32> to vector<1x16xi32>
    tpu.vector_store %arg6[%swap3A_772, %swap3A_773], %swap3A_776 {strides = array<i32>} : memref<26x128xi32, #tpu.memory_space<vmem>>, vector<1x16xi32>,
    %get3A_777 = arith.constant 5 : i32
    %get3A_778 = arith.index_cast %get3A_777 : i32 to index
    %get3A_779 = arith.constant 32 : index
    %get3A_780 = tpu.vector_load %arg6[%get3A_778, %get3A_779] {strides = array<i32>} : memref<26x128xi32, #tpu.memory_space<vmem>>, vector<1x16xi32>,
    %get3A_781 = vector.shape_cast %get3A_780 : vector<1x16xi32> to vector<16xi32>
    %get3A_782 = arith.constant 5 : i32
    %get3A_783 = arith.index_cast %get3A_782 : i32 to index
    %get3A_784 = arith.constant 32 : index
    %get3A_785 = tpu.vector_load %arg7[%get3A_783, %get3A_784] {strides = array<i32>} : memref<26x128xi32, #tpu.memory_space<vmem>>, vector<1x16xi32>,
    %get3A_786 = vector.shape_cast %get3A_785 : vector<1x16xi32> to vector<16xi32>
    %add3A_787 = arith.addi %get3A_781, %get3A_786 : vector<16xi32>
    %swap3A_788 = arith.constant 5 : i32
    %swap3A_789 = arith.index_cast %swap3A_788 : i32 to index
    %swap3A_790 = arith.constant 32 : index
    %swap3A_791 = tpu.vector_load %arg6[%swap3A_789, %swap3A_790] {strides = array<i32>} : memref<26x128xi32, #tpu.memory_space<vmem>>, vector<1x16xi32>,
    %swap3A_792 = vector.shape_cast %swap3A_791 : vector<1x16xi32> to vector<16xi32>
    %swap3A_793 = vector.shape_cast %add3A_787 : vector<16xi32> to vector<1x16xi32>
    tpu.vector_store %arg6[%swap3A_789, %swap3A_790], %swap3A_793 {strides = array<i32>} : memref<26x128xi32, #tpu.memory_space<vmem>>, vector<1x16xi32>,
    %get3A_794 = arith.constant 5 : i32
    %get3A_795 = arith.index_cast %get3A_794 : i32 to index
    %get3A_796 = arith.constant 48 : index
    %get3A_797 = tpu.vector_load %arg6[%get3A_795, %get3A_796] {strides = array<i32>} : memref<26x128xi32, #tpu.memory_space<vmem>>, vector<1x16xi32>,
    %get3A_798 = vector.shape_cast %get3A_797 : vector<1x16xi32> to vector<16xi32>
    %get3A_799 = arith.constant 5 : i32
    %get3A_800 = arith.index_cast %get3A_799 : i32 to index
    %get3A_801 = arith.constant 48 : index
    %get3A_802 = tpu.vector_load %arg7[%get3A_800, %get3A_801] {strides = array<i32>} : memref<26x128xi32, #tpu.memory_space<vmem>>, vector<1x16xi32>,
    %get3A_803 = vector.shape_cast %get3A_802 : vector<1x16xi32> to vector<16xi32>
    %add3A_804 = arith.addi %get3A_798, %get3A_803 : vector<16xi32>
    %swap3A_805 = arith.constant 5 : i32
    %swap3A_806 = arith.index_cast %swap3A_805 : i32 to index
    %swap3A_807 = arith.constant 48 : index
    %swap3A_808 = tpu.vector_load %arg6[%swap3A_806, %swap3A_807] {strides = array<i32>} : memref<26x128xi32, #tpu.memory_space<vmem>>, vector<1x16xi32>,
    %swap3A_809 = vector.shape_cast %swap3A_808 : vector<1x16xi32> to vector<16xi32>
    %swap3A_810 = vector.shape_cast %add3A_804 : vector<16xi32> to vector<1x16xi32>
    tpu.vector_store %arg6[%swap3A_806, %swap3A_807], %swap3A_810 {strides = array<i32>} : memref<26x128xi32, #tpu.memory_space<vmem>>, vector<1x16xi32>,
    %get3A_811 = arith.constant 5 : i32
    %get3A_812 = arith.index_cast %get3A_811 : i32 to index
    %get3A_813 = arith.constant 64 : index
    %get3A_814 = tpu.vector_load %arg6[%get3A_812, %get3A_813] {strides = array<i32>} : memref<26x128xi32, #tpu.memory_space<vmem>>, vector<1x16xi32>,
    %get3A_815 = vector.shape_cast %get3A_814 : vector<1x16xi32> to vector<16xi32>
    %get3A_816 = arith.constant 5 : i32
    %get3A_817 = arith.index_cast %get3A_816 : i32 to index
    %get3A_818 = arith.constant 64 : index
    %get3A_819 = tpu.vector_load %arg7[%get3A_817, %get3A_818] {strides = array<i32>} : memref<26x128xi32, #tpu.memory_space<vmem>>, vector<1x16xi32>,
    %get3A_820 = vector.shape_cast %get3A_819 : vector<1x16xi32> to vector<16xi32>
    %add3A_821 = arith.addi %get3A_815, %get3A_820 : vector<16xi32>
    %swap3A_822 = arith.constant 5 : i32
    %swap3A_823 = arith.index_cast %swap3A_822 : i32 to index
    %swap3A_824 = arith.constant 64 : index
    %swap3A_825 = tpu.vector_load %arg6[%swap3A_823, %swap3A_824] {strides = array<i32>} : memref<26x128xi32, #tpu.memory_space<vmem>>, vector<1x16xi32>,
    %swap3A_826 = vector.shape_cast %swap3A_825 : vector<1x16xi32> to vector<16xi32>
    %swap3A_827 = vector.shape_cast %add3A_821 : vector<16xi32> to vector<1x16xi32>
    tpu.vector_store %arg6[%swap3A_823, %swap3A_824], %swap3A_827 {strides = array<i32>} : memref<26x128xi32, #tpu.memory_space<vmem>>, vector<1x16xi32>,
    %get3A_828 = arith.constant 5 : i32
    %get3A_829 = arith.index_cast %get3A_828 : i32 to index
    %get3A_830 = arith.constant 80 : index
    %get3A_831 = tpu.vector_load %arg6[%get3A_829, %get3A_830] {strides = array<i32>} : memref<26x128xi32, #tpu.memory_space<vmem>>, vector<1x16xi32>,
    %get3A_832 = vector.shape_cast %get3A_831 : vector<1x16xi32> to vector<16xi32>
    %get3A_833 = arith.constant 5 : i32
    %get3A_834 = arith.index_cast %get3A_833 : i32 to index
    %get3A_835 = arith.constant 80 : index
    %get3A_836 = tpu.vector_load %arg7[%get3A_834, %get3A_835] {strides = array<i32>} : memref<26x128xi32, #tpu.memory_space<vmem>>, vector<1x16xi32>,
    %get3A_837 = vector.shape_cast %get3A_836 : vector<1x16xi32> to vector<16xi32>
    %add3A_838 = arith.addi %get3A_832, %get3A_837 : vector<16xi32>
    %swap3A_839 = arith.constant 5 : i32
    %swap3A_840 = arith.index_cast %swap3A_839 : i32 to index
    %swap3A_841 = arith.constant 80 : index
    %swap3A_842 = tpu.vector_load %arg6[%swap3A_840, %swap3A_841] {strides = array<i32>} : memref<26x128xi32, #tpu.memory_space<vmem>>, vector<1x16xi32>,
    %swap3A_843 = vector.shape_cast %swap3A_842 : vector<1x16xi32> to vector<16xi32>
    %swap3A_844 = vector.shape_cast %add3A_838 : vector<16xi32> to vector<1x16xi32>
    tpu.vector_store %arg6[%swap3A_840, %swap3A_841], %swap3A_844 {strides = array<i32>} : memref<26x128xi32, #tpu.memory_space<vmem>>, vector<1x16xi32>,
    %get3A_845 = arith.constant 5 : i32
    %get3A_846 = arith.index_cast %get3A_845 : i32 to index
    %get3A_847 = arith.constant 96 : index
    %get3A_848 = tpu.vector_load %arg6[%get3A_846, %get3A_847] {strides = array<i32>} : memref<26x128xi32, #tpu.memory_space<vmem>>, vector<1x16xi32>,
    %get3A_849 = vector.shape_cast %get3A_848 : vector<1x16xi32> to vector<16xi32>
    %get3A_850 = arith.constant 5 : i32
    %get3A_851 = arith.index_cast %get3A_850 : i32 to index
    %get3A_852 = arith.constant 96 : index
    %get3A_853 = tpu.vector_load %arg7[%get3A_851, %get3A_852] {strides = array<i32>} : memref<26x128xi32, #tpu.memory_space<vmem>>, vector<1x16xi32>,
    %get3A_854 = vector.shape_cast %get3A_853 : vector<1x16xi32> to vector<16xi32>
    %add3A_855 = arith.addi %get3A_849, %get3A_854 : vector<16xi32>
    %swap3A_856 = arith.constant 5 : i32
    %swap3A_857 = arith.index_cast %swap3A_856 : i32 to index
    %swap3A_858 = arith.constant 96 : index
    %swap3A_859 = tpu.vector_load %arg6[%swap3A_857, %swap3A_858] {strides = array<i32>} : memref<26x128xi32, #tpu.memory_space<vmem>>, vector<1x16xi32>,
    %swap3A_860 = vector.shape_cast %swap3A_859 : vector<1x16xi32> to vector<16xi32>
    %swap3A_861 = vector.shape_cast %add3A_855 : vector<16xi32> to vector<1x16xi32>
    tpu.vector_store %arg6[%swap3A_857, %swap3A_858], %swap3A_861 {strides = array<i32>} : memref<26x128xi32, #tpu.memory_space<vmem>>, vector<1x16xi32>,
    %get3A_862 = arith.constant 5 : i32
    %get3A_863 = arith.index_cast %get3A_862 : i32 to index
    %get3A_864 = arith.constant 112 : index
    %get3A_865 = tpu.vector_load %arg6[%get3A_863, %get3A_864] {strides = array<i32>} : memref<26x128xi32, #tpu.memory_space<vmem>>, vector<1x16xi32>,
    %get3A_866 = vector.shape_cast %get3A_865 : vector<1x16xi32> to vector<16xi32>
    %get3A_867 = arith.constant 5 : i32
    %get3A_868 = arith.index_cast %get3A_867 : i32 to index
    %get3A_869 = arith.constant 112 : index
    %get3A_870 = tpu.vector_load %arg7[%get3A_868, %get3A_869] {strides = array<i32>} : memref<26x128xi32, #tpu.memory_space<vmem>>, vector<1x16xi32>,
    %get3A_871 = vector.shape_cast %get3A_870 : vector<1x16xi32> to vector<16xi32>
    %add3A_872 = arith.addi %get3A_866, %get3A_871 : vector<16xi32>
    %swap3A_873 = arith.constant 5 : i32
    %swap3A_874 = arith.index_cast %swap3A_873 : i32 to index
    %swap3A_875 = arith.constant 112 : index
    %swap3A_876 = tpu.vector_load %arg6[%swap3A_874, %swap3A_875] {strides = array<i32>} : memref<26x128xi32, #tpu.memory_space<vmem>>, vector<1x16xi32>,
    %swap3A_877 = vector.shape_cast %swap3A_876 : vector<1x16xi32> to vector<16xi32>
    %swap3A_878 = vector.shape_cast %add3A_872 : vector<16xi32> to vector<1x16xi32>
    tpu.vector_store %arg6[%swap3A_874, %swap3A_875], %swap3A_878 {strides = array<i32>} : memref<26x128xi32, #tpu.memory_space<vmem>>, vector<1x16xi32>,
    %dma_start3A_879 = arith.constant 5 : i32
    %dma_start3A_880 = arith.constant 2 : i32
    %dma_start3A_881 = arith.constant 640 : i32
    %dma_start3A_882 = arith.constant 0 : i32
    %dma_start3A_883 = tpu.memref_slice %arg8[%dma_start3A_881, %dma_start3A_882] : memref<3328x32xf32, #tpu.memory_space<vmem>> -> memref<128x32xf32, #tpu.memory_space<vmem>>
    %dma_start3A_884 = arith.constant 0 : i32
    %dma_start3A_885 = tpu.memref_slice %arg6[%dma_start3A_879, %dma_start3A_884] : memref<26x128xi32, #tpu.memory_space<vmem>> -> memref<1x128xi32, #tpu.memory_space<vmem>>
    %dma_start3A_886 = tpu.memref_squeeze %dma_start3A_885 : memref<1x128xi32, #tpu.memory_space<vmem>> -> memref<128xi32, #tpu.memory_space<vmem>>
    %dma_start3A_887 = arith.constant 0 : i32
    %dma_start3A_888 = arith.constant 0 : i32
    %dma_start3A_889 = tpu.memref_slice %arg2[%dma_start3A_887, %dma_start3A_888] : memref<2600000x32xf32, #tpu.memory_space<hbm>> -> memref<2600000x32xf32, #tpu.memory_space<hbm>>
    %dma_start3A_890 = tpu.memref_slice %arg9[%dma_start3A_880] : memref<13x!tpu.dma_semaphore, #tpu.memory_space<semaphore_mem>> -> memref<1x!tpu.dma_semaphore, #tpu.memory_space<semaphore_mem>>
    %dma_start3A_891 = tpu.memref_squeeze %dma_start3A_890 : memref<1x!tpu.dma_semaphore, #tpu.memory_space<semaphore_mem>> -> memref<!tpu.dma_semaphore, #tpu.memory_space<semaphore_mem>>
    tpu.enqueue_indirect_dma source(%dma_start3A_889 : memref<2600000x32xf32, #tpu.memory_space<hbm>>) target(%dma_start3A_883 : memref<128x32xf32, #tpu.memory_space<vmem>>) offsets(%dma_start3A_886 : memref<128xi32, #tpu.memory_space<vmem>>) semaphore(%dma_start3A_891 : memref<!tpu.dma_semaphore, #tpu.memory_space<semaphore_mem>>)
    %get3A_892 = arith.constant 6 : i32
    %get3A_893 = arith.index_cast %get3A_892 : i32 to index
    %get3A_894 = arith.constant 0 : index
    %get3A_895 = tpu.vector_load %arg6[%get3A_893, %get3A_894] {strides = array<i32>} : memref<26x128xi32, #tpu.memory_space<vmem>>, vector<1x16xi32>,
    %get3A_896 = vector.shape_cast %get3A_895 : vector<1x16xi32> to vector<16xi32>
    %get3A_897 = arith.constant 6 : i32
    %get3A_898 = arith.index_cast %get3A_897 : i32 to index
    %get3A_899 = arith.constant 0 : index
    %get3A_900 = tpu.vector_load %arg7[%get3A_898, %get3A_899] {strides = array<i32>} : memref<26x128xi32, #tpu.memory_space<vmem>>, vector<1x16xi32>,
    %get3A_901 = vector.shape_cast %get3A_900 : vector<1x16xi32> to vector<16xi32>
    %add3A_902 = arith.addi %get3A_896, %get3A_901 : vector<16xi32>
    %swap3A_903 = arith.constant 6 : i32
    %swap3A_904 = arith.index_cast %swap3A_903 : i32 to index
    %swap3A_905 = arith.constant 0 : index
    %swap3A_906 = tpu.vector_load %arg6[%swap3A_904, %swap3A_905] {strides = array<i32>} : memref<26x128xi32, #tpu.memory_space<vmem>>, vector<1x16xi32>,
    %swap3A_907 = vector.shape_cast %swap3A_906 : vector<1x16xi32> to vector<16xi32>
    %swap3A_908 = vector.shape_cast %add3A_902 : vector<16xi32> to vector<1x16xi32>
    tpu.vector_store %arg6[%swap3A_904, %swap3A_905], %swap3A_908 {strides = array<i32>} : memref<26x128xi32, #tpu.memory_space<vmem>>, vector<1x16xi32>,
    %get3A_909 = arith.constant 6 : i32
    %get3A_910 = arith.index_cast %get3A_909 : i32 to index
    %get3A_911 = arith.constant 16 : index
    %get3A_912 = tpu.vector_load %arg6[%get3A_910, %get3A_911] {strides = array<i32>} : memref<26x128xi32, #tpu.memory_space<vmem>>, vector<1x16xi32>,
    %get3A_913 = vector.shape_cast %get3A_912 : vector<1x16xi32> to vector<16xi32>
    %get3A_914 = arith.constant 6 : i32
    %get3A_915 = arith.index_cast %get3A_914 : i32 to index
    %get3A_916 = arith.constant 16 : index
    %get3A_917 = tpu.vector_load %arg7[%get3A_915, %get3A_916] {strides = array<i32>} : memref<26x128xi32, #tpu.memory_space<vmem>>, vector<1x16xi32>,
    %get3A_918 = vector.shape_cast %get3A_917 : vector<1x16xi32> to vector<16xi32>
    %add3A_919 = arith.addi %get3A_913, %get3A_918 : vector<16xi32>
    %swap3A_920 = arith.constant 6 : i32
    %swap3A_921 = arith.index_cast %swap3A_920 : i32 to index
    %swap3A_922 = arith.constant 16 : index
    %swap3A_923 = tpu.vector_load %arg6[%swap3A_921, %swap3A_922] {strides = array<i32>} : memref<26x128xi32, #tpu.memory_space<vmem>>, vector<1x16xi32>,
    %swap3A_924 = vector.shape_cast %swap3A_923 : vector<1x16xi32> to vector<16xi32>
    %swap3A_925 = vector.shape_cast %add3A_919 : vector<16xi32> to vector<1x16xi32>
    tpu.vector_store %arg6[%swap3A_921, %swap3A_922], %swap3A_925 {strides = array<i32>} : memref<26x128xi32, #tpu.memory_space<vmem>>, vector<1x16xi32>,
    %get3A_926 = arith.constant 6 : i32
    %get3A_927 = arith.index_cast %get3A_926 : i32 to index
    %get3A_928 = arith.constant 32 : index
    %get3A_929 = tpu.vector_load %arg6[%get3A_927, %get3A_928] {strides = array<i32>} : memref<26x128xi32, #tpu.memory_space<vmem>>, vector<1x16xi32>,
    %get3A_930 = vector.shape_cast %get3A_929 : vector<1x16xi32> to vector<16xi32>
    %get3A_931 = arith.constant 6 : i32
    %get3A_932 = arith.index_cast %get3A_931 : i32 to index
    %get3A_933 = arith.constant 32 : index
    %get3A_934 = tpu.vector_load %arg7[%get3A_932, %get3A_933] {strides = array<i32>} : memref<26x128xi32, #tpu.memory_space<vmem>>, vector<1x16xi32>,
    %get3A_935 = vector.shape_cast %get3A_934 : vector<1x16xi32> to vector<16xi32>
    %add3A_936 = arith.addi %get3A_930, %get3A_935 : vector<16xi32>
    %swap3A_937 = arith.constant 6 : i32
    %swap3A_938 = arith.index_cast %swap3A_937 : i32 to index
    %swap3A_939 = arith.constant 32 : index
    %swap3A_940 = tpu.vector_load %arg6[%swap3A_938, %swap3A_939] {strides = array<i32>} : memref<26x128xi32, #tpu.memory_space<vmem>>, vector<1x16xi32>,
    %swap3A_941 = vector.shape_cast %swap3A_940 : vector<1x16xi32> to vector<16xi32>
    %swap3A_942 = vector.shape_cast %add3A_936 : vector<16xi32> to vector<1x16xi32>
    tpu.vector_store %arg6[%swap3A_938, %swap3A_939], %swap3A_942 {strides = array<i32>} : memref<26x128xi32, #tpu.memory_space<vmem>>, vector<1x16xi32>,
    %get3A_943 = arith.constant 6 : i32
    %get3A_944 = arith.index_cast %get3A_943 : i32 to index
    %get3A_945 = arith.constant 48 : index
    %get3A_946 = tpu.vector_load %arg6[%get3A_944, %get3A_945] {strides = array<i32>} : memref<26x128xi32, #tpu.memory_space<vmem>>, vector<1x16xi32>,
    %get3A_947 = vector.shape_cast %get3A_946 : vector<1x16xi32> to vector<16xi32>
    %get3A_948 = arith.constant 6 : i32
    %get3A_949 = arith.index_cast %get3A_948 : i32 to index
    %get3A_950 = arith.constant 48 : index
    %get3A_951 = tpu.vector_load %arg7[%get3A_949, %get3A_950] {strides = array<i32>} : memref<26x128xi32, #tpu.memory_space<vmem>>, vector<1x16xi32>,
    %get3A_952 = vector.shape_cast %get3A_951 : vector<1x16xi32> to vector<16xi32>
    %add3A_953 = arith.addi %get3A_947, %get3A_952 : vector<16xi32>
    %swap3A_954 = arith.constant 6 : i32
    %swap3A_955 = arith.index_cast %swap3A_954 : i32 to index
    %swap3A_956 = arith.constant 48 : index
    %swap3A_957 = tpu.vector_load %arg6[%swap3A_955, %swap3A_956] {strides = array<i32>} : memref<26x128xi32, #tpu.memory_space<vmem>>, vector<1x16xi32>,
    %swap3A_958 = vector.shape_cast %swap3A_957 : vector<1x16xi32> to vector<16xi32>
    %swap3A_959 = vector.shape_cast %add3A_953 : vector<16xi32> to vector<1x16xi32>
    tpu.vector_store %arg6[%swap3A_955, %swap3A_956], %swap3A_959 {strides = array<i32>} : memref<26x128xi32, #tpu.memory_space<vmem>>, vector<1x16xi32>,
    %get3A_960 = arith.constant 6 : i32
    %get3A_961 = arith.index_cast %get3A_960 : i32 to index
    %get3A_962 = arith.constant 64 : index
    %get3A_963 = tpu.vector_load %arg6[%get3A_961, %get3A_962] {strides = array<i32>} : memref<26x128xi32, #tpu.memory_space<vmem>>, vector<1x16xi32>,
    %get3A_964 = vector.shape_cast %get3A_963 : vector<1x16xi32> to vector<16xi32>
    %get3A_965 = arith.constant 6 : i32
    %get3A_966 = arith.index_cast %get3A_965 : i32 to index
    %get3A_967 = arith.constant 64 : index
    %get3A_968 = tpu.vector_load %arg7[%get3A_966, %get3A_967] {strides = array<i32>} : memref<26x128xi32, #tpu.memory_space<vmem>>, vector<1x16xi32>,
    %get3A_969 = vector.shape_cast %get3A_968 : vector<1x16xi32> to vector<16xi32>
    %add3A_970 = arith.addi %get3A_964, %get3A_969 : vector<16xi32>
    %swap3A_971 = arith.constant 6 : i32
    %swap3A_972 = arith.index_cast %swap3A_971 : i32 to index
    %swap3A_973 = arith.constant 64 : index
    %swap3A_974 = tpu.vector_load %arg6[%swap3A_972, %swap3A_973] {strides = array<i32>} : memref<26x128xi32, #tpu.memory_space<vmem>>, vector<1x16xi32>,
    %swap3A_975 = vector.shape_cast %swap3A_974 : vector<1x16xi32> to vector<16xi32>
    %swap3A_976 = vector.shape_cast %add3A_970 : vector<16xi32> to vector<1x16xi32>
    tpu.vector_store %arg6[%swap3A_972, %swap3A_973], %swap3A_976 {strides = array<i32>} : memref<26x128xi32, #tpu.memory_space<vmem>>, vector<1x16xi32>,
    %get3A_977 = arith.constant 6 : i32
    %get3A_978 = arith.index_cast %get3A_977 : i32 to index
    %get3A_979 = arith.constant 80 : index
    %get3A_980 = tpu.vector_load %arg6[%get3A_978, %get3A_979] {strides = array<i32>} : memref<26x128xi32, #tpu.memory_space<vmem>>, vector<1x16xi32>,
    %get3A_981 = vector.shape_cast %get3A_980 : vector<1x16xi32> to vector<16xi32>
    %get3A_982 = arith.constant 6 : i32
    %get3A_983 = arith.index_cast %get3A_982 : i32 to index
    %get3A_984 = arith.constant 80 : index
    %get3A_985 = tpu.vector_load %arg7[%get3A_983, %get3A_984] {strides = array<i32>} : memref<26x128xi32, #tpu.memory_space<vmem>>, vector<1x16xi32>,
    %get3A_986 = vector.shape_cast %get3A_985 : vector<1x16xi32> to vector<16xi32>
    %add3A_987 = arith.addi %get3A_981, %get3A_986 : vector<16xi32>
    %swap3A_988 = arith.constant 6 : i32
    %swap3A_989 = arith.index_cast %swap3A_988 : i32 to index
    %swap3A_990 = arith.constant 80 : index
    %swap3A_991 = tpu.vector_load %arg6[%swap3A_989, %swap3A_990] {strides = array<i32>} : memref<26x128xi32, #tpu.memory_space<vmem>>, vector<1x16xi32>,
    %swap3A_992 = vector.shape_cast %swap3A_991 : vector<1x16xi32> to vector<16xi32>
    %swap3A_993 = vector.shape_cast %add3A_987 : vector<16xi32> to vector<1x16xi32>
    tpu.vector_store %arg6[%swap3A_989, %swap3A_990], %swap3A_993 {strides = array<i32>} : memref<26x128xi32, #tpu.memory_space<vmem>>, vector<1x16xi32>,
    %get3A_994 = arith.constant 6 : i32
    %get3A_995 = arith.index_cast %get3A_994 : i32 to index
    %get3A_996 = arith.constant 96 : index
    %get3A_997 = tpu.vector_load %arg6[%get3A_995, %get3A_996] {strides = array<i32>} : memref<26x128xi32, #tpu.memory_space<vmem>>, vector<1x16xi32>,
    %get3A_998 = vector.shape_cast %get3A_997 : vector<1x16xi32> to vector<16xi32>
    %get3A_999 = arith.constant 6 : i32
    %get3A_1000 = arith.index_cast %get3A_999 : i32 to index
    %get3A_1001 = arith.constant 96 : index
    %get3A_1002 = tpu.vector_load %arg7[%get3A_1000, %get3A_1001] {strides = array<i32>} : memref<26x128xi32, #tpu.memory_space<vmem>>, vector<1x16xi32>,
    %get3A_1003 = vector.shape_cast %get3A_1002 : vector<1x16xi32> to vector<16xi32>
    %add3A_1004 = arith.addi %get3A_998, %get3A_1003 : vector<16xi32>
    %swap3A_1005 = arith.constant 6 : i32
    %swap3A_1006 = arith.index_cast %swap3A_1005 : i32 to index
    %swap3A_1007 = arith.constant 96 : index
    %swap3A_1008 = tpu.vector_load %arg6[%swap3A_1006, %swap3A_1007] {strides = array<i32>} : memref<26x128xi32, #tpu.memory_space<vmem>>, vector<1x16xi32>,
    %swap3A_1009 = vector.shape_cast %swap3A_1008 : vector<1x16xi32> to vector<16xi32>
    %swap3A_1010 = vector.shape_cast %add3A_1004 : vector<16xi32> to vector<1x16xi32>
    tpu.vector_store %arg6[%swap3A_1006, %swap3A_1007], %swap3A_1010 {strides = array<i32>} : memref<26x128xi32, #tpu.memory_space<vmem>>, vector<1x16xi32>,
    %get3A_1011 = arith.constant 6 : i32
    %get3A_1012 = arith.index_cast %get3A_1011 : i32 to index
    %get3A_1013 = arith.constant 112 : index
    %get3A_1014 = tpu.vector_load %arg6[%get3A_1012, %get3A_1013] {strides = array<i32>} : memref<26x128xi32, #tpu.memory_space<vmem>>, vector<1x16xi32>,
    %get3A_1015 = vector.shape_cast %get3A_1014 : vector<1x16xi32> to vector<16xi32>
    %get3A_1016 = arith.constant 6 : i32
    %get3A_1017 = arith.index_cast %get3A_1016 : i32 to index
    %get3A_1018 = arith.constant 112 : index
    %get3A_1019 = tpu.vector_load %arg7[%get3A_1017, %get3A_1018] {strides = array<i32>} : memref<26x128xi32, #tpu.memory_space<vmem>>, vector<1x16xi32>,
    %get3A_1020 = vector.shape_cast %get3A_1019 : vector<1x16xi32> to vector<16xi32>
    %add3A_1021 = arith.addi %get3A_1015, %get3A_1020 : vector<16xi32>
    %swap3A_1022 = arith.constant 6 : i32
    %swap3A_1023 = arith.index_cast %swap3A_1022 : i32 to index
    %swap3A_1024 = arith.constant 112 : index
    %swap3A_1025 = tpu.vector_load %arg6[%swap3A_1023, %swap3A_1024] {strides = array<i32>} : memref<26x128xi32, #tpu.memory_space<vmem>>, vector<1x16xi32>,
    %swap3A_1026 = vector.shape_cast %swap3A_1025 : vector<1x16xi32> to vector<16xi32>
    %swap3A_1027 = vector.shape_cast %add3A_1021 : vector<16xi32> to vector<1x16xi32>
    tpu.vector_store %arg6[%swap3A_1023, %swap3A_1024], %swap3A_1027 {strides = array<i32>} : memref<26x128xi32, #tpu.memory_space<vmem>>, vector<1x16xi32>,
    %dma_start3A_1028 = arith.constant 6 : i32
    %dma_start3A_1029 = arith.constant 3 : i32
    %dma_start3A_1030 = arith.constant 768 : i32
    %dma_start3A_1031 = arith.constant 0 : i32
    %dma_start3A_1032 = tpu.memref_slice %arg8[%dma_start3A_1030, %dma_start3A_1031] : memref<3328x32xf32, #tpu.memory_space<vmem>> -> memref<128x32xf32, #tpu.memory_space<vmem>>
    %dma_start3A_1033 = arith.constant 0 : i32
    %dma_start3A_1034 = tpu.memref_slice %arg6[%dma_start3A_1028, %dma_start3A_1033] : memref<26x128xi32, #tpu.memory_space<vmem>> -> memref<1x128xi32, #tpu.memory_space<vmem>>
    %dma_start3A_1035 = tpu.memref_squeeze %dma_start3A_1034 : memref<1x128xi32, #tpu.memory_space<vmem>> -> memref<128xi32, #tpu.memory_space<vmem>>
    %dma_start3A_1036 = arith.constant 0 : i32
    %dma_start3A_1037 = arith.constant 0 : i32
    %dma_start3A_1038 = tpu.memref_slice %arg2[%dma_start3A_1036, %dma_start3A_1037] : memref<2600000x32xf32, #tpu.memory_space<hbm>> -> memref<2600000x32xf32, #tpu.memory_space<hbm>>
    %dma_start3A_1039 = tpu.memref_slice %arg9[%dma_start3A_1029] : memref<13x!tpu.dma_semaphore, #tpu.memory_space<semaphore_mem>> -> memref<1x!tpu.dma_semaphore, #tpu.memory_space<semaphore_mem>>
    %dma_start3A_1040 = tpu.memref_squeeze %dma_start3A_1039 : memref<1x!tpu.dma_semaphore, #tpu.memory_space<semaphore_mem>> -> memref<!tpu.dma_semaphore, #tpu.memory_space<semaphore_mem>>
    tpu.enqueue_indirect_dma source(%dma_start3A_1038 : memref<2600000x32xf32, #tpu.memory_space<hbm>>) target(%dma_start3A_1032 : memref<128x32xf32, #tpu.memory_space<vmem>>) offsets(%dma_start3A_1035 : memref<128xi32, #tpu.memory_space<vmem>>) semaphore(%dma_start3A_1040 : memref<!tpu.dma_semaphore, #tpu.memory_space<semaphore_mem>>)
    %get3A_1041 = arith.constant 7 : i32
    %get3A_1042 = arith.index_cast %get3A_1041 : i32 to index
    %get3A_1043 = arith.constant 0 : index
    %get3A_1044 = tpu.vector_load %arg6[%get3A_1042, %get3A_1043] {strides = array<i32>} : memref<26x128xi32, #tpu.memory_space<vmem>>, vector<1x16xi32>,
    %get3A_1045 = vector.shape_cast %get3A_1044 : vector<1x16xi32> to vector<16xi32>
    %get3A_1046 = arith.constant 7 : i32
    %get3A_1047 = arith.index_cast %get3A_1046 : i32 to index
    %get3A_1048 = arith.constant 0 : index
    %get3A_1049 = tpu.vector_load %arg7[%get3A_1047, %get3A_1048] {strides = array<i32>} : memref<26x128xi32, #tpu.memory_space<vmem>>, vector<1x16xi32>,
    %get3A_1050 = vector.shape_cast %get3A_1049 : vector<1x16xi32> to vector<16xi32>
    %add3A_1051 = arith.addi %get3A_1045, %get3A_1050 : vector<16xi32>
    %swap3A_1052 = arith.constant 7 : i32
    %swap3A_1053 = arith.index_cast %swap3A_1052 : i32 to index
    %swap3A_1054 = arith.constant 0 : index
    %swap3A_1055 = tpu.vector_load %arg6[%swap3A_1053, %swap3A_1054] {strides = array<i32>} : memref<26x128xi32, #tpu.memory_space<vmem>>, vector<1x16xi32>,
    %swap3A_1056 = vector.shape_cast %swap3A_1055 : vector<1x16xi32> to vector<16xi32>
    %swap3A_1057 = vector.shape_cast %add3A_1051 : vector<16xi32> to vector<1x16xi32>
    tpu.vector_store %arg6[%swap3A_1053, %swap3A_1054], %swap3A_1057 {strides = array<i32>} : memref<26x128xi32, #tpu.memory_space<vmem>>, vector<1x16xi32>,
    %get3A_1058 = arith.constant 7 : i32
    %get3A_1059 = arith.index_cast %get3A_1058 : i32 to index
    %get3A_1060 = arith.constant 16 : index
    %get3A_1061 = tpu.vector_load %arg6[%get3A_1059, %get3A_1060] {strides = array<i32>} : memref<26x128xi32, #tpu.memory_space<vmem>>, vector<1x16xi32>,
    %get3A_1062 = vector.shape_cast %get3A_1061 : vector<1x16xi32> to vector<16xi32>
    %get3A_1063 = arith.constant 7 : i32
    %get3A_1064 = arith.index_cast %get3A_1063 : i32 to index
    %get3A_1065 = arith.constant 16 : index
    %get3A_1066 = tpu.vector_load %arg7[%get3A_1064, %get3A_1065] {strides = array<i32>} : memref<26x128xi32, #tpu.memory_space<vmem>>, vector<1x16xi32>,
    %get3A_1067 = vector.shape_cast %get3A_1066 : vector<1x16xi32> to vector<16xi32>
    %add3A_1068 = arith.addi %get3A_1062, %get3A_1067 : vector<16xi32>
    %swap3A_1069 = arith.constant 7 : i32
    %swap3A_1070 = arith.index_cast %swap3A_1069 : i32 to index
    %swap3A_1071 = arith.constant 16 : index
    %swap3A_1072 = tpu.vector_load %arg6[%swap3A_1070, %swap3A_1071] {strides = array<i32>} : memref<26x128xi32, #tpu.memory_space<vmem>>, vector<1x16xi32>,
    %swap3A_1073 = vector.shape_cast %swap3A_1072 : vector<1x16xi32> to vector<16xi32>
    %swap3A_1074 = vector.shape_cast %add3A_1068 : vector<16xi32> to vector<1x16xi32>
    tpu.vector_store %arg6[%swap3A_1070, %swap3A_1071], %swap3A_1074 {strides = array<i32>} : memref<26x128xi32, #tpu.memory_space<vmem>>, vector<1x16xi32>,
    %get3A_1075 = arith.constant 7 : i32
    %get3A_1076 = arith.index_cast %get3A_1075 : i32 to index
    %get3A_1077 = arith.constant 32 : index
    %get3A_1078 = tpu.vector_load %arg6[%get3A_1076, %get3A_1077] {strides = array<i32>} : memref<26x128xi32, #tpu.memory_space<vmem>>, vector<1x16xi32>,
    %get3A_1079 = vector.shape_cast %get3A_1078 : vector<1x16xi32> to vector<16xi32>
    %get3A_1080 = arith.constant 7 : i32
    %get3A_1081 = arith.index_cast %get3A_1080 : i32 to index
    %get3A_1082 = arith.constant 32 : index
    %get3A_1083 = tpu.vector_load %arg7[%get3A_1081, %get3A_1082] {strides = array<i32>} : memref<26x128xi32, #tpu.memory_space<vmem>>, vector<1x16xi32>,
    %get3A_1084 = vector.shape_cast %get3A_1083 : vector<1x16xi32> to vector<16xi32>
    %add3A_1085 = arith.addi %get3A_1079, %get3A_1084 : vector<16xi32>
    %swap3A_1086 = arith.constant 7 : i32
    %swap3A_1087 = arith.index_cast %swap3A_1086 : i32 to index
    %swap3A_1088 = arith.constant 32 : index
    %swap3A_1089 = tpu.vector_load %arg6[%swap3A_1087, %swap3A_1088] {strides = array<i32>} : memref<26x128xi32, #tpu.memory_space<vmem>>, vector<1x16xi32>,
    %swap3A_1090 = vector.shape_cast %swap3A_1089 : vector<1x16xi32> to vector<16xi32>
    %swap3A_1091 = vector.shape_cast %add3A_1085 : vector<16xi32> to vector<1x16xi32>
    tpu.vector_store %arg6[%swap3A_1087, %swap3A_1088], %swap3A_1091 {strides = array<i32>} : memref<26x128xi32, #tpu.memory_space<vmem>>, vector<1x16xi32>,
    %get3A_1092 = arith.constant 7 : i32
    %get3A_1093 = arith.index_cast %get3A_1092 : i32 to index
    %get3A_1094 = arith.constant 48 : index
    %get3A_1095 = tpu.vector_load %arg6[%get3A_1093, %get3A_1094] {strides = array<i32>} : memref<26x128xi32, #tpu.memory_space<vmem>>, vector<1x16xi32>,
    %get3A_1096 = vector.shape_cast %get3A_1095 : vector<1x16xi32> to vector<16xi32>
    %get3A_1097 = arith.constant 7 : i32
    %get3A_1098 = arith.index_cast %get3A_1097 : i32 to index
    %get3A_1099 = arith.constant 48 : index
    %get3A_1100 = tpu.vector_load %arg7[%get3A_1098, %get3A_1099] {strides = array<i32>} : memref<26x128xi32, #tpu.memory_space<vmem>>, vector<1x16xi32>,
    %get3A_1101 = vector.shape_cast %get3A_1100 : vector<1x16xi32> to vector<16xi32>
    %add3A_1102 = arith.addi %get3A_1096, %get3A_1101 : vector<16xi32>
    %swap3A_1103 = arith.constant 7 : i32
    %swap3A_1104 = arith.index_cast %swap3A_1103 : i32 to index
    %swap3A_1105 = arith.constant 48 : index
    %swap3A_1106 = tpu.vector_load %arg6[%swap3A_1104, %swap3A_1105] {strides = array<i32>} : memref<26x128xi32, #tpu.memory_space<vmem>>, vector<1x16xi32>,
    %swap3A_1107 = vector.shape_cast %swap3A_1106 : vector<1x16xi32> to vector<16xi32>
    %swap3A_1108 = vector.shape_cast %add3A_1102 : vector<16xi32> to vector<1x16xi32>
    tpu.vector_store %arg6[%swap3A_1104, %swap3A_1105], %swap3A_1108 {strides = array<i32>} : memref<26x128xi32, #tpu.memory_space<vmem>>, vector<1x16xi32>,
    %get3A_1109 = arith.constant 7 : i32
    %get3A_1110 = arith.index_cast %get3A_1109 : i32 to index
    %get3A_1111 = arith.constant 64 : index
    %get3A_1112 = tpu.vector_load %arg6[%get3A_1110, %get3A_1111] {strides = array<i32>} : memref<26x128xi32, #tpu.memory_space<vmem>>, vector<1x16xi32>,
    %get3A_1113 = vector.shape_cast %get3A_1112 : vector<1x16xi32> to vector<16xi32>
    %get3A_1114 = arith.constant 7 : i32
    %get3A_1115 = arith.index_cast %get3A_1114 : i32 to index
    %get3A_1116 = arith.constant 64 : index
    %get3A_1117 = tpu.vector_load %arg7[%get3A_1115, %get3A_1116] {strides = array<i32>} : memref<26x128xi32, #tpu.memory_space<vmem>>, vector<1x16xi32>,
    %get3A_1118 = vector.shape_cast %get3A_1117 : vector<1x16xi32> to vector<16xi32>
    %add3A_1119 = arith.addi %get3A_1113, %get3A_1118 : vector<16xi32>
    %swap3A_1120 = arith.constant 7 : i32
    %swap3A_1121 = arith.index_cast %swap3A_1120 : i32 to index
    %swap3A_1122 = arith.constant 64 : index
    %swap3A_1123 = tpu.vector_load %arg6[%swap3A_1121, %swap3A_1122] {strides = array<i32>} : memref<26x128xi32, #tpu.memory_space<vmem>>, vector<1x16xi32>,
    %swap3A_1124 = vector.shape_cast %swap3A_1123 : vector<1x16xi32> to vector<16xi32>
    %swap3A_1125 = vector.shape_cast %add3A_1119 : vector<16xi32> to vector<1x16xi32>
    tpu.vector_store %arg6[%swap3A_1121, %swap3A_1122], %swap3A_1125 {strides = array<i32>} : memref<26x128xi32, #tpu.memory_space<vmem>>, vector<1x16xi32>,
    %get3A_1126 = arith.constant 7 : i32
    %get3A_1127 = arith.index_cast %get3A_1126 : i32 to index
    %get3A_1128 = arith.constant 80 : index
    %get3A_1129 = tpu.vector_load %arg6[%get3A_1127, %get3A_1128] {strides = array<i32>} : memref<26x128xi32, #tpu.memory_space<vmem>>, vector<1x16xi32>,
    %get3A_1130 = vector.shape_cast %get3A_1129 : vector<1x16xi32> to vector<16xi32>
    %get3A_1131 = arith.constant 7 : i32
    %get3A_1132 = arith.index_cast %get3A_1131 : i32 to index
    %get3A_1133 = arith.constant 80 : index
    %get3A_1134 = tpu.vector_load %arg7[%get3A_1132, %get3A_1133] {strides = array<i32>} : memref<26x128xi32, #tpu.memory_space<vmem>>, vector<1x16xi32>,
    %get3A_1135 = vector.shape_cast %get3A_1134 : vector<1x16xi32> to vector<16xi32>
    %add3A_1136 = arith.addi %get3A_1130, %get3A_1135 : vector<16xi32>
    %swap3A_1137 = arith.constant 7 : i32
    %swap3A_1138 = arith.index_cast %swap3A_1137 : i32 to index
    %swap3A_1139 = arith.constant 80 : index
    %swap3A_1140 = tpu.vector_load %arg6[%swap3A_1138, %swap3A_1139] {strides = array<i32>} : memref<26x128xi32, #tpu.memory_space<vmem>>, vector<1x16xi32>,
    %swap3A_1141 = vector.shape_cast %swap3A_1140 : vector<1x16xi32> to vector<16xi32>
    %swap3A_1142 = vector.shape_cast %add3A_1136 : vector<16xi32> to vector<1x16xi32>
    tpu.vector_store %arg6[%swap3A_1138, %swap3A_1139], %swap3A_1142 {strides = array<i32>} : memref<26x128xi32, #tpu.memory_space<vmem>>, vector<1x16xi32>,
    %get3A_1143 = arith.constant 7 : i32
    %get3A_1144 = arith.index_cast %get3A_1143 : i32 to index
    %get3A_1145 = arith.constant 96 : index
    %get3A_1146 = tpu.vector_load %arg6[%get3A_1144, %get3A_1145] {strides = array<i32>} : memref<26x128xi32, #tpu.memory_space<vmem>>, vector<1x16xi32>,
    %get3A_1147 = vector.shape_cast %get3A_1146 : vector<1x16xi32> to vector<16xi32>
    %get3A_1148 = arith.constant 7 : i32
    %get3A_1149 = arith.index_cast %get3A_1148 : i32 to index
    %get3A_1150 = arith.constant 96 : index
    %get3A_1151 = tpu.vector_load %arg7[%get3A_1149, %get3A_1150] {strides = array<i32>} : memref<26x128xi32, #tpu.memory_space<vmem>>, vector<1x16xi32>,
    %get3A_1152 = vector.shape_cast %get3A_1151 : vector<1x16xi32> to vector<16xi32>
    %add3A_1153 = arith.addi %get3A_1147, %get3A_1152 : vector<16xi32>
    %swap3A_1154 = arith.constant 7 : i32
    %swap3A_1155 = arith.index_cast %swap3A_1154 : i32 to index
    %swap3A_1156 = arith.constant 96 : index
    %swap3A_1157 = tpu.vector_load %arg6[%swap3A_1155, %swap3A_1156] {strides = array<i32>} : memref<26x128xi32, #tpu.memory_space<vmem>>, vector<1x16xi32>,
    %swap3A_1158 = vector.shape_cast %swap3A_1157 : vector<1x16xi32> to vector<16xi32>
    %swap3A_1159 = vector.shape_cast %add3A_1153 : vector<16xi32> to vector<1x16xi32>
    tpu.vector_store %arg6[%swap3A_1155, %swap3A_1156], %swap3A_1159 {strides = array<i32>} : memref<26x128xi32, #tpu.memory_space<vmem>>, vector<1x16xi32>,
    %get3A_1160 = arith.constant 7 : i32
    %get3A_1161 = arith.index_cast %get3A_1160 : i32 to index
    %get3A_1162 = arith.constant 112 : index
    %get3A_1163 = tpu.vector_load %arg6[%get3A_1161, %get3A_1162] {strides = array<i32>} : memref<26x128xi32, #tpu.memory_space<vmem>>, vector<1x16xi32>,
    %get3A_1164 = vector.shape_cast %get3A_1163 : vector<1x16xi32> to vector<16xi32>
    %get3A_1165 = arith.constant 7 : i32
    %get3A_1166 = arith.index_cast %get3A_1165 : i32 to index
    %get3A_1167 = arith.constant 112 : index
    %get3A_1168 = tpu.vector_load %arg7[%get3A_1166, %get3A_1167] {strides = array<i32>} : memref<26x128xi32, #tpu.memory_space<vmem>>, vector<1x16xi32>,
    %get3A_1169 = vector.shape_cast %get3A_1168 : vector<1x16xi32> to vector<16xi32>
    %add3A_1170 = arith.addi %get3A_1164, %get3A_1169 : vector<16xi32>
    %swap3A_1171 = arith.constant 7 : i32
    %swap3A_1172 = arith.index_cast %swap3A_1171 : i32 to index
    %swap3A_1173 = arith.constant 112 : index
    %swap3A_1174 = tpu.vector_load %arg6[%swap3A_1172, %swap3A_1173] {strides = array<i32>} : memref<26x128xi32, #tpu.memory_space<vmem>>, vector<1x16xi32>,
    %swap3A_1175 = vector.shape_cast %swap3A_1174 : vector<1x16xi32> to vector<16xi32>
    %swap3A_1176 = vector.shape_cast %add3A_1170 : vector<16xi32> to vector<1x16xi32>
    tpu.vector_store %arg6[%swap3A_1172, %swap3A_1173], %swap3A_1176 {strides = array<i32>} : memref<26x128xi32, #tpu.memory_space<vmem>>, vector<1x16xi32>,
    %dma_start3A_1177 = arith.constant 7 : i32
    %dma_start3A_1178 = arith.constant 3 : i32
    %dma_start3A_1179 = arith.constant 896 : i32
    %dma_start3A_1180 = arith.constant 0 : i32
    %dma_start3A_1181 = tpu.memref_slice %arg8[%dma_start3A_1179, %dma_start3A_1180] : memref<3328x32xf32, #tpu.memory_space<vmem>> -> memref<128x32xf32, #tpu.memory_space<vmem>>
    %dma_start3A_1182 = arith.constant 0 : i32
    %dma_start3A_1183 = tpu.memref_slice %arg6[%dma_start3A_1177, %dma_start3A_1182] : memref<26x128xi32, #tpu.memory_space<vmem>> -> memref<1x128xi32, #tpu.memory_space<vmem>>
    %dma_start3A_1184 = tpu.memref_squeeze %dma_start3A_1183 : memref<1x128xi32, #tpu.memory_space<vmem>> -> memref<128xi32, #tpu.memory_space<vmem>>
    %dma_start3A_1185 = arith.constant 0 : i32
    %dma_start3A_1186 = arith.constant 0 : i32
    %dma_start3A_1187 = tpu.memref_slice %arg2[%dma_start3A_1185, %dma_start3A_1186] : memref<2600000x32xf32, #tpu.memory_space<hbm>> -> memref<2600000x32xf32, #tpu.memory_space<hbm>>
    %dma_start3A_1188 = tpu.memref_slice %arg9[%dma_start3A_1178] : memref<13x!tpu.dma_semaphore, #tpu.memory_space<semaphore_mem>> -> memref<1x!tpu.dma_semaphore, #tpu.memory_space<semaphore_mem>>
    %dma_start3A_1189 = tpu.memref_squeeze %dma_start3A_1188 : memref<1x!tpu.dma_semaphore, #tpu.memory_space<semaphore_mem>> -> memref<!tpu.dma_semaphore, #tpu.memory_space<semaphore_mem>>
    tpu.enqueue_indirect_dma source(%dma_start3A_1187 : memref<2600000x32xf32, #tpu.memory_space<hbm>>) target(%dma_start3A_1181 : memref<128x32xf32, #tpu.memory_space<vmem>>) offsets(%dma_start3A_1184 : memref<128xi32, #tpu.memory_space<vmem>>) semaphore(%dma_start3A_1189 : memref<!tpu.dma_semaphore, #tpu.memory_space<semaphore_mem>>)
    %get3A_1190 = arith.constant 8 : i32
    %get3A_1191 = arith.index_cast %get3A_1190 : i32 to index
    %get3A_1192 = arith.constant 0 : index
    %get3A_1193 = tpu.vector_load %arg6[%get3A_1191, %get3A_1192] {strides = array<i32>} : memref<26x128xi32, #tpu.memory_space<vmem>>, vector<1x16xi32>,
    %get3A_1194 = vector.shape_cast %get3A_1193 : vector<1x16xi32> to vector<16xi32>
    %get3A_1195 = arith.constant 8 : i32
    %get3A_1196 = arith.index_cast %get3A_1195 : i32 to index
    %get3A_1197 = arith.constant 0 : index
    %get3A_1198 = tpu.vector_load %arg7[%get3A_1196, %get3A_1197] {strides = array<i32>} : memref<26x128xi32, #tpu.memory_space<vmem>>, vector<1x16xi32>,
    %get3A_1199 = vector.shape_cast %get3A_1198 : vector<1x16xi32> to vector<16xi32>
    %add3A_1200 = arith.addi %get3A_1194, %get3A_1199 : vector<16xi32>
    %swap3A_1201 = arith.constant 8 : i32
    %swap3A_1202 = arith.index_cast %swap3A_1201 : i32 to index
    %swap3A_1203 = arith.constant 0 : index
    %swap3A_1204 = tpu.vector_load %arg6[%swap3A_1202, %swap3A_1203] {strides = array<i32>} : memref<26x128xi32, #tpu.memory_space<vmem>>, vector<1x16xi32>,
    %swap3A_1205 = vector.shape_cast %swap3A_1204 : vector<1x16xi32> to vector<16xi32>
    %swap3A_1206 = vector.shape_cast %add3A_1200 : vector<16xi32> to vector<1x16xi32>
    tpu.vector_store %arg6[%swap3A_1202, %swap3A_1203], %swap3A_1206 {strides = array<i32>} : memref<26x128xi32, #tpu.memory_space<vmem>>, vector<1x16xi32>,
    %get3A_1207 = arith.constant 8 : i32
    %get3A_1208 = arith.index_cast %get3A_1207 : i32 to index
    %get3A_1209 = arith.constant 16 : index
    %get3A_1210 = tpu.vector_load %arg6[%get3A_1208, %get3A_1209] {strides = array<i32>} : memref<26x128xi32, #tpu.memory_space<vmem>>, vector<1x16xi32>,
    %get3A_1211 = vector.shape_cast %get3A_1210 : vector<1x16xi32> to vector<16xi32>
    %get3A_1212 = arith.constant 8 : i32
    %get3A_1213 = arith.index_cast %get3A_1212 : i32 to index
    %get3A_1214 = arith.constant 16 : index
    %get3A_1215 = tpu.vector_load %arg7[%get3A_1213, %get3A_1214] {strides = array<i32>} : memref<26x128xi32, #tpu.memory_space<vmem>>, vector<1x16xi32>,
    %get3A_1216 = vector.shape_cast %get3A_1215 : vector<1x16xi32> to vector<16xi32>
    %add3A_1217 = arith.addi %get3A_1211, %get3A_1216 : vector<16xi32>
    %swap3A_1218 = arith.constant 8 : i32
    %swap3A_1219 = arith.index_cast %swap3A_1218 : i32 to index
    %swap3A_1220 = arith.constant 16 : index
    %swap3A_1221 = tpu.vector_load %arg6[%swap3A_1219, %swap3A_1220] {strides = array<i32>} : memref<26x128xi32, #tpu.memory_space<vmem>>, vector<1x16xi32>,
    %swap3A_1222 = vector.shape_cast %swap3A_1221 : vector<1x16xi32> to vector<16xi32>
    %swap3A_1223 = vector.shape_cast %add3A_1217 : vector<16xi32> to vector<1x16xi32>
    tpu.vector_store %arg6[%swap3A_1219, %swap3A_1220], %swap3A_1223 {strides = array<i32>} : memref<26x128xi32, #tpu.memory_space<vmem>>, vector<1x16xi32>,
    %get3A_1224 = arith.constant 8 : i32
    %get3A_1225 = arith.index_cast %get3A_1224 : i32 to index
    %get3A_1226 = arith.constant 32 : index
    %get3A_1227 = tpu.vector_load %arg6[%get3A_1225, %get3A_1226] {strides = array<i32>} : memref<26x128xi32, #tpu.memory_space<vmem>>, vector<1x16xi32>,
    %get3A_1228 = vector.shape_cast %get3A_1227 : vector<1x16xi32> to vector<16xi32>
    %get3A_1229 = arith.constant 8 : i32
    %get3A_1230 = arith.index_cast %get3A_1229 : i32 to index
    %get3A_1231 = arith.constant 32 : index
    %get3A_1232 = tpu.vector_load %arg7[%get3A_1230, %get3A_1231] {strides = array<i32>} : memref<26x128xi32, #tpu.memory_space<vmem>>, vector<1x16xi32>,
    %get3A_1233 = vector.shape_cast %get3A_1232 : vector<1x16xi32> to vector<16xi32>
    %add3A_1234 = arith.addi %get3A_1228, %get3A_1233 : vector<16xi32>
    %swap3A_1235 = arith.constant 8 : i32
    %swap3A_1236 = arith.index_cast %swap3A_1235 : i32 to index
    %swap3A_1237 = arith.constant 32 : index
    %swap3A_1238 = tpu.vector_load %arg6[%swap3A_1236, %swap3A_1237] {strides = array<i32>} : memref<26x128xi32, #tpu.memory_space<vmem>>, vector<1x16xi32>,
    %swap3A_1239 = vector.shape_cast %swap3A_1238 : vector<1x16xi32> to vector<16xi32>
    %swap3A_1240 = vector.shape_cast %add3A_1234 : vector<16xi32> to vector<1x16xi32>
    tpu.vector_store %arg6[%swap3A_1236, %swap3A_1237], %swap3A_1240 {strides = array<i32>} : memref<26x128xi32, #tpu.memory_space<vmem>>, vector<1x16xi32>,
    %get3A_1241 = arith.constant 8 : i32
    %get3A_1242 = arith.index_cast %get3A_1241 : i32 to index
    %get3A_1243 = arith.constant 48 : index
    %get3A_1244 = tpu.vector_load %arg6[%get3A_1242, %get3A_1243] {strides = array<i32>} : memref<26x128xi32, #tpu.memory_space<vmem>>, vector<1x16xi32>,
    %get3A_1245 = vector.shape_cast %get3A_1244 : vector<1x16xi32> to vector<16xi32>
    %get3A_1246 = arith.constant 8 : i32
    %get3A_1247 = arith.index_cast %get3A_1246 : i32 to index
    %get3A_1248 = arith.constant 48 : index
    %get3A_1249 = tpu.vector_load %arg7[%get3A_1247, %get3A_1248] {strides = array<i32>} : memref<26x128xi32, #tpu.memory_space<vmem>>, vector<1x16xi32>,
    %get3A_1250 = vector.shape_cast %get3A_1249 : vector<1x16xi32> to vector<16xi32>
    %add3A_1251 = arith.addi %get3A_1245, %get3A_1250 : vector<16xi32>
    %swap3A_1252 = arith.constant 8 : i32
    %swap3A_1253 = arith.index_cast %swap3A_1252 : i32 to index
    %swap3A_1254 = arith.constant 48 : index
    %swap3A_1255 = tpu.vector_load %arg6[%swap3A_1253, %swap3A_1254] {strides = array<i32>} : memref<26x128xi32, #tpu.memory_space<vmem>>, vector<1x16xi32>,
    %swap3A_1256 = vector.shape_cast %swap3A_1255 : vector<1x16xi32> to vector<16xi32>
    %swap3A_1257 = vector.shape_cast %add3A_1251 : vector<16xi32> to vector<1x16xi32>
    tpu.vector_store %arg6[%swap3A_1253, %swap3A_1254], %swap3A_1257 {strides = array<i32>} : memref<26x128xi32, #tpu.memory_space<vmem>>, vector<1x16xi32>,
    %get3A_1258 = arith.constant 8 : i32
    %get3A_1259 = arith.index_cast %get3A_1258 : i32 to index
    %get3A_1260 = arith.constant 64 : index
    %get3A_1261 = tpu.vector_load %arg6[%get3A_1259, %get3A_1260] {strides = array<i32>} : memref<26x128xi32, #tpu.memory_space<vmem>>, vector<1x16xi32>,
    %get3A_1262 = vector.shape_cast %get3A_1261 : vector<1x16xi32> to vector<16xi32>
    %get3A_1263 = arith.constant 8 : i32
    %get3A_1264 = arith.index_cast %get3A_1263 : i32 to index
    %get3A_1265 = arith.constant 64 : index
    %get3A_1266 = tpu.vector_load %arg7[%get3A_1264, %get3A_1265] {strides = array<i32>} : memref<26x128xi32, #tpu.memory_space<vmem>>, vector<1x16xi32>,
    %get3A_1267 = vector.shape_cast %get3A_1266 : vector<1x16xi32> to vector<16xi32>
    %add3A_1268 = arith.addi %get3A_1262, %get3A_1267 : vector<16xi32>
    %swap3A_1269 = arith.constant 8 : i32
    %swap3A_1270 = arith.index_cast %swap3A_1269 : i32 to index
    %swap3A_1271 = arith.constant 64 : index
    %swap3A_1272 = tpu.vector_load %arg6[%swap3A_1270, %swap3A_1271] {strides = array<i32>} : memref<26x128xi32, #tpu.memory_space<vmem>>, vector<1x16xi32>,
    %swap3A_1273 = vector.shape_cast %swap3A_1272 : vector<1x16xi32> to vector<16xi32>
    %swap3A_1274 = vector.shape_cast %add3A_1268 : vector<16xi32> to vector<1x16xi32>
    tpu.vector_store %arg6[%swap3A_1270, %swap3A_1271], %swap3A_1274 {strides = array<i32>} : memref<26x128xi32, #tpu.memory_space<vmem>>, vector<1x16xi32>,
    %get3A_1275 = arith.constant 8 : i32
    %get3A_1276 = arith.index_cast %get3A_1275 : i32 to index
    %get3A_1277 = arith.constant 80 : index
    %get3A_1278 = tpu.vector_load %arg6[%get3A_1276, %get3A_1277] {strides = array<i32>} : memref<26x128xi32, #tpu.memory_space<vmem>>, vector<1x16xi32>,
    %get3A_1279 = vector.shape_cast %get3A_1278 : vector<1x16xi32> to vector<16xi32>
    %get3A_1280 = arith.constant 8 : i32
    %get3A_1281 = arith.index_cast %get3A_1280 : i32 to index
    %get3A_1282 = arith.constant 80 : index
    %get3A_1283 = tpu.vector_load %arg7[%get3A_1281, %get3A_1282] {strides = array<i32>} : memref<26x128xi32, #tpu.memory_space<vmem>>, vector<1x16xi32>,
    %get3A_1284 = vector.shape_cast %get3A_1283 : vector<1x16xi32> to vector<16xi32>
    %add3A_1285 = arith.addi %get3A_1279, %get3A_1284 : vector<16xi32>
    %swap3A_1286 = arith.constant 8 : i32
    %swap3A_1287 = arith.index_cast %swap3A_1286 : i32 to index
    %swap3A_1288 = arith.constant 80 : index
    %swap3A_1289 = tpu.vector_load %arg6[%swap3A_1287, %swap3A_1288] {strides = array<i32>} : memref<26x128xi32, #tpu.memory_space<vmem>>, vector<1x16xi32>,
    %swap3A_1290 = vector.shape_cast %swap3A_1289 : vector<1x16xi32> to vector<16xi32>
    %swap3A_1291 = vector.shape_cast %add3A_1285 : vector<16xi32> to vector<1x16xi32>
    tpu.vector_store %arg6[%swap3A_1287, %swap3A_1288], %swap3A_1291 {strides = array<i32>} : memref<26x128xi32, #tpu.memory_space<vmem>>, vector<1x16xi32>,
    %get3A_1292 = arith.constant 8 : i32
    %get3A_1293 = arith.index_cast %get3A_1292 : i32 to index
    %get3A_1294 = arith.constant 96 : index
    %get3A_1295 = tpu.vector_load %arg6[%get3A_1293, %get3A_1294] {strides = array<i32>} : memref<26x128xi32, #tpu.memory_space<vmem>>, vector<1x16xi32>,
    %get3A_1296 = vector.shape_cast %get3A_1295 : vector<1x16xi32> to vector<16xi32>
    %get3A_1297 = arith.constant 8 : i32
    %get3A_1298 = arith.index_cast %get3A_1297 : i32 to index
    %get3A_1299 = arith.constant 96 : index
    %get3A_1300 = tpu.vector_load %arg7[%get3A_1298, %get3A_1299] {strides = array<i32>} : memref<26x128xi32, #tpu.memory_space<vmem>>, vector<1x16xi32>,
    %get3A_1301 = vector.shape_cast %get3A_1300 : vector<1x16xi32> to vector<16xi32>
    %add3A_1302 = arith.addi %get3A_1296, %get3A_1301 : vector<16xi32>
    %swap3A_1303 = arith.constant 8 : i32
    %swap3A_1304 = arith.index_cast %swap3A_1303 : i32 to index
    %swap3A_1305 = arith.constant 96 : index
    %swap3A_1306 = tpu.vector_load %arg6[%swap3A_1304, %swap3A_1305] {strides = array<i32>} : memref<26x128xi32, #tpu.memory_space<vmem>>, vector<1x16xi32>,
    %swap3A_1307 = vector.shape_cast %swap3A_1306 : vector<1x16xi32> to vector<16xi32>
    %swap3A_1308 = vector.shape_cast %add3A_1302 : vector<16xi32> to vector<1x16xi32>
    tpu.vector_store %arg6[%swap3A_1304, %swap3A_1305], %swap3A_1308 {strides = array<i32>} : memref<26x128xi32, #tpu.memory_space<vmem>>, vector<1x16xi32>,
    %get3A_1309 = arith.constant 8 : i32
    %get3A_1310 = arith.index_cast %get3A_1309 : i32 to index
    %get3A_1311 = arith.constant 112 : index
    %get3A_1312 = tpu.vector_load %arg6[%get3A_1310, %get3A_1311] {strides = array<i32>} : memref<26x128xi32, #tpu.memory_space<vmem>>, vector<1x16xi32>,
    %get3A_1313 = vector.shape_cast %get3A_1312 : vector<1x16xi32> to vector<16xi32>
    %get3A_1314 = arith.constant 8 : i32
    %get3A_1315 = arith.index_cast %get3A_1314 : i32 to index
    %get3A_1316 = arith.constant 112 : index
    %get3A_1317 = tpu.vector_load %arg7[%get3A_1315, %get3A_1316] {strides = array<i32>} : memref<26x128xi32, #tpu.memory_space<vmem>>, vector<1x16xi32>,
    %get3A_1318 = vector.shape_cast %get3A_1317 : vector<1x16xi32> to vector<16xi32>
    %add3A_1319 = arith.addi %get3A_1313, %get3A_1318 : vector<16xi32>
    %swap3A_1320 = arith.constant 8 : i32
    %swap3A_1321 = arith.index_cast %swap3A_1320 : i32 to index
    %swap3A_1322 = arith.constant 112 : index
    %swap3A_1323 = tpu.vector_load %arg6[%swap3A_1321, %swap3A_1322] {strides = array<i32>} : memref<26x128xi32, #tpu.memory_space<vmem>>, vector<1x16xi32>,
    %swap3A_1324 = vector.shape_cast %swap3A_1323 : vector<1x16xi32> to vector<16xi32>
    %swap3A_1325 = vector.shape_cast %add3A_1319 : vector<16xi32> to vector<1x16xi32>
    tpu.vector_store %arg6[%swap3A_1321, %swap3A_1322], %swap3A_1325 {strides = array<i32>} : memref<26x128xi32, #tpu.memory_space<vmem>>, vector<1x16xi32>,
    %dma_start3A_1326 = arith.constant 8 : i32
    %dma_start3A_1327 = arith.constant 4 : i32
    %dma_start3A_1328 = arith.constant 1024 : i32
    %dma_start3A_1329 = arith.constant 0 : i32
    %dma_start3A_1330 = tpu.memref_slice %arg8[%dma_start3A_1328, %dma_start3A_1329] : memref<3328x32xf32, #tpu.memory_space<vmem>> -> memref<128x32xf32, #tpu.memory_space<vmem>>
    %dma_start3A_1331 = arith.constant 0 : i32
    %dma_start3A_1332 = tpu.memref_slice %arg6[%dma_start3A_1326, %dma_start3A_1331] : memref<26x128xi32, #tpu.memory_space<vmem>> -> memref<1x128xi32, #tpu.memory_space<vmem>>
    %dma_start3A_1333 = tpu.memref_squeeze %dma_start3A_1332 : memref<1x128xi32, #tpu.memory_space<vmem>> -> memref<128xi32, #tpu.memory_space<vmem>>
    %dma_start3A_1334 = arith.constant 0 : i32
    %dma_start3A_1335 = arith.constant 0 : i32
    %dma_start3A_1336 = tpu.memref_slice %arg2[%dma_start3A_1334, %dma_start3A_1335] : memref<2600000x32xf32, #tpu.memory_space<hbm>> -> memref<2600000x32xf32, #tpu.memory_space<hbm>>
    %dma_start3A_1337 = tpu.memref_slice %arg9[%dma_start3A_1327] : memref<13x!tpu.dma_semaphore, #tpu.memory_space<semaphore_mem>> -> memref<1x!tpu.dma_semaphore, #tpu.memory_space<semaphore_mem>>
    %dma_start3A_1338 = tpu.memref_squeeze %dma_start3A_1337 : memref<1x!tpu.dma_semaphore, #tpu.memory_space<semaphore_mem>> -> memref<!tpu.dma_semaphore, #tpu.memory_space<semaphore_mem>>
    tpu.enqueue_indirect_dma source(%dma_start3A_1336 : memref<2600000x32xf32, #tpu.memory_space<hbm>>) target(%dma_start3A_1330 : memref<128x32xf32, #tpu.memory_space<vmem>>) offsets(%dma_start3A_1333 : memref<128xi32, #tpu.memory_space<vmem>>) semaphore(%dma_start3A_1338 : memref<!tpu.dma_semaphore, #tpu.memory_space<semaphore_mem>>)
    %get3A_1339 = arith.constant 9 : i32
    %get3A_1340 = arith.index_cast %get3A_1339 : i32 to index
    %get3A_1341 = arith.constant 0 : index
    %get3A_1342 = tpu.vector_load %arg6[%get3A_1340, %get3A_1341] {strides = array<i32>} : memref<26x128xi32, #tpu.memory_space<vmem>>, vector<1x16xi32>,
    %get3A_1343 = vector.shape_cast %get3A_1342 : vector<1x16xi32> to vector<16xi32>
    %get3A_1344 = arith.constant 9 : i32
    %get3A_1345 = arith.index_cast %get3A_1344 : i32 to index
    %get3A_1346 = arith.constant 0 : index
    %get3A_1347 = tpu.vector_load %arg7[%get3A_1345, %get3A_1346] {strides = array<i32>} : memref<26x128xi32, #tpu.memory_space<vmem>>, vector<1x16xi32>,
    %get3A_1348 = vector.shape_cast %get3A_1347 : vector<1x16xi32> to vector<16xi32>
    %add3A_1349 = arith.addi %get3A_1343, %get3A_1348 : vector<16xi32>
    %swap3A_1350 = arith.constant 9 : i32
    %swap3A_1351 = arith.index_cast %swap3A_1350 : i32 to index
    %swap3A_1352 = arith.constant 0 : index
    %swap3A_1353 = tpu.vector_load %arg6[%swap3A_1351, %swap3A_1352] {strides = array<i32>} : memref<26x128xi32, #tpu.memory_space<vmem>>, vector<1x16xi32>,
    %swap3A_1354 = vector.shape_cast %swap3A_1353 : vector<1x16xi32> to vector<16xi32>
    %swap3A_1355 = vector.shape_cast %add3A_1349 : vector<16xi32> to vector<1x16xi32>
    tpu.vector_store %arg6[%swap3A_1351, %swap3A_1352], %swap3A_1355 {strides = array<i32>} : memref<26x128xi32, #tpu.memory_space<vmem>>, vector<1x16xi32>,
    %get3A_1356 = arith.constant 9 : i32
    %get3A_1357 = arith.index_cast %get3A_1356 : i32 to index
    %get3A_1358 = arith.constant 16 : index
    %get3A_1359 = tpu.vector_load %arg6[%get3A_1357, %get3A_1358] {strides = array<i32>} : memref<26x128xi32, #tpu.memory_space<vmem>>, vector<1x16xi32>,
    %get3A_1360 = vector.shape_cast %get3A_1359 : vector<1x16xi32> to vector<16xi32>
    %get3A_1361 = arith.constant 9 : i32
    %get3A_1362 = arith.index_cast %get3A_1361 : i32 to index
    %get3A_1363 = arith.constant 16 : index
    %get3A_1364 = tpu.vector_load %arg7[%get3A_1362, %get3A_1363] {strides = array<i32>} : memref<26x128xi32, #tpu.memory_space<vmem>>, vector<1x16xi32>,
    %get3A_1365 = vector.shape_cast %get3A_1364 : vector<1x16xi32> to vector<16xi32>
    %add3A_1366 = arith.addi %get3A_1360, %get3A_1365 : vector<16xi32>
    %swap3A_1367 = arith.constant 9 : i32
    %swap3A_1368 = arith.index_cast %swap3A_1367 : i32 to index
    %swap3A_1369 = arith.constant 16 : index
    %swap3A_1370 = tpu.vector_load %arg6[%swap3A_1368, %swap3A_1369] {strides = array<i32>} : memref<26x128xi32, #tpu.memory_space<vmem>>, vector<1x16xi32>,
    %swap3A_1371 = vector.shape_cast %swap3A_1370 : vector<1x16xi32> to vector<16xi32>
    %swap3A_1372 = vector.shape_cast %add3A_1366 : vector<16xi32> to vector<1x16xi32>
    tpu.vector_store %arg6[%swap3A_1368, %swap3A_1369], %swap3A_1372 {strides = array<i32>} : memref<26x128xi32, #tpu.memory_space<vmem>>, vector<1x16xi32>,
    %get3A_1373 = arith.constant 9 : i32
    %get3A_1374 = arith.index_cast %get3A_1373 : i32 to index
    %get3A_1375 = arith.constant 32 : index
    %get3A_1376 = tpu.vector_load %arg6[%get3A_1374, %get3A_1375] {strides = array<i32>} : memref<26x128xi32, #tpu.memory_space<vmem>>, vector<1x16xi32>,
    %get3A_1377 = vector.shape_cast %get3A_1376 : vector<1x16xi32> to vector<16xi32>
    %get3A_1378 = arith.constant 9 : i32
    %get3A_1379 = arith.index_cast %get3A_1378 : i32 to index
    %get3A_1380 = arith.constant 32 : index
    %get3A_1381 = tpu.vector_load %arg7[%get3A_1379, %get3A_1380] {strides = array<i32>} : memref<26x128xi32, #tpu.memory_space<vmem>>, vector<1x16xi32>,
    %get3A_1382 = vector.shape_cast %get3A_1381 : vector<1x16xi32> to vector<16xi32>
    %add3A_1383 = arith.addi %get3A_1377, %get3A_1382 : vector<16xi32>
    %swap3A_1384 = arith.constant 9 : i32
    %swap3A_1385 = arith.index_cast %swap3A_1384 : i32 to index
    %swap3A_1386 = arith.constant 32 : index
    %swap3A_1387 = tpu.vector_load %arg6[%swap3A_1385, %swap3A_1386] {strides = array<i32>} : memref<26x128xi32, #tpu.memory_space<vmem>>, vector<1x16xi32>,
    %swap3A_1388 = vector.shape_cast %swap3A_1387 : vector<1x16xi32> to vector<16xi32>
    %swap3A_1389 = vector.shape_cast %add3A_1383 : vector<16xi32> to vector<1x16xi32>
    tpu.vector_store %arg6[%swap3A_1385, %swap3A_1386], %swap3A_1389 {strides = array<i32>} : memref<26x128xi32, #tpu.memory_space<vmem>>, vector<1x16xi32>,
    %get3A_1390 = arith.constant 9 : i32
    %get3A_1391 = arith.index_cast %get3A_1390 : i32 to index
    %get3A_1392 = arith.constant 48 : index
    %get3A_1393 = tpu.vector_load %arg6[%get3A_1391, %get3A_1392] {strides = array<i32>} : memref<26x128xi32, #tpu.memory_space<vmem>>, vector<1x16xi32>,
    %get3A_1394 = vector.shape_cast %get3A_1393 : vector<1x16xi32> to vector<16xi32>
    %get3A_1395 = arith.constant 9 : i32
    %get3A_1396 = arith.index_cast %get3A_1395 : i32 to index
    %get3A_1397 = arith.constant 48 : index
    %get3A_1398 = tpu.vector_load %arg7[%get3A_1396, %get3A_1397] {strides = array<i32>} : memref<26x128xi32, #tpu.memory_space<vmem>>, vector<1x16xi32>,
    %get3A_1399 = vector.shape_cast %get3A_1398 : vector<1x16xi32> to vector<16xi32>
    %add3A_1400 = arith.addi %get3A_1394, %get3A_1399 : vector<16xi32>
    %swap3A_1401 = arith.constant 9 : i32
    %swap3A_1402 = arith.index_cast %swap3A_1401 : i32 to index
    %swap3A_1403 = arith.constant 48 : index
    %swap3A_1404 = tpu.vector_load %arg6[%swap3A_1402, %swap3A_1403] {strides = array<i32>} : memref<26x128xi32, #tpu.memory_space<vmem>>, vector<1x16xi32>,
    %swap3A_1405 = vector.shape_cast %swap3A_1404 : vector<1x16xi32> to vector<16xi32>
    %swap3A_1406 = vector.shape_cast %add3A_1400 : vector<16xi32> to vector<1x16xi32>
    tpu.vector_store %arg6[%swap3A_1402, %swap3A_1403], %swap3A_1406 {strides = array<i32>} : memref<26x128xi32, #tpu.memory_space<vmem>>, vector<1x16xi32>,
    %get3A_1407 = arith.constant 9 : i32
    %get3A_1408 = arith.index_cast %get3A_1407 : i32 to index
    %get3A_1409 = arith.constant 64 : index
    %get3A_1410 = tpu.vector_load %arg6[%get3A_1408, %get3A_1409] {strides = array<i32>} : memref<26x128xi32, #tpu.memory_space<vmem>>, vector<1x16xi32>,
    %get3A_1411 = vector.shape_cast %get3A_1410 : vector<1x16xi32> to vector<16xi32>
    %get3A_1412 = arith.constant 9 : i32
    %get3A_1413 = arith.index_cast %get3A_1412 : i32 to index
    %get3A_1414 = arith.constant 64 : index
    %get3A_1415 = tpu.vector_load %arg7[%get3A_1413, %get3A_1414] {strides = array<i32>} : memref<26x128xi32, #tpu.memory_space<vmem>>, vector<1x16xi32>,
    %get3A_1416 = vector.shape_cast %get3A_1415 : vector<1x16xi32> to vector<16xi32>
    %add3A_1417 = arith.addi %get3A_1411, %get3A_1416 : vector<16xi32>
    %swap3A_1418 = arith.constant 9 : i32
    %swap3A_1419 = arith.index_cast %swap3A_1418 : i32 to index
    %swap3A_1420 = arith.constant 64 : index
    %swap3A_1421 = tpu.vector_load %arg6[%swap3A_1419, %swap3A_1420] {strides = array<i32>} : memref<26x128xi32, #tpu.memory_space<vmem>>, vector<1x16xi32>,
    %swap3A_1422 = vector.shape_cast %swap3A_1421 : vector<1x16xi32> to vector<16xi32>
    %swap3A_1423 = vector.shape_cast %add3A_1417 : vector<16xi32> to vector<1x16xi32>
    tpu.vector_store %arg6[%swap3A_1419, %swap3A_1420], %swap3A_1423 {strides = array<i32>} : memref<26x128xi32, #tpu.memory_space<vmem>>, vector<1x16xi32>,
    %get3A_1424 = arith.constant 9 : i32
    %get3A_1425 = arith.index_cast %get3A_1424 : i32 to index
    %get3A_1426 = arith.constant 80 : index
    %get3A_1427 = tpu.vector_load %arg6[%get3A_1425, %get3A_1426] {strides = array<i32>} : memref<26x128xi32, #tpu.memory_space<vmem>>, vector<1x16xi32>,
    %get3A_1428 = vector.shape_cast %get3A_1427 : vector<1x16xi32> to vector<16xi32>
    %get3A_1429 = arith.constant 9 : i32
    %get3A_1430 = arith.index_cast %get3A_1429 : i32 to index
    %get3A_1431 = arith.constant 80 : index
    %get3A_1432 = tpu.vector_load %arg7[%get3A_1430, %get3A_1431] {strides = array<i32>} : memref<26x128xi32, #tpu.memory_space<vmem>>, vector<1x16xi32>,
    %get3A_1433 = vector.shape_cast %get3A_1432 : vector<1x16xi32> to vector<16xi32>
    %add3A_1434 = arith.addi %get3A_1428, %get3A_1433 : vector<16xi32>
    %swap3A_1435 = arith.constant 9 : i32
    %swap3A_1436 = arith.index_cast %swap3A_1435 : i32 to index
    %swap3A_1437 = arith.constant 80 : index
    %swap3A_1438 = tpu.vector_load %arg6[%swap3A_1436, %swap3A_1437] {strides = array<i32>} : memref<26x128xi32, #tpu.memory_space<vmem>>, vector<1x16xi32>,
    %swap3A_1439 = vector.shape_cast %swap3A_1438 : vector<1x16xi32> to vector<16xi32>
    %swap3A_1440 = vector.shape_cast %add3A_1434 : vector<16xi32> to vector<1x16xi32>
    tpu.vector_store %arg6[%swap3A_1436, %swap3A_1437], %swap3A_1440 {strides = array<i32>} : memref<26x128xi32, #tpu.memory_space<vmem>>, vector<1x16xi32>,
    %get3A_1441 = arith.constant 9 : i32
    %get3A_1442 = arith.index_cast %get3A_1441 : i32 to index
    %get3A_1443 = arith.constant 96 : index
    %get3A_1444 = tpu.vector_load %arg6[%get3A_1442, %get3A_1443] {strides = array<i32>} : memref<26x128xi32, #tpu.memory_space<vmem>>, vector<1x16xi32>,
    %get3A_1445 = vector.shape_cast %get3A_1444 : vector<1x16xi32> to vector<16xi32>
    %get3A_1446 = arith.constant 9 : i32
    %get3A_1447 = arith.index_cast %get3A_1446 : i32 to index
    %get3A_1448 = arith.constant 96 : index
    %get3A_1449 = tpu.vector_load %arg7[%get3A_1447, %get3A_1448] {strides = array<i32>} : memref<26x128xi32, #tpu.memory_space<vmem>>, vector<1x16xi32>,
    %get3A_1450 = vector.shape_cast %get3A_1449 : vector<1x16xi32> to vector<16xi32>
    %add3A_1451 = arith.addi %get3A_1445, %get3A_1450 : vector<16xi32>
    %swap3A_1452 = arith.constant 9 : i32
    %swap3A_1453 = arith.index_cast %swap3A_1452 : i32 to index
    %swap3A_1454 = arith.constant 96 : index
    %swap3A_1455 = tpu.vector_load %arg6[%swap3A_1453, %swap3A_1454] {strides = array<i32>} : memref<26x128xi32, #tpu.memory_space<vmem>>, vector<1x16xi32>,
    %swap3A_1456 = vector.shape_cast %swap3A_1455 : vector<1x16xi32> to vector<16xi32>
    %swap3A_1457 = vector.shape_cast %add3A_1451 : vector<16xi32> to vector<1x16xi32>
    tpu.vector_store %arg6[%swap3A_1453, %swap3A_1454], %swap3A_1457 {strides = array<i32>} : memref<26x128xi32, #tpu.memory_space<vmem>>, vector<1x16xi32>,
    %get3A_1458 = arith.constant 9 : i32
    %get3A_1459 = arith.index_cast %get3A_1458 : i32 to index
    %get3A_1460 = arith.constant 112 : index
    %get3A_1461 = tpu.vector_load %arg6[%get3A_1459, %get3A_1460] {strides = array<i32>} : memref<26x128xi32, #tpu.memory_space<vmem>>, vector<1x16xi32>,
    %get3A_1462 = vector.shape_cast %get3A_1461 : vector<1x16xi32> to vector<16xi32>
    %get3A_1463 = arith.constant 9 : i32
    %get3A_1464 = arith.index_cast %get3A_1463 : i32 to index
    %get3A_1465 = arith.constant 112 : index
    %get3A_1466 = tpu.vector_load %arg7[%get3A_1464, %get3A_1465] {strides = array<i32>} : memref<26x128xi32, #tpu.memory_space<vmem>>, vector<1x16xi32>,
    %get3A_1467 = vector.shape_cast %get3A_1466 : vector<1x16xi32> to vector<16xi32>
    %add3A_1468 = arith.addi %get3A_1462, %get3A_1467 : vector<16xi32>
    %swap3A_1469 = arith.constant 9 : i32
    %swap3A_1470 = arith.index_cast %swap3A_1469 : i32 to index
    %swap3A_1471 = arith.constant 112 : index
    %swap3A_1472 = tpu.vector_load %arg6[%swap3A_1470, %swap3A_1471] {strides = array<i32>} : memref<26x128xi32, #tpu.memory_space<vmem>>, vector<1x16xi32>,
    %swap3A_1473 = vector.shape_cast %swap3A_1472 : vector<1x16xi32> to vector<16xi32>
    %swap3A_1474 = vector.shape_cast %add3A_1468 : vector<16xi32> to vector<1x16xi32>
    tpu.vector_store %arg6[%swap3A_1470, %swap3A_1471], %swap3A_1474 {strides = array<i32>} : memref<26x128xi32, #tpu.memory_space<vmem>>, vector<1x16xi32>,
    %dma_start3A_1475 = arith.constant 9 : i32
    %dma_start3A_1476 = arith.constant 4 : i32
    %dma_start3A_1477 = arith.constant 1152 : i32
    %dma_start3A_1478 = arith.constant 0 : i32
    %dma_start3A_1479 = tpu.memref_slice %arg8[%dma_start3A_1477, %dma_start3A_1478] : memref<3328x32xf32, #tpu.memory_space<vmem>> -> memref<128x32xf32, #tpu.memory_space<vmem>>
    %dma_start3A_1480 = arith.constant 0 : i32
    %dma_start3A_1481 = tpu.memref_slice %arg6[%dma_start3A_1475, %dma_start3A_1480] : memref<26x128xi32, #tpu.memory_space<vmem>> -> memref<1x128xi32, #tpu.memory_space<vmem>>
    %dma_start3A_1482 = tpu.memref_squeeze %dma_start3A_1481 : memref<1x128xi32, #tpu.memory_space<vmem>> -> memref<128xi32, #tpu.memory_space<vmem>>
    %dma_start3A_1483 = arith.constant 0 : i32
    %dma_start3A_1484 = arith.constant 0 : i32
    %dma_start3A_1485 = tpu.memref_slice %arg2[%dma_start3A_1483, %dma_start3A_1484] : memref<2600000x32xf32, #tpu.memory_space<hbm>> -> memref<2600000x32xf32, #tpu.memory_space<hbm>>
    %dma_start3A_1486 = tpu.memref_slice %arg9[%dma_start3A_1476] : memref<13x!tpu.dma_semaphore, #tpu.memory_space<semaphore_mem>> -> memref<1x!tpu.dma_semaphore, #tpu.memory_space<semaphore_mem>>
    %dma_start3A_1487 = tpu.memref_squeeze %dma_start3A_1486 : memref<1x!tpu.dma_semaphore, #tpu.memory_space<semaphore_mem>> -> memref<!tpu.dma_semaphore, #tpu.memory_space<semaphore_mem>>
    tpu.enqueue_indirect_dma source(%dma_start3A_1485 : memref<2600000x32xf32, #tpu.memory_space<hbm>>) target(%dma_start3A_1479 : memref<128x32xf32, #tpu.memory_space<vmem>>) offsets(%dma_start3A_1482 : memref<128xi32, #tpu.memory_space<vmem>>) semaphore(%dma_start3A_1487 : memref<!tpu.dma_semaphore, #tpu.memory_space<semaphore_mem>>)
    %get3A_1488 = arith.constant 10 : i32
    %get3A_1489 = arith.index_cast %get3A_1488 : i32 to index
    %get3A_1490 = arith.constant 0 : index
    %get3A_1491 = tpu.vector_load %arg6[%get3A_1489, %get3A_1490] {strides = array<i32>} : memref<26x128xi32, #tpu.memory_space<vmem>>, vector<1x16xi32>,
    %get3A_1492 = vector.shape_cast %get3A_1491 : vector<1x16xi32> to vector<16xi32>
    %get3A_1493 = arith.constant 10 : i32
    %get3A_1494 = arith.index_cast %get3A_1493 : i32 to index
    %get3A_1495 = arith.constant 0 : index
    %get3A_1496 = tpu.vector_load %arg7[%get3A_1494, %get3A_1495] {strides = array<i32>} : memref<26x128xi32, #tpu.memory_space<vmem>>, vector<1x16xi32>,
    %get3A_1497 = vector.shape_cast %get3A_1496 : vector<1x16xi32> to vector<16xi32>
    %add3A_1498 = arith.addi %get3A_1492, %get3A_1497 : vector<16xi32>
    %swap3A_1499 = arith.constant 10 : i32
    %swap3A_1500 = arith.index_cast %swap3A_1499 : i32 to index
    %swap3A_1501 = arith.constant 0 : index
    %swap3A_1502 = tpu.vector_load %arg6[%swap3A_1500, %swap3A_1501] {strides = array<i32>} : memref<26x128xi32, #tpu.memory_space<vmem>>, vector<1x16xi32>,
    %swap3A_1503 = vector.shape_cast %swap3A_1502 : vector<1x16xi32> to vector<16xi32>
    %swap3A_1504 = vector.shape_cast %add3A_1498 : vector<16xi32> to vector<1x16xi32>
    tpu.vector_store %arg6[%swap3A_1500, %swap3A_1501], %swap3A_1504 {strides = array<i32>} : memref<26x128xi32, #tpu.memory_space<vmem>>, vector<1x16xi32>,
    %get3A_1505 = arith.constant 10 : i32
    %get3A_1506 = arith.index_cast %get3A_1505 : i32 to index
    %get3A_1507 = arith.constant 16 : index
    %get3A_1508 = tpu.vector_load %arg6[%get3A_1506, %get3A_1507] {strides = array<i32>} : memref<26x128xi32, #tpu.memory_space<vmem>>, vector<1x16xi32>,
    %get3A_1509 = vector.shape_cast %get3A_1508 : vector<1x16xi32> to vector<16xi32>
    %get3A_1510 = arith.constant 10 : i32
    %get3A_1511 = arith.index_cast %get3A_1510 : i32 to index
    %get3A_1512 = arith.constant 16 : index
    %get3A_1513 = tpu.vector_load %arg7[%get3A_1511, %get3A_1512] {strides = array<i32>} : memref<26x128xi32, #tpu.memory_space<vmem>>, vector<1x16xi32>,
    %get3A_1514 = vector.shape_cast %get3A_1513 : vector<1x16xi32> to vector<16xi32>
    %add3A_1515 = arith.addi %get3A_1509, %get3A_1514 : vector<16xi32>
    %swap3A_1516 = arith.constant 10 : i32
    %swap3A_1517 = arith.index_cast %swap3A_1516 : i32 to index
    %swap3A_1518 = arith.constant 16 : index
    %swap3A_1519 = tpu.vector_load %arg6[%swap3A_1517, %swap3A_1518] {strides = array<i32>} : memref<26x128xi32, #tpu.memory_space<vmem>>, vector<1x16xi32>,
    %swap3A_1520 = vector.shape_cast %swap3A_1519 : vector<1x16xi32> to vector<16xi32>
    %swap3A_1521 = vector.shape_cast %add3A_1515 : vector<16xi32> to vector<1x16xi32>
    tpu.vector_store %arg6[%swap3A_1517, %swap3A_1518], %swap3A_1521 {strides = array<i32>} : memref<26x128xi32, #tpu.memory_space<vmem>>, vector<1x16xi32>,
    %get3A_1522 = arith.constant 10 : i32
    %get3A_1523 = arith.index_cast %get3A_1522 : i32 to index
    %get3A_1524 = arith.constant 32 : index
    %get3A_1525 = tpu.vector_load %arg6[%get3A_1523, %get3A_1524] {strides = array<i32>} : memref<26x128xi32, #tpu.memory_space<vmem>>, vector<1x16xi32>,
    %get3A_1526 = vector.shape_cast %get3A_1525 : vector<1x16xi32> to vector<16xi32>
    %get3A_1527 = arith.constant 10 : i32
    %get3A_1528 = arith.index_cast %get3A_1527 : i32 to index
    %get3A_1529 = arith.constant 32 : index
    %get3A_1530 = tpu.vector_load %arg7[%get3A_1528, %get3A_1529] {strides = array<i32>} : memref<26x128xi32, #tpu.memory_space<vmem>>, vector<1x16xi32>,
    %get3A_1531 = vector.shape_cast %get3A_1530 : vector<1x16xi32> to vector<16xi32>
    %add3A_1532 = arith.addi %get3A_1526, %get3A_1531 : vector<16xi32>
    %swap3A_1533 = arith.constant 10 : i32
    %swap3A_1534 = arith.index_cast %swap3A_1533 : i32 to index
    %swap3A_1535 = arith.constant 32 : index
    %swap3A_1536 = tpu.vector_load %arg6[%swap3A_1534, %swap3A_1535] {strides = array<i32>} : memref<26x128xi32, #tpu.memory_space<vmem>>, vector<1x16xi32>,
    %swap3A_1537 = vector.shape_cast %swap3A_1536 : vector<1x16xi32> to vector<16xi32>
    %swap3A_1538 = vector.shape_cast %add3A_1532 : vector<16xi32> to vector<1x16xi32>
    tpu.vector_store %arg6[%swap3A_1534, %swap3A_1535], %swap3A_1538 {strides = array<i32>} : memref<26x128xi32, #tpu.memory_space<vmem>>, vector<1x16xi32>,
    %get3A_1539 = arith.constant 10 : i32
    %get3A_1540 = arith.index_cast %get3A_1539 : i32 to index
    %get3A_1541 = arith.constant 48 : index
    %get3A_1542 = tpu.vector_load %arg6[%get3A_1540, %get3A_1541] {strides = array<i32>} : memref<26x128xi32, #tpu.memory_space<vmem>>, vector<1x16xi32>,
    %get3A_1543 = vector.shape_cast %get3A_1542 : vector<1x16xi32> to vector<16xi32>
    %get3A_1544 = arith.constant 10 : i32
    %get3A_1545 = arith.index_cast %get3A_1544 : i32 to index
    %get3A_1546 = arith.constant 48 : index
    %get3A_1547 = tpu.vector_load %arg7[%get3A_1545, %get3A_1546] {strides = array<i32>} : memref<26x128xi32, #tpu.memory_space<vmem>>, vector<1x16xi32>,
    %get3A_1548 = vector.shape_cast %get3A_1547 : vector<1x16xi32> to vector<16xi32>
    %add3A_1549 = arith.addi %get3A_1543, %get3A_1548 : vector<16xi32>
    %swap3A_1550 = arith.constant 10 : i32
    %swap3A_1551 = arith.index_cast %swap3A_1550 : i32 to index
    %swap3A_1552 = arith.constant 48 : index
    %swap3A_1553 = tpu.vector_load %arg6[%swap3A_1551, %swap3A_1552] {strides = array<i32>} : memref<26x128xi32, #tpu.memory_space<vmem>>, vector<1x16xi32>,
    %swap3A_1554 = vector.shape_cast %swap3A_1553 : vector<1x16xi32> to vector<16xi32>
    %swap3A_1555 = vector.shape_cast %add3A_1549 : vector<16xi32> to vector<1x16xi32>
    tpu.vector_store %arg6[%swap3A_1551, %swap3A_1552], %swap3A_1555 {strides = array<i32>} : memref<26x128xi32, #tpu.memory_space<vmem>>, vector<1x16xi32>,
    %get3A_1556 = arith.constant 10 : i32
    %get3A_1557 = arith.index_cast %get3A_1556 : i32 to index
    %get3A_1558 = arith.constant 64 : index
    %get3A_1559 = tpu.vector_load %arg6[%get3A_1557, %get3A_1558] {strides = array<i32>} : memref<26x128xi32, #tpu.memory_space<vmem>>, vector<1x16xi32>,
    %get3A_1560 = vector.shape_cast %get3A_1559 : vector<1x16xi32> to vector<16xi32>
    %get3A_1561 = arith.constant 10 : i32
    %get3A_1562 = arith.index_cast %get3A_1561 : i32 to index
    %get3A_1563 = arith.constant 64 : index
    %get3A_1564 = tpu.vector_load %arg7[%get3A_1562, %get3A_1563] {strides = array<i32>} : memref<26x128xi32, #tpu.memory_space<vmem>>, vector<1x16xi32>,
    %get3A_1565 = vector.shape_cast %get3A_1564 : vector<1x16xi32> to vector<16xi32>
    %add3A_1566 = arith.addi %get3A_1560, %get3A_1565 : vector<16xi32>
    %swap3A_1567 = arith.constant 10 : i32
    %swap3A_1568 = arith.index_cast %swap3A_1567 : i32 to index
    %swap3A_1569 = arith.constant 64 : index
    %swap3A_1570 = tpu.vector_load %arg6[%swap3A_1568, %swap3A_1569] {strides = array<i32>} : memref<26x128xi32, #tpu.memory_space<vmem>>, vector<1x16xi32>,
    %swap3A_1571 = vector.shape_cast %swap3A_1570 : vector<1x16xi32> to vector<16xi32>
    %swap3A_1572 = vector.shape_cast %add3A_1566 : vector<16xi32> to vector<1x16xi32>
    tpu.vector_store %arg6[%swap3A_1568, %swap3A_1569], %swap3A_1572 {strides = array<i32>} : memref<26x128xi32, #tpu.memory_space<vmem>>, vector<1x16xi32>,
    %get3A_1573 = arith.constant 10 : i32
    %get3A_1574 = arith.index_cast %get3A_1573 : i32 to index
    %get3A_1575 = arith.constant 80 : index
    %get3A_1576 = tpu.vector_load %arg6[%get3A_1574, %get3A_1575] {strides = array<i32>} : memref<26x128xi32, #tpu.memory_space<vmem>>, vector<1x16xi32>,
    %get3A_1577 = vector.shape_cast %get3A_1576 : vector<1x16xi32> to vector<16xi32>
    %get3A_1578 = arith.constant 10 : i32
    %get3A_1579 = arith.index_cast %get3A_1578 : i32 to index
    %get3A_1580 = arith.constant 80 : index
    %get3A_1581 = tpu.vector_load %arg7[%get3A_1579, %get3A_1580] {strides = array<i32>} : memref<26x128xi32, #tpu.memory_space<vmem>>, vector<1x16xi32>,
    %get3A_1582 = vector.shape_cast %get3A_1581 : vector<1x16xi32> to vector<16xi32>
    %add3A_1583 = arith.addi %get3A_1577, %get3A_1582 : vector<16xi32>
    %swap3A_1584 = arith.constant 10 : i32
    %swap3A_1585 = arith.index_cast %swap3A_1584 : i32 to index
    %swap3A_1586 = arith.constant 80 : index
    %swap3A_1587 = tpu.vector_load %arg6[%swap3A_1585, %swap3A_1586] {strides = array<i32>} : memref<26x128xi32, #tpu.memory_space<vmem>>, vector<1x16xi32>,
    %swap3A_1588 = vector.shape_cast %swap3A_1587 : vector<1x16xi32> to vector<16xi32>
    %swap3A_1589 = vector.shape_cast %add3A_1583 : vector<16xi32> to vector<1x16xi32>
    tpu.vector_store %arg6[%swap3A_1585, %swap3A_1586], %swap3A_1589 {strides = array<i32>} : memref<26x128xi32, #tpu.memory_space<vmem>>, vector<1x16xi32>,
    %get3A_1590 = arith.constant 10 : i32
    %get3A_1591 = arith.index_cast %get3A_1590 : i32 to index
    %get3A_1592 = arith.constant 96 : index
    %get3A_1593 = tpu.vector_load %arg6[%get3A_1591, %get3A_1592] {strides = array<i32>} : memref<26x128xi32, #tpu.memory_space<vmem>>, vector<1x16xi32>,
    %get3A_1594 = vector.shape_cast %get3A_1593 : vector<1x16xi32> to vector<16xi32>
    %get3A_1595 = arith.constant 10 : i32
    %get3A_1596 = arith.index_cast %get3A_1595 : i32 to index
    %get3A_1597 = arith.constant 96 : index
    %get3A_1598 = tpu.vector_load %arg7[%get3A_1596, %get3A_1597] {strides = array<i32>} : memref<26x128xi32, #tpu.memory_space<vmem>>, vector<1x16xi32>,
    %get3A_1599 = vector.shape_cast %get3A_1598 : vector<1x16xi32> to vector<16xi32>
    %add3A_1600 = arith.addi %get3A_1594, %get3A_1599 : vector<16xi32>
    %swap3A_1601 = arith.constant 10 : i32
    %swap3A_1602 = arith.index_cast %swap3A_1601 : i32 to index
    %swap3A_1603 = arith.constant 96 : index
    %swap3A_1604 = tpu.vector_load %arg6[%swap3A_1602, %swap3A_1603] {strides = array<i32>} : memref<26x128xi32, #tpu.memory_space<vmem>>, vector<1x16xi32>,
    %swap3A_1605 = vector.shape_cast %swap3A_1604 : vector<1x16xi32> to vector<16xi32>
    %swap3A_1606 = vector.shape_cast %add3A_1600 : vector<16xi32> to vector<1x16xi32>
    tpu.vector_store %arg6[%swap3A_1602, %swap3A_1603], %swap3A_1606 {strides = array<i32>} : memref<26x128xi32, #tpu.memory_space<vmem>>, vector<1x16xi32>,
    %get3A_1607 = arith.constant 10 : i32
    %get3A_1608 = arith.index_cast %get3A_1607 : i32 to index
    %get3A_1609 = arith.constant 112 : index
    %get3A_1610 = tpu.vector_load %arg6[%get3A_1608, %get3A_1609] {strides = array<i32>} : memref<26x128xi32, #tpu.memory_space<vmem>>, vector<1x16xi32>,
    %get3A_1611 = vector.shape_cast %get3A_1610 : vector<1x16xi32> to vector<16xi32>
    %get3A_1612 = arith.constant 10 : i32
    %get3A_1613 = arith.index_cast %get3A_1612 : i32 to index
    %get3A_1614 = arith.constant 112 : index
    %get3A_1615 = tpu.vector_load %arg7[%get3A_1613, %get3A_1614] {strides = array<i32>} : memref<26x128xi32, #tpu.memory_space<vmem>>, vector<1x16xi32>,
    %get3A_1616 = vector.shape_cast %get3A_1615 : vector<1x16xi32> to vector<16xi32>
    %add3A_1617 = arith.addi %get3A_1611, %get3A_1616 : vector<16xi32>
    %swap3A_1618 = arith.constant 10 : i32
    %swap3A_1619 = arith.index_cast %swap3A_1618 : i32 to index
    %swap3A_1620 = arith.constant 112 : index
    %swap3A_1621 = tpu.vector_load %arg6[%swap3A_1619, %swap3A_1620] {strides = array<i32>} : memref<26x128xi32, #tpu.memory_space<vmem>>, vector<1x16xi32>,
    %swap3A_1622 = vector.shape_cast %swap3A_1621 : vector<1x16xi32> to vector<16xi32>
    %swap3A_1623 = vector.shape_cast %add3A_1617 : vector<16xi32> to vector<1x16xi32>
    tpu.vector_store %arg6[%swap3A_1619, %swap3A_1620], %swap3A_1623 {strides = array<i32>} : memref<26x128xi32, #tpu.memory_space<vmem>>, vector<1x16xi32>,
    %dma_start3A_1624 = arith.constant 10 : i32
    %dma_start3A_1625 = arith.constant 5 : i32
    %dma_start3A_1626 = arith.constant 1280 : i32
    %dma_start3A_1627 = arith.constant 0 : i32
    %dma_start3A_1628 = tpu.memref_slice %arg8[%dma_start3A_1626, %dma_start3A_1627] : memref<3328x32xf32, #tpu.memory_space<vmem>> -> memref<128x32xf32, #tpu.memory_space<vmem>>
    %dma_start3A_1629 = arith.constant 0 : i32
    %dma_start3A_1630 = tpu.memref_slice %arg6[%dma_start3A_1624, %dma_start3A_1629] : memref<26x128xi32, #tpu.memory_space<vmem>> -> memref<1x128xi32, #tpu.memory_space<vmem>>
    %dma_start3A_1631 = tpu.memref_squeeze %dma_start3A_1630 : memref<1x128xi32, #tpu.memory_space<vmem>> -> memref<128xi32, #tpu.memory_space<vmem>>
    %dma_start3A_1632 = arith.constant 0 : i32
    %dma_start3A_1633 = arith.constant 0 : i32
    %dma_start3A_1634 = tpu.memref_slice %arg2[%dma_start3A_1632, %dma_start3A_1633] : memref<2600000x32xf32, #tpu.memory_space<hbm>> -> memref<2600000x32xf32, #tpu.memory_space<hbm>>
    %dma_start3A_1635 = tpu.memref_slice %arg9[%dma_start3A_1625] : memref<13x!tpu.dma_semaphore, #tpu.memory_space<semaphore_mem>> -> memref<1x!tpu.dma_semaphore, #tpu.memory_space<semaphore_mem>>
    %dma_start3A_1636 = tpu.memref_squeeze %dma_start3A_1635 : memref<1x!tpu.dma_semaphore, #tpu.memory_space<semaphore_mem>> -> memref<!tpu.dma_semaphore, #tpu.memory_space<semaphore_mem>>
    tpu.enqueue_indirect_dma source(%dma_start3A_1634 : memref<2600000x32xf32, #tpu.memory_space<hbm>>) target(%dma_start3A_1628 : memref<128x32xf32, #tpu.memory_space<vmem>>) offsets(%dma_start3A_1631 : memref<128xi32, #tpu.memory_space<vmem>>) semaphore(%dma_start3A_1636 : memref<!tpu.dma_semaphore, #tpu.memory_space<semaphore_mem>>)
    %get3A_1637 = arith.constant 11 : i32
    %get3A_1638 = arith.index_cast %get3A_1637 : i32 to index
    %get3A_1639 = arith.constant 0 : index
    %get3A_1640 = tpu.vector_load %arg6[%get3A_1638, %get3A_1639] {strides = array<i32>} : memref<26x128xi32, #tpu.memory_space<vmem>>, vector<1x16xi32>,
    %get3A_1641 = vector.shape_cast %get3A_1640 : vector<1x16xi32> to vector<16xi32>
    %get3A_1642 = arith.constant 11 : i32
    %get3A_1643 = arith.index_cast %get3A_1642 : i32 to index
    %get3A_1644 = arith.constant 0 : index
    %get3A_1645 = tpu.vector_load %arg7[%get3A_1643, %get3A_1644] {strides = array<i32>} : memref<26x128xi32, #tpu.memory_space<vmem>>, vector<1x16xi32>,
    %get3A_1646 = vector.shape_cast %get3A_1645 : vector<1x16xi32> to vector<16xi32>
    %add3A_1647 = arith.addi %get3A_1641, %get3A_1646 : vector<16xi32>
    %swap3A_1648 = arith.constant 11 : i32
    %swap3A_1649 = arith.index_cast %swap3A_1648 : i32 to index
    %swap3A_1650 = arith.constant 0 : index
    %swap3A_1651 = tpu.vector_load %arg6[%swap3A_1649, %swap3A_1650] {strides = array<i32>} : memref<26x128xi32, #tpu.memory_space<vmem>>, vector<1x16xi32>,
    %swap3A_1652 = vector.shape_cast %swap3A_1651 : vector<1x16xi32> to vector<16xi32>
    %swap3A_1653 = vector.shape_cast %add3A_1647 : vector<16xi32> to vector<1x16xi32>
    tpu.vector_store %arg6[%swap3A_1649, %swap3A_1650], %swap3A_1653 {strides = array<i32>} : memref<26x128xi32, #tpu.memory_space<vmem>>, vector<1x16xi32>,
    %get3A_1654 = arith.constant 11 : i32
    %get3A_1655 = arith.index_cast %get3A_1654 : i32 to index
    %get3A_1656 = arith.constant 16 : index
    %get3A_1657 = tpu.vector_load %arg6[%get3A_1655, %get3A_1656] {strides = array<i32>} : memref<26x128xi32, #tpu.memory_space<vmem>>, vector<1x16xi32>,
    %get3A_1658 = vector.shape_cast %get3A_1657 : vector<1x16xi32> to vector<16xi32>
    %get3A_1659 = arith.constant 11 : i32
    %get3A_1660 = arith.index_cast %get3A_1659 : i32 to index
    %get3A_1661 = arith.constant 16 : index
    %get3A_1662 = tpu.vector_load %arg7[%get3A_1660, %get3A_1661] {strides = array<i32>} : memref<26x128xi32, #tpu.memory_space<vmem>>, vector<1x16xi32>,
    %get3A_1663 = vector.shape_cast %get3A_1662 : vector<1x16xi32> to vector<16xi32>
    %add3A_1664 = arith.addi %get3A_1658, %get3A_1663 : vector<16xi32>
    %swap3A_1665 = arith.constant 11 : i32
    %swap3A_1666 = arith.index_cast %swap3A_1665 : i32 to index
    %swap3A_1667 = arith.constant 16 : index
    %swap3A_1668 = tpu.vector_load %arg6[%swap3A_1666, %swap3A_1667] {strides = array<i32>} : memref<26x128xi32, #tpu.memory_space<vmem>>, vector<1x16xi32>,
    %swap3A_1669 = vector.shape_cast %swap3A_1668 : vector<1x16xi32> to vector<16xi32>
    %swap3A_1670 = vector.shape_cast %add3A_1664 : vector<16xi32> to vector<1x16xi32>
    tpu.vector_store %arg6[%swap3A_1666, %swap3A_1667], %swap3A_1670 {strides = array<i32>} : memref<26x128xi32, #tpu.memory_space<vmem>>, vector<1x16xi32>,
    %get3A_1671 = arith.constant 11 : i32
    %get3A_1672 = arith.index_cast %get3A_1671 : i32 to index
    %get3A_1673 = arith.constant 32 : index
    %get3A_1674 = tpu.vector_load %arg6[%get3A_1672, %get3A_1673] {strides = array<i32>} : memref<26x128xi32, #tpu.memory_space<vmem>>, vector<1x16xi32>,
    %get3A_1675 = vector.shape_cast %get3A_1674 : vector<1x16xi32> to vector<16xi32>
    %get3A_1676 = arith.constant 11 : i32
    %get3A_1677 = arith.index_cast %get3A_1676 : i32 to index
    %get3A_1678 = arith.constant 32 : index
    %get3A_1679 = tpu.vector_load %arg7[%get3A_1677, %get3A_1678] {strides = array<i32>} : memref<26x128xi32, #tpu.memory_space<vmem>>, vector<1x16xi32>,
    %get3A_1680 = vector.shape_cast %get3A_1679 : vector<1x16xi32> to vector<16xi32>
    %add3A_1681 = arith.addi %get3A_1675, %get3A_1680 : vector<16xi32>
    %swap3A_1682 = arith.constant 11 : i32
    %swap3A_1683 = arith.index_cast %swap3A_1682 : i32 to index
    %swap3A_1684 = arith.constant 32 : index
    %swap3A_1685 = tpu.vector_load %arg6[%swap3A_1683, %swap3A_1684] {strides = array<i32>} : memref<26x128xi32, #tpu.memory_space<vmem>>, vector<1x16xi32>,
    %swap3A_1686 = vector.shape_cast %swap3A_1685 : vector<1x16xi32> to vector<16xi32>
    %swap3A_1687 = vector.shape_cast %add3A_1681 : vector<16xi32> to vector<1x16xi32>
    tpu.vector_store %arg6[%swap3A_1683, %swap3A_1684], %swap3A_1687 {strides = array<i32>} : memref<26x128xi32, #tpu.memory_space<vmem>>, vector<1x16xi32>,
    %get3A_1688 = arith.constant 11 : i32
    %get3A_1689 = arith.index_cast %get3A_1688 : i32 to index
    %get3A_1690 = arith.constant 48 : index
    %get3A_1691 = tpu.vector_load %arg6[%get3A_1689, %get3A_1690] {strides = array<i32>} : memref<26x128xi32, #tpu.memory_space<vmem>>, vector<1x16xi32>,
    %get3A_1692 = vector.shape_cast %get3A_1691 : vector<1x16xi32> to vector<16xi32>
    %get3A_1693 = arith.constant 11 : i32
    %get3A_1694 = arith.index_cast %get3A_1693 : i32 to index
    %get3A_1695 = arith.constant 48 : index
    %get3A_1696 = tpu.vector_load %arg7[%get3A_1694, %get3A_1695] {strides = array<i32>} : memref<26x128xi32, #tpu.memory_space<vmem>>, vector<1x16xi32>,
    %get3A_1697 = vector.shape_cast %get3A_1696 : vector<1x16xi32> to vector<16xi32>
    %add3A_1698 = arith.addi %get3A_1692, %get3A_1697 : vector<16xi32>
    %swap3A_1699 = arith.constant 11 : i32
    %swap3A_1700 = arith.index_cast %swap3A_1699 : i32 to index
    %swap3A_1701 = arith.constant 48 : index
    %swap3A_1702 = tpu.vector_load %arg6[%swap3A_1700, %swap3A_1701] {strides = array<i32>} : memref<26x128xi32, #tpu.memory_space<vmem>>, vector<1x16xi32>,
    %swap3A_1703 = vector.shape_cast %swap3A_1702 : vector<1x16xi32> to vector<16xi32>
    %swap3A_1704 = vector.shape_cast %add3A_1698 : vector<16xi32> to vector<1x16xi32>
    tpu.vector_store %arg6[%swap3A_1700, %swap3A_1701], %swap3A_1704 {strides = array<i32>} : memref<26x128xi32, #tpu.memory_space<vmem>>, vector<1x16xi32>,
    %get3A_1705 = arith.constant 11 : i32
    %get3A_1706 = arith.index_cast %get3A_1705 : i32 to index
    %get3A_1707 = arith.constant 64 : index
    %get3A_1708 = tpu.vector_load %arg6[%get3A_1706, %get3A_1707] {strides = array<i32>} : memref<26x128xi32, #tpu.memory_space<vmem>>, vector<1x16xi32>,
    %get3A_1709 = vector.shape_cast %get3A_1708 : vector<1x16xi32> to vector<16xi32>
    %get3A_1710 = arith.constant 11 : i32
    %get3A_1711 = arith.index_cast %get3A_1710 : i32 to index
    %get3A_1712 = arith.constant 64 : index
    %get3A_1713 = tpu.vector_load %arg7[%get3A_1711, %get3A_1712] {strides = array<i32>} : memref<26x128xi32, #tpu.memory_space<vmem>>, vector<1x16xi32>,
    %get3A_1714 = vector.shape_cast %get3A_1713 : vector<1x16xi32> to vector<16xi32>
    %add3A_1715 = arith.addi %get3A_1709, %get3A_1714 : vector<16xi32>
    %swap3A_1716 = arith.constant 11 : i32
    %swap3A_1717 = arith.index_cast %swap3A_1716 : i32 to index
    %swap3A_1718 = arith.constant 64 : index
    %swap3A_1719 = tpu.vector_load %arg6[%swap3A_1717, %swap3A_1718] {strides = array<i32>} : memref<26x128xi32, #tpu.memory_space<vmem>>, vector<1x16xi32>,
    %swap3A_1720 = vector.shape_cast %swap3A_1719 : vector<1x16xi32> to vector<16xi32>
    %swap3A_1721 = vector.shape_cast %add3A_1715 : vector<16xi32> to vector<1x16xi32>
    tpu.vector_store %arg6[%swap3A_1717, %swap3A_1718], %swap3A_1721 {strides = array<i32>} : memref<26x128xi32, #tpu.memory_space<vmem>>, vector<1x16xi32>,
    %get3A_1722 = arith.constant 11 : i32
    %get3A_1723 = arith.index_cast %get3A_1722 : i32 to index
    %get3A_1724 = arith.constant 80 : index
    %get3A_1725 = tpu.vector_load %arg6[%get3A_1723, %get3A_1724] {strides = array<i32>} : memref<26x128xi32, #tpu.memory_space<vmem>>, vector<1x16xi32>,
    %get3A_1726 = vector.shape_cast %get3A_1725 : vector<1x16xi32> to vector<16xi32>
    %get3A_1727 = arith.constant 11 : i32
    %get3A_1728 = arith.index_cast %get3A_1727 : i32 to index
    %get3A_1729 = arith.constant 80 : index
    %get3A_1730 = tpu.vector_load %arg7[%get3A_1728, %get3A_1729] {strides = array<i32>} : memref<26x128xi32, #tpu.memory_space<vmem>>, vector<1x16xi32>,
    %get3A_1731 = vector.shape_cast %get3A_1730 : vector<1x16xi32> to vector<16xi32>
    %add3A_1732 = arith.addi %get3A_1726, %get3A_1731 : vector<16xi32>
    %swap3A_1733 = arith.constant 11 : i32
    %swap3A_1734 = arith.index_cast %swap3A_1733 : i32 to index
    %swap3A_1735 = arith.constant 80 : index
    %swap3A_1736 = tpu.vector_load %arg6[%swap3A_1734, %swap3A_1735] {strides = array<i32>} : memref<26x128xi32, #tpu.memory_space<vmem>>, vector<1x16xi32>,
    %swap3A_1737 = vector.shape_cast %swap3A_1736 : vector<1x16xi32> to vector<16xi32>
    %swap3A_1738 = vector.shape_cast %add3A_1732 : vector<16xi32> to vector<1x16xi32>
    tpu.vector_store %arg6[%swap3A_1734, %swap3A_1735], %swap3A_1738 {strides = array<i32>} : memref<26x128xi32, #tpu.memory_space<vmem>>, vector<1x16xi32>,
    %get3A_1739 = arith.constant 11 : i32
    %get3A_1740 = arith.index_cast %get3A_1739 : i32 to index
    %get3A_1741 = arith.constant 96 : index
    %get3A_1742 = tpu.vector_load %arg6[%get3A_1740, %get3A_1741] {strides = array<i32>} : memref<26x128xi32, #tpu.memory_space<vmem>>, vector<1x16xi32>,
    %get3A_1743 = vector.shape_cast %get3A_1742 : vector<1x16xi32> to vector<16xi32>
    %get3A_1744 = arith.constant 11 : i32
    %get3A_1745 = arith.index_cast %get3A_1744 : i32 to index
    %get3A_1746 = arith.constant 96 : index
    %get3A_1747 = tpu.vector_load %arg7[%get3A_1745, %get3A_1746] {strides = array<i32>} : memref<26x128xi32, #tpu.memory_space<vmem>>, vector<1x16xi32>,
    %get3A_1748 = vector.shape_cast %get3A_1747 : vector<1x16xi32> to vector<16xi32>
    %add3A_1749 = arith.addi %get3A_1743, %get3A_1748 : vector<16xi32>
    %swap3A_1750 = arith.constant 11 : i32
    %swap3A_1751 = arith.index_cast %swap3A_1750 : i32 to index
    %swap3A_1752 = arith.constant 96 : index
    %swap3A_1753 = tpu.vector_load %arg6[%swap3A_1751, %swap3A_1752] {strides = array<i32>} : memref<26x128xi32, #tpu.memory_space<vmem>>, vector<1x16xi32>,
    %swap3A_1754 = vector.shape_cast %swap3A_1753 : vector<1x16xi32> to vector<16xi32>
    %swap3A_1755 = vector.shape_cast %add3A_1749 : vector<16xi32> to vector<1x16xi32>
    tpu.vector_store %arg6[%swap3A_1751, %swap3A_1752], %swap3A_1755 {strides = array<i32>} : memref<26x128xi32, #tpu.memory_space<vmem>>, vector<1x16xi32>,
    %get3A_1756 = arith.constant 11 : i32
    %get3A_1757 = arith.index_cast %get3A_1756 : i32 to index
    %get3A_1758 = arith.constant 112 : index
    %get3A_1759 = tpu.vector_load %arg6[%get3A_1757, %get3A_1758] {strides = array<i32>} : memref<26x128xi32, #tpu.memory_space<vmem>>, vector<1x16xi32>,
    %get3A_1760 = vector.shape_cast %get3A_1759 : vector<1x16xi32> to vector<16xi32>
    %get3A_1761 = arith.constant 11 : i32
    %get3A_1762 = arith.index_cast %get3A_1761 : i32 to index
    %get3A_1763 = arith.constant 112 : index
    %get3A_1764 = tpu.vector_load %arg7[%get3A_1762, %get3A_1763] {strides = array<i32>} : memref<26x128xi32, #tpu.memory_space<vmem>>, vector<1x16xi32>,
    %get3A_1765 = vector.shape_cast %get3A_1764 : vector<1x16xi32> to vector<16xi32>
    %add3A_1766 = arith.addi %get3A_1760, %get3A_1765 : vector<16xi32>
    %swap3A_1767 = arith.constant 11 : i32
    %swap3A_1768 = arith.index_cast %swap3A_1767 : i32 to index
    %swap3A_1769 = arith.constant 112 : index
    %swap3A_1770 = tpu.vector_load %arg6[%swap3A_1768, %swap3A_1769] {strides = array<i32>} : memref<26x128xi32, #tpu.memory_space<vmem>>, vector<1x16xi32>,
    %swap3A_1771 = vector.shape_cast %swap3A_1770 : vector<1x16xi32> to vector<16xi32>
    %swap3A_1772 = vector.shape_cast %add3A_1766 : vector<16xi32> to vector<1x16xi32>
    tpu.vector_store %arg6[%swap3A_1768, %swap3A_1769], %swap3A_1772 {strides = array<i32>} : memref<26x128xi32, #tpu.memory_space<vmem>>, vector<1x16xi32>,
    %dma_start3A_1773 = arith.constant 11 : i32
    %dma_start3A_1774 = arith.constant 5 : i32
    %dma_start3A_1775 = arith.constant 1408 : i32
    %dma_start3A_1776 = arith.constant 0 : i32
    %dma_start3A_1777 = tpu.memref_slice %arg8[%dma_start3A_1775, %dma_start3A_1776] : memref<3328x32xf32, #tpu.memory_space<vmem>> -> memref<128x32xf32, #tpu.memory_space<vmem>>
    %dma_start3A_1778 = arith.constant 0 : i32
    %dma_start3A_1779 = tpu.memref_slice %arg6[%dma_start3A_1773, %dma_start3A_1778] : memref<26x128xi32, #tpu.memory_space<vmem>> -> memref<1x128xi32, #tpu.memory_space<vmem>>
    %dma_start3A_1780 = tpu.memref_squeeze %dma_start3A_1779 : memref<1x128xi32, #tpu.memory_space<vmem>> -> memref<128xi32, #tpu.memory_space<vmem>>
    %dma_start3A_1781 = arith.constant 0 : i32
    %dma_start3A_1782 = arith.constant 0 : i32
    %dma_start3A_1783 = tpu.memref_slice %arg2[%dma_start3A_1781, %dma_start3A_1782] : memref<2600000x32xf32, #tpu.memory_space<hbm>> -> memref<2600000x32xf32, #tpu.memory_space<hbm>>
    %dma_start3A_1784 = tpu.memref_slice %arg9[%dma_start3A_1774] : memref<13x!tpu.dma_semaphore, #tpu.memory_space<semaphore_mem>> -> memref<1x!tpu.dma_semaphore, #tpu.memory_space<semaphore_mem>>
    %dma_start3A_1785 = tpu.memref_squeeze %dma_start3A_1784 : memref<1x!tpu.dma_semaphore, #tpu.memory_space<semaphore_mem>> -> memref<!tpu.dma_semaphore, #tpu.memory_space<semaphore_mem>>
    tpu.enqueue_indirect_dma source(%dma_start3A_1783 : memref<2600000x32xf32, #tpu.memory_space<hbm>>) target(%dma_start3A_1777 : memref<128x32xf32, #tpu.memory_space<vmem>>) offsets(%dma_start3A_1780 : memref<128xi32, #tpu.memory_space<vmem>>) semaphore(%dma_start3A_1785 : memref<!tpu.dma_semaphore, #tpu.memory_space<semaphore_mem>>)
    %get3A_1786 = arith.constant 12 : i32
    %get3A_1787 = arith.index_cast %get3A_1786 : i32 to index
    %get3A_1788 = arith.constant 0 : index
    %get3A_1789 = tpu.vector_load %arg6[%get3A_1787, %get3A_1788] {strides = array<i32>} : memref<26x128xi32, #tpu.memory_space<vmem>>, vector<1x16xi32>,
    %get3A_1790 = vector.shape_cast %get3A_1789 : vector<1x16xi32> to vector<16xi32>
    %get3A_1791 = arith.constant 12 : i32
    %get3A_1792 = arith.index_cast %get3A_1791 : i32 to index
    %get3A_1793 = arith.constant 0 : index
    %get3A_1794 = tpu.vector_load %arg7[%get3A_1792, %get3A_1793] {strides = array<i32>} : memref<26x128xi32, #tpu.memory_space<vmem>>, vector<1x16xi32>,
    %get3A_1795 = vector.shape_cast %get3A_1794 : vector<1x16xi32> to vector<16xi32>
    %add3A_1796 = arith.addi %get3A_1790, %get3A_1795 : vector<16xi32>
    %swap3A_1797 = arith.constant 12 : i32
    %swap3A_1798 = arith.index_cast %swap3A_1797 : i32 to index
    %swap3A_1799 = arith.constant 0 : index
    %swap3A_1800 = tpu.vector_load %arg6[%swap3A_1798, %swap3A_1799] {strides = array<i32>} : memref<26x128xi32, #tpu.memory_space<vmem>>, vector<1x16xi32>,
    %swap3A_1801 = vector.shape_cast %swap3A_1800 : vector<1x16xi32> to vector<16xi32>
    %swap3A_1802 = vector.shape_cast %add3A_1796 : vector<16xi32> to vector<1x16xi32>
    tpu.vector_store %arg6[%swap3A_1798, %swap3A_1799], %swap3A_1802 {strides = array<i32>} : memref<26x128xi32, #tpu.memory_space<vmem>>, vector<1x16xi32>,
    %get3A_1803 = arith.constant 12 : i32
    %get3A_1804 = arith.index_cast %get3A_1803 : i32 to index
    %get3A_1805 = arith.constant 16 : index
    %get3A_1806 = tpu.vector_load %arg6[%get3A_1804, %get3A_1805] {strides = array<i32>} : memref<26x128xi32, #tpu.memory_space<vmem>>, vector<1x16xi32>,
    %get3A_1807 = vector.shape_cast %get3A_1806 : vector<1x16xi32> to vector<16xi32>
    %get3A_1808 = arith.constant 12 : i32
    %get3A_1809 = arith.index_cast %get3A_1808 : i32 to index
    %get3A_1810 = arith.constant 16 : index
    %get3A_1811 = tpu.vector_load %arg7[%get3A_1809, %get3A_1810] {strides = array<i32>} : memref<26x128xi32, #tpu.memory_space<vmem>>, vector<1x16xi32>,
    %get3A_1812 = vector.shape_cast %get3A_1811 : vector<1x16xi32> to vector<16xi32>
    %add3A_1813 = arith.addi %get3A_1807, %get3A_1812 : vector<16xi32>
    %swap3A_1814 = arith.constant 12 : i32
    %swap3A_1815 = arith.index_cast %swap3A_1814 : i32 to index
    %swap3A_1816 = arith.constant 16 : index
    %swap3A_1817 = tpu.vector_load %arg6[%swap3A_1815, %swap3A_1816] {strides = array<i32>} : memref<26x128xi32, #tpu.memory_space<vmem>>, vector<1x16xi32>,
    %swap3A_1818 = vector.shape_cast %swap3A_1817 : vector<1x16xi32> to vector<16xi32>
    %swap3A_1819 = vector.shape_cast %add3A_1813 : vector<16xi32> to vector<1x16xi32>
    tpu.vector_store %arg6[%swap3A_1815, %swap3A_1816], %swap3A_1819 {strides = array<i32>} : memref<26x128xi32, #tpu.memory_space<vmem>>, vector<1x16xi32>,
    %get3A_1820 = arith.constant 12 : i32
    %get3A_1821 = arith.index_cast %get3A_1820 : i32 to index
    %get3A_1822 = arith.constant 32 : index
    %get3A_1823 = tpu.vector_load %arg6[%get3A_1821, %get3A_1822] {strides = array<i32>} : memref<26x128xi32, #tpu.memory_space<vmem>>, vector<1x16xi32>,
    %get3A_1824 = vector.shape_cast %get3A_1823 : vector<1x16xi32> to vector<16xi32>
    %get3A_1825 = arith.constant 12 : i32
    %get3A_1826 = arith.index_cast %get3A_1825 : i32 to index
    %get3A_1827 = arith.constant 32 : index
    %get3A_1828 = tpu.vector_load %arg7[%get3A_1826, %get3A_1827] {strides = array<i32>} : memref<26x128xi32, #tpu.memory_space<vmem>>, vector<1x16xi32>,
    %get3A_1829 = vector.shape_cast %get3A_1828 : vector<1x16xi32> to vector<16xi32>
    %add3A_1830 = arith.addi %get3A_1824, %get3A_1829 : vector<16xi32>
    %swap3A_1831 = arith.constant 12 : i32
    %swap3A_1832 = arith.index_cast %swap3A_1831 : i32 to index
    %swap3A_1833 = arith.constant 32 : index
    %swap3A_1834 = tpu.vector_load %arg6[%swap3A_1832, %swap3A_1833] {strides = array<i32>} : memref<26x128xi32, #tpu.memory_space<vmem>>, vector<1x16xi32>,
    %swap3A_1835 = vector.shape_cast %swap3A_1834 : vector<1x16xi32> to vector<16xi32>
    %swap3A_1836 = vector.shape_cast %add3A_1830 : vector<16xi32> to vector<1x16xi32>
    tpu.vector_store %arg6[%swap3A_1832, %swap3A_1833], %swap3A_1836 {strides = array<i32>} : memref<26x128xi32, #tpu.memory_space<vmem>>, vector<1x16xi32>,
    %get3A_1837 = arith.constant 12 : i32
    %get3A_1838 = arith.index_cast %get3A_1837 : i32 to index
    %get3A_1839 = arith.constant 48 : index
    %get3A_1840 = tpu.vector_load %arg6[%get3A_1838, %get3A_1839] {strides = array<i32>} : memref<26x128xi32, #tpu.memory_space<vmem>>, vector<1x16xi32>,
    %get3A_1841 = vector.shape_cast %get3A_1840 : vector<1x16xi32> to vector<16xi32>
    %get3A_1842 = arith.constant 12 : i32
    %get3A_1843 = arith.index_cast %get3A_1842 : i32 to index
    %get3A_1844 = arith.constant 48 : index
    %get3A_1845 = tpu.vector_load %arg7[%get3A_1843, %get3A_1844] {strides = array<i32>} : memref<26x128xi32, #tpu.memory_space<vmem>>, vector<1x16xi32>,
    %get3A_1846 = vector.shape_cast %get3A_1845 : vector<1x16xi32> to vector<16xi32>
    %add3A_1847 = arith.addi %get3A_1841, %get3A_1846 : vector<16xi32>
    %swap3A_1848 = arith.constant 12 : i32
    %swap3A_1849 = arith.index_cast %swap3A_1848 : i32 to index
    %swap3A_1850 = arith.constant 48 : index
    %swap3A_1851 = tpu.vector_load %arg6[%swap3A_1849, %swap3A_1850] {strides = array<i32>} : memref<26x128xi32, #tpu.memory_space<vmem>>, vector<1x16xi32>,
    %swap3A_1852 = vector.shape_cast %swap3A_1851 : vector<1x16xi32> to vector<16xi32>
    %swap3A_1853 = vector.shape_cast %add3A_1847 : vector<16xi32> to vector<1x16xi32>
    tpu.vector_store %arg6[%swap3A_1849, %swap3A_1850], %swap3A_1853 {strides = array<i32>} : memref<26x128xi32, #tpu.memory_space<vmem>>, vector<1x16xi32>,
    %get3A_1854 = arith.constant 12 : i32
    %get3A_1855 = arith.index_cast %get3A_1854 : i32 to index
    %get3A_1856 = arith.constant 64 : index
    %get3A_1857 = tpu.vector_load %arg6[%get3A_1855, %get3A_1856] {strides = array<i32>} : memref<26x128xi32, #tpu.memory_space<vmem>>, vector<1x16xi32>,
    %get3A_1858 = vector.shape_cast %get3A_1857 : vector<1x16xi32> to vector<16xi32>
    %get3A_1859 = arith.constant 12 : i32
    %get3A_1860 = arith.index_cast %get3A_1859 : i32 to index
    %get3A_1861 = arith.constant 64 : index
    %get3A_1862 = tpu.vector_load %arg7[%get3A_1860, %get3A_1861] {strides = array<i32>} : memref<26x128xi32, #tpu.memory_space<vmem>>, vector<1x16xi32>,
    %get3A_1863 = vector.shape_cast %get3A_1862 : vector<1x16xi32> to vector<16xi32>
    %add3A_1864 = arith.addi %get3A_1858, %get3A_1863 : vector<16xi32>
    %swap3A_1865 = arith.constant 12 : i32
    %swap3A_1866 = arith.index_cast %swap3A_1865 : i32 to index
    %swap3A_1867 = arith.constant 64 : index
    %swap3A_1868 = tpu.vector_load %arg6[%swap3A_1866, %swap3A_1867] {strides = array<i32>} : memref<26x128xi32, #tpu.memory_space<vmem>>, vector<1x16xi32>,
    %swap3A_1869 = vector.shape_cast %swap3A_1868 : vector<1x16xi32> to vector<16xi32>
    %swap3A_1870 = vector.shape_cast %add3A_1864 : vector<16xi32> to vector<1x16xi32>
    tpu.vector_store %arg6[%swap3A_1866, %swap3A_1867], %swap3A_1870 {strides = array<i32>} : memref<26x128xi32, #tpu.memory_space<vmem>>, vector<1x16xi32>,
    %get3A_1871 = arith.constant 12 : i32
    %get3A_1872 = arith.index_cast %get3A_1871 : i32 to index
    %get3A_1873 = arith.constant 80 : index
    %get3A_1874 = tpu.vector_load %arg6[%get3A_1872, %get3A_1873] {strides = array<i32>} : memref<26x128xi32, #tpu.memory_space<vmem>>, vector<1x16xi32>,
    %get3A_1875 = vector.shape_cast %get3A_1874 : vector<1x16xi32> to vector<16xi32>
    %get3A_1876 = arith.constant 12 : i32
    %get3A_1877 = arith.index_cast %get3A_1876 : i32 to index
    %get3A_1878 = arith.constant 80 : index
    %get3A_1879 = tpu.vector_load %arg7[%get3A_1877, %get3A_1878] {strides = array<i32>} : memref<26x128xi32, #tpu.memory_space<vmem>>, vector<1x16xi32>,
    %get3A_1880 = vector.shape_cast %get3A_1879 : vector<1x16xi32> to vector<16xi32>
    %add3A_1881 = arith.addi %get3A_1875, %get3A_1880 : vector<16xi32>
    %swap3A_1882 = arith.constant 12 : i32
    %swap3A_1883 = arith.index_cast %swap3A_1882 : i32 to index
    %swap3A_1884 = arith.constant 80 : index
    %swap3A_1885 = tpu.vector_load %arg6[%swap3A_1883, %swap3A_1884] {strides = array<i32>} : memref<26x128xi32, #tpu.memory_space<vmem>>, vector<1x16xi32>,
    %swap3A_1886 = vector.shape_cast %swap3A_1885 : vector<1x16xi32> to vector<16xi32>
    %swap3A_1887 = vector.shape_cast %add3A_1881 : vector<16xi32> to vector<1x16xi32>
    tpu.vector_store %arg6[%swap3A_1883, %swap3A_1884], %swap3A_1887 {strides = array<i32>} : memref<26x128xi32, #tpu.memory_space<vmem>>, vector<1x16xi32>,
    %get3A_1888 = arith.constant 12 : i32
    %get3A_1889 = arith.index_cast %get3A_1888 : i32 to index
    %get3A_1890 = arith.constant 96 : index
    %get3A_1891 = tpu.vector_load %arg6[%get3A_1889, %get3A_1890] {strides = array<i32>} : memref<26x128xi32, #tpu.memory_space<vmem>>, vector<1x16xi32>,
    %get3A_1892 = vector.shape_cast %get3A_1891 : vector<1x16xi32> to vector<16xi32>
    %get3A_1893 = arith.constant 12 : i32
    %get3A_1894 = arith.index_cast %get3A_1893 : i32 to index
    %get3A_1895 = arith.constant 96 : index
    %get3A_1896 = tpu.vector_load %arg7[%get3A_1894, %get3A_1895] {strides = array<i32>} : memref<26x128xi32, #tpu.memory_space<vmem>>, vector<1x16xi32>,
    %get3A_1897 = vector.shape_cast %get3A_1896 : vector<1x16xi32> to vector<16xi32>
    %add3A_1898 = arith.addi %get3A_1892, %get3A_1897 : vector<16xi32>
    %swap3A_1899 = arith.constant 12 : i32
    %swap3A_1900 = arith.index_cast %swap3A_1899 : i32 to index
    %swap3A_1901 = arith.constant 96 : index
    %swap3A_1902 = tpu.vector_load %arg6[%swap3A_1900, %swap3A_1901] {strides = array<i32>} : memref<26x128xi32, #tpu.memory_space<vmem>>, vector<1x16xi32>,
    %swap3A_1903 = vector.shape_cast %swap3A_1902 : vector<1x16xi32> to vector<16xi32>
    %swap3A_1904 = vector.shape_cast %add3A_1898 : vector<16xi32> to vector<1x16xi32>
    tpu.vector_store %arg6[%swap3A_1900, %swap3A_1901], %swap3A_1904 {strides = array<i32>} : memref<26x128xi32, #tpu.memory_space<vmem>>, vector<1x16xi32>,
    %get3A_1905 = arith.constant 12 : i32
    %get3A_1906 = arith.index_cast %get3A_1905 : i32 to index
    %get3A_1907 = arith.constant 112 : index
    %get3A_1908 = tpu.vector_load %arg6[%get3A_1906, %get3A_1907] {strides = array<i32>} : memref<26x128xi32, #tpu.memory_space<vmem>>, vector<1x16xi32>,
    %get3A_1909 = vector.shape_cast %get3A_1908 : vector<1x16xi32> to vector<16xi32>
    %get3A_1910 = arith.constant 12 : i32
    %get3A_1911 = arith.index_cast %get3A_1910 : i32 to index
    %get3A_1912 = arith.constant 112 : index
    %get3A_1913 = tpu.vector_load %arg7[%get3A_1911, %get3A_1912] {strides = array<i32>} : memref<26x128xi32, #tpu.memory_space<vmem>>, vector<1x16xi32>,
    %get3A_1914 = vector.shape_cast %get3A_1913 : vector<1x16xi32> to vector<16xi32>
    %add3A_1915 = arith.addi %get3A_1909, %get3A_1914 : vector<16xi32>
    %swap3A_1916 = arith.constant 12 : i32
    %swap3A_1917 = arith.index_cast %swap3A_1916 : i32 to index
    %swap3A_1918 = arith.constant 112 : index
    %swap3A_1919 = tpu.vector_load %arg6[%swap3A_1917, %swap3A_1918] {strides = array<i32>} : memref<26x128xi32, #tpu.memory_space<vmem>>, vector<1x16xi32>,
    %swap3A_1920 = vector.shape_cast %swap3A_1919 : vector<1x16xi32> to vector<16xi32>
    %swap3A_1921 = vector.shape_cast %add3A_1915 : vector<16xi32> to vector<1x16xi32>
    tpu.vector_store %arg6[%swap3A_1917, %swap3A_1918], %swap3A_1921 {strides = array<i32>} : memref<26x128xi32, #tpu.memory_space<vmem>>, vector<1x16xi32>,
    %dma_start3A_1922 = arith.constant 12 : i32
    %dma_start3A_1923 = arith.constant 6 : i32
    %dma_start3A_1924 = arith.constant 1536 : i32
    %dma_start3A_1925 = arith.constant 0 : i32
    %dma_start3A_1926 = tpu.memref_slice %arg8[%dma_start3A_1924, %dma_start3A_1925] : memref<3328x32xf32, #tpu.memory_space<vmem>> -> memref<128x32xf32, #tpu.memory_space<vmem>>
    %dma_start3A_1927 = arith.constant 0 : i32
    %dma_start3A_1928 = tpu.memref_slice %arg6[%dma_start3A_1922, %dma_start3A_1927] : memref<26x128xi32, #tpu.memory_space<vmem>> -> memref<1x128xi32, #tpu.memory_space<vmem>>
    %dma_start3A_1929 = tpu.memref_squeeze %dma_start3A_1928 : memref<1x128xi32, #tpu.memory_space<vmem>> -> memref<128xi32, #tpu.memory_space<vmem>>
    %dma_start3A_1930 = arith.constant 0 : i32
    %dma_start3A_1931 = arith.constant 0 : i32
    %dma_start3A_1932 = tpu.memref_slice %arg2[%dma_start3A_1930, %dma_start3A_1931] : memref<2600000x32xf32, #tpu.memory_space<hbm>> -> memref<2600000x32xf32, #tpu.memory_space<hbm>>
    %dma_start3A_1933 = tpu.memref_slice %arg9[%dma_start3A_1923] : memref<13x!tpu.dma_semaphore, #tpu.memory_space<semaphore_mem>> -> memref<1x!tpu.dma_semaphore, #tpu.memory_space<semaphore_mem>>
    %dma_start3A_1934 = tpu.memref_squeeze %dma_start3A_1933 : memref<1x!tpu.dma_semaphore, #tpu.memory_space<semaphore_mem>> -> memref<!tpu.dma_semaphore, #tpu.memory_space<semaphore_mem>>
    tpu.enqueue_indirect_dma source(%dma_start3A_1932 : memref<2600000x32xf32, #tpu.memory_space<hbm>>) target(%dma_start3A_1926 : memref<128x32xf32, #tpu.memory_space<vmem>>) offsets(%dma_start3A_1929 : memref<128xi32, #tpu.memory_space<vmem>>) semaphore(%dma_start3A_1934 : memref<!tpu.dma_semaphore, #tpu.memory_space<semaphore_mem>>)
    %get3A_1935 = arith.constant 13 : i32
    %get3A_1936 = arith.index_cast %get3A_1935 : i32 to index
    %get3A_1937 = arith.constant 0 : index
    %get3A_1938 = tpu.vector_load %arg6[%get3A_1936, %get3A_1937] {strides = array<i32>} : memref<26x128xi32, #tpu.memory_space<vmem>>, vector<1x16xi32>,
    %get3A_1939 = vector.shape_cast %get3A_1938 : vector<1x16xi32> to vector<16xi32>
    %get3A_1940 = arith.constant 13 : i32
    %get3A_1941 = arith.index_cast %get3A_1940 : i32 to index
    %get3A_1942 = arith.constant 0 : index
    %get3A_1943 = tpu.vector_load %arg7[%get3A_1941, %get3A_1942] {strides = array<i32>} : memref<26x128xi32, #tpu.memory_space<vmem>>, vector<1x16xi32>,
    %get3A_1944 = vector.shape_cast %get3A_1943 : vector<1x16xi32> to vector<16xi32>
    %add3A_1945 = arith.addi %get3A_1939, %get3A_1944 : vector<16xi32>
    %swap3A_1946 = arith.constant 13 : i32
    %swap3A_1947 = arith.index_cast %swap3A_1946 : i32 to index
    %swap3A_1948 = arith.constant 0 : index
    %swap3A_1949 = tpu.vector_load %arg6[%swap3A_1947, %swap3A_1948] {strides = array<i32>} : memref<26x128xi32, #tpu.memory_space<vmem>>, vector<1x16xi32>,
    %swap3A_1950 = vector.shape_cast %swap3A_1949 : vector<1x16xi32> to vector<16xi32>
    %swap3A_1951 = vector.shape_cast %add3A_1945 : vector<16xi32> to vector<1x16xi32>
    tpu.vector_store %arg6[%swap3A_1947, %swap3A_1948], %swap3A_1951 {strides = array<i32>} : memref<26x128xi32, #tpu.memory_space<vmem>>, vector<1x16xi32>,
    %get3A_1952 = arith.constant 13 : i32
    %get3A_1953 = arith.index_cast %get3A_1952 : i32 to index
    %get3A_1954 = arith.constant 16 : index
    %get3A_1955 = tpu.vector_load %arg6[%get3A_1953, %get3A_1954] {strides = array<i32>} : memref<26x128xi32, #tpu.memory_space<vmem>>, vector<1x16xi32>,
    %get3A_1956 = vector.shape_cast %get3A_1955 : vector<1x16xi32> to vector<16xi32>
    %get3A_1957 = arith.constant 13 : i32
    %get3A_1958 = arith.index_cast %get3A_1957 : i32 to index
    %get3A_1959 = arith.constant 16 : index
    %get3A_1960 = tpu.vector_load %arg7[%get3A_1958, %get3A_1959] {strides = array<i32>} : memref<26x128xi32, #tpu.memory_space<vmem>>, vector<1x16xi32>,
    %get3A_1961 = vector.shape_cast %get3A_1960 : vector<1x16xi32> to vector<16xi32>
    %add3A_1962 = arith.addi %get3A_1956, %get3A_1961 : vector<16xi32>
    %swap3A_1963 = arith.constant 13 : i32
    %swap3A_1964 = arith.index_cast %swap3A_1963 : i32 to index
    %swap3A_1965 = arith.constant 16 : index
    %swap3A_1966 = tpu.vector_load %arg6[%swap3A_1964, %swap3A_1965] {strides = array<i32>} : memref<26x128xi32, #tpu.memory_space<vmem>>, vector<1x16xi32>,
    %swap3A_1967 = vector.shape_cast %swap3A_1966 : vector<1x16xi32> to vector<16xi32>
    %swap3A_1968 = vector.shape_cast %add3A_1962 : vector<16xi32> to vector<1x16xi32>
    tpu.vector_store %arg6[%swap3A_1964, %swap3A_1965], %swap3A_1968 {strides = array<i32>} : memref<26x128xi32, #tpu.memory_space<vmem>>, vector<1x16xi32>,
    %get3A_1969 = arith.constant 13 : i32
    %get3A_1970 = arith.index_cast %get3A_1969 : i32 to index
    %get3A_1971 = arith.constant 32 : index
    %get3A_1972 = tpu.vector_load %arg6[%get3A_1970, %get3A_1971] {strides = array<i32>} : memref<26x128xi32, #tpu.memory_space<vmem>>, vector<1x16xi32>,
    %get3A_1973 = vector.shape_cast %get3A_1972 : vector<1x16xi32> to vector<16xi32>
    %get3A_1974 = arith.constant 13 : i32
    %get3A_1975 = arith.index_cast %get3A_1974 : i32 to index
    %get3A_1976 = arith.constant 32 : index
    %get3A_1977 = tpu.vector_load %arg7[%get3A_1975, %get3A_1976] {strides = array<i32>} : memref<26x128xi32, #tpu.memory_space<vmem>>, vector<1x16xi32>,
    %get3A_1978 = vector.shape_cast %get3A_1977 : vector<1x16xi32> to vector<16xi32>
    %add3A_1979 = arith.addi %get3A_1973, %get3A_1978 : vector<16xi32>
    %swap3A_1980 = arith.constant 13 : i32
    %swap3A_1981 = arith.index_cast %swap3A_1980 : i32 to index
    %swap3A_1982 = arith.constant 32 : index
    %swap3A_1983 = tpu.vector_load %arg6[%swap3A_1981, %swap3A_1982] {strides = array<i32>} : memref<26x128xi32, #tpu.memory_space<vmem>>, vector<1x16xi32>,
    %swap3A_1984 = vector.shape_cast %swap3A_1983 : vector<1x16xi32> to vector<16xi32>
    %swap3A_1985 = vector.shape_cast %add3A_1979 : vector<16xi32> to vector<1x16xi32>
    tpu.vector_store %arg6[%swap3A_1981, %swap3A_1982], %swap3A_1985 {strides = array<i32>} : memref<26x128xi32, #tpu.memory_space<vmem>>, vector<1x16xi32>,
    %get3A_1986 = arith.constant 13 : i32
    %get3A_1987 = arith.index_cast %get3A_1986 : i32 to index
    %get3A_1988 = arith.constant 48 : index
    %get3A_1989 = tpu.vector_load %arg6[%get3A_1987, %get3A_1988] {strides = array<i32>} : memref<26x128xi32, #tpu.memory_space<vmem>>, vector<1x16xi32>,
    %get3A_1990 = vector.shape_cast %get3A_1989 : vector<1x16xi32> to vector<16xi32>
    %get3A_1991 = arith.constant 13 : i32
    %get3A_1992 = arith.index_cast %get3A_1991 : i32 to index
    %get3A_1993 = arith.constant 48 : index
    %get3A_1994 = tpu.vector_load %arg7[%get3A_1992, %get3A_1993] {strides = array<i32>} : memref<26x128xi32, #tpu.memory_space<vmem>>, vector<1x16xi32>,
    %get3A_1995 = vector.shape_cast %get3A_1994 : vector<1x16xi32> to vector<16xi32>
    %add3A_1996 = arith.addi %get3A_1990, %get3A_1995 : vector<16xi32>
    %swap3A_1997 = arith.constant 13 : i32
    %swap3A_1998 = arith.index_cast %swap3A_1997 : i32 to index
    %swap3A_1999 = arith.constant 48 : index
    %swap3A_2000 = tpu.vector_load %arg6[%swap3A_1998, %swap3A_1999] {strides = array<i32>} : memref<26x128xi32, #tpu.memory_space<vmem>>, vector<1x16xi32>,
    %swap3A_2001 = vector.shape_cast %swap3A_2000 : vector<1x16xi32> to vector<16xi32>
    %swap3A_2002 = vector.shape_cast %add3A_1996 : vector<16xi32> to vector<1x16xi32>
    tpu.vector_store %arg6[%swap3A_1998, %swap3A_1999], %swap3A_2002 {strides = array<i32>} : memref<26x128xi32, #tpu.memory_space<vmem>>, vector<1x16xi32>,
    %get3A_2003 = arith.constant 13 : i32
    %get3A_2004 = arith.index_cast %get3A_2003 : i32 to index
    %get3A_2005 = arith.constant 64 : index
    %get3A_2006 = tpu.vector_load %arg6[%get3A_2004, %get3A_2005] {strides = array<i32>} : memref<26x128xi32, #tpu.memory_space<vmem>>, vector<1x16xi32>,
    %get3A_2007 = vector.shape_cast %get3A_2006 : vector<1x16xi32> to vector<16xi32>
    %get3A_2008 = arith.constant 13 : i32
    %get3A_2009 = arith.index_cast %get3A_2008 : i32 to index
    %get3A_2010 = arith.constant 64 : index
    %get3A_2011 = tpu.vector_load %arg7[%get3A_2009, %get3A_2010] {strides = array<i32>} : memref<26x128xi32, #tpu.memory_space<vmem>>, vector<1x16xi32>,
    %get3A_2012 = vector.shape_cast %get3A_2011 : vector<1x16xi32> to vector<16xi32>
    %add3A_2013 = arith.addi %get3A_2007, %get3A_2012 : vector<16xi32>
    %swap3A_2014 = arith.constant 13 : i32
    %swap3A_2015 = arith.index_cast %swap3A_2014 : i32 to index
    %swap3A_2016 = arith.constant 64 : index
    %swap3A_2017 = tpu.vector_load %arg6[%swap3A_2015, %swap3A_2016] {strides = array<i32>} : memref<26x128xi32, #tpu.memory_space<vmem>>, vector<1x16xi32>,
    %swap3A_2018 = vector.shape_cast %swap3A_2017 : vector<1x16xi32> to vector<16xi32>
    %swap3A_2019 = vector.shape_cast %add3A_2013 : vector<16xi32> to vector<1x16xi32>
    tpu.vector_store %arg6[%swap3A_2015, %swap3A_2016], %swap3A_2019 {strides = array<i32>} : memref<26x128xi32, #tpu.memory_space<vmem>>, vector<1x16xi32>,
    %get3A_2020 = arith.constant 13 : i32
    %get3A_2021 = arith.index_cast %get3A_2020 : i32 to index
    %get3A_2022 = arith.constant 80 : index
    %get3A_2023 = tpu.vector_load %arg6[%get3A_2021, %get3A_2022] {strides = array<i32>} : memref<26x128xi32, #tpu.memory_space<vmem>>, vector<1x16xi32>,
    %get3A_2024 = vector.shape_cast %get3A_2023 : vector<1x16xi32> to vector<16xi32>
    %get3A_2025 = arith.constant 13 : i32
    %get3A_2026 = arith.index_cast %get3A_2025 : i32 to index
    %get3A_2027 = arith.constant 80 : index
    %get3A_2028 = tpu.vector_load %arg7[%get3A_2026, %get3A_2027] {strides = array<i32>} : memref<26x128xi32, #tpu.memory_space<vmem>>, vector<1x16xi32>,
    %get3A_2029 = vector.shape_cast %get3A_2028 : vector<1x16xi32> to vector<16xi32>
    %add3A_2030 = arith.addi %get3A_2024, %get3A_2029 : vector<16xi32>
    %swap3A_2031 = arith.constant 13 : i32
    %swap3A_2032 = arith.index_cast %swap3A_2031 : i32 to index
    %swap3A_2033 = arith.constant 80 : index
    %swap3A_2034 = tpu.vector_load %arg6[%swap3A_2032, %swap3A_2033] {strides = array<i32>} : memref<26x128xi32, #tpu.memory_space<vmem>>, vector<1x16xi32>,
    %swap3A_2035 = vector.shape_cast %swap3A_2034 : vector<1x16xi32> to vector<16xi32>
    %swap3A_2036 = vector.shape_cast %add3A_2030 : vector<16xi32> to vector<1x16xi32>
    tpu.vector_store %arg6[%swap3A_2032, %swap3A_2033], %swap3A_2036 {strides = array<i32>} : memref<26x128xi32, #tpu.memory_space<vmem>>, vector<1x16xi32>,
    %get3A_2037 = arith.constant 13 : i32
    %get3A_2038 = arith.index_cast %get3A_2037 : i32 to index
    %get3A_2039 = arith.constant 96 : index
    %get3A_2040 = tpu.vector_load %arg6[%get3A_2038, %get3A_2039] {strides = array<i32>} : memref<26x128xi32, #tpu.memory_space<vmem>>, vector<1x16xi32>,
    %get3A_2041 = vector.shape_cast %get3A_2040 : vector<1x16xi32> to vector<16xi32>
    %get3A_2042 = arith.constant 13 : i32
    %get3A_2043 = arith.index_cast %get3A_2042 : i32 to index
    %get3A_2044 = arith.constant 96 : index
    %get3A_2045 = tpu.vector_load %arg7[%get3A_2043, %get3A_2044] {strides = array<i32>} : memref<26x128xi32, #tpu.memory_space<vmem>>, vector<1x16xi32>,
    %get3A_2046 = vector.shape_cast %get3A_2045 : vector<1x16xi32> to vector<16xi32>
    %add3A_2047 = arith.addi %get3A_2041, %get3A_2046 : vector<16xi32>
    %swap3A_2048 = arith.constant 13 : i32
    %swap3A_2049 = arith.index_cast %swap3A_2048 : i32 to index
    %swap3A_2050 = arith.constant 96 : index
    %swap3A_2051 = tpu.vector_load %arg6[%swap3A_2049, %swap3A_2050] {strides = array<i32>} : memref<26x128xi32, #tpu.memory_space<vmem>>, vector<1x16xi32>,
    %swap3A_2052 = vector.shape_cast %swap3A_2051 : vector<1x16xi32> to vector<16xi32>
    %swap3A_2053 = vector.shape_cast %add3A_2047 : vector<16xi32> to vector<1x16xi32>
    tpu.vector_store %arg6[%swap3A_2049, %swap3A_2050], %swap3A_2053 {strides = array<i32>} : memref<26x128xi32, #tpu.memory_space<vmem>>, vector<1x16xi32>,
    %get3A_2054 = arith.constant 13 : i32
    %get3A_2055 = arith.index_cast %get3A_2054 : i32 to index
    %get3A_2056 = arith.constant 112 : index
    %get3A_2057 = tpu.vector_load %arg6[%get3A_2055, %get3A_2056] {strides = array<i32>} : memref<26x128xi32, #tpu.memory_space<vmem>>, vector<1x16xi32>,
    %get3A_2058 = vector.shape_cast %get3A_2057 : vector<1x16xi32> to vector<16xi32>
    %get3A_2059 = arith.constant 13 : i32
    %get3A_2060 = arith.index_cast %get3A_2059 : i32 to index
    %get3A_2061 = arith.constant 112 : index
    %get3A_2062 = tpu.vector_load %arg7[%get3A_2060, %get3A_2061] {strides = array<i32>} : memref<26x128xi32, #tpu.memory_space<vmem>>, vector<1x16xi32>,
    %get3A_2063 = vector.shape_cast %get3A_2062 : vector<1x16xi32> to vector<16xi32>
    %add3A_2064 = arith.addi %get3A_2058, %get3A_2063 : vector<16xi32>
    %swap3A_2065 = arith.constant 13 : i32
    %swap3A_2066 = arith.index_cast %swap3A_2065 : i32 to index
    %swap3A_2067 = arith.constant 112 : index
    %swap3A_2068 = tpu.vector_load %arg6[%swap3A_2066, %swap3A_2067] {strides = array<i32>} : memref<26x128xi32, #tpu.memory_space<vmem>>, vector<1x16xi32>,
    %swap3A_2069 = vector.shape_cast %swap3A_2068 : vector<1x16xi32> to vector<16xi32>
    %swap3A_2070 = vector.shape_cast %add3A_2064 : vector<16xi32> to vector<1x16xi32>
    tpu.vector_store %arg6[%swap3A_2066, %swap3A_2067], %swap3A_2070 {strides = array<i32>} : memref<26x128xi32, #tpu.memory_space<vmem>>, vector<1x16xi32>,
    %dma_start3A_2071 = arith.constant 13 : i32
    %dma_start3A_2072 = arith.constant 6 : i32
    %dma_start3A_2073 = arith.constant 1664 : i32
    %dma_start3A_2074 = arith.constant 0 : i32
    %dma_start3A_2075 = tpu.memref_slice %arg8[%dma_start3A_2073, %dma_start3A_2074] : memref<3328x32xf32, #tpu.memory_space<vmem>> -> memref<128x32xf32, #tpu.memory_space<vmem>>
    %dma_start3A_2076 = arith.constant 0 : i32
    %dma_start3A_2077 = tpu.memref_slice %arg6[%dma_start3A_2071, %dma_start3A_2076] : memref<26x128xi32, #tpu.memory_space<vmem>> -> memref<1x128xi32, #tpu.memory_space<vmem>>
    %dma_start3A_2078 = tpu.memref_squeeze %dma_start3A_2077 : memref<1x128xi32, #tpu.memory_space<vmem>> -> memref<128xi32, #tpu.memory_space<vmem>>
    %dma_start3A_2079 = arith.constant 0 : i32
    %dma_start3A_2080 = arith.constant 0 : i32
    %dma_start3A_2081 = tpu.memref_slice %arg2[%dma_start3A_2079, %dma_start3A_2080] : memref<2600000x32xf32, #tpu.memory_space<hbm>> -> memref<2600000x32xf32, #tpu.memory_space<hbm>>
    %dma_start3A_2082 = tpu.memref_slice %arg9[%dma_start3A_2072] : memref<13x!tpu.dma_semaphore, #tpu.memory_space<semaphore_mem>> -> memref<1x!tpu.dma_semaphore, #tpu.memory_space<semaphore_mem>>
    %dma_start3A_2083 = tpu.memref_squeeze %dma_start3A_2082 : memref<1x!tpu.dma_semaphore, #tpu.memory_space<semaphore_mem>> -> memref<!tpu.dma_semaphore, #tpu.memory_space<semaphore_mem>>
    tpu.enqueue_indirect_dma source(%dma_start3A_2081 : memref<2600000x32xf32, #tpu.memory_space<hbm>>) target(%dma_start3A_2075 : memref<128x32xf32, #tpu.memory_space<vmem>>) offsets(%dma_start3A_2078 : memref<128xi32, #tpu.memory_space<vmem>>) semaphore(%dma_start3A_2083 : memref<!tpu.dma_semaphore, #tpu.memory_space<semaphore_mem>>)
    %get3A_2084 = arith.constant 14 : i32
    %get3A_2085 = arith.index_cast %get3A_2084 : i32 to index
    %get3A_2086 = arith.constant 0 : index
    %get3A_2087 = tpu.vector_load %arg6[%get3A_2085, %get3A_2086] {strides = array<i32>} : memref<26x128xi32, #tpu.memory_space<vmem>>, vector<1x16xi32>,
    %get3A_2088 = vector.shape_cast %get3A_2087 : vector<1x16xi32> to vector<16xi32>
    %get3A_2089 = arith.constant 14 : i32
    %get3A_2090 = arith.index_cast %get3A_2089 : i32 to index
    %get3A_2091 = arith.constant 0 : index
    %get3A_2092 = tpu.vector_load %arg7[%get3A_2090, %get3A_2091] {strides = array<i32>} : memref<26x128xi32, #tpu.memory_space<vmem>>, vector<1x16xi32>,
    %get3A_2093 = vector.shape_cast %get3A_2092 : vector<1x16xi32> to vector<16xi32>
    %add3A_2094 = arith.addi %get3A_2088, %get3A_2093 : vector<16xi32>
    %swap3A_2095 = arith.constant 14 : i32
    %swap3A_2096 = arith.index_cast %swap3A_2095 : i32 to index
    %swap3A_2097 = arith.constant 0 : index
    %swap3A_2098 = tpu.vector_load %arg6[%swap3A_2096, %swap3A_2097] {strides = array<i32>} : memref<26x128xi32, #tpu.memory_space<vmem>>, vector<1x16xi32>,
    %swap3A_2099 = vector.shape_cast %swap3A_2098 : vector<1x16xi32> to vector<16xi32>
    %swap3A_2100 = vector.shape_cast %add3A_2094 : vector<16xi32> to vector<1x16xi32>
    tpu.vector_store %arg6[%swap3A_2096, %swap3A_2097], %swap3A_2100 {strides = array<i32>} : memref<26x128xi32, #tpu.memory_space<vmem>>, vector<1x16xi32>,
    %get3A_2101 = arith.constant 14 : i32
    %get3A_2102 = arith.index_cast %get3A_2101 : i32 to index
    %get3A_2103 = arith.constant 16 : index
    %get3A_2104 = tpu.vector_load %arg6[%get3A_2102, %get3A_2103] {strides = array<i32>} : memref<26x128xi32, #tpu.memory_space<vmem>>, vector<1x16xi32>,
    %get3A_2105 = vector.shape_cast %get3A_2104 : vector<1x16xi32> to vector<16xi32>
    %get3A_2106 = arith.constant 14 : i32
    %get3A_2107 = arith.index_cast %get3A_2106 : i32 to index
    %get3A_2108 = arith.constant 16 : index
    %get3A_2109 = tpu.vector_load %arg7[%get3A_2107, %get3A_2108] {strides = array<i32>} : memref<26x128xi32, #tpu.memory_space<vmem>>, vector<1x16xi32>,
    %get3A_2110 = vector.shape_cast %get3A_2109 : vector<1x16xi32> to vector<16xi32>
    %add3A_2111 = arith.addi %get3A_2105, %get3A_2110 : vector<16xi32>
    %swap3A_2112 = arith.constant 14 : i32
    %swap3A_2113 = arith.index_cast %swap3A_2112 : i32 to index
    %swap3A_2114 = arith.constant 16 : index
    %swap3A_2115 = tpu.vector_load %arg6[%swap3A_2113, %swap3A_2114] {strides = array<i32>} : memref<26x128xi32, #tpu.memory_space<vmem>>, vector<1x16xi32>,
    %swap3A_2116 = vector.shape_cast %swap3A_2115 : vector<1x16xi32> to vector<16xi32>
    %swap3A_2117 = vector.shape_cast %add3A_2111 : vector<16xi32> to vector<1x16xi32>
    tpu.vector_store %arg6[%swap3A_2113, %swap3A_2114], %swap3A_2117 {strides = array<i32>} : memref<26x128xi32, #tpu.memory_space<vmem>>, vector<1x16xi32>,
    %get3A_2118 = arith.constant 14 : i32
    %get3A_2119 = arith.index_cast %get3A_2118 : i32 to index
    %get3A_2120 = arith.constant 32 : index
    %get3A_2121 = tpu.vector_load %arg6[%get3A_2119, %get3A_2120] {strides = array<i32>} : memref<26x128xi32, #tpu.memory_space<vmem>>, vector<1x16xi32>,
    %get3A_2122 = vector.shape_cast %get3A_2121 : vector<1x16xi32> to vector<16xi32>
    %get3A_2123 = arith.constant 14 : i32
    %get3A_2124 = arith.index_cast %get3A_2123 : i32 to index
    %get3A_2125 = arith.constant 32 : index
    %get3A_2126 = tpu.vector_load %arg7[%get3A_2124, %get3A_2125] {strides = array<i32>} : memref<26x128xi32, #tpu.memory_space<vmem>>, vector<1x16xi32>,
    %get3A_2127 = vector.shape_cast %get3A_2126 : vector<1x16xi32> to vector<16xi32>
    %add3A_2128 = arith.addi %get3A_2122, %get3A_2127 : vector<16xi32>
    %swap3A_2129 = arith.constant 14 : i32
    %swap3A_2130 = arith.index_cast %swap3A_2129 : i32 to index
    %swap3A_2131 = arith.constant 32 : index
    %swap3A_2132 = tpu.vector_load %arg6[%swap3A_2130, %swap3A_2131] {strides = array<i32>} : memref<26x128xi32, #tpu.memory_space<vmem>>, vector<1x16xi32>,
    %swap3A_2133 = vector.shape_cast %swap3A_2132 : vector<1x16xi32> to vector<16xi32>
    %swap3A_2134 = vector.shape_cast %add3A_2128 : vector<16xi32> to vector<1x16xi32>
    tpu.vector_store %arg6[%swap3A_2130, %swap3A_2131], %swap3A_2134 {strides = array<i32>} : memref<26x128xi32, #tpu.memory_space<vmem>>, vector<1x16xi32>,
    %get3A_2135 = arith.constant 14 : i32
    %get3A_2136 = arith.index_cast %get3A_2135 : i32 to index
    %get3A_2137 = arith.constant 48 : index
    %get3A_2138 = tpu.vector_load %arg6[%get3A_2136, %get3A_2137] {strides = array<i32>} : memref<26x128xi32, #tpu.memory_space<vmem>>, vector<1x16xi32>,
    %get3A_2139 = vector.shape_cast %get3A_2138 : vector<1x16xi32> to vector<16xi32>
    %get3A_2140 = arith.constant 14 : i32
    %get3A_2141 = arith.index_cast %get3A_2140 : i32 to index
    %get3A_2142 = arith.constant 48 : index
    %get3A_2143 = tpu.vector_load %arg7[%get3A_2141, %get3A_2142] {strides = array<i32>} : memref<26x128xi32, #tpu.memory_space<vmem>>, vector<1x16xi32>,
    %get3A_2144 = vector.shape_cast %get3A_2143 : vector<1x16xi32> to vector<16xi32>
    %add3A_2145 = arith.addi %get3A_2139, %get3A_2144 : vector<16xi32>
    %swap3A_2146 = arith.constant 14 : i32
    %swap3A_2147 = arith.index_cast %swap3A_2146 : i32 to index
    %swap3A_2148 = arith.constant 48 : index
    %swap3A_2149 = tpu.vector_load %arg6[%swap3A_2147, %swap3A_2148] {strides = array<i32>} : memref<26x128xi32, #tpu.memory_space<vmem>>, vector<1x16xi32>,
    %swap3A_2150 = vector.shape_cast %swap3A_2149 : vector<1x16xi32> to vector<16xi32>
    %swap3A_2151 = vector.shape_cast %add3A_2145 : vector<16xi32> to vector<1x16xi32>
    tpu.vector_store %arg6[%swap3A_2147, %swap3A_2148], %swap3A_2151 {strides = array<i32>} : memref<26x128xi32, #tpu.memory_space<vmem>>, vector<1x16xi32>,
    %get3A_2152 = arith.constant 14 : i32
    %get3A_2153 = arith.index_cast %get3A_2152 : i32 to index
    %get3A_2154 = arith.constant 64 : index
    %get3A_2155 = tpu.vector_load %arg6[%get3A_2153, %get3A_2154] {strides = array<i32>} : memref<26x128xi32, #tpu.memory_space<vmem>>, vector<1x16xi32>,
    %get3A_2156 = vector.shape_cast %get3A_2155 : vector<1x16xi32> to vector<16xi32>
    %get3A_2157 = arith.constant 14 : i32
    %get3A_2158 = arith.index_cast %get3A_2157 : i32 to index
    %get3A_2159 = arith.constant 64 : index
    %get3A_2160 = tpu.vector_load %arg7[%get3A_2158, %get3A_2159] {strides = array<i32>} : memref<26x128xi32, #tpu.memory_space<vmem>>, vector<1x16xi32>,
    %get3A_2161 = vector.shape_cast %get3A_2160 : vector<1x16xi32> to vector<16xi32>
    %add3A_2162 = arith.addi %get3A_2156, %get3A_2161 : vector<16xi32>
    %swap3A_2163 = arith.constant 14 : i32
    %swap3A_2164 = arith.index_cast %swap3A_2163 : i32 to index
    %swap3A_2165 = arith.constant 64 : index
    %swap3A_2166 = tpu.vector_load %arg6[%swap3A_2164, %swap3A_2165] {strides = array<i32>} : memref<26x128xi32, #tpu.memory_space<vmem>>, vector<1x16xi32>,
    %swap3A_2167 = vector.shape_cast %swap3A_2166 : vector<1x16xi32> to vector<16xi32>
    %swap3A_2168 = vector.shape_cast %add3A_2162 : vector<16xi32> to vector<1x16xi32>
    tpu.vector_store %arg6[%swap3A_2164, %swap3A_2165], %swap3A_2168 {strides = array<i32>} : memref<26x128xi32, #tpu.memory_space<vmem>>, vector<1x16xi32>,
    %get3A_2169 = arith.constant 14 : i32
    %get3A_2170 = arith.index_cast %get3A_2169 : i32 to index
    %get3A_2171 = arith.constant 80 : index
    %get3A_2172 = tpu.vector_load %arg6[%get3A_2170, %get3A_2171] {strides = array<i32>} : memref<26x128xi32, #tpu.memory_space<vmem>>, vector<1x16xi32>,
    %get3A_2173 = vector.shape_cast %get3A_2172 : vector<1x16xi32> to vector<16xi32>
    %get3A_2174 = arith.constant 14 : i32
    %get3A_2175 = arith.index_cast %get3A_2174 : i32 to index
    %get3A_2176 = arith.constant 80 : index
    %get3A_2177 = tpu.vector_load %arg7[%get3A_2175, %get3A_2176] {strides = array<i32>} : memref<26x128xi32, #tpu.memory_space<vmem>>, vector<1x16xi32>,
    %get3A_2178 = vector.shape_cast %get3A_2177 : vector<1x16xi32> to vector<16xi32>
    %add3A_2179 = arith.addi %get3A_2173, %get3A_2178 : vector<16xi32>
    %swap3A_2180 = arith.constant 14 : i32
    %swap3A_2181 = arith.index_cast %swap3A_2180 : i32 to index
    %swap3A_2182 = arith.constant 80 : index
    %swap3A_2183 = tpu.vector_load %arg6[%swap3A_2181, %swap3A_2182] {strides = array<i32>} : memref<26x128xi32, #tpu.memory_space<vmem>>, vector<1x16xi32>,
    %swap3A_2184 = vector.shape_cast %swap3A_2183 : vector<1x16xi32> to vector<16xi32>
    %swap3A_2185 = vector.shape_cast %add3A_2179 : vector<16xi32> to vector<1x16xi32>
    tpu.vector_store %arg6[%swap3A_2181, %swap3A_2182], %swap3A_2185 {strides = array<i32>} : memref<26x128xi32, #tpu.memory_space<vmem>>, vector<1x16xi32>,
    %get3A_2186 = arith.constant 14 : i32
    %get3A_2187 = arith.index_cast %get3A_2186 : i32 to index
    %get3A_2188 = arith.constant 96 : index
    %get3A_2189 = tpu.vector_load %arg6[%get3A_2187, %get3A_2188] {strides = array<i32>} : memref<26x128xi32, #tpu.memory_space<vmem>>, vector<1x16xi32>,
    %get3A_2190 = vector.shape_cast %get3A_2189 : vector<1x16xi32> to vector<16xi32>
    %get3A_2191 = arith.constant 14 : i32
    %get3A_2192 = arith.index_cast %get3A_2191 : i32 to index
    %get3A_2193 = arith.constant 96 : index
    %get3A_2194 = tpu.vector_load %arg7[%get3A_2192, %get3A_2193] {strides = array<i32>} : memref<26x128xi32, #tpu.memory_space<vmem>>, vector<1x16xi32>,
    %get3A_2195 = vector.shape_cast %get3A_2194 : vector<1x16xi32> to vector<16xi32>
    %add3A_2196 = arith.addi %get3A_2190, %get3A_2195 : vector<16xi32>
    %swap3A_2197 = arith.constant 14 : i32
    %swap3A_2198 = arith.index_cast %swap3A_2197 : i32 to index
    %swap3A_2199 = arith.constant 96 : index
    %swap3A_2200 = tpu.vector_load %arg6[%swap3A_2198, %swap3A_2199] {strides = array<i32>} : memref<26x128xi32, #tpu.memory_space<vmem>>, vector<1x16xi32>,
    %swap3A_2201 = vector.shape_cast %swap3A_2200 : vector<1x16xi32> to vector<16xi32>
    %swap3A_2202 = vector.shape_cast %add3A_2196 : vector<16xi32> to vector<1x16xi32>
    tpu.vector_store %arg6[%swap3A_2198, %swap3A_2199], %swap3A_2202 {strides = array<i32>} : memref<26x128xi32, #tpu.memory_space<vmem>>, vector<1x16xi32>,
    %get3A_2203 = arith.constant 14 : i32
    %get3A_2204 = arith.index_cast %get3A_2203 : i32 to index
    %get3A_2205 = arith.constant 112 : index
    %get3A_2206 = tpu.vector_load %arg6[%get3A_2204, %get3A_2205] {strides = array<i32>} : memref<26x128xi32, #tpu.memory_space<vmem>>, vector<1x16xi32>,
    %get3A_2207 = vector.shape_cast %get3A_2206 : vector<1x16xi32> to vector<16xi32>
    %get3A_2208 = arith.constant 14 : i32
    %get3A_2209 = arith.index_cast %get3A_2208 : i32 to index
    %get3A_2210 = arith.constant 112 : index
    %get3A_2211 = tpu.vector_load %arg7[%get3A_2209, %get3A_2210] {strides = array<i32>} : memref<26x128xi32, #tpu.memory_space<vmem>>, vector<1x16xi32>,
    %get3A_2212 = vector.shape_cast %get3A_2211 : vector<1x16xi32> to vector<16xi32>
    %add3A_2213 = arith.addi %get3A_2207, %get3A_2212 : vector<16xi32>
    %swap3A_2214 = arith.constant 14 : i32
    %swap3A_2215 = arith.index_cast %swap3A_2214 : i32 to index
    %swap3A_2216 = arith.constant 112 : index
    %swap3A_2217 = tpu.vector_load %arg6[%swap3A_2215, %swap3A_2216] {strides = array<i32>} : memref<26x128xi32, #tpu.memory_space<vmem>>, vector<1x16xi32>,
    %swap3A_2218 = vector.shape_cast %swap3A_2217 : vector<1x16xi32> to vector<16xi32>
    %swap3A_2219 = vector.shape_cast %add3A_2213 : vector<16xi32> to vector<1x16xi32>
    tpu.vector_store %arg6[%swap3A_2215, %swap3A_2216], %swap3A_2219 {strides = array<i32>} : memref<26x128xi32, #tpu.memory_space<vmem>>, vector<1x16xi32>,
    %dma_start3A_2220 = arith.constant 14 : i32
    %dma_start3A_2221 = arith.constant 7 : i32
    %dma_start3A_2222 = arith.constant 1792 : i32
    %dma_start3A_2223 = arith.constant 0 : i32
    %dma_start3A_2224 = tpu.memref_slice %arg8[%dma_start3A_2222, %dma_start3A_2223] : memref<3328x32xf32, #tpu.memory_space<vmem>> -> memref<128x32xf32, #tpu.memory_space<vmem>>
    %dma_start3A_2225 = arith.constant 0 : i32
    %dma_start3A_2226 = tpu.memref_slice %arg6[%dma_start3A_2220, %dma_start3A_2225] : memref<26x128xi32, #tpu.memory_space<vmem>> -> memref<1x128xi32, #tpu.memory_space<vmem>>
    %dma_start3A_2227 = tpu.memref_squeeze %dma_start3A_2226 : memref<1x128xi32, #tpu.memory_space<vmem>> -> memref<128xi32, #tpu.memory_space<vmem>>
    %dma_start3A_2228 = arith.constant 0 : i32
    %dma_start3A_2229 = arith.constant 0 : i32
    %dma_start3A_2230 = tpu.memref_slice %arg2[%dma_start3A_2228, %dma_start3A_2229] : memref<2600000x32xf32, #tpu.memory_space<hbm>> -> memref<2600000x32xf32, #tpu.memory_space<hbm>>
    %dma_start3A_2231 = tpu.memref_slice %arg9[%dma_start3A_2221] : memref<13x!tpu.dma_semaphore, #tpu.memory_space<semaphore_mem>> -> memref<1x!tpu.dma_semaphore, #tpu.memory_space<semaphore_mem>>
    %dma_start3A_2232 = tpu.memref_squeeze %dma_start3A_2231 : memref<1x!tpu.dma_semaphore, #tpu.memory_space<semaphore_mem>> -> memref<!tpu.dma_semaphore, #tpu.memory_space<semaphore_mem>>
    tpu.enqueue_indirect_dma source(%dma_start3A_2230 : memref<2600000x32xf32, #tpu.memory_space<hbm>>) target(%dma_start3A_2224 : memref<128x32xf32, #tpu.memory_space<vmem>>) offsets(%dma_start3A_2227 : memref<128xi32, #tpu.memory_space<vmem>>) semaphore(%dma_start3A_2232 : memref<!tpu.dma_semaphore, #tpu.memory_space<semaphore_mem>>)
    %get3A_2233 = arith.constant 15 : i32
    %get3A_2234 = arith.index_cast %get3A_2233 : i32 to index
    %get3A_2235 = arith.constant 0 : index
    %get3A_2236 = tpu.vector_load %arg6[%get3A_2234, %get3A_2235] {strides = array<i32>} : memref<26x128xi32, #tpu.memory_space<vmem>>, vector<1x16xi32>,
    %get3A_2237 = vector.shape_cast %get3A_2236 : vector<1x16xi32> to vector<16xi32>
    %get3A_2238 = arith.constant 15 : i32
    %get3A_2239 = arith.index_cast %get3A_2238 : i32 to index
    %get3A_2240 = arith.constant 0 : index
    %get3A_2241 = tpu.vector_load %arg7[%get3A_2239, %get3A_2240] {strides = array<i32>} : memref<26x128xi32, #tpu.memory_space<vmem>>, vector<1x16xi32>,
    %get3A_2242 = vector.shape_cast %get3A_2241 : vector<1x16xi32> to vector<16xi32>
    %add3A_2243 = arith.addi %get3A_2237, %get3A_2242 : vector<16xi32>
    %swap3A_2244 = arith.constant 15 : i32
    %swap3A_2245 = arith.index_cast %swap3A_2244 : i32 to index
    %swap3A_2246 = arith.constant 0 : index
    %swap3A_2247 = tpu.vector_load %arg6[%swap3A_2245, %swap3A_2246] {strides = array<i32>} : memref<26x128xi32, #tpu.memory_space<vmem>>, vector<1x16xi32>,
    %swap3A_2248 = vector.shape_cast %swap3A_2247 : vector<1x16xi32> to vector<16xi32>
    %swap3A_2249 = vector.shape_cast %add3A_2243 : vector<16xi32> to vector<1x16xi32>
    tpu.vector_store %arg6[%swap3A_2245, %swap3A_2246], %swap3A_2249 {strides = array<i32>} : memref<26x128xi32, #tpu.memory_space<vmem>>, vector<1x16xi32>,
    %get3A_2250 = arith.constant 15 : i32
    %get3A_2251 = arith.index_cast %get3A_2250 : i32 to index
    %get3A_2252 = arith.constant 16 : index
    %get3A_2253 = tpu.vector_load %arg6[%get3A_2251, %get3A_2252] {strides = array<i32>} : memref<26x128xi32, #tpu.memory_space<vmem>>, vector<1x16xi32>,
    %get3A_2254 = vector.shape_cast %get3A_2253 : vector<1x16xi32> to vector<16xi32>
    %get3A_2255 = arith.constant 15 : i32
    %get3A_2256 = arith.index_cast %get3A_2255 : i32 to index
    %get3A_2257 = arith.constant 16 : index
    %get3A_2258 = tpu.vector_load %arg7[%get3A_2256, %get3A_2257] {strides = array<i32>} : memref<26x128xi32, #tpu.memory_space<vmem>>, vector<1x16xi32>,
    %get3A_2259 = vector.shape_cast %get3A_2258 : vector<1x16xi32> to vector<16xi32>
    %add3A_2260 = arith.addi %get3A_2254, %get3A_2259 : vector<16xi32>
    %swap3A_2261 = arith.constant 15 : i32
    %swap3A_2262 = arith.index_cast %swap3A_2261 : i32 to index
    %swap3A_2263 = arith.constant 16 : index
    %swap3A_2264 = tpu.vector_load %arg6[%swap3A_2262, %swap3A_2263] {strides = array<i32>} : memref<26x128xi32, #tpu.memory_space<vmem>>, vector<1x16xi32>,
    %swap3A_2265 = vector.shape_cast %swap3A_2264 : vector<1x16xi32> to vector<16xi32>
    %swap3A_2266 = vector.shape_cast %add3A_2260 : vector<16xi32> to vector<1x16xi32>
    tpu.vector_store %arg6[%swap3A_2262, %swap3A_2263], %swap3A_2266 {strides = array<i32>} : memref<26x128xi32, #tpu.memory_space<vmem>>, vector<1x16xi32>,
    %get3A_2267 = arith.constant 15 : i32
    %get3A_2268 = arith.index_cast %get3A_2267 : i32 to index
    %get3A_2269 = arith.constant 32 : index
    %get3A_2270 = tpu.vector_load %arg6[%get3A_2268, %get3A_2269] {strides = array<i32>} : memref<26x128xi32, #tpu.memory_space<vmem>>, vector<1x16xi32>,
    %get3A_2271 = vector.shape_cast %get3A_2270 : vector<1x16xi32> to vector<16xi32>
    %get3A_2272 = arith.constant 15 : i32
    %get3A_2273 = arith.index_cast %get3A_2272 : i32 to index
    %get3A_2274 = arith.constant 32 : index
    %get3A_2275 = tpu.vector_load %arg7[%get3A_2273, %get3A_2274] {strides = array<i32>} : memref<26x128xi32, #tpu.memory_space<vmem>>, vector<1x16xi32>,
    %get3A_2276 = vector.shape_cast %get3A_2275 : vector<1x16xi32> to vector<16xi32>
    %add3A_2277 = arith.addi %get3A_2271, %get3A_2276 : vector<16xi32>
    %swap3A_2278 = arith.constant 15 : i32
    %swap3A_2279 = arith.index_cast %swap3A_2278 : i32 to index
    %swap3A_2280 = arith.constant 32 : index
    %swap3A_2281 = tpu.vector_load %arg6[%swap3A_2279, %swap3A_2280] {strides = array<i32>} : memref<26x128xi32, #tpu.memory_space<vmem>>, vector<1x16xi32>,
    %swap3A_2282 = vector.shape_cast %swap3A_2281 : vector<1x16xi32> to vector<16xi32>
    %swap3A_2283 = vector.shape_cast %add3A_2277 : vector<16xi32> to vector<1x16xi32>
    tpu.vector_store %arg6[%swap3A_2279, %swap3A_2280], %swap3A_2283 {strides = array<i32>} : memref<26x128xi32, #tpu.memory_space<vmem>>, vector<1x16xi32>,
    %get3A_2284 = arith.constant 15 : i32
    %get3A_2285 = arith.index_cast %get3A_2284 : i32 to index
    %get3A_2286 = arith.constant 48 : index
    %get3A_2287 = tpu.vector_load %arg6[%get3A_2285, %get3A_2286] {strides = array<i32>} : memref<26x128xi32, #tpu.memory_space<vmem>>, vector<1x16xi32>,
    %get3A_2288 = vector.shape_cast %get3A_2287 : vector<1x16xi32> to vector<16xi32>
    %get3A_2289 = arith.constant 15 : i32
    %get3A_2290 = arith.index_cast %get3A_2289 : i32 to index
    %get3A_2291 = arith.constant 48 : index
    %get3A_2292 = tpu.vector_load %arg7[%get3A_2290, %get3A_2291] {strides = array<i32>} : memref<26x128xi32, #tpu.memory_space<vmem>>, vector<1x16xi32>,
    %get3A_2293 = vector.shape_cast %get3A_2292 : vector<1x16xi32> to vector<16xi32>
    %add3A_2294 = arith.addi %get3A_2288, %get3A_2293 : vector<16xi32>
    %swap3A_2295 = arith.constant 15 : i32
    %swap3A_2296 = arith.index_cast %swap3A_2295 : i32 to index
    %swap3A_2297 = arith.constant 48 : index
    %swap3A_2298 = tpu.vector_load %arg6[%swap3A_2296, %swap3A_2297] {strides = array<i32>} : memref<26x128xi32, #tpu.memory_space<vmem>>, vector<1x16xi32>,
    %swap3A_2299 = vector.shape_cast %swap3A_2298 : vector<1x16xi32> to vector<16xi32>
    %swap3A_2300 = vector.shape_cast %add3A_2294 : vector<16xi32> to vector<1x16xi32>
    tpu.vector_store %arg6[%swap3A_2296, %swap3A_2297], %swap3A_2300 {strides = array<i32>} : memref<26x128xi32, #tpu.memory_space<vmem>>, vector<1x16xi32>,
    %get3A_2301 = arith.constant 15 : i32
    %get3A_2302 = arith.index_cast %get3A_2301 : i32 to index
    %get3A_2303 = arith.constant 64 : index
    %get3A_2304 = tpu.vector_load %arg6[%get3A_2302, %get3A_2303] {strides = array<i32>} : memref<26x128xi32, #tpu.memory_space<vmem>>, vector<1x16xi32>,
    %get3A_2305 = vector.shape_cast %get3A_2304 : vector<1x16xi32> to vector<16xi32>
    %get3A_2306 = arith.constant 15 : i32
    %get3A_2307 = arith.index_cast %get3A_2306 : i32 to index
    %get3A_2308 = arith.constant 64 : index
    %get3A_2309 = tpu.vector_load %arg7[%get3A_2307, %get3A_2308] {strides = array<i32>} : memref<26x128xi32, #tpu.memory_space<vmem>>, vector<1x16xi32>,
    %get3A_2310 = vector.shape_cast %get3A_2309 : vector<1x16xi32> to vector<16xi32>
    %add3A_2311 = arith.addi %get3A_2305, %get3A_2310 : vector<16xi32>
    %swap3A_2312 = arith.constant 15 : i32
    %swap3A_2313 = arith.index_cast %swap3A_2312 : i32 to index
    %swap3A_2314 = arith.constant 64 : index
    %swap3A_2315 = tpu.vector_load %arg6[%swap3A_2313, %swap3A_2314] {strides = array<i32>} : memref<26x128xi32, #tpu.memory_space<vmem>>, vector<1x16xi32>,
    %swap3A_2316 = vector.shape_cast %swap3A_2315 : vector<1x16xi32> to vector<16xi32>
    %swap3A_2317 = vector.shape_cast %add3A_2311 : vector<16xi32> to vector<1x16xi32>
    tpu.vector_store %arg6[%swap3A_2313, %swap3A_2314], %swap3A_2317 {strides = array<i32>} : memref<26x128xi32, #tpu.memory_space<vmem>>, vector<1x16xi32>,
    %get3A_2318 = arith.constant 15 : i32
    %get3A_2319 = arith.index_cast %get3A_2318 : i32 to index
    %get3A_2320 = arith.constant 80 : index
    %get3A_2321 = tpu.vector_load %arg6[%get3A_2319, %get3A_2320] {strides = array<i32>} : memref<26x128xi32, #tpu.memory_space<vmem>>, vector<1x16xi32>,
    %get3A_2322 = vector.shape_cast %get3A_2321 : vector<1x16xi32> to vector<16xi32>
    %get3A_2323 = arith.constant 15 : i32
    %get3A_2324 = arith.index_cast %get3A_2323 : i32 to index
    %get3A_2325 = arith.constant 80 : index
    %get3A_2326 = tpu.vector_load %arg7[%get3A_2324, %get3A_2325] {strides = array<i32>} : memref<26x128xi32, #tpu.memory_space<vmem>>, vector<1x16xi32>,
    %get3A_2327 = vector.shape_cast %get3A_2326 : vector<1x16xi32> to vector<16xi32>
    %add3A_2328 = arith.addi %get3A_2322, %get3A_2327 : vector<16xi32>
    %swap3A_2329 = arith.constant 15 : i32
    %swap3A_2330 = arith.index_cast %swap3A_2329 : i32 to index
    %swap3A_2331 = arith.constant 80 : index
    %swap3A_2332 = tpu.vector_load %arg6[%swap3A_2330, %swap3A_2331] {strides = array<i32>} : memref<26x128xi32, #tpu.memory_space<vmem>>, vector<1x16xi32>,
    %swap3A_2333 = vector.shape_cast %swap3A_2332 : vector<1x16xi32> to vector<16xi32>
    %swap3A_2334 = vector.shape_cast %add3A_2328 : vector<16xi32> to vector<1x16xi32>
    tpu.vector_store %arg6[%swap3A_2330, %swap3A_2331], %swap3A_2334 {strides = array<i32>} : memref<26x128xi32, #tpu.memory_space<vmem>>, vector<1x16xi32>,
    %get3A_2335 = arith.constant 15 : i32
    %get3A_2336 = arith.index_cast %get3A_2335 : i32 to index
    %get3A_2337 = arith.constant 96 : index
    %get3A_2338 = tpu.vector_load %arg6[%get3A_2336, %get3A_2337] {strides = array<i32>} : memref<26x128xi32, #tpu.memory_space<vmem>>, vector<1x16xi32>,
    %get3A_2339 = vector.shape_cast %get3A_2338 : vector<1x16xi32> to vector<16xi32>
    %get3A_2340 = arith.constant 15 : i32
    %get3A_2341 = arith.index_cast %get3A_2340 : i32 to index
    %get3A_2342 = arith.constant 96 : index
    %get3A_2343 = tpu.vector_load %arg7[%get3A_2341, %get3A_2342] {strides = array<i32>} : memref<26x128xi32, #tpu.memory_space<vmem>>, vector<1x16xi32>,
    %get3A_2344 = vector.shape_cast %get3A_2343 : vector<1x16xi32> to vector<16xi32>
    %add3A_2345 = arith.addi %get3A_2339, %get3A_2344 : vector<16xi32>
    %swap3A_2346 = arith.constant 15 : i32
    %swap3A_2347 = arith.index_cast %swap3A_2346 : i32 to index
    %swap3A_2348 = arith.constant 96 : index
    %swap3A_2349 = tpu.vector_load %arg6[%swap3A_2347, %swap3A_2348] {strides = array<i32>} : memref<26x128xi32, #tpu.memory_space<vmem>>, vector<1x16xi32>,
    %swap3A_2350 = vector.shape_cast %swap3A_2349 : vector<1x16xi32> to vector<16xi32>
    %swap3A_2351 = vector.shape_cast %add3A_2345 : vector<16xi32> to vector<1x16xi32>
    tpu.vector_store %arg6[%swap3A_2347, %swap3A_2348], %swap3A_2351 {strides = array<i32>} : memref<26x128xi32, #tpu.memory_space<vmem>>, vector<1x16xi32>,
    %get3A_2352 = arith.constant 15 : i32
    %get3A_2353 = arith.index_cast %get3A_2352 : i32 to index
    %get3A_2354 = arith.constant 112 : index
    %get3A_2355 = tpu.vector_load %arg6[%get3A_2353, %get3A_2354] {strides = array<i32>} : memref<26x128xi32, #tpu.memory_space<vmem>>, vector<1x16xi32>,
    %get3A_2356 = vector.shape_cast %get3A_2355 : vector<1x16xi32> to vector<16xi32>
    %get3A_2357 = arith.constant 15 : i32
    %get3A_2358 = arith.index_cast %get3A_2357 : i32 to index
    %get3A_2359 = arith.constant 112 : index
    %get3A_2360 = tpu.vector_load %arg7[%get3A_2358, %get3A_2359] {strides = array<i32>} : memref<26x128xi32, #tpu.memory_space<vmem>>, vector<1x16xi32>,
    %get3A_2361 = vector.shape_cast %get3A_2360 : vector<1x16xi32> to vector<16xi32>
    %add3A_2362 = arith.addi %get3A_2356, %get3A_2361 : vector<16xi32>
    %swap3A_2363 = arith.constant 15 : i32
    %swap3A_2364 = arith.index_cast %swap3A_2363 : i32 to index
    %swap3A_2365 = arith.constant 112 : index
    %swap3A_2366 = tpu.vector_load %arg6[%swap3A_2364, %swap3A_2365] {strides = array<i32>} : memref<26x128xi32, #tpu.memory_space<vmem>>, vector<1x16xi32>,
    %swap3A_2367 = vector.shape_cast %swap3A_2366 : vector<1x16xi32> to vector<16xi32>
    %swap3A_2368 = vector.shape_cast %add3A_2362 : vector<16xi32> to vector<1x16xi32>
    tpu.vector_store %arg6[%swap3A_2364, %swap3A_2365], %swap3A_2368 {strides = array<i32>} : memref<26x128xi32, #tpu.memory_space<vmem>>, vector<1x16xi32>,
    %dma_start3A_2369 = arith.constant 15 : i32
    %dma_start3A_2370 = arith.constant 7 : i32
    %dma_start3A_2371 = arith.constant 1920 : i32
    %dma_start3A_2372 = arith.constant 0 : i32
    %dma_start3A_2373 = tpu.memref_slice %arg8[%dma_start3A_2371, %dma_start3A_2372] : memref<3328x32xf32, #tpu.memory_space<vmem>> -> memref<128x32xf32, #tpu.memory_space<vmem>>
    %dma_start3A_2374 = arith.constant 0 : i32
    %dma_start3A_2375 = tpu.memref_slice %arg6[%dma_start3A_2369, %dma_start3A_2374] : memref<26x128xi32, #tpu.memory_space<vmem>> -> memref<1x128xi32, #tpu.memory_space<vmem>>
    %dma_start3A_2376 = tpu.memref_squeeze %dma_start3A_2375 : memref<1x128xi32, #tpu.memory_space<vmem>> -> memref<128xi32, #tpu.memory_space<vmem>>
    %dma_start3A_2377 = arith.constant 0 : i32
    %dma_start3A_2378 = arith.constant 0 : i32
    %dma_start3A_2379 = tpu.memref_slice %arg2[%dma_start3A_2377, %dma_start3A_2378] : memref<2600000x32xf32, #tpu.memory_space<hbm>> -> memref<2600000x32xf32, #tpu.memory_space<hbm>>
    %dma_start3A_2380 = tpu.memref_slice %arg9[%dma_start3A_2370] : memref<13x!tpu.dma_semaphore, #tpu.memory_space<semaphore_mem>> -> memref<1x!tpu.dma_semaphore, #tpu.memory_space<semaphore_mem>>
    %dma_start3A_2381 = tpu.memref_squeeze %dma_start3A_2380 : memref<1x!tpu.dma_semaphore, #tpu.memory_space<semaphore_mem>> -> memref<!tpu.dma_semaphore, #tpu.memory_space<semaphore_mem>>
    tpu.enqueue_indirect_dma source(%dma_start3A_2379 : memref<2600000x32xf32, #tpu.memory_space<hbm>>) target(%dma_start3A_2373 : memref<128x32xf32, #tpu.memory_space<vmem>>) offsets(%dma_start3A_2376 : memref<128xi32, #tpu.memory_space<vmem>>) semaphore(%dma_start3A_2381 : memref<!tpu.dma_semaphore, #tpu.memory_space<semaphore_mem>>)
    %get3A_2382 = arith.constant 16 : i32
    %get3A_2383 = arith.index_cast %get3A_2382 : i32 to index
    %get3A_2384 = arith.constant 0 : index
    %get3A_2385 = tpu.vector_load %arg6[%get3A_2383, %get3A_2384] {strides = array<i32>} : memref<26x128xi32, #tpu.memory_space<vmem>>, vector<1x16xi32>,
    %get3A_2386 = vector.shape_cast %get3A_2385 : vector<1x16xi32> to vector<16xi32>
    %get3A_2387 = arith.constant 16 : i32
    %get3A_2388 = arith.index_cast %get3A_2387 : i32 to index
    %get3A_2389 = arith.constant 0 : index
    %get3A_2390 = tpu.vector_load %arg7[%get3A_2388, %get3A_2389] {strides = array<i32>} : memref<26x128xi32, #tpu.memory_space<vmem>>, vector<1x16xi32>,
    %get3A_2391 = vector.shape_cast %get3A_2390 : vector<1x16xi32> to vector<16xi32>
    %add3A_2392 = arith.addi %get3A_2386, %get3A_2391 : vector<16xi32>
    %swap3A_2393 = arith.constant 16 : i32
    %swap3A_2394 = arith.index_cast %swap3A_2393 : i32 to index
    %swap3A_2395 = arith.constant 0 : index
    %swap3A_2396 = tpu.vector_load %arg6[%swap3A_2394, %swap3A_2395] {strides = array<i32>} : memref<26x128xi32, #tpu.memory_space<vmem>>, vector<1x16xi32>,
    %swap3A_2397 = vector.shape_cast %swap3A_2396 : vector<1x16xi32> to vector<16xi32>
    %swap3A_2398 = vector.shape_cast %add3A_2392 : vector<16xi32> to vector<1x16xi32>
    tpu.vector_store %arg6[%swap3A_2394, %swap3A_2395], %swap3A_2398 {strides = array<i32>} : memref<26x128xi32, #tpu.memory_space<vmem>>, vector<1x16xi32>,
    %get3A_2399 = arith.constant 16 : i32
    %get3A_2400 = arith.index_cast %get3A_2399 : i32 to index
    %get3A_2401 = arith.constant 16 : index
    %get3A_2402 = tpu.vector_load %arg6[%get3A_2400, %get3A_2401] {strides = array<i32>} : memref<26x128xi32, #tpu.memory_space<vmem>>, vector<1x16xi32>,
    %get3A_2403 = vector.shape_cast %get3A_2402 : vector<1x16xi32> to vector<16xi32>
    %get3A_2404 = arith.constant 16 : i32
    %get3A_2405 = arith.index_cast %get3A_2404 : i32 to index
    %get3A_2406 = arith.constant 16 : index
    %get3A_2407 = tpu.vector_load %arg7[%get3A_2405, %get3A_2406] {strides = array<i32>} : memref<26x128xi32, #tpu.memory_space<vmem>>, vector<1x16xi32>,
    %get3A_2408 = vector.shape_cast %get3A_2407 : vector<1x16xi32> to vector<16xi32>
    %add3A_2409 = arith.addi %get3A_2403, %get3A_2408 : vector<16xi32>
    %swap3A_2410 = arith.constant 16 : i32
    %swap3A_2411 = arith.index_cast %swap3A_2410 : i32 to index
    %swap3A_2412 = arith.constant 16 : index
    %swap3A_2413 = tpu.vector_load %arg6[%swap3A_2411, %swap3A_2412] {strides = array<i32>} : memref<26x128xi32, #tpu.memory_space<vmem>>, vector<1x16xi32>,
    %swap3A_2414 = vector.shape_cast %swap3A_2413 : vector<1x16xi32> to vector<16xi32>
    %swap3A_2415 = vector.shape_cast %add3A_2409 : vector<16xi32> to vector<1x16xi32>
    tpu.vector_store %arg6[%swap3A_2411, %swap3A_2412], %swap3A_2415 {strides = array<i32>} : memref<26x128xi32, #tpu.memory_space<vmem>>, vector<1x16xi32>,
    %get3A_2416 = arith.constant 16 : i32
    %get3A_2417 = arith.index_cast %get3A_2416 : i32 to index
    %get3A_2418 = arith.constant 32 : index
    %get3A_2419 = tpu.vector_load %arg6[%get3A_2417, %get3A_2418] {strides = array<i32>} : memref<26x128xi32, #tpu.memory_space<vmem>>, vector<1x16xi32>,
    %get3A_2420 = vector.shape_cast %get3A_2419 : vector<1x16xi32> to vector<16xi32>
    %get3A_2421 = arith.constant 16 : i32
    %get3A_2422 = arith.index_cast %get3A_2421 : i32 to index
    %get3A_2423 = arith.constant 32 : index
    %get3A_2424 = tpu.vector_load %arg7[%get3A_2422, %get3A_2423] {strides = array<i32>} : memref<26x128xi32, #tpu.memory_space<vmem>>, vector<1x16xi32>,
    %get3A_2425 = vector.shape_cast %get3A_2424 : vector<1x16xi32> to vector<16xi32>
    %add3A_2426 = arith.addi %get3A_2420, %get3A_2425 : vector<16xi32>
    %swap3A_2427 = arith.constant 16 : i32
    %swap3A_2428 = arith.index_cast %swap3A_2427 : i32 to index
    %swap3A_2429 = arith.constant 32 : index
    %swap3A_2430 = tpu.vector_load %arg6[%swap3A_2428, %swap3A_2429] {strides = array<i32>} : memref<26x128xi32, #tpu.memory_space<vmem>>, vector<1x16xi32>,
    %swap3A_2431 = vector.shape_cast %swap3A_2430 : vector<1x16xi32> to vector<16xi32>
    %swap3A_2432 = vector.shape_cast %add3A_2426 : vector<16xi32> to vector<1x16xi32>
    tpu.vector_store %arg6[%swap3A_2428, %swap3A_2429], %swap3A_2432 {strides = array<i32>} : memref<26x128xi32, #tpu.memory_space<vmem>>, vector<1x16xi32>,
    %get3A_2433 = arith.constant 16 : i32
    %get3A_2434 = arith.index_cast %get3A_2433 : i32 to index
    %get3A_2435 = arith.constant 48 : index
    %get3A_2436 = tpu.vector_load %arg6[%get3A_2434, %get3A_2435] {strides = array<i32>} : memref<26x128xi32, #tpu.memory_space<vmem>>, vector<1x16xi32>,
    %get3A_2437 = vector.shape_cast %get3A_2436 : vector<1x16xi32> to vector<16xi32>
    %get3A_2438 = arith.constant 16 : i32
    %get3A_2439 = arith.index_cast %get3A_2438 : i32 to index
    %get3A_2440 = arith.constant 48 : index
    %get3A_2441 = tpu.vector_load %arg7[%get3A_2439, %get3A_2440] {strides = array<i32>} : memref<26x128xi32, #tpu.memory_space<vmem>>, vector<1x16xi32>,
    %get3A_2442 = vector.shape_cast %get3A_2441 : vector<1x16xi32> to vector<16xi32>
    %add3A_2443 = arith.addi %get3A_2437, %get3A_2442 : vector<16xi32>
    %swap3A_2444 = arith.constant 16 : i32
    %swap3A_2445 = arith.index_cast %swap3A_2444 : i32 to index
    %swap3A_2446 = arith.constant 48 : index
    %swap3A_2447 = tpu.vector_load %arg6[%swap3A_2445, %swap3A_2446] {strides = array<i32>} : memref<26x128xi32, #tpu.memory_space<vmem>>, vector<1x16xi32>,
    %swap3A_2448 = vector.shape_cast %swap3A_2447 : vector<1x16xi32> to vector<16xi32>
    %swap3A_2449 = vector.shape_cast %add3A_2443 : vector<16xi32> to vector<1x16xi32>
    tpu.vector_store %arg6[%swap3A_2445, %swap3A_2446], %swap3A_2449 {strides = array<i32>} : memref<26x128xi32, #tpu.memory_space<vmem>>, vector<1x16xi32>,
    %get3A_2450 = arith.constant 16 : i32
    %get3A_2451 = arith.index_cast %get3A_2450 : i32 to index
    %get3A_2452 = arith.constant 64 : index
    %get3A_2453 = tpu.vector_load %arg6[%get3A_2451, %get3A_2452] {strides = array<i32>} : memref<26x128xi32, #tpu.memory_space<vmem>>, vector<1x16xi32>,
    %get3A_2454 = vector.shape_cast %get3A_2453 : vector<1x16xi32> to vector<16xi32>
    %get3A_2455 = arith.constant 16 : i32
    %get3A_2456 = arith.index_cast %get3A_2455 : i32 to index
    %get3A_2457 = arith.constant 64 : index
    %get3A_2458 = tpu.vector_load %arg7[%get3A_2456, %get3A_2457] {strides = array<i32>} : memref<26x128xi32, #tpu.memory_space<vmem>>, vector<1x16xi32>,
    %get3A_2459 = vector.shape_cast %get3A_2458 : vector<1x16xi32> to vector<16xi32>
    %add3A_2460 = arith.addi %get3A_2454, %get3A_2459 : vector<16xi32>
    %swap3A_2461 = arith.constant 16 : i32
    %swap3A_2462 = arith.index_cast %swap3A_2461 : i32 to index
    %swap3A_2463 = arith.constant 64 : index
    %swap3A_2464 = tpu.vector_load %arg6[%swap3A_2462, %swap3A_2463] {strides = array<i32>} : memref<26x128xi32, #tpu.memory_space<vmem>>, vector<1x16xi32>,
    %swap3A_2465 = vector.shape_cast %swap3A_2464 : vector<1x16xi32> to vector<16xi32>
    %swap3A_2466 = vector.shape_cast %add3A_2460 : vector<16xi32> to vector<1x16xi32>
    tpu.vector_store %arg6[%swap3A_2462, %swap3A_2463], %swap3A_2466 {strides = array<i32>} : memref<26x128xi32, #tpu.memory_space<vmem>>, vector<1x16xi32>,
    %get3A_2467 = arith.constant 16 : i32
    %get3A_2468 = arith.index_cast %get3A_2467 : i32 to index
    %get3A_2469 = arith.constant 80 : index
    %get3A_2470 = tpu.vector_load %arg6[%get3A_2468, %get3A_2469] {strides = array<i32>} : memref<26x128xi32, #tpu.memory_space<vmem>>, vector<1x16xi32>,
    %get3A_2471 = vector.shape_cast %get3A_2470 : vector<1x16xi32> to vector<16xi32>
    %get3A_2472 = arith.constant 16 : i32
    %get3A_2473 = arith.index_cast %get3A_2472 : i32 to index
    %get3A_2474 = arith.constant 80 : index
    %get3A_2475 = tpu.vector_load %arg7[%get3A_2473, %get3A_2474] {strides = array<i32>} : memref<26x128xi32, #tpu.memory_space<vmem>>, vector<1x16xi32>,
    %get3A_2476 = vector.shape_cast %get3A_2475 : vector<1x16xi32> to vector<16xi32>
    %add3A_2477 = arith.addi %get3A_2471, %get3A_2476 : vector<16xi32>
    %swap3A_2478 = arith.constant 16 : i32
    %swap3A_2479 = arith.index_cast %swap3A_2478 : i32 to index
    %swap3A_2480 = arith.constant 80 : index
    %swap3A_2481 = tpu.vector_load %arg6[%swap3A_2479, %swap3A_2480] {strides = array<i32>} : memref<26x128xi32, #tpu.memory_space<vmem>>, vector<1x16xi32>,
    %swap3A_2482 = vector.shape_cast %swap3A_2481 : vector<1x16xi32> to vector<16xi32>
    %swap3A_2483 = vector.shape_cast %add3A_2477 : vector<16xi32> to vector<1x16xi32>
    tpu.vector_store %arg6[%swap3A_2479, %swap3A_2480], %swap3A_2483 {strides = array<i32>} : memref<26x128xi32, #tpu.memory_space<vmem>>, vector<1x16xi32>,
    %get3A_2484 = arith.constant 16 : i32
    %get3A_2485 = arith.index_cast %get3A_2484 : i32 to index
    %get3A_2486 = arith.constant 96 : index
    %get3A_2487 = tpu.vector_load %arg6[%get3A_2485, %get3A_2486] {strides = array<i32>} : memref<26x128xi32, #tpu.memory_space<vmem>>, vector<1x16xi32>,
    %get3A_2488 = vector.shape_cast %get3A_2487 : vector<1x16xi32> to vector<16xi32>
    %get3A_2489 = arith.constant 16 : i32
    %get3A_2490 = arith.index_cast %get3A_2489 : i32 to index
    %get3A_2491 = arith.constant 96 : index
    %get3A_2492 = tpu.vector_load %arg7[%get3A_2490, %get3A_2491] {strides = array<i32>} : memref<26x128xi32, #tpu.memory_space<vmem>>, vector<1x16xi32>,
    %get3A_2493 = vector.shape_cast %get3A_2492 : vector<1x16xi32> to vector<16xi32>
    %add3A_2494 = arith.addi %get3A_2488, %get3A_2493 : vector<16xi32>
    %swap3A_2495 = arith.constant 16 : i32
    %swap3A_2496 = arith.index_cast %swap3A_2495 : i32 to index
    %swap3A_2497 = arith.constant 96 : index
    %swap3A_2498 = tpu.vector_load %arg6[%swap3A_2496, %swap3A_2497] {strides = array<i32>} : memref<26x128xi32, #tpu.memory_space<vmem>>, vector<1x16xi32>,
    %swap3A_2499 = vector.shape_cast %swap3A_2498 : vector<1x16xi32> to vector<16xi32>
    %swap3A_2500 = vector.shape_cast %add3A_2494 : vector<16xi32> to vector<1x16xi32>
    tpu.vector_store %arg6[%swap3A_2496, %swap3A_2497], %swap3A_2500 {strides = array<i32>} : memref<26x128xi32, #tpu.memory_space<vmem>>, vector<1x16xi32>,
    %get3A_2501 = arith.constant 16 : i32
    %get3A_2502 = arith.index_cast %get3A_2501 : i32 to index
    %get3A_2503 = arith.constant 112 : index
    %get3A_2504 = tpu.vector_load %arg6[%get3A_2502, %get3A_2503] {strides = array<i32>} : memref<26x128xi32, #tpu.memory_space<vmem>>, vector<1x16xi32>,
    %get3A_2505 = vector.shape_cast %get3A_2504 : vector<1x16xi32> to vector<16xi32>
    %get3A_2506 = arith.constant 16 : i32
    %get3A_2507 = arith.index_cast %get3A_2506 : i32 to index
    %get3A_2508 = arith.constant 112 : index
    %get3A_2509 = tpu.vector_load %arg7[%get3A_2507, %get3A_2508] {strides = array<i32>} : memref<26x128xi32, #tpu.memory_space<vmem>>, vector<1x16xi32>,
    %get3A_2510 = vector.shape_cast %get3A_2509 : vector<1x16xi32> to vector<16xi32>
    %add3A_2511 = arith.addi %get3A_2505, %get3A_2510 : vector<16xi32>
    %swap3A_2512 = arith.constant 16 : i32
    %swap3A_2513 = arith.index_cast %swap3A_2512 : i32 to index
    %swap3A_2514 = arith.constant 112 : index
    %swap3A_2515 = tpu.vector_load %arg6[%swap3A_2513, %swap3A_2514] {strides = array<i32>} : memref<26x128xi32, #tpu.memory_space<vmem>>, vector<1x16xi32>,
    %swap3A_2516 = vector.shape_cast %swap3A_2515 : vector<1x16xi32> to vector<16xi32>
    %swap3A_2517 = vector.shape_cast %add3A_2511 : vector<16xi32> to vector<1x16xi32>
    tpu.vector_store %arg6[%swap3A_2513, %swap3A_2514], %swap3A_2517 {strides = array<i32>} : memref<26x128xi32, #tpu.memory_space<vmem>>, vector<1x16xi32>,
    %dma_start3A_2518 = arith.constant 16 : i32
    %dma_start3A_2519 = arith.constant 8 : i32
    %dma_start3A_2520 = arith.constant 2048 : i32
    %dma_start3A_2521 = arith.constant 0 : i32
    %dma_start3A_2522 = tpu.memref_slice %arg8[%dma_start3A_2520, %dma_start3A_2521] : memref<3328x32xf32, #tpu.memory_space<vmem>> -> memref<128x32xf32, #tpu.memory_space<vmem>>
    %dma_start3A_2523 = arith.constant 0 : i32
    %dma_start3A_2524 = tpu.memref_slice %arg6[%dma_start3A_2518, %dma_start3A_2523] : memref<26x128xi32, #tpu.memory_space<vmem>> -> memref<1x128xi32, #tpu.memory_space<vmem>>
    %dma_start3A_2525 = tpu.memref_squeeze %dma_start3A_2524 : memref<1x128xi32, #tpu.memory_space<vmem>> -> memref<128xi32, #tpu.memory_space<vmem>>
    %dma_start3A_2526 = arith.constant 0 : i32
    %dma_start3A_2527 = arith.constant 0 : i32
    %dma_start3A_2528 = tpu.memref_slice %arg2[%dma_start3A_2526, %dma_start3A_2527] : memref<2600000x32xf32, #tpu.memory_space<hbm>> -> memref<2600000x32xf32, #tpu.memory_space<hbm>>
    %dma_start3A_2529 = tpu.memref_slice %arg9[%dma_start3A_2519] : memref<13x!tpu.dma_semaphore, #tpu.memory_space<semaphore_mem>> -> memref<1x!tpu.dma_semaphore, #tpu.memory_space<semaphore_mem>>
    %dma_start3A_2530 = tpu.memref_squeeze %dma_start3A_2529 : memref<1x!tpu.dma_semaphore, #tpu.memory_space<semaphore_mem>> -> memref<!tpu.dma_semaphore, #tpu.memory_space<semaphore_mem>>
    tpu.enqueue_indirect_dma source(%dma_start3A_2528 : memref<2600000x32xf32, #tpu.memory_space<hbm>>) target(%dma_start3A_2522 : memref<128x32xf32, #tpu.memory_space<vmem>>) offsets(%dma_start3A_2525 : memref<128xi32, #tpu.memory_space<vmem>>) semaphore(%dma_start3A_2530 : memref<!tpu.dma_semaphore, #tpu.memory_space<semaphore_mem>>)
    %get3A_2531 = arith.constant 17 : i32
    %get3A_2532 = arith.index_cast %get3A_2531 : i32 to index
    %get3A_2533 = arith.constant 0 : index
    %get3A_2534 = tpu.vector_load %arg6[%get3A_2532, %get3A_2533] {strides = array<i32>} : memref<26x128xi32, #tpu.memory_space<vmem>>, vector<1x16xi32>,
    %get3A_2535 = vector.shape_cast %get3A_2534 : vector<1x16xi32> to vector<16xi32>
    %get3A_2536 = arith.constant 17 : i32
    %get3A_2537 = arith.index_cast %get3A_2536 : i32 to index
    %get3A_2538 = arith.constant 0 : index
    %get3A_2539 = tpu.vector_load %arg7[%get3A_2537, %get3A_2538] {strides = array<i32>} : memref<26x128xi32, #tpu.memory_space<vmem>>, vector<1x16xi32>,
    %get3A_2540 = vector.shape_cast %get3A_2539 : vector<1x16xi32> to vector<16xi32>
    %add3A_2541 = arith.addi %get3A_2535, %get3A_2540 : vector<16xi32>
    %swap3A_2542 = arith.constant 17 : i32
    %swap3A_2543 = arith.index_cast %swap3A_2542 : i32 to index
    %swap3A_2544 = arith.constant 0 : index
    %swap3A_2545 = tpu.vector_load %arg6[%swap3A_2543, %swap3A_2544] {strides = array<i32>} : memref<26x128xi32, #tpu.memory_space<vmem>>, vector<1x16xi32>,
    %swap3A_2546 = vector.shape_cast %swap3A_2545 : vector<1x16xi32> to vector<16xi32>
    %swap3A_2547 = vector.shape_cast %add3A_2541 : vector<16xi32> to vector<1x16xi32>
    tpu.vector_store %arg6[%swap3A_2543, %swap3A_2544], %swap3A_2547 {strides = array<i32>} : memref<26x128xi32, #tpu.memory_space<vmem>>, vector<1x16xi32>,
    %get3A_2548 = arith.constant 17 : i32
    %get3A_2549 = arith.index_cast %get3A_2548 : i32 to index
    %get3A_2550 = arith.constant 16 : index
    %get3A_2551 = tpu.vector_load %arg6[%get3A_2549, %get3A_2550] {strides = array<i32>} : memref<26x128xi32, #tpu.memory_space<vmem>>, vector<1x16xi32>,
    %get3A_2552 = vector.shape_cast %get3A_2551 : vector<1x16xi32> to vector<16xi32>
    %get3A_2553 = arith.constant 17 : i32
    %get3A_2554 = arith.index_cast %get3A_2553 : i32 to index
    %get3A_2555 = arith.constant 16 : index
    %get3A_2556 = tpu.vector_load %arg7[%get3A_2554, %get3A_2555] {strides = array<i32>} : memref<26x128xi32, #tpu.memory_space<vmem>>, vector<1x16xi32>,
    %get3A_2557 = vector.shape_cast %get3A_2556 : vector<1x16xi32> to vector<16xi32>
    %add3A_2558 = arith.addi %get3A_2552, %get3A_2557 : vector<16xi32>
    %swap3A_2559 = arith.constant 17 : i32
    %swap3A_2560 = arith.index_cast %swap3A_2559 : i32 to index
    %swap3A_2561 = arith.constant 16 : index
    %swap3A_2562 = tpu.vector_load %arg6[%swap3A_2560, %swap3A_2561] {strides = array<i32>} : memref<26x128xi32, #tpu.memory_space<vmem>>, vector<1x16xi32>,
    %swap3A_2563 = vector.shape_cast %swap3A_2562 : vector<1x16xi32> to vector<16xi32>
    %swap3A_2564 = vector.shape_cast %add3A_2558 : vector<16xi32> to vector<1x16xi32>
    tpu.vector_store %arg6[%swap3A_2560, %swap3A_2561], %swap3A_2564 {strides = array<i32>} : memref<26x128xi32, #tpu.memory_space<vmem>>, vector<1x16xi32>,
    %get3A_2565 = arith.constant 17 : i32
    %get3A_2566 = arith.index_cast %get3A_2565 : i32 to index
    %get3A_2567 = arith.constant 32 : index
    %get3A_2568 = tpu.vector_load %arg6[%get3A_2566, %get3A_2567] {strides = array<i32>} : memref<26x128xi32, #tpu.memory_space<vmem>>, vector<1x16xi32>,
    %get3A_2569 = vector.shape_cast %get3A_2568 : vector<1x16xi32> to vector<16xi32>
    %get3A_2570 = arith.constant 17 : i32
    %get3A_2571 = arith.index_cast %get3A_2570 : i32 to index
    %get3A_2572 = arith.constant 32 : index
    %get3A_2573 = tpu.vector_load %arg7[%get3A_2571, %get3A_2572] {strides = array<i32>} : memref<26x128xi32, #tpu.memory_space<vmem>>, vector<1x16xi32>,
    %get3A_2574 = vector.shape_cast %get3A_2573 : vector<1x16xi32> to vector<16xi32>
    %add3A_2575 = arith.addi %get3A_2569, %get3A_2574 : vector<16xi32>
    %swap3A_2576 = arith.constant 17 : i32
    %swap3A_2577 = arith.index_cast %swap3A_2576 : i32 to index
    %swap3A_2578 = arith.constant 32 : index
    %swap3A_2579 = tpu.vector_load %arg6[%swap3A_2577, %swap3A_2578] {strides = array<i32>} : memref<26x128xi32, #tpu.memory_space<vmem>>, vector<1x16xi32>,
    %swap3A_2580 = vector.shape_cast %swap3A_2579 : vector<1x16xi32> to vector<16xi32>
    %swap3A_2581 = vector.shape_cast %add3A_2575 : vector<16xi32> to vector<1x16xi32>
    tpu.vector_store %arg6[%swap3A_2577, %swap3A_2578], %swap3A_2581 {strides = array<i32>} : memref<26x128xi32, #tpu.memory_space<vmem>>, vector<1x16xi32>,
    %get3A_2582 = arith.constant 17 : i32
    %get3A_2583 = arith.index_cast %get3A_2582 : i32 to index
    %get3A_2584 = arith.constant 48 : index
    %get3A_2585 = tpu.vector_load %arg6[%get3A_2583, %get3A_2584] {strides = array<i32>} : memref<26x128xi32, #tpu.memory_space<vmem>>, vector<1x16xi32>,
    %get3A_2586 = vector.shape_cast %get3A_2585 : vector<1x16xi32> to vector<16xi32>
    %get3A_2587 = arith.constant 17 : i32
    %get3A_2588 = arith.index_cast %get3A_2587 : i32 to index
    %get3A_2589 = arith.constant 48 : index
    %get3A_2590 = tpu.vector_load %arg7[%get3A_2588, %get3A_2589] {strides = array<i32>} : memref<26x128xi32, #tpu.memory_space<vmem>>, vector<1x16xi32>,
    %get3A_2591 = vector.shape_cast %get3A_2590 : vector<1x16xi32> to vector<16xi32>
    %add3A_2592 = arith.addi %get3A_2586, %get3A_2591 : vector<16xi32>
    %swap3A_2593 = arith.constant 17 : i32
    %swap3A_2594 = arith.index_cast %swap3A_2593 : i32 to index
    %swap3A_2595 = arith.constant 48 : index
    %swap3A_2596 = tpu.vector_load %arg6[%swap3A_2594, %swap3A_2595] {strides = array<i32>} : memref<26x128xi32, #tpu.memory_space<vmem>>, vector<1x16xi32>,
    %swap3A_2597 = vector.shape_cast %swap3A_2596 : vector<1x16xi32> to vector<16xi32>
    %swap3A_2598 = vector.shape_cast %add3A_2592 : vector<16xi32> to vector<1x16xi32>
    tpu.vector_store %arg6[%swap3A_2594, %swap3A_2595], %swap3A_2598 {strides = array<i32>} : memref<26x128xi32, #tpu.memory_space<vmem>>, vector<1x16xi32>,
    %get3A_2599 = arith.constant 17 : i32
    %get3A_2600 = arith.index_cast %get3A_2599 : i32 to index
    %get3A_2601 = arith.constant 64 : index
    %get3A_2602 = tpu.vector_load %arg6[%get3A_2600, %get3A_2601] {strides = array<i32>} : memref<26x128xi32, #tpu.memory_space<vmem>>, vector<1x16xi32>,
    %get3A_2603 = vector.shape_cast %get3A_2602 : vector<1x16xi32> to vector<16xi32>
    %get3A_2604 = arith.constant 17 : i32
    %get3A_2605 = arith.index_cast %get3A_2604 : i32 to index
    %get3A_2606 = arith.constant 64 : index
    %get3A_2607 = tpu.vector_load %arg7[%get3A_2605, %get3A_2606] {strides = array<i32>} : memref<26x128xi32, #tpu.memory_space<vmem>>, vector<1x16xi32>,
    %get3A_2608 = vector.shape_cast %get3A_2607 : vector<1x16xi32> to vector<16xi32>
    %add3A_2609 = arith.addi %get3A_2603, %get3A_2608 : vector<16xi32>
    %swap3A_2610 = arith.constant 17 : i32
    %swap3A_2611 = arith.index_cast %swap3A_2610 : i32 to index
    %swap3A_2612 = arith.constant 64 : index
    %swap3A_2613 = tpu.vector_load %arg6[%swap3A_2611, %swap3A_2612] {strides = array<i32>} : memref<26x128xi32, #tpu.memory_space<vmem>>, vector<1x16xi32>,
    %swap3A_2614 = vector.shape_cast %swap3A_2613 : vector<1x16xi32> to vector<16xi32>
    %swap3A_2615 = vector.shape_cast %add3A_2609 : vector<16xi32> to vector<1x16xi32>
    tpu.vector_store %arg6[%swap3A_2611, %swap3A_2612], %swap3A_2615 {strides = array<i32>} : memref<26x128xi32, #tpu.memory_space<vmem>>, vector<1x16xi32>,
    %get3A_2616 = arith.constant 17 : i32
    %get3A_2617 = arith.index_cast %get3A_2616 : i32 to index
    %get3A_2618 = arith.constant 80 : index
    %get3A_2619 = tpu.vector_load %arg6[%get3A_2617, %get3A_2618] {strides = array<i32>} : memref<26x128xi32, #tpu.memory_space<vmem>>, vector<1x16xi32>,
    %get3A_2620 = vector.shape_cast %get3A_2619 : vector<1x16xi32> to vector<16xi32>
    %get3A_2621 = arith.constant 17 : i32
    %get3A_2622 = arith.index_cast %get3A_2621 : i32 to index
    %get3A_2623 = arith.constant 80 : index
    %get3A_2624 = tpu.vector_load %arg7[%get3A_2622, %get3A_2623] {strides = array<i32>} : memref<26x128xi32, #tpu.memory_space<vmem>>, vector<1x16xi32>,
    %get3A_2625 = vector.shape_cast %get3A_2624 : vector<1x16xi32> to vector<16xi32>
    %add3A_2626 = arith.addi %get3A_2620, %get3A_2625 : vector<16xi32>
    %swap3A_2627 = arith.constant 17 : i32
    %swap3A_2628 = arith.index_cast %swap3A_2627 : i32 to index
    %swap3A_2629 = arith.constant 80 : index
    %swap3A_2630 = tpu.vector_load %arg6[%swap3A_2628, %swap3A_2629] {strides = array<i32>} : memref<26x128xi32, #tpu.memory_space<vmem>>, vector<1x16xi32>,
    %swap3A_2631 = vector.shape_cast %swap3A_2630 : vector<1x16xi32> to vector<16xi32>
    %swap3A_2632 = vector.shape_cast %add3A_2626 : vector<16xi32> to vector<1x16xi32>
    tpu.vector_store %arg6[%swap3A_2628, %swap3A_2629], %swap3A_2632 {strides = array<i32>} : memref<26x128xi32, #tpu.memory_space<vmem>>, vector<1x16xi32>,
    %get3A_2633 = arith.constant 17 : i32
    %get3A_2634 = arith.index_cast %get3A_2633 : i32 to index
    %get3A_2635 = arith.constant 96 : index
    %get3A_2636 = tpu.vector_load %arg6[%get3A_2634, %get3A_2635] {strides = array<i32>} : memref<26x128xi32, #tpu.memory_space<vmem>>, vector<1x16xi32>,
    %get3A_2637 = vector.shape_cast %get3A_2636 : vector<1x16xi32> to vector<16xi32>
    %get3A_2638 = arith.constant 17 : i32
    %get3A_2639 = arith.index_cast %get3A_2638 : i32 to index
    %get3A_2640 = arith.constant 96 : index
    %get3A_2641 = tpu.vector_load %arg7[%get3A_2639, %get3A_2640] {strides = array<i32>} : memref<26x128xi32, #tpu.memory_space<vmem>>, vector<1x16xi32>,
    %get3A_2642 = vector.shape_cast %get3A_2641 : vector<1x16xi32> to vector<16xi32>
    %add3A_2643 = arith.addi %get3A_2637, %get3A_2642 : vector<16xi32>
    %swap3A_2644 = arith.constant 17 : i32
    %swap3A_2645 = arith.index_cast %swap3A_2644 : i32 to index
    %swap3A_2646 = arith.constant 96 : index
    %swap3A_2647 = tpu.vector_load %arg6[%swap3A_2645, %swap3A_2646] {strides = array<i32>} : memref<26x128xi32, #tpu.memory_space<vmem>>, vector<1x16xi32>,
    %swap3A_2648 = vector.shape_cast %swap3A_2647 : vector<1x16xi32> to vector<16xi32>
    %swap3A_2649 = vector.shape_cast %add3A_2643 : vector<16xi32> to vector<1x16xi32>
    tpu.vector_store %arg6[%swap3A_2645, %swap3A_2646], %swap3A_2649 {strides = array<i32>} : memref<26x128xi32, #tpu.memory_space<vmem>>, vector<1x16xi32>,
    %get3A_2650 = arith.constant 17 : i32
    %get3A_2651 = arith.index_cast %get3A_2650 : i32 to index
    %get3A_2652 = arith.constant 112 : index
    %get3A_2653 = tpu.vector_load %arg6[%get3A_2651, %get3A_2652] {strides = array<i32>} : memref<26x128xi32, #tpu.memory_space<vmem>>, vector<1x16xi32>,
    %get3A_2654 = vector.shape_cast %get3A_2653 : vector<1x16xi32> to vector<16xi32>
    %get3A_2655 = arith.constant 17 : i32
    %get3A_2656 = arith.index_cast %get3A_2655 : i32 to index
    %get3A_2657 = arith.constant 112 : index
    %get3A_2658 = tpu.vector_load %arg7[%get3A_2656, %get3A_2657] {strides = array<i32>} : memref<26x128xi32, #tpu.memory_space<vmem>>, vector<1x16xi32>,
    %get3A_2659 = vector.shape_cast %get3A_2658 : vector<1x16xi32> to vector<16xi32>
    %add3A_2660 = arith.addi %get3A_2654, %get3A_2659 : vector<16xi32>
    %swap3A_2661 = arith.constant 17 : i32
    %swap3A_2662 = arith.index_cast %swap3A_2661 : i32 to index
    %swap3A_2663 = arith.constant 112 : index
    %swap3A_2664 = tpu.vector_load %arg6[%swap3A_2662, %swap3A_2663] {strides = array<i32>} : memref<26x128xi32, #tpu.memory_space<vmem>>, vector<1x16xi32>,
    %swap3A_2665 = vector.shape_cast %swap3A_2664 : vector<1x16xi32> to vector<16xi32>
    %swap3A_2666 = vector.shape_cast %add3A_2660 : vector<16xi32> to vector<1x16xi32>
    tpu.vector_store %arg6[%swap3A_2662, %swap3A_2663], %swap3A_2666 {strides = array<i32>} : memref<26x128xi32, #tpu.memory_space<vmem>>, vector<1x16xi32>,
    %dma_start3A_2667 = arith.constant 17 : i32
    %dma_start3A_2668 = arith.constant 8 : i32
    %dma_start3A_2669 = arith.constant 2176 : i32
    %dma_start3A_2670 = arith.constant 0 : i32
    %dma_start3A_2671 = tpu.memref_slice %arg8[%dma_start3A_2669, %dma_start3A_2670] : memref<3328x32xf32, #tpu.memory_space<vmem>> -> memref<128x32xf32, #tpu.memory_space<vmem>>
    %dma_start3A_2672 = arith.constant 0 : i32
    %dma_start3A_2673 = tpu.memref_slice %arg6[%dma_start3A_2667, %dma_start3A_2672] : memref<26x128xi32, #tpu.memory_space<vmem>> -> memref<1x128xi32, #tpu.memory_space<vmem>>
    %dma_start3A_2674 = tpu.memref_squeeze %dma_start3A_2673 : memref<1x128xi32, #tpu.memory_space<vmem>> -> memref<128xi32, #tpu.memory_space<vmem>>
    %dma_start3A_2675 = arith.constant 0 : i32
    %dma_start3A_2676 = arith.constant 0 : i32
    %dma_start3A_2677 = tpu.memref_slice %arg2[%dma_start3A_2675, %dma_start3A_2676] : memref<2600000x32xf32, #tpu.memory_space<hbm>> -> memref<2600000x32xf32, #tpu.memory_space<hbm>>
    %dma_start3A_2678 = tpu.memref_slice %arg9[%dma_start3A_2668] : memref<13x!tpu.dma_semaphore, #tpu.memory_space<semaphore_mem>> -> memref<1x!tpu.dma_semaphore, #tpu.memory_space<semaphore_mem>>
    %dma_start3A_2679 = tpu.memref_squeeze %dma_start3A_2678 : memref<1x!tpu.dma_semaphore, #tpu.memory_space<semaphore_mem>> -> memref<!tpu.dma_semaphore, #tpu.memory_space<semaphore_mem>>
    tpu.enqueue_indirect_dma source(%dma_start3A_2677 : memref<2600000x32xf32, #tpu.memory_space<hbm>>) target(%dma_start3A_2671 : memref<128x32xf32, #tpu.memory_space<vmem>>) offsets(%dma_start3A_2674 : memref<128xi32, #tpu.memory_space<vmem>>) semaphore(%dma_start3A_2679 : memref<!tpu.dma_semaphore, #tpu.memory_space<semaphore_mem>>)
    %get3A_2680 = arith.constant 18 : i32
    %get3A_2681 = arith.index_cast %get3A_2680 : i32 to index
    %get3A_2682 = arith.constant 0 : index
    %get3A_2683 = tpu.vector_load %arg6[%get3A_2681, %get3A_2682] {strides = array<i32>} : memref<26x128xi32, #tpu.memory_space<vmem>>, vector<1x16xi32>,
    %get3A_2684 = vector.shape_cast %get3A_2683 : vector<1x16xi32> to vector<16xi32>
    %get3A_2685 = arith.constant 18 : i32
    %get3A_2686 = arith.index_cast %get3A_2685 : i32 to index
    %get3A_2687 = arith.constant 0 : index
    %get3A_2688 = tpu.vector_load %arg7[%get3A_2686, %get3A_2687] {strides = array<i32>} : memref<26x128xi32, #tpu.memory_space<vmem>>, vector<1x16xi32>,
    %get3A_2689 = vector.shape_cast %get3A_2688 : vector<1x16xi32> to vector<16xi32>
    %add3A_2690 = arith.addi %get3A_2684, %get3A_2689 : vector<16xi32>
    %swap3A_2691 = arith.constant 18 : i32
    %swap3A_2692 = arith.index_cast %swap3A_2691 : i32 to index
    %swap3A_2693 = arith.constant 0 : index
    %swap3A_2694 = tpu.vector_load %arg6[%swap3A_2692, %swap3A_2693] {strides = array<i32>} : memref<26x128xi32, #tpu.memory_space<vmem>>, vector<1x16xi32>,
    %swap3A_2695 = vector.shape_cast %swap3A_2694 : vector<1x16xi32> to vector<16xi32>
    %swap3A_2696 = vector.shape_cast %add3A_2690 : vector<16xi32> to vector<1x16xi32>
    tpu.vector_store %arg6[%swap3A_2692, %swap3A_2693], %swap3A_2696 {strides = array<i32>} : memref<26x128xi32, #tpu.memory_space<vmem>>, vector<1x16xi32>,
    %get3A_2697 = arith.constant 18 : i32
    %get3A_2698 = arith.index_cast %get3A_2697 : i32 to index
    %get3A_2699 = arith.constant 16 : index
    %get3A_2700 = tpu.vector_load %arg6[%get3A_2698, %get3A_2699] {strides = array<i32>} : memref<26x128xi32, #tpu.memory_space<vmem>>, vector<1x16xi32>,
    %get3A_2701 = vector.shape_cast %get3A_2700 : vector<1x16xi32> to vector<16xi32>
    %get3A_2702 = arith.constant 18 : i32
    %get3A_2703 = arith.index_cast %get3A_2702 : i32 to index
    %get3A_2704 = arith.constant 16 : index
    %get3A_2705 = tpu.vector_load %arg7[%get3A_2703, %get3A_2704] {strides = array<i32>} : memref<26x128xi32, #tpu.memory_space<vmem>>, vector<1x16xi32>,
    %get3A_2706 = vector.shape_cast %get3A_2705 : vector<1x16xi32> to vector<16xi32>
    %add3A_2707 = arith.addi %get3A_2701, %get3A_2706 : vector<16xi32>
    %swap3A_2708 = arith.constant 18 : i32
    %swap3A_2709 = arith.index_cast %swap3A_2708 : i32 to index
    %swap3A_2710 = arith.constant 16 : index
    %swap3A_2711 = tpu.vector_load %arg6[%swap3A_2709, %swap3A_2710] {strides = array<i32>} : memref<26x128xi32, #tpu.memory_space<vmem>>, vector<1x16xi32>,
    %swap3A_2712 = vector.shape_cast %swap3A_2711 : vector<1x16xi32> to vector<16xi32>
    %swap3A_2713 = vector.shape_cast %add3A_2707 : vector<16xi32> to vector<1x16xi32>
    tpu.vector_store %arg6[%swap3A_2709, %swap3A_2710], %swap3A_2713 {strides = array<i32>} : memref<26x128xi32, #tpu.memory_space<vmem>>, vector<1x16xi32>,
    %get3A_2714 = arith.constant 18 : i32
    %get3A_2715 = arith.index_cast %get3A_2714 : i32 to index
    %get3A_2716 = arith.constant 32 : index
    %get3A_2717 = tpu.vector_load %arg6[%get3A_2715, %get3A_2716] {strides = array<i32>} : memref<26x128xi32, #tpu.memory_space<vmem>>, vector<1x16xi32>,
    %get3A_2718 = vector.shape_cast %get3A_2717 : vector<1x16xi32> to vector<16xi32>
    %get3A_2719 = arith.constant 18 : i32
    %get3A_2720 = arith.index_cast %get3A_2719 : i32 to index
    %get3A_2721 = arith.constant 32 : index
    %get3A_2722 = tpu.vector_load %arg7[%get3A_2720, %get3A_2721] {strides = array<i32>} : memref<26x128xi32, #tpu.memory_space<vmem>>, vector<1x16xi32>,
    %get3A_2723 = vector.shape_cast %get3A_2722 : vector<1x16xi32> to vector<16xi32>
    %add3A_2724 = arith.addi %get3A_2718, %get3A_2723 : vector<16xi32>
    %swap3A_2725 = arith.constant 18 : i32
    %swap3A_2726 = arith.index_cast %swap3A_2725 : i32 to index
    %swap3A_2727 = arith.constant 32 : index
    %swap3A_2728 = tpu.vector_load %arg6[%swap3A_2726, %swap3A_2727] {strides = array<i32>} : memref<26x128xi32, #tpu.memory_space<vmem>>, vector<1x16xi32>,
    %swap3A_2729 = vector.shape_cast %swap3A_2728 : vector<1x16xi32> to vector<16xi32>
    %swap3A_2730 = vector.shape_cast %add3A_2724 : vector<16xi32> to vector<1x16xi32>
    tpu.vector_store %arg6[%swap3A_2726, %swap3A_2727], %swap3A_2730 {strides = array<i32>} : memref<26x128xi32, #tpu.memory_space<vmem>>, vector<1x16xi32>,
    %get3A_2731 = arith.constant 18 : i32
    %get3A_2732 = arith.index_cast %get3A_2731 : i32 to index
    %get3A_2733 = arith.constant 48 : index
    %get3A_2734 = tpu.vector_load %arg6[%get3A_2732, %get3A_2733] {strides = array<i32>} : memref<26x128xi32, #tpu.memory_space<vmem>>, vector<1x16xi32>,
    %get3A_2735 = vector.shape_cast %get3A_2734 : vector<1x16xi32> to vector<16xi32>
    %get3A_2736 = arith.constant 18 : i32
    %get3A_2737 = arith.index_cast %get3A_2736 : i32 to index
    %get3A_2738 = arith.constant 48 : index
    %get3A_2739 = tpu.vector_load %arg7[%get3A_2737, %get3A_2738] {strides = array<i32>} : memref<26x128xi32, #tpu.memory_space<vmem>>, vector<1x16xi32>,
    %get3A_2740 = vector.shape_cast %get3A_2739 : vector<1x16xi32> to vector<16xi32>
    %add3A_2741 = arith.addi %get3A_2735, %get3A_2740 : vector<16xi32>
    %swap3A_2742 = arith.constant 18 : i32
    %swap3A_2743 = arith.index_cast %swap3A_2742 : i32 to index
    %swap3A_2744 = arith.constant 48 : index
    %swap3A_2745 = tpu.vector_load %arg6[%swap3A_2743, %swap3A_2744] {strides = array<i32>} : memref<26x128xi32, #tpu.memory_space<vmem>>, vector<1x16xi32>,
    %swap3A_2746 = vector.shape_cast %swap3A_2745 : vector<1x16xi32> to vector<16xi32>
    %swap3A_2747 = vector.shape_cast %add3A_2741 : vector<16xi32> to vector<1x16xi32>
    tpu.vector_store %arg6[%swap3A_2743, %swap3A_2744], %swap3A_2747 {strides = array<i32>} : memref<26x128xi32, #tpu.memory_space<vmem>>, vector<1x16xi32>,
    %get3A_2748 = arith.constant 18 : i32
    %get3A_2749 = arith.index_cast %get3A_2748 : i32 to index
    %get3A_2750 = arith.constant 64 : index
    %get3A_2751 = tpu.vector_load %arg6[%get3A_2749, %get3A_2750] {strides = array<i32>} : memref<26x128xi32, #tpu.memory_space<vmem>>, vector<1x16xi32>,
    %get3A_2752 = vector.shape_cast %get3A_2751 : vector<1x16xi32> to vector<16xi32>
    %get3A_2753 = arith.constant 18 : i32
    %get3A_2754 = arith.index_cast %get3A_2753 : i32 to index
    %get3A_2755 = arith.constant 64 : index
    %get3A_2756 = tpu.vector_load %arg7[%get3A_2754, %get3A_2755] {strides = array<i32>} : memref<26x128xi32, #tpu.memory_space<vmem>>, vector<1x16xi32>,
    %get3A_2757 = vector.shape_cast %get3A_2756 : vector<1x16xi32> to vector<16xi32>
    %add3A_2758 = arith.addi %get3A_2752, %get3A_2757 : vector<16xi32>
    %swap3A_2759 = arith.constant 18 : i32
    %swap3A_2760 = arith.index_cast %swap3A_2759 : i32 to index
    %swap3A_2761 = arith.constant 64 : index
    %swap3A_2762 = tpu.vector_load %arg6[%swap3A_2760, %swap3A_2761] {strides = array<i32>} : memref<26x128xi32, #tpu.memory_space<vmem>>, vector<1x16xi32>,
    %swap3A_2763 = vector.shape_cast %swap3A_2762 : vector<1x16xi32> to vector<16xi32>
    %swap3A_2764 = vector.shape_cast %add3A_2758 : vector<16xi32> to vector<1x16xi32>
    tpu.vector_store %arg6[%swap3A_2760, %swap3A_2761], %swap3A_2764 {strides = array<i32>} : memref<26x128xi32, #tpu.memory_space<vmem>>, vector<1x16xi32>,
    %get3A_2765 = arith.constant 18 : i32
    %get3A_2766 = arith.index_cast %get3A_2765 : i32 to index
    %get3A_2767 = arith.constant 80 : index
    %get3A_2768 = tpu.vector_load %arg6[%get3A_2766, %get3A_2767] {strides = array<i32>} : memref<26x128xi32, #tpu.memory_space<vmem>>, vector<1x16xi32>,
    %get3A_2769 = vector.shape_cast %get3A_2768 : vector<1x16xi32> to vector<16xi32>
    %get3A_2770 = arith.constant 18 : i32
    %get3A_2771 = arith.index_cast %get3A_2770 : i32 to index
    %get3A_2772 = arith.constant 80 : index
    %get3A_2773 = tpu.vector_load %arg7[%get3A_2771, %get3A_2772] {strides = array<i32>} : memref<26x128xi32, #tpu.memory_space<vmem>>, vector<1x16xi32>,
    %get3A_2774 = vector.shape_cast %get3A_2773 : vector<1x16xi32> to vector<16xi32>
    %add3A_2775 = arith.addi %get3A_2769, %get3A_2774 : vector<16xi32>
    %swap3A_2776 = arith.constant 18 : i32
    %swap3A_2777 = arith.index_cast %swap3A_2776 : i32 to index
    %swap3A_2778 = arith.constant 80 : index
    %swap3A_2779 = tpu.vector_load %arg6[%swap3A_2777, %swap3A_2778] {strides = array<i32>} : memref<26x128xi32, #tpu.memory_space<vmem>>, vector<1x16xi32>,
    %swap3A_2780 = vector.shape_cast %swap3A_2779 : vector<1x16xi32> to vector<16xi32>
    %swap3A_2781 = vector.shape_cast %add3A_2775 : vector<16xi32> to vector<1x16xi32>
    tpu.vector_store %arg6[%swap3A_2777, %swap3A_2778], %swap3A_2781 {strides = array<i32>} : memref<26x128xi32, #tpu.memory_space<vmem>>, vector<1x16xi32>,
    %get3A_2782 = arith.constant 18 : i32
    %get3A_2783 = arith.index_cast %get3A_2782 : i32 to index
    %get3A_2784 = arith.constant 96 : index
    %get3A_2785 = tpu.vector_load %arg6[%get3A_2783, %get3A_2784] {strides = array<i32>} : memref<26x128xi32, #tpu.memory_space<vmem>>, vector<1x16xi32>,
    %get3A_2786 = vector.shape_cast %get3A_2785 : vector<1x16xi32> to vector<16xi32>
    %get3A_2787 = arith.constant 18 : i32
    %get3A_2788 = arith.index_cast %get3A_2787 : i32 to index
    %get3A_2789 = arith.constant 96 : index
    %get3A_2790 = tpu.vector_load %arg7[%get3A_2788, %get3A_2789] {strides = array<i32>} : memref<26x128xi32, #tpu.memory_space<vmem>>, vector<1x16xi32>,
    %get3A_2791 = vector.shape_cast %get3A_2790 : vector<1x16xi32> to vector<16xi32>
    %add3A_2792 = arith.addi %get3A_2786, %get3A_2791 : vector<16xi32>
    %swap3A_2793 = arith.constant 18 : i32
    %swap3A_2794 = arith.index_cast %swap3A_2793 : i32 to index
    %swap3A_2795 = arith.constant 96 : index
    %swap3A_2796 = tpu.vector_load %arg6[%swap3A_2794, %swap3A_2795] {strides = array<i32>} : memref<26x128xi32, #tpu.memory_space<vmem>>, vector<1x16xi32>,
    %swap3A_2797 = vector.shape_cast %swap3A_2796 : vector<1x16xi32> to vector<16xi32>
    %swap3A_2798 = vector.shape_cast %add3A_2792 : vector<16xi32> to vector<1x16xi32>
    tpu.vector_store %arg6[%swap3A_2794, %swap3A_2795], %swap3A_2798 {strides = array<i32>} : memref<26x128xi32, #tpu.memory_space<vmem>>, vector<1x16xi32>,
    %get3A_2799 = arith.constant 18 : i32
    %get3A_2800 = arith.index_cast %get3A_2799 : i32 to index
    %get3A_2801 = arith.constant 112 : index
    %get3A_2802 = tpu.vector_load %arg6[%get3A_2800, %get3A_2801] {strides = array<i32>} : memref<26x128xi32, #tpu.memory_space<vmem>>, vector<1x16xi32>,
    %get3A_2803 = vector.shape_cast %get3A_2802 : vector<1x16xi32> to vector<16xi32>
    %get3A_2804 = arith.constant 18 : i32
    %get3A_2805 = arith.index_cast %get3A_2804 : i32 to index
    %get3A_2806 = arith.constant 112 : index
    %get3A_2807 = tpu.vector_load %arg7[%get3A_2805, %get3A_2806] {strides = array<i32>} : memref<26x128xi32, #tpu.memory_space<vmem>>, vector<1x16xi32>,
    %get3A_2808 = vector.shape_cast %get3A_2807 : vector<1x16xi32> to vector<16xi32>
    %add3A_2809 = arith.addi %get3A_2803, %get3A_2808 : vector<16xi32>
    %swap3A_2810 = arith.constant 18 : i32
    %swap3A_2811 = arith.index_cast %swap3A_2810 : i32 to index
    %swap3A_2812 = arith.constant 112 : index
    %swap3A_2813 = tpu.vector_load %arg6[%swap3A_2811, %swap3A_2812] {strides = array<i32>} : memref<26x128xi32, #tpu.memory_space<vmem>>, vector<1x16xi32>,
    %swap3A_2814 = vector.shape_cast %swap3A_2813 : vector<1x16xi32> to vector<16xi32>
    %swap3A_2815 = vector.shape_cast %add3A_2809 : vector<16xi32> to vector<1x16xi32>
    tpu.vector_store %arg6[%swap3A_2811, %swap3A_2812], %swap3A_2815 {strides = array<i32>} : memref<26x128xi32, #tpu.memory_space<vmem>>, vector<1x16xi32>,
    %dma_start3A_2816 = arith.constant 18 : i32
    %dma_start3A_2817 = arith.constant 9 : i32
    %dma_start3A_2818 = arith.constant 2304 : i32
    %dma_start3A_2819 = arith.constant 0 : i32
    %dma_start3A_2820 = tpu.memref_slice %arg8[%dma_start3A_2818, %dma_start3A_2819] : memref<3328x32xf32, #tpu.memory_space<vmem>> -> memref<128x32xf32, #tpu.memory_space<vmem>>
    %dma_start3A_2821 = arith.constant 0 : i32
    %dma_start3A_2822 = tpu.memref_slice %arg6[%dma_start3A_2816, %dma_start3A_2821] : memref<26x128xi32, #tpu.memory_space<vmem>> -> memref<1x128xi32, #tpu.memory_space<vmem>>
    %dma_start3A_2823 = tpu.memref_squeeze %dma_start3A_2822 : memref<1x128xi32, #tpu.memory_space<vmem>> -> memref<128xi32, #tpu.memory_space<vmem>>
    %dma_start3A_2824 = arith.constant 0 : i32
    %dma_start3A_2825 = arith.constant 0 : i32
    %dma_start3A_2826 = tpu.memref_slice %arg2[%dma_start3A_2824, %dma_start3A_2825] : memref<2600000x32xf32, #tpu.memory_space<hbm>> -> memref<2600000x32xf32, #tpu.memory_space<hbm>>
    %dma_start3A_2827 = tpu.memref_slice %arg9[%dma_start3A_2817] : memref<13x!tpu.dma_semaphore, #tpu.memory_space<semaphore_mem>> -> memref<1x!tpu.dma_semaphore, #tpu.memory_space<semaphore_mem>>
    %dma_start3A_2828 = tpu.memref_squeeze %dma_start3A_2827 : memref<1x!tpu.dma_semaphore, #tpu.memory_space<semaphore_mem>> -> memref<!tpu.dma_semaphore, #tpu.memory_space<semaphore_mem>>
    tpu.enqueue_indirect_dma source(%dma_start3A_2826 : memref<2600000x32xf32, #tpu.memory_space<hbm>>) target(%dma_start3A_2820 : memref<128x32xf32, #tpu.memory_space<vmem>>) offsets(%dma_start3A_2823 : memref<128xi32, #tpu.memory_space<vmem>>) semaphore(%dma_start3A_2828 : memref<!tpu.dma_semaphore, #tpu.memory_space<semaphore_mem>>)
    %get3A_2829 = arith.constant 19 : i32
    %get3A_2830 = arith.index_cast %get3A_2829 : i32 to index
    %get3A_2831 = arith.constant 0 : index
    %get3A_2832 = tpu.vector_load %arg6[%get3A_2830, %get3A_2831] {strides = array<i32>} : memref<26x128xi32, #tpu.memory_space<vmem>>, vector<1x16xi32>,
    %get3A_2833 = vector.shape_cast %get3A_2832 : vector<1x16xi32> to vector<16xi32>
    %get3A_2834 = arith.constant 19 : i32
    %get3A_2835 = arith.index_cast %get3A_2834 : i32 to index
    %get3A_2836 = arith.constant 0 : index
    %get3A_2837 = tpu.vector_load %arg7[%get3A_2835, %get3A_2836] {strides = array<i32>} : memref<26x128xi32, #tpu.memory_space<vmem>>, vector<1x16xi32>,
    %get3A_2838 = vector.shape_cast %get3A_2837 : vector<1x16xi32> to vector<16xi32>
    %add3A_2839 = arith.addi %get3A_2833, %get3A_2838 : vector<16xi32>
    %swap3A_2840 = arith.constant 19 : i32
    %swap3A_2841 = arith.index_cast %swap3A_2840 : i32 to index
    %swap3A_2842 = arith.constant 0 : index
    %swap3A_2843 = tpu.vector_load %arg6[%swap3A_2841, %swap3A_2842] {strides = array<i32>} : memref<26x128xi32, #tpu.memory_space<vmem>>, vector<1x16xi32>,
    %swap3A_2844 = vector.shape_cast %swap3A_2843 : vector<1x16xi32> to vector<16xi32>
    %swap3A_2845 = vector.shape_cast %add3A_2839 : vector<16xi32> to vector<1x16xi32>
    tpu.vector_store %arg6[%swap3A_2841, %swap3A_2842], %swap3A_2845 {strides = array<i32>} : memref<26x128xi32, #tpu.memory_space<vmem>>, vector<1x16xi32>,
    %get3A_2846 = arith.constant 19 : i32
    %get3A_2847 = arith.index_cast %get3A_2846 : i32 to index
    %get3A_2848 = arith.constant 16 : index
    %get3A_2849 = tpu.vector_load %arg6[%get3A_2847, %get3A_2848] {strides = array<i32>} : memref<26x128xi32, #tpu.memory_space<vmem>>, vector<1x16xi32>,
    %get3A_2850 = vector.shape_cast %get3A_2849 : vector<1x16xi32> to vector<16xi32>
    %get3A_2851 = arith.constant 19 : i32
    %get3A_2852 = arith.index_cast %get3A_2851 : i32 to index
    %get3A_2853 = arith.constant 16 : index
    %get3A_2854 = tpu.vector_load %arg7[%get3A_2852, %get3A_2853] {strides = array<i32>} : memref<26x128xi32, #tpu.memory_space<vmem>>, vector<1x16xi32>,
    %get3A_2855 = vector.shape_cast %get3A_2854 : vector<1x16xi32> to vector<16xi32>
    %add3A_2856 = arith.addi %get3A_2850, %get3A_2855 : vector<16xi32>
    %swap3A_2857 = arith.constant 19 : i32
    %swap3A_2858 = arith.index_cast %swap3A_2857 : i32 to index
    %swap3A_2859 = arith.constant 16 : index
    %swap3A_2860 = tpu.vector_load %arg6[%swap3A_2858, %swap3A_2859] {strides = array<i32>} : memref<26x128xi32, #tpu.memory_space<vmem>>, vector<1x16xi32>,
    %swap3A_2861 = vector.shape_cast %swap3A_2860 : vector<1x16xi32> to vector<16xi32>
    %swap3A_2862 = vector.shape_cast %add3A_2856 : vector<16xi32> to vector<1x16xi32>
    tpu.vector_store %arg6[%swap3A_2858, %swap3A_2859], %swap3A_2862 {strides = array<i32>} : memref<26x128xi32, #tpu.memory_space<vmem>>, vector<1x16xi32>,
    %get3A_2863 = arith.constant 19 : i32
    %get3A_2864 = arith.index_cast %get3A_2863 : i32 to index
    %get3A_2865 = arith.constant 32 : index
    %get3A_2866 = tpu.vector_load %arg6[%get3A_2864, %get3A_2865] {strides = array<i32>} : memref<26x128xi32, #tpu.memory_space<vmem>>, vector<1x16xi32>,
    %get3A_2867 = vector.shape_cast %get3A_2866 : vector<1x16xi32> to vector<16xi32>
    %get3A_2868 = arith.constant 19 : i32
    %get3A_2869 = arith.index_cast %get3A_2868 : i32 to index
    %get3A_2870 = arith.constant 32 : index
    %get3A_2871 = tpu.vector_load %arg7[%get3A_2869, %get3A_2870] {strides = array<i32>} : memref<26x128xi32, #tpu.memory_space<vmem>>, vector<1x16xi32>,
    %get3A_2872 = vector.shape_cast %get3A_2871 : vector<1x16xi32> to vector<16xi32>
    %add3A_2873 = arith.addi %get3A_2867, %get3A_2872 : vector<16xi32>
    %swap3A_2874 = arith.constant 19 : i32
    %swap3A_2875 = arith.index_cast %swap3A_2874 : i32 to index
    %swap3A_2876 = arith.constant 32 : index
    %swap3A_2877 = tpu.vector_load %arg6[%swap3A_2875, %swap3A_2876] {strides = array<i32>} : memref<26x128xi32, #tpu.memory_space<vmem>>, vector<1x16xi32>,
    %swap3A_2878 = vector.shape_cast %swap3A_2877 : vector<1x16xi32> to vector<16xi32>
    %swap3A_2879 = vector.shape_cast %add3A_2873 : vector<16xi32> to vector<1x16xi32>
    tpu.vector_store %arg6[%swap3A_2875, %swap3A_2876], %swap3A_2879 {strides = array<i32>} : memref<26x128xi32, #tpu.memory_space<vmem>>, vector<1x16xi32>,
    %get3A_2880 = arith.constant 19 : i32
    %get3A_2881 = arith.index_cast %get3A_2880 : i32 to index
    %get3A_2882 = arith.constant 48 : index
    %get3A_2883 = tpu.vector_load %arg6[%get3A_2881, %get3A_2882] {strides = array<i32>} : memref<26x128xi32, #tpu.memory_space<vmem>>, vector<1x16xi32>,
    %get3A_2884 = vector.shape_cast %get3A_2883 : vector<1x16xi32> to vector<16xi32>
    %get3A_2885 = arith.constant 19 : i32
    %get3A_2886 = arith.index_cast %get3A_2885 : i32 to index
    %get3A_2887 = arith.constant 48 : index
    %get3A_2888 = tpu.vector_load %arg7[%get3A_2886, %get3A_2887] {strides = array<i32>} : memref<26x128xi32, #tpu.memory_space<vmem>>, vector<1x16xi32>,
    %get3A_2889 = vector.shape_cast %get3A_2888 : vector<1x16xi32> to vector<16xi32>
    %add3A_2890 = arith.addi %get3A_2884, %get3A_2889 : vector<16xi32>
    %swap3A_2891 = arith.constant 19 : i32
    %swap3A_2892 = arith.index_cast %swap3A_2891 : i32 to index
    %swap3A_2893 = arith.constant 48 : index
    %swap3A_2894 = tpu.vector_load %arg6[%swap3A_2892, %swap3A_2893] {strides = array<i32>} : memref<26x128xi32, #tpu.memory_space<vmem>>, vector<1x16xi32>,
    %swap3A_2895 = vector.shape_cast %swap3A_2894 : vector<1x16xi32> to vector<16xi32>
    %swap3A_2896 = vector.shape_cast %add3A_2890 : vector<16xi32> to vector<1x16xi32>
    tpu.vector_store %arg6[%swap3A_2892, %swap3A_2893], %swap3A_2896 {strides = array<i32>} : memref<26x128xi32, #tpu.memory_space<vmem>>, vector<1x16xi32>,
    %get3A_2897 = arith.constant 19 : i32
    %get3A_2898 = arith.index_cast %get3A_2897 : i32 to index
    %get3A_2899 = arith.constant 64 : index
    %get3A_2900 = tpu.vector_load %arg6[%get3A_2898, %get3A_2899] {strides = array<i32>} : memref<26x128xi32, #tpu.memory_space<vmem>>, vector<1x16xi32>,
    %get3A_2901 = vector.shape_cast %get3A_2900 : vector<1x16xi32> to vector<16xi32>
    %get3A_2902 = arith.constant 19 : i32
    %get3A_2903 = arith.index_cast %get3A_2902 : i32 to index
    %get3A_2904 = arith.constant 64 : index
    %get3A_2905 = tpu.vector_load %arg7[%get3A_2903, %get3A_2904] {strides = array<i32>} : memref<26x128xi32, #tpu.memory_space<vmem>>, vector<1x16xi32>,
    %get3A_2906 = vector.shape_cast %get3A_2905 : vector<1x16xi32> to vector<16xi32>
    %add3A_2907 = arith.addi %get3A_2901, %get3A_2906 : vector<16xi32>
    %swap3A_2908 = arith.constant 19 : i32
    %swap3A_2909 = arith.index_cast %swap3A_2908 : i32 to index
    %swap3A_2910 = arith.constant 64 : index
    %swap3A_2911 = tpu.vector_load %arg6[%swap3A_2909, %swap3A_2910] {strides = array<i32>} : memref<26x128xi32, #tpu.memory_space<vmem>>, vector<1x16xi32>,
    %swap3A_2912 = vector.shape_cast %swap3A_2911 : vector<1x16xi32> to vector<16xi32>
    %swap3A_2913 = vector.shape_cast %add3A_2907 : vector<16xi32> to vector<1x16xi32>
    tpu.vector_store %arg6[%swap3A_2909, %swap3A_2910], %swap3A_2913 {strides = array<i32>} : memref<26x128xi32, #tpu.memory_space<vmem>>, vector<1x16xi32>,
    %get3A_2914 = arith.constant 19 : i32
    %get3A_2915 = arith.index_cast %get3A_2914 : i32 to index
    %get3A_2916 = arith.constant 80 : index
    %get3A_2917 = tpu.vector_load %arg6[%get3A_2915, %get3A_2916] {strides = array<i32>} : memref<26x128xi32, #tpu.memory_space<vmem>>, vector<1x16xi32>,
    %get3A_2918 = vector.shape_cast %get3A_2917 : vector<1x16xi32> to vector<16xi32>
    %get3A_2919 = arith.constant 19 : i32
    %get3A_2920 = arith.index_cast %get3A_2919 : i32 to index
    %get3A_2921 = arith.constant 80 : index
    %get3A_2922 = tpu.vector_load %arg7[%get3A_2920, %get3A_2921] {strides = array<i32>} : memref<26x128xi32, #tpu.memory_space<vmem>>, vector<1x16xi32>,
    %get3A_2923 = vector.shape_cast %get3A_2922 : vector<1x16xi32> to vector<16xi32>
    %add3A_2924 = arith.addi %get3A_2918, %get3A_2923 : vector<16xi32>
    %swap3A_2925 = arith.constant 19 : i32
    %swap3A_2926 = arith.index_cast %swap3A_2925 : i32 to index
    %swap3A_2927 = arith.constant 80 : index
    %swap3A_2928 = tpu.vector_load %arg6[%swap3A_2926, %swap3A_2927] {strides = array<i32>} : memref<26x128xi32, #tpu.memory_space<vmem>>, vector<1x16xi32>,
    %swap3A_2929 = vector.shape_cast %swap3A_2928 : vector<1x16xi32> to vector<16xi32>
    %swap3A_2930 = vector.shape_cast %add3A_2924 : vector<16xi32> to vector<1x16xi32>
    tpu.vector_store %arg6[%swap3A_2926, %swap3A_2927], %swap3A_2930 {strides = array<i32>} : memref<26x128xi32, #tpu.memory_space<vmem>>, vector<1x16xi32>,
    %get3A_2931 = arith.constant 19 : i32
    %get3A_2932 = arith.index_cast %get3A_2931 : i32 to index
    %get3A_2933 = arith.constant 96 : index
    %get3A_2934 = tpu.vector_load %arg6[%get3A_2932, %get3A_2933] {strides = array<i32>} : memref<26x128xi32, #tpu.memory_space<vmem>>, vector<1x16xi32>,
    %get3A_2935 = vector.shape_cast %get3A_2934 : vector<1x16xi32> to vector<16xi32>
    %get3A_2936 = arith.constant 19 : i32
    %get3A_2937 = arith.index_cast %get3A_2936 : i32 to index
    %get3A_2938 = arith.constant 96 : index
    %get3A_2939 = tpu.vector_load %arg7[%get3A_2937, %get3A_2938] {strides = array<i32>} : memref<26x128xi32, #tpu.memory_space<vmem>>, vector<1x16xi32>,
    %get3A_2940 = vector.shape_cast %get3A_2939 : vector<1x16xi32> to vector<16xi32>
    %add3A_2941 = arith.addi %get3A_2935, %get3A_2940 : vector<16xi32>
    %swap3A_2942 = arith.constant 19 : i32
    %swap3A_2943 = arith.index_cast %swap3A_2942 : i32 to index
    %swap3A_2944 = arith.constant 96 : index
    %swap3A_2945 = tpu.vector_load %arg6[%swap3A_2943, %swap3A_2944] {strides = array<i32>} : memref<26x128xi32, #tpu.memory_space<vmem>>, vector<1x16xi32>,
    %swap3A_2946 = vector.shape_cast %swap3A_2945 : vector<1x16xi32> to vector<16xi32>
    %swap3A_2947 = vector.shape_cast %add3A_2941 : vector<16xi32> to vector<1x16xi32>
    tpu.vector_store %arg6[%swap3A_2943, %swap3A_2944], %swap3A_2947 {strides = array<i32>} : memref<26x128xi32, #tpu.memory_space<vmem>>, vector<1x16xi32>,
    %get3A_2948 = arith.constant 19 : i32
    %get3A_2949 = arith.index_cast %get3A_2948 : i32 to index
    %get3A_2950 = arith.constant 112 : index
    %get3A_2951 = tpu.vector_load %arg6[%get3A_2949, %get3A_2950] {strides = array<i32>} : memref<26x128xi32, #tpu.memory_space<vmem>>, vector<1x16xi32>,
    %get3A_2952 = vector.shape_cast %get3A_2951 : vector<1x16xi32> to vector<16xi32>
    %get3A_2953 = arith.constant 19 : i32
    %get3A_2954 = arith.index_cast %get3A_2953 : i32 to index
    %get3A_2955 = arith.constant 112 : index
    %get3A_2956 = tpu.vector_load %arg7[%get3A_2954, %get3A_2955] {strides = array<i32>} : memref<26x128xi32, #tpu.memory_space<vmem>>, vector<1x16xi32>,
    %get3A_2957 = vector.shape_cast %get3A_2956 : vector<1x16xi32> to vector<16xi32>
    %add3A_2958 = arith.addi %get3A_2952, %get3A_2957 : vector<16xi32>
    %swap3A_2959 = arith.constant 19 : i32
    %swap3A_2960 = arith.index_cast %swap3A_2959 : i32 to index
    %swap3A_2961 = arith.constant 112 : index
    %swap3A_2962 = tpu.vector_load %arg6[%swap3A_2960, %swap3A_2961] {strides = array<i32>} : memref<26x128xi32, #tpu.memory_space<vmem>>, vector<1x16xi32>,
    %swap3A_2963 = vector.shape_cast %swap3A_2962 : vector<1x16xi32> to vector<16xi32>
    %swap3A_2964 = vector.shape_cast %add3A_2958 : vector<16xi32> to vector<1x16xi32>
    tpu.vector_store %arg6[%swap3A_2960, %swap3A_2961], %swap3A_2964 {strides = array<i32>} : memref<26x128xi32, #tpu.memory_space<vmem>>, vector<1x16xi32>,
    %dma_start3A_2965 = arith.constant 19 : i32
    %dma_start3A_2966 = arith.constant 9 : i32
    %dma_start3A_2967 = arith.constant 2432 : i32
    %dma_start3A_2968 = arith.constant 0 : i32
    %dma_start3A_2969 = tpu.memref_slice %arg8[%dma_start3A_2967, %dma_start3A_2968] : memref<3328x32xf32, #tpu.memory_space<vmem>> -> memref<128x32xf32, #tpu.memory_space<vmem>>
    %dma_start3A_2970 = arith.constant 0 : i32
    %dma_start3A_2971 = tpu.memref_slice %arg6[%dma_start3A_2965, %dma_start3A_2970] : memref<26x128xi32, #tpu.memory_space<vmem>> -> memref<1x128xi32, #tpu.memory_space<vmem>>
    %dma_start3A_2972 = tpu.memref_squeeze %dma_start3A_2971 : memref<1x128xi32, #tpu.memory_space<vmem>> -> memref<128xi32, #tpu.memory_space<vmem>>
    %dma_start3A_2973 = arith.constant 0 : i32
    %dma_start3A_2974 = arith.constant 0 : i32
    %dma_start3A_2975 = tpu.memref_slice %arg2[%dma_start3A_2973, %dma_start3A_2974] : memref<2600000x32xf32, #tpu.memory_space<hbm>> -> memref<2600000x32xf32, #tpu.memory_space<hbm>>
    %dma_start3A_2976 = tpu.memref_slice %arg9[%dma_start3A_2966] : memref<13x!tpu.dma_semaphore, #tpu.memory_space<semaphore_mem>> -> memref<1x!tpu.dma_semaphore, #tpu.memory_space<semaphore_mem>>
    %dma_start3A_2977 = tpu.memref_squeeze %dma_start3A_2976 : memref<1x!tpu.dma_semaphore, #tpu.memory_space<semaphore_mem>> -> memref<!tpu.dma_semaphore, #tpu.memory_space<semaphore_mem>>
    tpu.enqueue_indirect_dma source(%dma_start3A_2975 : memref<2600000x32xf32, #tpu.memory_space<hbm>>) target(%dma_start3A_2969 : memref<128x32xf32, #tpu.memory_space<vmem>>) offsets(%dma_start3A_2972 : memref<128xi32, #tpu.memory_space<vmem>>) semaphore(%dma_start3A_2977 : memref<!tpu.dma_semaphore, #tpu.memory_space<semaphore_mem>>)
    %get3A_2978 = arith.constant 20 : i32
    %get3A_2979 = arith.index_cast %get3A_2978 : i32 to index
    %get3A_2980 = arith.constant 0 : index
    %get3A_2981 = tpu.vector_load %arg6[%get3A_2979, %get3A_2980] {strides = array<i32>} : memref<26x128xi32, #tpu.memory_space<vmem>>, vector<1x16xi32>,
    %get3A_2982 = vector.shape_cast %get3A_2981 : vector<1x16xi32> to vector<16xi32>
    %get3A_2983 = arith.constant 20 : i32
    %get3A_2984 = arith.index_cast %get3A_2983 : i32 to index
    %get3A_2985 = arith.constant 0 : index
    %get3A_2986 = tpu.vector_load %arg7[%get3A_2984, %get3A_2985] {strides = array<i32>} : memref<26x128xi32, #tpu.memory_space<vmem>>, vector<1x16xi32>,
    %get3A_2987 = vector.shape_cast %get3A_2986 : vector<1x16xi32> to vector<16xi32>
    %add3A_2988 = arith.addi %get3A_2982, %get3A_2987 : vector<16xi32>
    %swap3A_2989 = arith.constant 20 : i32
    %swap3A_2990 = arith.index_cast %swap3A_2989 : i32 to index
    %swap3A_2991 = arith.constant 0 : index
    %swap3A_2992 = tpu.vector_load %arg6[%swap3A_2990, %swap3A_2991] {strides = array<i32>} : memref<26x128xi32, #tpu.memory_space<vmem>>, vector<1x16xi32>,
    %swap3A_2993 = vector.shape_cast %swap3A_2992 : vector<1x16xi32> to vector<16xi32>
    %swap3A_2994 = vector.shape_cast %add3A_2988 : vector<16xi32> to vector<1x16xi32>
    tpu.vector_store %arg6[%swap3A_2990, %swap3A_2991], %swap3A_2994 {strides = array<i32>} : memref<26x128xi32, #tpu.memory_space<vmem>>, vector<1x16xi32>,
    %get3A_2995 = arith.constant 20 : i32
    %get3A_2996 = arith.index_cast %get3A_2995 : i32 to index
    %get3A_2997 = arith.constant 16 : index
    %get3A_2998 = tpu.vector_load %arg6[%get3A_2996, %get3A_2997] {strides = array<i32>} : memref<26x128xi32, #tpu.memory_space<vmem>>, vector<1x16xi32>,
    %get3A_2999 = vector.shape_cast %get3A_2998 : vector<1x16xi32> to vector<16xi32>
    %get3A_3000 = arith.constant 20 : i32
    %get3A_3001 = arith.index_cast %get3A_3000 : i32 to index
    %get3A_3002 = arith.constant 16 : index
    %get3A_3003 = tpu.vector_load %arg7[%get3A_3001, %get3A_3002] {strides = array<i32>} : memref<26x128xi32, #tpu.memory_space<vmem>>, vector<1x16xi32>,
    %get3A_3004 = vector.shape_cast %get3A_3003 : vector<1x16xi32> to vector<16xi32>
    %add3A_3005 = arith.addi %get3A_2999, %get3A_3004 : vector<16xi32>
    %swap3A_3006 = arith.constant 20 : i32
    %swap3A_3007 = arith.index_cast %swap3A_3006 : i32 to index
    %swap3A_3008 = arith.constant 16 : index
    %swap3A_3009 = tpu.vector_load %arg6[%swap3A_3007, %swap3A_3008] {strides = array<i32>} : memref<26x128xi32, #tpu.memory_space<vmem>>, vector<1x16xi32>,
    %swap3A_3010 = vector.shape_cast %swap3A_3009 : vector<1x16xi32> to vector<16xi32>
    %swap3A_3011 = vector.shape_cast %add3A_3005 : vector<16xi32> to vector<1x16xi32>
    tpu.vector_store %arg6[%swap3A_3007, %swap3A_3008], %swap3A_3011 {strides = array<i32>} : memref<26x128xi32, #tpu.memory_space<vmem>>, vector<1x16xi32>,
    %get3A_3012 = arith.constant 20 : i32
    %get3A_3013 = arith.index_cast %get3A_3012 : i32 to index
    %get3A_3014 = arith.constant 32 : index
    %get3A_3015 = tpu.vector_load %arg6[%get3A_3013, %get3A_3014] {strides = array<i32>} : memref<26x128xi32, #tpu.memory_space<vmem>>, vector<1x16xi32>,
    %get3A_3016 = vector.shape_cast %get3A_3015 : vector<1x16xi32> to vector<16xi32>
    %get3A_3017 = arith.constant 20 : i32
    %get3A_3018 = arith.index_cast %get3A_3017 : i32 to index
    %get3A_3019 = arith.constant 32 : index
    %get3A_3020 = tpu.vector_load %arg7[%get3A_3018, %get3A_3019] {strides = array<i32>} : memref<26x128xi32, #tpu.memory_space<vmem>>, vector<1x16xi32>,
    %get3A_3021 = vector.shape_cast %get3A_3020 : vector<1x16xi32> to vector<16xi32>
    %add3A_3022 = arith.addi %get3A_3016, %get3A_3021 : vector<16xi32>
    %swap3A_3023 = arith.constant 20 : i32
    %swap3A_3024 = arith.index_cast %swap3A_3023 : i32 to index
    %swap3A_3025 = arith.constant 32 : index
    %swap3A_3026 = tpu.vector_load %arg6[%swap3A_3024, %swap3A_3025] {strides = array<i32>} : memref<26x128xi32, #tpu.memory_space<vmem>>, vector<1x16xi32>,
    %swap3A_3027 = vector.shape_cast %swap3A_3026 : vector<1x16xi32> to vector<16xi32>
    %swap3A_3028 = vector.shape_cast %add3A_3022 : vector<16xi32> to vector<1x16xi32>
    tpu.vector_store %arg6[%swap3A_3024, %swap3A_3025], %swap3A_3028 {strides = array<i32>} : memref<26x128xi32, #tpu.memory_space<vmem>>, vector<1x16xi32>,
    %get3A_3029 = arith.constant 20 : i32
    %get3A_3030 = arith.index_cast %get3A_3029 : i32 to index
    %get3A_3031 = arith.constant 48 : index
    %get3A_3032 = tpu.vector_load %arg6[%get3A_3030, %get3A_3031] {strides = array<i32>} : memref<26x128xi32, #tpu.memory_space<vmem>>, vector<1x16xi32>,
    %get3A_3033 = vector.shape_cast %get3A_3032 : vector<1x16xi32> to vector<16xi32>
    %get3A_3034 = arith.constant 20 : i32
    %get3A_3035 = arith.index_cast %get3A_3034 : i32 to index
    %get3A_3036 = arith.constant 48 : index
    %get3A_3037 = tpu.vector_load %arg7[%get3A_3035, %get3A_3036] {strides = array<i32>} : memref<26x128xi32, #tpu.memory_space<vmem>>, vector<1x16xi32>,
    %get3A_3038 = vector.shape_cast %get3A_3037 : vector<1x16xi32> to vector<16xi32>
    %add3A_3039 = arith.addi %get3A_3033, %get3A_3038 : vector<16xi32>
    %swap3A_3040 = arith.constant 20 : i32
    %swap3A_3041 = arith.index_cast %swap3A_3040 : i32 to index
    %swap3A_3042 = arith.constant 48 : index
    %swap3A_3043 = tpu.vector_load %arg6[%swap3A_3041, %swap3A_3042] {strides = array<i32>} : memref<26x128xi32, #tpu.memory_space<vmem>>, vector<1x16xi32>,
    %swap3A_3044 = vector.shape_cast %swap3A_3043 : vector<1x16xi32> to vector<16xi32>
    %swap3A_3045 = vector.shape_cast %add3A_3039 : vector<16xi32> to vector<1x16xi32>
    tpu.vector_store %arg6[%swap3A_3041, %swap3A_3042], %swap3A_3045 {strides = array<i32>} : memref<26x128xi32, #tpu.memory_space<vmem>>, vector<1x16xi32>,
    %get3A_3046 = arith.constant 20 : i32
    %get3A_3047 = arith.index_cast %get3A_3046 : i32 to index
    %get3A_3048 = arith.constant 64 : index
    %get3A_3049 = tpu.vector_load %arg6[%get3A_3047, %get3A_3048] {strides = array<i32>} : memref<26x128xi32, #tpu.memory_space<vmem>>, vector<1x16xi32>,
    %get3A_3050 = vector.shape_cast %get3A_3049 : vector<1x16xi32> to vector<16xi32>
    %get3A_3051 = arith.constant 20 : i32
    %get3A_3052 = arith.index_cast %get3A_3051 : i32 to index
    %get3A_3053 = arith.constant 64 : index
    %get3A_3054 = tpu.vector_load %arg7[%get3A_3052, %get3A_3053] {strides = array<i32>} : memref<26x128xi32, #tpu.memory_space<vmem>>, vector<1x16xi32>,
    %get3A_3055 = vector.shape_cast %get3A_3054 : vector<1x16xi32> to vector<16xi32>
    %add3A_3056 = arith.addi %get3A_3050, %get3A_3055 : vector<16xi32>
    %swap3A_3057 = arith.constant 20 : i32
    %swap3A_3058 = arith.index_cast %swap3A_3057 : i32 to index
    %swap3A_3059 = arith.constant 64 : index
    %swap3A_3060 = tpu.vector_load %arg6[%swap3A_3058, %swap3A_3059] {strides = array<i32>} : memref<26x128xi32, #tpu.memory_space<vmem>>, vector<1x16xi32>,
    %swap3A_3061 = vector.shape_cast %swap3A_3060 : vector<1x16xi32> to vector<16xi32>
    %swap3A_3062 = vector.shape_cast %add3A_3056 : vector<16xi32> to vector<1x16xi32>
    tpu.vector_store %arg6[%swap3A_3058, %swap3A_3059], %swap3A_3062 {strides = array<i32>} : memref<26x128xi32, #tpu.memory_space<vmem>>, vector<1x16xi32>,
    %get3A_3063 = arith.constant 20 : i32
    %get3A_3064 = arith.index_cast %get3A_3063 : i32 to index
    %get3A_3065 = arith.constant 80 : index
    %get3A_3066 = tpu.vector_load %arg6[%get3A_3064, %get3A_3065] {strides = array<i32>} : memref<26x128xi32, #tpu.memory_space<vmem>>, vector<1x16xi32>,
    %get3A_3067 = vector.shape_cast %get3A_3066 : vector<1x16xi32> to vector<16xi32>
    %get3A_3068 = arith.constant 20 : i32
    %get3A_3069 = arith.index_cast %get3A_3068 : i32 to index
    %get3A_3070 = arith.constant 80 : index
    %get3A_3071 = tpu.vector_load %arg7[%get3A_3069, %get3A_3070] {strides = array<i32>} : memref<26x128xi32, #tpu.memory_space<vmem>>, vector<1x16xi32>,
    %get3A_3072 = vector.shape_cast %get3A_3071 : vector<1x16xi32> to vector<16xi32>
    %add3A_3073 = arith.addi %get3A_3067, %get3A_3072 : vector<16xi32>
    %swap3A_3074 = arith.constant 20 : i32
    %swap3A_3075 = arith.index_cast %swap3A_3074 : i32 to index
    %swap3A_3076 = arith.constant 80 : index
    %swap3A_3077 = tpu.vector_load %arg6[%swap3A_3075, %swap3A_3076] {strides = array<i32>} : memref<26x128xi32, #tpu.memory_space<vmem>>, vector<1x16xi32>,
    %swap3A_3078 = vector.shape_cast %swap3A_3077 : vector<1x16xi32> to vector<16xi32>
    %swap3A_3079 = vector.shape_cast %add3A_3073 : vector<16xi32> to vector<1x16xi32>
    tpu.vector_store %arg6[%swap3A_3075, %swap3A_3076], %swap3A_3079 {strides = array<i32>} : memref<26x128xi32, #tpu.memory_space<vmem>>, vector<1x16xi32>,
    %get3A_3080 = arith.constant 20 : i32
    %get3A_3081 = arith.index_cast %get3A_3080 : i32 to index
    %get3A_3082 = arith.constant 96 : index
    %get3A_3083 = tpu.vector_load %arg6[%get3A_3081, %get3A_3082] {strides = array<i32>} : memref<26x128xi32, #tpu.memory_space<vmem>>, vector<1x16xi32>,
    %get3A_3084 = vector.shape_cast %get3A_3083 : vector<1x16xi32> to vector<16xi32>
    %get3A_3085 = arith.constant 20 : i32
    %get3A_3086 = arith.index_cast %get3A_3085 : i32 to index
    %get3A_3087 = arith.constant 96 : index
    %get3A_3088 = tpu.vector_load %arg7[%get3A_3086, %get3A_3087] {strides = array<i32>} : memref<26x128xi32, #tpu.memory_space<vmem>>, vector<1x16xi32>,
    %get3A_3089 = vector.shape_cast %get3A_3088 : vector<1x16xi32> to vector<16xi32>
    %add3A_3090 = arith.addi %get3A_3084, %get3A_3089 : vector<16xi32>
    %swap3A_3091 = arith.constant 20 : i32
    %swap3A_3092 = arith.index_cast %swap3A_3091 : i32 to index
    %swap3A_3093 = arith.constant 96 : index
    %swap3A_3094 = tpu.vector_load %arg6[%swap3A_3092, %swap3A_3093] {strides = array<i32>} : memref<26x128xi32, #tpu.memory_space<vmem>>, vector<1x16xi32>,
    %swap3A_3095 = vector.shape_cast %swap3A_3094 : vector<1x16xi32> to vector<16xi32>
    %swap3A_3096 = vector.shape_cast %add3A_3090 : vector<16xi32> to vector<1x16xi32>
    tpu.vector_store %arg6[%swap3A_3092, %swap3A_3093], %swap3A_3096 {strides = array<i32>} : memref<26x128xi32, #tpu.memory_space<vmem>>, vector<1x16xi32>,
    %get3A_3097 = arith.constant 20 : i32
    %get3A_3098 = arith.index_cast %get3A_3097 : i32 to index
    %get3A_3099 = arith.constant 112 : index
    %get3A_3100 = tpu.vector_load %arg6[%get3A_3098, %get3A_3099] {strides = array<i32>} : memref<26x128xi32, #tpu.memory_space<vmem>>, vector<1x16xi32>,
    %get3A_3101 = vector.shape_cast %get3A_3100 : vector<1x16xi32> to vector<16xi32>
    %get3A_3102 = arith.constant 20 : i32
    %get3A_3103 = arith.index_cast %get3A_3102 : i32 to index
    %get3A_3104 = arith.constant 112 : index
    %get3A_3105 = tpu.vector_load %arg7[%get3A_3103, %get3A_3104] {strides = array<i32>} : memref<26x128xi32, #tpu.memory_space<vmem>>, vector<1x16xi32>,
    %get3A_3106 = vector.shape_cast %get3A_3105 : vector<1x16xi32> to vector<16xi32>
    %add3A_3107 = arith.addi %get3A_3101, %get3A_3106 : vector<16xi32>
    %swap3A_3108 = arith.constant 20 : i32
    %swap3A_3109 = arith.index_cast %swap3A_3108 : i32 to index
    %swap3A_3110 = arith.constant 112 : index
    %swap3A_3111 = tpu.vector_load %arg6[%swap3A_3109, %swap3A_3110] {strides = array<i32>} : memref<26x128xi32, #tpu.memory_space<vmem>>, vector<1x16xi32>,
    %swap3A_3112 = vector.shape_cast %swap3A_3111 : vector<1x16xi32> to vector<16xi32>
    %swap3A_3113 = vector.shape_cast %add3A_3107 : vector<16xi32> to vector<1x16xi32>
    tpu.vector_store %arg6[%swap3A_3109, %swap3A_3110], %swap3A_3113 {strides = array<i32>} : memref<26x128xi32, #tpu.memory_space<vmem>>, vector<1x16xi32>,
    %dma_start3A_3114 = arith.constant 20 : i32
    %dma_start3A_3115 = arith.constant 10 : i32
    %dma_start3A_3116 = arith.constant 2560 : i32
    %dma_start3A_3117 = arith.constant 0 : i32
    %dma_start3A_3118 = tpu.memref_slice %arg8[%dma_start3A_3116, %dma_start3A_3117] : memref<3328x32xf32, #tpu.memory_space<vmem>> -> memref<128x32xf32, #tpu.memory_space<vmem>>
    %dma_start3A_3119 = arith.constant 0 : i32
    %dma_start3A_3120 = tpu.memref_slice %arg6[%dma_start3A_3114, %dma_start3A_3119] : memref<26x128xi32, #tpu.memory_space<vmem>> -> memref<1x128xi32, #tpu.memory_space<vmem>>
    %dma_start3A_3121 = tpu.memref_squeeze %dma_start3A_3120 : memref<1x128xi32, #tpu.memory_space<vmem>> -> memref<128xi32, #tpu.memory_space<vmem>>
    %dma_start3A_3122 = arith.constant 0 : i32
    %dma_start3A_3123 = arith.constant 0 : i32
    %dma_start3A_3124 = tpu.memref_slice %arg2[%dma_start3A_3122, %dma_start3A_3123] : memref<2600000x32xf32, #tpu.memory_space<hbm>> -> memref<2600000x32xf32, #tpu.memory_space<hbm>>
    %dma_start3A_3125 = tpu.memref_slice %arg9[%dma_start3A_3115] : memref<13x!tpu.dma_semaphore, #tpu.memory_space<semaphore_mem>> -> memref<1x!tpu.dma_semaphore, #tpu.memory_space<semaphore_mem>>
    %dma_start3A_3126 = tpu.memref_squeeze %dma_start3A_3125 : memref<1x!tpu.dma_semaphore, #tpu.memory_space<semaphore_mem>> -> memref<!tpu.dma_semaphore, #tpu.memory_space<semaphore_mem>>
    tpu.enqueue_indirect_dma source(%dma_start3A_3124 : memref<2600000x32xf32, #tpu.memory_space<hbm>>) target(%dma_start3A_3118 : memref<128x32xf32, #tpu.memory_space<vmem>>) offsets(%dma_start3A_3121 : memref<128xi32, #tpu.memory_space<vmem>>) semaphore(%dma_start3A_3126 : memref<!tpu.dma_semaphore, #tpu.memory_space<semaphore_mem>>)
    %get3A_3127 = arith.constant 21 : i32
    %get3A_3128 = arith.index_cast %get3A_3127 : i32 to index
    %get3A_3129 = arith.constant 0 : index
    %get3A_3130 = tpu.vector_load %arg6[%get3A_3128, %get3A_3129] {strides = array<i32>} : memref<26x128xi32, #tpu.memory_space<vmem>>, vector<1x16xi32>,
    %get3A_3131 = vector.shape_cast %get3A_3130 : vector<1x16xi32> to vector<16xi32>
    %get3A_3132 = arith.constant 21 : i32
    %get3A_3133 = arith.index_cast %get3A_3132 : i32 to index
    %get3A_3134 = arith.constant 0 : index
    %get3A_3135 = tpu.vector_load %arg7[%get3A_3133, %get3A_3134] {strides = array<i32>} : memref<26x128xi32, #tpu.memory_space<vmem>>, vector<1x16xi32>,
    %get3A_3136 = vector.shape_cast %get3A_3135 : vector<1x16xi32> to vector<16xi32>
    %add3A_3137 = arith.addi %get3A_3131, %get3A_3136 : vector<16xi32>
    %swap3A_3138 = arith.constant 21 : i32
    %swap3A_3139 = arith.index_cast %swap3A_3138 : i32 to index
    %swap3A_3140 = arith.constant 0 : index
    %swap3A_3141 = tpu.vector_load %arg6[%swap3A_3139, %swap3A_3140] {strides = array<i32>} : memref<26x128xi32, #tpu.memory_space<vmem>>, vector<1x16xi32>,
    %swap3A_3142 = vector.shape_cast %swap3A_3141 : vector<1x16xi32> to vector<16xi32>
    %swap3A_3143 = vector.shape_cast %add3A_3137 : vector<16xi32> to vector<1x16xi32>
    tpu.vector_store %arg6[%swap3A_3139, %swap3A_3140], %swap3A_3143 {strides = array<i32>} : memref<26x128xi32, #tpu.memory_space<vmem>>, vector<1x16xi32>,
    %get3A_3144 = arith.constant 21 : i32
    %get3A_3145 = arith.index_cast %get3A_3144 : i32 to index
    %get3A_3146 = arith.constant 16 : index
    %get3A_3147 = tpu.vector_load %arg6[%get3A_3145, %get3A_3146] {strides = array<i32>} : memref<26x128xi32, #tpu.memory_space<vmem>>, vector<1x16xi32>,
    %get3A_3148 = vector.shape_cast %get3A_3147 : vector<1x16xi32> to vector<16xi32>
    %get3A_3149 = arith.constant 21 : i32
    %get3A_3150 = arith.index_cast %get3A_3149 : i32 to index
    %get3A_3151 = arith.constant 16 : index
    %get3A_3152 = tpu.vector_load %arg7[%get3A_3150, %get3A_3151] {strides = array<i32>} : memref<26x128xi32, #tpu.memory_space<vmem>>, vector<1x16xi32>,
    %get3A_3153 = vector.shape_cast %get3A_3152 : vector<1x16xi32> to vector<16xi32>
    %add3A_3154 = arith.addi %get3A_3148, %get3A_3153 : vector<16xi32>
    %swap3A_3155 = arith.constant 21 : i32
    %swap3A_3156 = arith.index_cast %swap3A_3155 : i32 to index
    %swap3A_3157 = arith.constant 16 : index
    %swap3A_3158 = tpu.vector_load %arg6[%swap3A_3156, %swap3A_3157] {strides = array<i32>} : memref<26x128xi32, #tpu.memory_space<vmem>>, vector<1x16xi32>,
    %swap3A_3159 = vector.shape_cast %swap3A_3158 : vector<1x16xi32> to vector<16xi32>
    %swap3A_3160 = vector.shape_cast %add3A_3154 : vector<16xi32> to vector<1x16xi32>
    tpu.vector_store %arg6[%swap3A_3156, %swap3A_3157], %swap3A_3160 {strides = array<i32>} : memref<26x128xi32, #tpu.memory_space<vmem>>, vector<1x16xi32>,
    %get3A_3161 = arith.constant 21 : i32
    %get3A_3162 = arith.index_cast %get3A_3161 : i32 to index
    %get3A_3163 = arith.constant 32 : index
    %get3A_3164 = tpu.vector_load %arg6[%get3A_3162, %get3A_3163] {strides = array<i32>} : memref<26x128xi32, #tpu.memory_space<vmem>>, vector<1x16xi32>,
    %get3A_3165 = vector.shape_cast %get3A_3164 : vector<1x16xi32> to vector<16xi32>
    %get3A_3166 = arith.constant 21 : i32
    %get3A_3167 = arith.index_cast %get3A_3166 : i32 to index
    %get3A_3168 = arith.constant 32 : index
    %get3A_3169 = tpu.vector_load %arg7[%get3A_3167, %get3A_3168] {strides = array<i32>} : memref<26x128xi32, #tpu.memory_space<vmem>>, vector<1x16xi32>,
    %get3A_3170 = vector.shape_cast %get3A_3169 : vector<1x16xi32> to vector<16xi32>
    %add3A_3171 = arith.addi %get3A_3165, %get3A_3170 : vector<16xi32>
    %swap3A_3172 = arith.constant 21 : i32
    %swap3A_3173 = arith.index_cast %swap3A_3172 : i32 to index
    %swap3A_3174 = arith.constant 32 : index
    %swap3A_3175 = tpu.vector_load %arg6[%swap3A_3173, %swap3A_3174] {strides = array<i32>} : memref<26x128xi32, #tpu.memory_space<vmem>>, vector<1x16xi32>,
    %swap3A_3176 = vector.shape_cast %swap3A_3175 : vector<1x16xi32> to vector<16xi32>
    %swap3A_3177 = vector.shape_cast %add3A_3171 : vector<16xi32> to vector<1x16xi32>
    tpu.vector_store %arg6[%swap3A_3173, %swap3A_3174], %swap3A_3177 {strides = array<i32>} : memref<26x128xi32, #tpu.memory_space<vmem>>, vector<1x16xi32>,
    %get3A_3178 = arith.constant 21 : i32
    %get3A_3179 = arith.index_cast %get3A_3178 : i32 to index
    %get3A_3180 = arith.constant 48 : index
    %get3A_3181 = tpu.vector_load %arg6[%get3A_3179, %get3A_3180] {strides = array<i32>} : memref<26x128xi32, #tpu.memory_space<vmem>>, vector<1x16xi32>,
    %get3A_3182 = vector.shape_cast %get3A_3181 : vector<1x16xi32> to vector<16xi32>
    %get3A_3183 = arith.constant 21 : i32
    %get3A_3184 = arith.index_cast %get3A_3183 : i32 to index
    %get3A_3185 = arith.constant 48 : index
    %get3A_3186 = tpu.vector_load %arg7[%get3A_3184, %get3A_3185] {strides = array<i32>} : memref<26x128xi32, #tpu.memory_space<vmem>>, vector<1x16xi32>,
    %get3A_3187 = vector.shape_cast %get3A_3186 : vector<1x16xi32> to vector<16xi32>
    %add3A_3188 = arith.addi %get3A_3182, %get3A_3187 : vector<16xi32>
    %swap3A_3189 = arith.constant 21 : i32
    %swap3A_3190 = arith.index_cast %swap3A_3189 : i32 to index
    %swap3A_3191 = arith.constant 48 : index
    %swap3A_3192 = tpu.vector_load %arg6[%swap3A_3190, %swap3A_3191] {strides = array<i32>} : memref<26x128xi32, #tpu.memory_space<vmem>>, vector<1x16xi32>,
    %swap3A_3193 = vector.shape_cast %swap3A_3192 : vector<1x16xi32> to vector<16xi32>
    %swap3A_3194 = vector.shape_cast %add3A_3188 : vector<16xi32> to vector<1x16xi32>
    tpu.vector_store %arg6[%swap3A_3190, %swap3A_3191], %swap3A_3194 {strides = array<i32>} : memref<26x128xi32, #tpu.memory_space<vmem>>, vector<1x16xi32>,
    %get3A_3195 = arith.constant 21 : i32
    %get3A_3196 = arith.index_cast %get3A_3195 : i32 to index
    %get3A_3197 = arith.constant 64 : index
    %get3A_3198 = tpu.vector_load %arg6[%get3A_3196, %get3A_3197] {strides = array<i32>} : memref<26x128xi32, #tpu.memory_space<vmem>>, vector<1x16xi32>,
    %get3A_3199 = vector.shape_cast %get3A_3198 : vector<1x16xi32> to vector<16xi32>
    %get3A_3200 = arith.constant 21 : i32
    %get3A_3201 = arith.index_cast %get3A_3200 : i32 to index
    %get3A_3202 = arith.constant 64 : index
    %get3A_3203 = tpu.vector_load %arg7[%get3A_3201, %get3A_3202] {strides = array<i32>} : memref<26x128xi32, #tpu.memory_space<vmem>>, vector<1x16xi32>,
    %get3A_3204 = vector.shape_cast %get3A_3203 : vector<1x16xi32> to vector<16xi32>
    %add3A_3205 = arith.addi %get3A_3199, %get3A_3204 : vector<16xi32>
    %swap3A_3206 = arith.constant 21 : i32
    %swap3A_3207 = arith.index_cast %swap3A_3206 : i32 to index
    %swap3A_3208 = arith.constant 64 : index
    %swap3A_3209 = tpu.vector_load %arg6[%swap3A_3207, %swap3A_3208] {strides = array<i32>} : memref<26x128xi32, #tpu.memory_space<vmem>>, vector<1x16xi32>,
    %swap3A_3210 = vector.shape_cast %swap3A_3209 : vector<1x16xi32> to vector<16xi32>
    %swap3A_3211 = vector.shape_cast %add3A_3205 : vector<16xi32> to vector<1x16xi32>
    tpu.vector_store %arg6[%swap3A_3207, %swap3A_3208], %swap3A_3211 {strides = array<i32>} : memref<26x128xi32, #tpu.memory_space<vmem>>, vector<1x16xi32>,
    %get3A_3212 = arith.constant 21 : i32
    %get3A_3213 = arith.index_cast %get3A_3212 : i32 to index
    %get3A_3214 = arith.constant 80 : index
    %get3A_3215 = tpu.vector_load %arg6[%get3A_3213, %get3A_3214] {strides = array<i32>} : memref<26x128xi32, #tpu.memory_space<vmem>>, vector<1x16xi32>,
    %get3A_3216 = vector.shape_cast %get3A_3215 : vector<1x16xi32> to vector<16xi32>
    %get3A_3217 = arith.constant 21 : i32
    %get3A_3218 = arith.index_cast %get3A_3217 : i32 to index
    %get3A_3219 = arith.constant 80 : index
    %get3A_3220 = tpu.vector_load %arg7[%get3A_3218, %get3A_3219] {strides = array<i32>} : memref<26x128xi32, #tpu.memory_space<vmem>>, vector<1x16xi32>,
    %get3A_3221 = vector.shape_cast %get3A_3220 : vector<1x16xi32> to vector<16xi32>
    %add3A_3222 = arith.addi %get3A_3216, %get3A_3221 : vector<16xi32>
    %swap3A_3223 = arith.constant 21 : i32
    %swap3A_3224 = arith.index_cast %swap3A_3223 : i32 to index
    %swap3A_3225 = arith.constant 80 : index
    %swap3A_3226 = tpu.vector_load %arg6[%swap3A_3224, %swap3A_3225] {strides = array<i32>} : memref<26x128xi32, #tpu.memory_space<vmem>>, vector<1x16xi32>,
    %swap3A_3227 = vector.shape_cast %swap3A_3226 : vector<1x16xi32> to vector<16xi32>
    %swap3A_3228 = vector.shape_cast %add3A_3222 : vector<16xi32> to vector<1x16xi32>
    tpu.vector_store %arg6[%swap3A_3224, %swap3A_3225], %swap3A_3228 {strides = array<i32>} : memref<26x128xi32, #tpu.memory_space<vmem>>, vector<1x16xi32>,
    %get3A_3229 = arith.constant 21 : i32
    %get3A_3230 = arith.index_cast %get3A_3229 : i32 to index
    %get3A_3231 = arith.constant 96 : index
    %get3A_3232 = tpu.vector_load %arg6[%get3A_3230, %get3A_3231] {strides = array<i32>} : memref<26x128xi32, #tpu.memory_space<vmem>>, vector<1x16xi32>,
    %get3A_3233 = vector.shape_cast %get3A_3232 : vector<1x16xi32> to vector<16xi32>
    %get3A_3234 = arith.constant 21 : i32
    %get3A_3235 = arith.index_cast %get3A_3234 : i32 to index
    %get3A_3236 = arith.constant 96 : index
    %get3A_3237 = tpu.vector_load %arg7[%get3A_3235, %get3A_3236] {strides = array<i32>} : memref<26x128xi32, #tpu.memory_space<vmem>>, vector<1x16xi32>,
    %get3A_3238 = vector.shape_cast %get3A_3237 : vector<1x16xi32> to vector<16xi32>
    %add3A_3239 = arith.addi %get3A_3233, %get3A_3238 : vector<16xi32>
    %swap3A_3240 = arith.constant 21 : i32
    %swap3A_3241 = arith.index_cast %swap3A_3240 : i32 to index
    %swap3A_3242 = arith.constant 96 : index
    %swap3A_3243 = tpu.vector_load %arg6[%swap3A_3241, %swap3A_3242] {strides = array<i32>} : memref<26x128xi32, #tpu.memory_space<vmem>>, vector<1x16xi32>,
    %swap3A_3244 = vector.shape_cast %swap3A_3243 : vector<1x16xi32> to vector<16xi32>
    %swap3A_3245 = vector.shape_cast %add3A_3239 : vector<16xi32> to vector<1x16xi32>
    tpu.vector_store %arg6[%swap3A_3241, %swap3A_3242], %swap3A_3245 {strides = array<i32>} : memref<26x128xi32, #tpu.memory_space<vmem>>, vector<1x16xi32>,
    %get3A_3246 = arith.constant 21 : i32
    %get3A_3247 = arith.index_cast %get3A_3246 : i32 to index
    %get3A_3248 = arith.constant 112 : index
    %get3A_3249 = tpu.vector_load %arg6[%get3A_3247, %get3A_3248] {strides = array<i32>} : memref<26x128xi32, #tpu.memory_space<vmem>>, vector<1x16xi32>,
    %get3A_3250 = vector.shape_cast %get3A_3249 : vector<1x16xi32> to vector<16xi32>
    %get3A_3251 = arith.constant 21 : i32
    %get3A_3252 = arith.index_cast %get3A_3251 : i32 to index
    %get3A_3253 = arith.constant 112 : index
    %get3A_3254 = tpu.vector_load %arg7[%get3A_3252, %get3A_3253] {strides = array<i32>} : memref<26x128xi32, #tpu.memory_space<vmem>>, vector<1x16xi32>,
    %get3A_3255 = vector.shape_cast %get3A_3254 : vector<1x16xi32> to vector<16xi32>
    %add3A_3256 = arith.addi %get3A_3250, %get3A_3255 : vector<16xi32>
    %swap3A_3257 = arith.constant 21 : i32
    %swap3A_3258 = arith.index_cast %swap3A_3257 : i32 to index
    %swap3A_3259 = arith.constant 112 : index
    %swap3A_3260 = tpu.vector_load %arg6[%swap3A_3258, %swap3A_3259] {strides = array<i32>} : memref<26x128xi32, #tpu.memory_space<vmem>>, vector<1x16xi32>,
    %swap3A_3261 = vector.shape_cast %swap3A_3260 : vector<1x16xi32> to vector<16xi32>
    %swap3A_3262 = vector.shape_cast %add3A_3256 : vector<16xi32> to vector<1x16xi32>
    tpu.vector_store %arg6[%swap3A_3258, %swap3A_3259], %swap3A_3262 {strides = array<i32>} : memref<26x128xi32, #tpu.memory_space<vmem>>, vector<1x16xi32>,
    %dma_start3A_3263 = arith.constant 21 : i32
    %dma_start3A_3264 = arith.constant 10 : i32
    %dma_start3A_3265 = arith.constant 2688 : i32
    %dma_start3A_3266 = arith.constant 0 : i32
    %dma_start3A_3267 = tpu.memref_slice %arg8[%dma_start3A_3265, %dma_start3A_3266] : memref<3328x32xf32, #tpu.memory_space<vmem>> -> memref<128x32xf32, #tpu.memory_space<vmem>>
    %dma_start3A_3268 = arith.constant 0 : i32
    %dma_start3A_3269 = tpu.memref_slice %arg6[%dma_start3A_3263, %dma_start3A_3268] : memref<26x128xi32, #tpu.memory_space<vmem>> -> memref<1x128xi32, #tpu.memory_space<vmem>>
    %dma_start3A_3270 = tpu.memref_squeeze %dma_start3A_3269 : memref<1x128xi32, #tpu.memory_space<vmem>> -> memref<128xi32, #tpu.memory_space<vmem>>
    %dma_start3A_3271 = arith.constant 0 : i32
    %dma_start3A_3272 = arith.constant 0 : i32
    %dma_start3A_3273 = tpu.memref_slice %arg2[%dma_start3A_3271, %dma_start3A_3272] : memref<2600000x32xf32, #tpu.memory_space<hbm>> -> memref<2600000x32xf32, #tpu.memory_space<hbm>>
    %dma_start3A_3274 = tpu.memref_slice %arg9[%dma_start3A_3264] : memref<13x!tpu.dma_semaphore, #tpu.memory_space<semaphore_mem>> -> memref<1x!tpu.dma_semaphore, #tpu.memory_space<semaphore_mem>>
    %dma_start3A_3275 = tpu.memref_squeeze %dma_start3A_3274 : memref<1x!tpu.dma_semaphore, #tpu.memory_space<semaphore_mem>> -> memref<!tpu.dma_semaphore, #tpu.memory_space<semaphore_mem>>
    tpu.enqueue_indirect_dma source(%dma_start3A_3273 : memref<2600000x32xf32, #tpu.memory_space<hbm>>) target(%dma_start3A_3267 : memref<128x32xf32, #tpu.memory_space<vmem>>) offsets(%dma_start3A_3270 : memref<128xi32, #tpu.memory_space<vmem>>) semaphore(%dma_start3A_3275 : memref<!tpu.dma_semaphore, #tpu.memory_space<semaphore_mem>>)
    %get3A_3276 = arith.constant 22 : i32
    %get3A_3277 = arith.index_cast %get3A_3276 : i32 to index
    %get3A_3278 = arith.constant 0 : index
    %get3A_3279 = tpu.vector_load %arg6[%get3A_3277, %get3A_3278] {strides = array<i32>} : memref<26x128xi32, #tpu.memory_space<vmem>>, vector<1x16xi32>,
    %get3A_3280 = vector.shape_cast %get3A_3279 : vector<1x16xi32> to vector<16xi32>
    %get3A_3281 = arith.constant 22 : i32
    %get3A_3282 = arith.index_cast %get3A_3281 : i32 to index
    %get3A_3283 = arith.constant 0 : index
    %get3A_3284 = tpu.vector_load %arg7[%get3A_3282, %get3A_3283] {strides = array<i32>} : memref<26x128xi32, #tpu.memory_space<vmem>>, vector<1x16xi32>,
    %get3A_3285 = vector.shape_cast %get3A_3284 : vector<1x16xi32> to vector<16xi32>
    %add3A_3286 = arith.addi %get3A_3280, %get3A_3285 : vector<16xi32>
    %swap3A_3287 = arith.constant 22 : i32
    %swap3A_3288 = arith.index_cast %swap3A_3287 : i32 to index
    %swap3A_3289 = arith.constant 0 : index
    %swap3A_3290 = tpu.vector_load %arg6[%swap3A_3288, %swap3A_3289] {strides = array<i32>} : memref<26x128xi32, #tpu.memory_space<vmem>>, vector<1x16xi32>,
    %swap3A_3291 = vector.shape_cast %swap3A_3290 : vector<1x16xi32> to vector<16xi32>
    %swap3A_3292 = vector.shape_cast %add3A_3286 : vector<16xi32> to vector<1x16xi32>
    tpu.vector_store %arg6[%swap3A_3288, %swap3A_3289], %swap3A_3292 {strides = array<i32>} : memref<26x128xi32, #tpu.memory_space<vmem>>, vector<1x16xi32>,
    %get3A_3293 = arith.constant 22 : i32
    %get3A_3294 = arith.index_cast %get3A_3293 : i32 to index
    %get3A_3295 = arith.constant 16 : index
    %get3A_3296 = tpu.vector_load %arg6[%get3A_3294, %get3A_3295] {strides = array<i32>} : memref<26x128xi32, #tpu.memory_space<vmem>>, vector<1x16xi32>,
    %get3A_3297 = vector.shape_cast %get3A_3296 : vector<1x16xi32> to vector<16xi32>
    %get3A_3298 = arith.constant 22 : i32
    %get3A_3299 = arith.index_cast %get3A_3298 : i32 to index
    %get3A_3300 = arith.constant 16 : index
    %get3A_3301 = tpu.vector_load %arg7[%get3A_3299, %get3A_3300] {strides = array<i32>} : memref<26x128xi32, #tpu.memory_space<vmem>>, vector<1x16xi32>,
    %get3A_3302 = vector.shape_cast %get3A_3301 : vector<1x16xi32> to vector<16xi32>
    %add3A_3303 = arith.addi %get3A_3297, %get3A_3302 : vector<16xi32>
    %swap3A_3304 = arith.constant 22 : i32
    %swap3A_3305 = arith.index_cast %swap3A_3304 : i32 to index
    %swap3A_3306 = arith.constant 16 : index
    %swap3A_3307 = tpu.vector_load %arg6[%swap3A_3305, %swap3A_3306] {strides = array<i32>} : memref<26x128xi32, #tpu.memory_space<vmem>>, vector<1x16xi32>,
    %swap3A_3308 = vector.shape_cast %swap3A_3307 : vector<1x16xi32> to vector<16xi32>
    %swap3A_3309 = vector.shape_cast %add3A_3303 : vector<16xi32> to vector<1x16xi32>
    tpu.vector_store %arg6[%swap3A_3305, %swap3A_3306], %swap3A_3309 {strides = array<i32>} : memref<26x128xi32, #tpu.memory_space<vmem>>, vector<1x16xi32>,
    %get3A_3310 = arith.constant 22 : i32
    %get3A_3311 = arith.index_cast %get3A_3310 : i32 to index
    %get3A_3312 = arith.constant 32 : index
    %get3A_3313 = tpu.vector_load %arg6[%get3A_3311, %get3A_3312] {strides = array<i32>} : memref<26x128xi32, #tpu.memory_space<vmem>>, vector<1x16xi32>,
    %get3A_3314 = vector.shape_cast %get3A_3313 : vector<1x16xi32> to vector<16xi32>
    %get3A_3315 = arith.constant 22 : i32
    %get3A_3316 = arith.index_cast %get3A_3315 : i32 to index
    %get3A_3317 = arith.constant 32 : index
    %get3A_3318 = tpu.vector_load %arg7[%get3A_3316, %get3A_3317] {strides = array<i32>} : memref<26x128xi32, #tpu.memory_space<vmem>>, vector<1x16xi32>,
    %get3A_3319 = vector.shape_cast %get3A_3318 : vector<1x16xi32> to vector<16xi32>
    %add3A_3320 = arith.addi %get3A_3314, %get3A_3319 : vector<16xi32>
    %swap3A_3321 = arith.constant 22 : i32
    %swap3A_3322 = arith.index_cast %swap3A_3321 : i32 to index
    %swap3A_3323 = arith.constant 32 : index
    %swap3A_3324 = tpu.vector_load %arg6[%swap3A_3322, %swap3A_3323] {strides = array<i32>} : memref<26x128xi32, #tpu.memory_space<vmem>>, vector<1x16xi32>,
    %swap3A_3325 = vector.shape_cast %swap3A_3324 : vector<1x16xi32> to vector<16xi32>
    %swap3A_3326 = vector.shape_cast %add3A_3320 : vector<16xi32> to vector<1x16xi32>
    tpu.vector_store %arg6[%swap3A_3322, %swap3A_3323], %swap3A_3326 {strides = array<i32>} : memref<26x128xi32, #tpu.memory_space<vmem>>, vector<1x16xi32>,
    %get3A_3327 = arith.constant 22 : i32
    %get3A_3328 = arith.index_cast %get3A_3327 : i32 to index
    %get3A_3329 = arith.constant 48 : index
    %get3A_3330 = tpu.vector_load %arg6[%get3A_3328, %get3A_3329] {strides = array<i32>} : memref<26x128xi32, #tpu.memory_space<vmem>>, vector<1x16xi32>,
    %get3A_3331 = vector.shape_cast %get3A_3330 : vector<1x16xi32> to vector<16xi32>
    %get3A_3332 = arith.constant 22 : i32
    %get3A_3333 = arith.index_cast %get3A_3332 : i32 to index
    %get3A_3334 = arith.constant 48 : index
    %get3A_3335 = tpu.vector_load %arg7[%get3A_3333, %get3A_3334] {strides = array<i32>} : memref<26x128xi32, #tpu.memory_space<vmem>>, vector<1x16xi32>,
    %get3A_3336 = vector.shape_cast %get3A_3335 : vector<1x16xi32> to vector<16xi32>
    %add3A_3337 = arith.addi %get3A_3331, %get3A_3336 : vector<16xi32>
    %swap3A_3338 = arith.constant 22 : i32
    %swap3A_3339 = arith.index_cast %swap3A_3338 : i32 to index
    %swap3A_3340 = arith.constant 48 : index
    %swap3A_3341 = tpu.vector_load %arg6[%swap3A_3339, %swap3A_3340] {strides = array<i32>} : memref<26x128xi32, #tpu.memory_space<vmem>>, vector<1x16xi32>,
    %swap3A_3342 = vector.shape_cast %swap3A_3341 : vector<1x16xi32> to vector<16xi32>
    %swap3A_3343 = vector.shape_cast %add3A_3337 : vector<16xi32> to vector<1x16xi32>
    tpu.vector_store %arg6[%swap3A_3339, %swap3A_3340], %swap3A_3343 {strides = array<i32>} : memref<26x128xi32, #tpu.memory_space<vmem>>, vector<1x16xi32>,
    %get3A_3344 = arith.constant 22 : i32
    %get3A_3345 = arith.index_cast %get3A_3344 : i32 to index
    %get3A_3346 = arith.constant 64 : index
    %get3A_3347 = tpu.vector_load %arg6[%get3A_3345, %get3A_3346] {strides = array<i32>} : memref<26x128xi32, #tpu.memory_space<vmem>>, vector<1x16xi32>,
    %get3A_3348 = vector.shape_cast %get3A_3347 : vector<1x16xi32> to vector<16xi32>
    %get3A_3349 = arith.constant 22 : i32
    %get3A_3350 = arith.index_cast %get3A_3349 : i32 to index
    %get3A_3351 = arith.constant 64 : index
    %get3A_3352 = tpu.vector_load %arg7[%get3A_3350, %get3A_3351] {strides = array<i32>} : memref<26x128xi32, #tpu.memory_space<vmem>>, vector<1x16xi32>,
    %get3A_3353 = vector.shape_cast %get3A_3352 : vector<1x16xi32> to vector<16xi32>
    %add3A_3354 = arith.addi %get3A_3348, %get3A_3353 : vector<16xi32>
    %swap3A_3355 = arith.constant 22 : i32
    %swap3A_3356 = arith.index_cast %swap3A_3355 : i32 to index
    %swap3A_3357 = arith.constant 64 : index
    %swap3A_3358 = tpu.vector_load %arg6[%swap3A_3356, %swap3A_3357] {strides = array<i32>} : memref<26x128xi32, #tpu.memory_space<vmem>>, vector<1x16xi32>,
    %swap3A_3359 = vector.shape_cast %swap3A_3358 : vector<1x16xi32> to vector<16xi32>
    %swap3A_3360 = vector.shape_cast %add3A_3354 : vector<16xi32> to vector<1x16xi32>
    tpu.vector_store %arg6[%swap3A_3356, %swap3A_3357], %swap3A_3360 {strides = array<i32>} : memref<26x128xi32, #tpu.memory_space<vmem>>, vector<1x16xi32>,
    %get3A_3361 = arith.constant 22 : i32
    %get3A_3362 = arith.index_cast %get3A_3361 : i32 to index
    %get3A_3363 = arith.constant 80 : index
    %get3A_3364 = tpu.vector_load %arg6[%get3A_3362, %get3A_3363] {strides = array<i32>} : memref<26x128xi32, #tpu.memory_space<vmem>>, vector<1x16xi32>,
    %get3A_3365 = vector.shape_cast %get3A_3364 : vector<1x16xi32> to vector<16xi32>
    %get3A_3366 = arith.constant 22 : i32
    %get3A_3367 = arith.index_cast %get3A_3366 : i32 to index
    %get3A_3368 = arith.constant 80 : index
    %get3A_3369 = tpu.vector_load %arg7[%get3A_3367, %get3A_3368] {strides = array<i32>} : memref<26x128xi32, #tpu.memory_space<vmem>>, vector<1x16xi32>,
    %get3A_3370 = vector.shape_cast %get3A_3369 : vector<1x16xi32> to vector<16xi32>
    %add3A_3371 = arith.addi %get3A_3365, %get3A_3370 : vector<16xi32>
    %swap3A_3372 = arith.constant 22 : i32
    %swap3A_3373 = arith.index_cast %swap3A_3372 : i32 to index
    %swap3A_3374 = arith.constant 80 : index
    %swap3A_3375 = tpu.vector_load %arg6[%swap3A_3373, %swap3A_3374] {strides = array<i32>} : memref<26x128xi32, #tpu.memory_space<vmem>>, vector<1x16xi32>,
    %swap3A_3376 = vector.shape_cast %swap3A_3375 : vector<1x16xi32> to vector<16xi32>
    %swap3A_3377 = vector.shape_cast %add3A_3371 : vector<16xi32> to vector<1x16xi32>
    tpu.vector_store %arg6[%swap3A_3373, %swap3A_3374], %swap3A_3377 {strides = array<i32>} : memref<26x128xi32, #tpu.memory_space<vmem>>, vector<1x16xi32>,
    %get3A_3378 = arith.constant 22 : i32
    %get3A_3379 = arith.index_cast %get3A_3378 : i32 to index
    %get3A_3380 = arith.constant 96 : index
    %get3A_3381 = tpu.vector_load %arg6[%get3A_3379, %get3A_3380] {strides = array<i32>} : memref<26x128xi32, #tpu.memory_space<vmem>>, vector<1x16xi32>,
    %get3A_3382 = vector.shape_cast %get3A_3381 : vector<1x16xi32> to vector<16xi32>
    %get3A_3383 = arith.constant 22 : i32
    %get3A_3384 = arith.index_cast %get3A_3383 : i32 to index
    %get3A_3385 = arith.constant 96 : index
    %get3A_3386 = tpu.vector_load %arg7[%get3A_3384, %get3A_3385] {strides = array<i32>} : memref<26x128xi32, #tpu.memory_space<vmem>>, vector<1x16xi32>,
    %get3A_3387 = vector.shape_cast %get3A_3386 : vector<1x16xi32> to vector<16xi32>
    %add3A_3388 = arith.addi %get3A_3382, %get3A_3387 : vector<16xi32>
    %swap3A_3389 = arith.constant 22 : i32
    %swap3A_3390 = arith.index_cast %swap3A_3389 : i32 to index
    %swap3A_3391 = arith.constant 96 : index
    %swap3A_3392 = tpu.vector_load %arg6[%swap3A_3390, %swap3A_3391] {strides = array<i32>} : memref<26x128xi32, #tpu.memory_space<vmem>>, vector<1x16xi32>,
    %swap3A_3393 = vector.shape_cast %swap3A_3392 : vector<1x16xi32> to vector<16xi32>
    %swap3A_3394 = vector.shape_cast %add3A_3388 : vector<16xi32> to vector<1x16xi32>
    tpu.vector_store %arg6[%swap3A_3390, %swap3A_3391], %swap3A_3394 {strides = array<i32>} : memref<26x128xi32, #tpu.memory_space<vmem>>, vector<1x16xi32>,
    %get3A_3395 = arith.constant 22 : i32
    %get3A_3396 = arith.index_cast %get3A_3395 : i32 to index
    %get3A_3397 = arith.constant 112 : index
    %get3A_3398 = tpu.vector_load %arg6[%get3A_3396, %get3A_3397] {strides = array<i32>} : memref<26x128xi32, #tpu.memory_space<vmem>>, vector<1x16xi32>,
    %get3A_3399 = vector.shape_cast %get3A_3398 : vector<1x16xi32> to vector<16xi32>
    %get3A_3400 = arith.constant 22 : i32
    %get3A_3401 = arith.index_cast %get3A_3400 : i32 to index
    %get3A_3402 = arith.constant 112 : index
    %get3A_3403 = tpu.vector_load %arg7[%get3A_3401, %get3A_3402] {strides = array<i32>} : memref<26x128xi32, #tpu.memory_space<vmem>>, vector<1x16xi32>,
    %get3A_3404 = vector.shape_cast %get3A_3403 : vector<1x16xi32> to vector<16xi32>
    %add3A_3405 = arith.addi %get3A_3399, %get3A_3404 : vector<16xi32>
    %swap3A_3406 = arith.constant 22 : i32
    %swap3A_3407 = arith.index_cast %swap3A_3406 : i32 to index
    %swap3A_3408 = arith.constant 112 : index
    %swap3A_3409 = tpu.vector_load %arg6[%swap3A_3407, %swap3A_3408] {strides = array<i32>} : memref<26x128xi32, #tpu.memory_space<vmem>>, vector<1x16xi32>,
    %swap3A_3410 = vector.shape_cast %swap3A_3409 : vector<1x16xi32> to vector<16xi32>
    %swap3A_3411 = vector.shape_cast %add3A_3405 : vector<16xi32> to vector<1x16xi32>
    tpu.vector_store %arg6[%swap3A_3407, %swap3A_3408], %swap3A_3411 {strides = array<i32>} : memref<26x128xi32, #tpu.memory_space<vmem>>, vector<1x16xi32>,
    %dma_start3A_3412 = arith.constant 22 : i32
    %dma_start3A_3413 = arith.constant 11 : i32
    %dma_start3A_3414 = arith.constant 2816 : i32
    %dma_start3A_3415 = arith.constant 0 : i32
    %dma_start3A_3416 = tpu.memref_slice %arg8[%dma_start3A_3414, %dma_start3A_3415] : memref<3328x32xf32, #tpu.memory_space<vmem>> -> memref<128x32xf32, #tpu.memory_space<vmem>>
    %dma_start3A_3417 = arith.constant 0 : i32
    %dma_start3A_3418 = tpu.memref_slice %arg6[%dma_start3A_3412, %dma_start3A_3417] : memref<26x128xi32, #tpu.memory_space<vmem>> -> memref<1x128xi32, #tpu.memory_space<vmem>>
    %dma_start3A_3419 = tpu.memref_squeeze %dma_start3A_3418 : memref<1x128xi32, #tpu.memory_space<vmem>> -> memref<128xi32, #tpu.memory_space<vmem>>
    %dma_start3A_3420 = arith.constant 0 : i32
    %dma_start3A_3421 = arith.constant 0 : i32
    %dma_start3A_3422 = tpu.memref_slice %arg2[%dma_start3A_3420, %dma_start3A_3421] : memref<2600000x32xf32, #tpu.memory_space<hbm>> -> memref<2600000x32xf32, #tpu.memory_space<hbm>>
    %dma_start3A_3423 = tpu.memref_slice %arg9[%dma_start3A_3413] : memref<13x!tpu.dma_semaphore, #tpu.memory_space<semaphore_mem>> -> memref<1x!tpu.dma_semaphore, #tpu.memory_space<semaphore_mem>>
    %dma_start3A_3424 = tpu.memref_squeeze %dma_start3A_3423 : memref<1x!tpu.dma_semaphore, #tpu.memory_space<semaphore_mem>> -> memref<!tpu.dma_semaphore, #tpu.memory_space<semaphore_mem>>
    tpu.enqueue_indirect_dma source(%dma_start3A_3422 : memref<2600000x32xf32, #tpu.memory_space<hbm>>) target(%dma_start3A_3416 : memref<128x32xf32, #tpu.memory_space<vmem>>) offsets(%dma_start3A_3419 : memref<128xi32, #tpu.memory_space<vmem>>) semaphore(%dma_start3A_3424 : memref<!tpu.dma_semaphore, #tpu.memory_space<semaphore_mem>>)
    %get3A_3425 = arith.constant 23 : i32
    %get3A_3426 = arith.index_cast %get3A_3425 : i32 to index
    %get3A_3427 = arith.constant 0 : index
    %get3A_3428 = tpu.vector_load %arg6[%get3A_3426, %get3A_3427] {strides = array<i32>} : memref<26x128xi32, #tpu.memory_space<vmem>>, vector<1x16xi32>,
    %get3A_3429 = vector.shape_cast %get3A_3428 : vector<1x16xi32> to vector<16xi32>
    %get3A_3430 = arith.constant 23 : i32
    %get3A_3431 = arith.index_cast %get3A_3430 : i32 to index
    %get3A_3432 = arith.constant 0 : index
    %get3A_3433 = tpu.vector_load %arg7[%get3A_3431, %get3A_3432] {strides = array<i32>} : memref<26x128xi32, #tpu.memory_space<vmem>>, vector<1x16xi32>,
    %get3A_3434 = vector.shape_cast %get3A_3433 : vector<1x16xi32> to vector<16xi32>
    %add3A_3435 = arith.addi %get3A_3429, %get3A_3434 : vector<16xi32>
    %swap3A_3436 = arith.constant 23 : i32
    %swap3A_3437 = arith.index_cast %swap3A_3436 : i32 to index
    %swap3A_3438 = arith.constant 0 : index
    %swap3A_3439 = tpu.vector_load %arg6[%swap3A_3437, %swap3A_3438] {strides = array<i32>} : memref<26x128xi32, #tpu.memory_space<vmem>>, vector<1x16xi32>,
    %swap3A_3440 = vector.shape_cast %swap3A_3439 : vector<1x16xi32> to vector<16xi32>
    %swap3A_3441 = vector.shape_cast %add3A_3435 : vector<16xi32> to vector<1x16xi32>
    tpu.vector_store %arg6[%swap3A_3437, %swap3A_3438], %swap3A_3441 {strides = array<i32>} : memref<26x128xi32, #tpu.memory_space<vmem>>, vector<1x16xi32>,
    %get3A_3442 = arith.constant 23 : i32
    %get3A_3443 = arith.index_cast %get3A_3442 : i32 to index
    %get3A_3444 = arith.constant 16 : index
    %get3A_3445 = tpu.vector_load %arg6[%get3A_3443, %get3A_3444] {strides = array<i32>} : memref<26x128xi32, #tpu.memory_space<vmem>>, vector<1x16xi32>,
    %get3A_3446 = vector.shape_cast %get3A_3445 : vector<1x16xi32> to vector<16xi32>
    %get3A_3447 = arith.constant 23 : i32
    %get3A_3448 = arith.index_cast %get3A_3447 : i32 to index
    %get3A_3449 = arith.constant 16 : index
    %get3A_3450 = tpu.vector_load %arg7[%get3A_3448, %get3A_3449] {strides = array<i32>} : memref<26x128xi32, #tpu.memory_space<vmem>>, vector<1x16xi32>,
    %get3A_3451 = vector.shape_cast %get3A_3450 : vector<1x16xi32> to vector<16xi32>
    %add3A_3452 = arith.addi %get3A_3446, %get3A_3451 : vector<16xi32>
    %swap3A_3453 = arith.constant 23 : i32
    %swap3A_3454 = arith.index_cast %swap3A_3453 : i32 to index
    %swap3A_3455 = arith.constant 16 : index
    %swap3A_3456 = tpu.vector_load %arg6[%swap3A_3454, %swap3A_3455] {strides = array<i32>} : memref<26x128xi32, #tpu.memory_space<vmem>>, vector<1x16xi32>,
    %swap3A_3457 = vector.shape_cast %swap3A_3456 : vector<1x16xi32> to vector<16xi32>
    %swap3A_3458 = vector.shape_cast %add3A_3452 : vector<16xi32> to vector<1x16xi32>
    tpu.vector_store %arg6[%swap3A_3454, %swap3A_3455], %swap3A_3458 {strides = array<i32>} : memref<26x128xi32, #tpu.memory_space<vmem>>, vector<1x16xi32>,
    %get3A_3459 = arith.constant 23 : i32
    %get3A_3460 = arith.index_cast %get3A_3459 : i32 to index
    %get3A_3461 = arith.constant 32 : index
    %get3A_3462 = tpu.vector_load %arg6[%get3A_3460, %get3A_3461] {strides = array<i32>} : memref<26x128xi32, #tpu.memory_space<vmem>>, vector<1x16xi32>,
    %get3A_3463 = vector.shape_cast %get3A_3462 : vector<1x16xi32> to vector<16xi32>
    %get3A_3464 = arith.constant 23 : i32
    %get3A_3465 = arith.index_cast %get3A_3464 : i32 to index
    %get3A_3466 = arith.constant 32 : index
    %get3A_3467 = tpu.vector_load %arg7[%get3A_3465, %get3A_3466] {strides = array<i32>} : memref<26x128xi32, #tpu.memory_space<vmem>>, vector<1x16xi32>,
    %get3A_3468 = vector.shape_cast %get3A_3467 : vector<1x16xi32> to vector<16xi32>
    %add3A_3469 = arith.addi %get3A_3463, %get3A_3468 : vector<16xi32>
    %swap3A_3470 = arith.constant 23 : i32
    %swap3A_3471 = arith.index_cast %swap3A_3470 : i32 to index
    %swap3A_3472 = arith.constant 32 : index
    %swap3A_3473 = tpu.vector_load %arg6[%swap3A_3471, %swap3A_3472] {strides = array<i32>} : memref<26x128xi32, #tpu.memory_space<vmem>>, vector<1x16xi32>,
    %swap3A_3474 = vector.shape_cast %swap3A_3473 : vector<1x16xi32> to vector<16xi32>
    %swap3A_3475 = vector.shape_cast %add3A_3469 : vector<16xi32> to vector<1x16xi32>
    tpu.vector_store %arg6[%swap3A_3471, %swap3A_3472], %swap3A_3475 {strides = array<i32>} : memref<26x128xi32, #tpu.memory_space<vmem>>, vector<1x16xi32>,
    %get3A_3476 = arith.constant 23 : i32
    %get3A_3477 = arith.index_cast %get3A_3476 : i32 to index
    %get3A_3478 = arith.constant 48 : index
    %get3A_3479 = tpu.vector_load %arg6[%get3A_3477, %get3A_3478] {strides = array<i32>} : memref<26x128xi32, #tpu.memory_space<vmem>>, vector<1x16xi32>,
    %get3A_3480 = vector.shape_cast %get3A_3479 : vector<1x16xi32> to vector<16xi32>
    %get3A_3481 = arith.constant 23 : i32
    %get3A_3482 = arith.index_cast %get3A_3481 : i32 to index
    %get3A_3483 = arith.constant 48 : index
    %get3A_3484 = tpu.vector_load %arg7[%get3A_3482, %get3A_3483] {strides = array<i32>} : memref<26x128xi32, #tpu.memory_space<vmem>>, vector<1x16xi32>,
    %get3A_3485 = vector.shape_cast %get3A_3484 : vector<1x16xi32> to vector<16xi32>
    %add3A_3486 = arith.addi %get3A_3480, %get3A_3485 : vector<16xi32>
    %swap3A_3487 = arith.constant 23 : i32
    %swap3A_3488 = arith.index_cast %swap3A_3487 : i32 to index
    %swap3A_3489 = arith.constant 48 : index
    %swap3A_3490 = tpu.vector_load %arg6[%swap3A_3488, %swap3A_3489] {strides = array<i32>} : memref<26x128xi32, #tpu.memory_space<vmem>>, vector<1x16xi32>,
    %swap3A_3491 = vector.shape_cast %swap3A_3490 : vector<1x16xi32> to vector<16xi32>
    %swap3A_3492 = vector.shape_cast %add3A_3486 : vector<16xi32> to vector<1x16xi32>
    tpu.vector_store %arg6[%swap3A_3488, %swap3A_3489], %swap3A_3492 {strides = array<i32>} : memref<26x128xi32, #tpu.memory_space<vmem>>, vector<1x16xi32>,
    %get3A_3493 = arith.constant 23 : i32
    %get3A_3494 = arith.index_cast %get3A_3493 : i32 to index
    %get3A_3495 = arith.constant 64 : index
    %get3A_3496 = tpu.vector_load %arg6[%get3A_3494, %get3A_3495] {strides = array<i32>} : memref<26x128xi32, #tpu.memory_space<vmem>>, vector<1x16xi32>,
    %get3A_3497 = vector.shape_cast %get3A_3496 : vector<1x16xi32> to vector<16xi32>
    %get3A_3498 = arith.constant 23 : i32
    %get3A_3499 = arith.index_cast %get3A_3498 : i32 to index
    %get3A_3500 = arith.constant 64 : index
    %get3A_3501 = tpu.vector_load %arg7[%get3A_3499, %get3A_3500] {strides = array<i32>} : memref<26x128xi32, #tpu.memory_space<vmem>>, vector<1x16xi32>,
    %get3A_3502 = vector.shape_cast %get3A_3501 : vector<1x16xi32> to vector<16xi32>
    %add3A_3503 = arith.addi %get3A_3497, %get3A_3502 : vector<16xi32>
    %swap3A_3504 = arith.constant 23 : i32
    %swap3A_3505 = arith.index_cast %swap3A_3504 : i32 to index
    %swap3A_3506 = arith.constant 64 : index
    %swap3A_3507 = tpu.vector_load %arg6[%swap3A_3505, %swap3A_3506] {strides = array<i32>} : memref<26x128xi32, #tpu.memory_space<vmem>>, vector<1x16xi32>,
    %swap3A_3508 = vector.shape_cast %swap3A_3507 : vector<1x16xi32> to vector<16xi32>
    %swap3A_3509 = vector.shape_cast %add3A_3503 : vector<16xi32> to vector<1x16xi32>
    tpu.vector_store %arg6[%swap3A_3505, %swap3A_3506], %swap3A_3509 {strides = array<i32>} : memref<26x128xi32, #tpu.memory_space<vmem>>, vector<1x16xi32>,
    %get3A_3510 = arith.constant 23 : i32
    %get3A_3511 = arith.index_cast %get3A_3510 : i32 to index
    %get3A_3512 = arith.constant 80 : index
    %get3A_3513 = tpu.vector_load %arg6[%get3A_3511, %get3A_3512] {strides = array<i32>} : memref<26x128xi32, #tpu.memory_space<vmem>>, vector<1x16xi32>,
    %get3A_3514 = vector.shape_cast %get3A_3513 : vector<1x16xi32> to vector<16xi32>
    %get3A_3515 = arith.constant 23 : i32
    %get3A_3516 = arith.index_cast %get3A_3515 : i32 to index
    %get3A_3517 = arith.constant 80 : index
    %get3A_3518 = tpu.vector_load %arg7[%get3A_3516, %get3A_3517] {strides = array<i32>} : memref<26x128xi32, #tpu.memory_space<vmem>>, vector<1x16xi32>,
    %get3A_3519 = vector.shape_cast %get3A_3518 : vector<1x16xi32> to vector<16xi32>
    %add3A_3520 = arith.addi %get3A_3514, %get3A_3519 : vector<16xi32>
    %swap3A_3521 = arith.constant 23 : i32
    %swap3A_3522 = arith.index_cast %swap3A_3521 : i32 to index
    %swap3A_3523 = arith.constant 80 : index
    %swap3A_3524 = tpu.vector_load %arg6[%swap3A_3522, %swap3A_3523] {strides = array<i32>} : memref<26x128xi32, #tpu.memory_space<vmem>>, vector<1x16xi32>,
    %swap3A_3525 = vector.shape_cast %swap3A_3524 : vector<1x16xi32> to vector<16xi32>
    %swap3A_3526 = vector.shape_cast %add3A_3520 : vector<16xi32> to vector<1x16xi32>
    tpu.vector_store %arg6[%swap3A_3522, %swap3A_3523], %swap3A_3526 {strides = array<i32>} : memref<26x128xi32, #tpu.memory_space<vmem>>, vector<1x16xi32>,
    %get3A_3527 = arith.constant 23 : i32
    %get3A_3528 = arith.index_cast %get3A_3527 : i32 to index
    %get3A_3529 = arith.constant 96 : index
    %get3A_3530 = tpu.vector_load %arg6[%get3A_3528, %get3A_3529] {strides = array<i32>} : memref<26x128xi32, #tpu.memory_space<vmem>>, vector<1x16xi32>,
    %get3A_3531 = vector.shape_cast %get3A_3530 : vector<1x16xi32> to vector<16xi32>
    %get3A_3532 = arith.constant 23 : i32
    %get3A_3533 = arith.index_cast %get3A_3532 : i32 to index
    %get3A_3534 = arith.constant 96 : index
    %get3A_3535 = tpu.vector_load %arg7[%get3A_3533, %get3A_3534] {strides = array<i32>} : memref<26x128xi32, #tpu.memory_space<vmem>>, vector<1x16xi32>,
    %get3A_3536 = vector.shape_cast %get3A_3535 : vector<1x16xi32> to vector<16xi32>
    %add3A_3537 = arith.addi %get3A_3531, %get3A_3536 : vector<16xi32>
    %swap3A_3538 = arith.constant 23 : i32
    %swap3A_3539 = arith.index_cast %swap3A_3538 : i32 to index
    %swap3A_3540 = arith.constant 96 : index
    %swap3A_3541 = tpu.vector_load %arg6[%swap3A_3539, %swap3A_3540] {strides = array<i32>} : memref<26x128xi32, #tpu.memory_space<vmem>>, vector<1x16xi32>,
    %swap3A_3542 = vector.shape_cast %swap3A_3541 : vector<1x16xi32> to vector<16xi32>
    %swap3A_3543 = vector.shape_cast %add3A_3537 : vector<16xi32> to vector<1x16xi32>
    tpu.vector_store %arg6[%swap3A_3539, %swap3A_3540], %swap3A_3543 {strides = array<i32>} : memref<26x128xi32, #tpu.memory_space<vmem>>, vector<1x16xi32>,
    %get3A_3544 = arith.constant 23 : i32
    %get3A_3545 = arith.index_cast %get3A_3544 : i32 to index
    %get3A_3546 = arith.constant 112 : index
    %get3A_3547 = tpu.vector_load %arg6[%get3A_3545, %get3A_3546] {strides = array<i32>} : memref<26x128xi32, #tpu.memory_space<vmem>>, vector<1x16xi32>,
    %get3A_3548 = vector.shape_cast %get3A_3547 : vector<1x16xi32> to vector<16xi32>
    %get3A_3549 = arith.constant 23 : i32
    %get3A_3550 = arith.index_cast %get3A_3549 : i32 to index
    %get3A_3551 = arith.constant 112 : index
    %get3A_3552 = tpu.vector_load %arg7[%get3A_3550, %get3A_3551] {strides = array<i32>} : memref<26x128xi32, #tpu.memory_space<vmem>>, vector<1x16xi32>,
    %get3A_3553 = vector.shape_cast %get3A_3552 : vector<1x16xi32> to vector<16xi32>
    %add3A_3554 = arith.addi %get3A_3548, %get3A_3553 : vector<16xi32>
    %swap3A_3555 = arith.constant 23 : i32
    %swap3A_3556 = arith.index_cast %swap3A_3555 : i32 to index
    %swap3A_3557 = arith.constant 112 : index
    %swap3A_3558 = tpu.vector_load %arg6[%swap3A_3556, %swap3A_3557] {strides = array<i32>} : memref<26x128xi32, #tpu.memory_space<vmem>>, vector<1x16xi32>,
    %swap3A_3559 = vector.shape_cast %swap3A_3558 : vector<1x16xi32> to vector<16xi32>
    %swap3A_3560 = vector.shape_cast %add3A_3554 : vector<16xi32> to vector<1x16xi32>
    tpu.vector_store %arg6[%swap3A_3556, %swap3A_3557], %swap3A_3560 {strides = array<i32>} : memref<26x128xi32, #tpu.memory_space<vmem>>, vector<1x16xi32>,
    %dma_start3A_3561 = arith.constant 23 : i32
    %dma_start3A_3562 = arith.constant 11 : i32
    %dma_start3A_3563 = arith.constant 2944 : i32
    %dma_start3A_3564 = arith.constant 0 : i32
    %dma_start3A_3565 = tpu.memref_slice %arg8[%dma_start3A_3563, %dma_start3A_3564] : memref<3328x32xf32, #tpu.memory_space<vmem>> -> memref<128x32xf32, #tpu.memory_space<vmem>>
    %dma_start3A_3566 = arith.constant 0 : i32
    %dma_start3A_3567 = tpu.memref_slice %arg6[%dma_start3A_3561, %dma_start3A_3566] : memref<26x128xi32, #tpu.memory_space<vmem>> -> memref<1x128xi32, #tpu.memory_space<vmem>>
    %dma_start3A_3568 = tpu.memref_squeeze %dma_start3A_3567 : memref<1x128xi32, #tpu.memory_space<vmem>> -> memref<128xi32, #tpu.memory_space<vmem>>
    %dma_start3A_3569 = arith.constant 0 : i32
    %dma_start3A_3570 = arith.constant 0 : i32
    %dma_start3A_3571 = tpu.memref_slice %arg2[%dma_start3A_3569, %dma_start3A_3570] : memref<2600000x32xf32, #tpu.memory_space<hbm>> -> memref<2600000x32xf32, #tpu.memory_space<hbm>>
    %dma_start3A_3572 = tpu.memref_slice %arg9[%dma_start3A_3562] : memref<13x!tpu.dma_semaphore, #tpu.memory_space<semaphore_mem>> -> memref<1x!tpu.dma_semaphore, #tpu.memory_space<semaphore_mem>>
    %dma_start3A_3573 = tpu.memref_squeeze %dma_start3A_3572 : memref<1x!tpu.dma_semaphore, #tpu.memory_space<semaphore_mem>> -> memref<!tpu.dma_semaphore, #tpu.memory_space<semaphore_mem>>
    tpu.enqueue_indirect_dma source(%dma_start3A_3571 : memref<2600000x32xf32, #tpu.memory_space<hbm>>) target(%dma_start3A_3565 : memref<128x32xf32, #tpu.memory_space<vmem>>) offsets(%dma_start3A_3568 : memref<128xi32, #tpu.memory_space<vmem>>) semaphore(%dma_start3A_3573 : memref<!tpu.dma_semaphore, #tpu.memory_space<semaphore_mem>>)
    %get3A_3574 = arith.constant 24 : i32
    %get3A_3575 = arith.index_cast %get3A_3574 : i32 to index
    %get3A_3576 = arith.constant 0 : index
    %get3A_3577 = tpu.vector_load %arg6[%get3A_3575, %get3A_3576] {strides = array<i32>} : memref<26x128xi32, #tpu.memory_space<vmem>>, vector<1x16xi32>,
    %get3A_3578 = vector.shape_cast %get3A_3577 : vector<1x16xi32> to vector<16xi32>
    %get3A_3579 = arith.constant 24 : i32
    %get3A_3580 = arith.index_cast %get3A_3579 : i32 to index
    %get3A_3581 = arith.constant 0 : index
    %get3A_3582 = tpu.vector_load %arg7[%get3A_3580, %get3A_3581] {strides = array<i32>} : memref<26x128xi32, #tpu.memory_space<vmem>>, vector<1x16xi32>,
    %get3A_3583 = vector.shape_cast %get3A_3582 : vector<1x16xi32> to vector<16xi32>
    %add3A_3584 = arith.addi %get3A_3578, %get3A_3583 : vector<16xi32>
    %swap3A_3585 = arith.constant 24 : i32
    %swap3A_3586 = arith.index_cast %swap3A_3585 : i32 to index
    %swap3A_3587 = arith.constant 0 : index
    %swap3A_3588 = tpu.vector_load %arg6[%swap3A_3586, %swap3A_3587] {strides = array<i32>} : memref<26x128xi32, #tpu.memory_space<vmem>>, vector<1x16xi32>,
    %swap3A_3589 = vector.shape_cast %swap3A_3588 : vector<1x16xi32> to vector<16xi32>
    %swap3A_3590 = vector.shape_cast %add3A_3584 : vector<16xi32> to vector<1x16xi32>
    tpu.vector_store %arg6[%swap3A_3586, %swap3A_3587], %swap3A_3590 {strides = array<i32>} : memref<26x128xi32, #tpu.memory_space<vmem>>, vector<1x16xi32>,
    %get3A_3591 = arith.constant 24 : i32
    %get3A_3592 = arith.index_cast %get3A_3591 : i32 to index
    %get3A_3593 = arith.constant 16 : index
    %get3A_3594 = tpu.vector_load %arg6[%get3A_3592, %get3A_3593] {strides = array<i32>} : memref<26x128xi32, #tpu.memory_space<vmem>>, vector<1x16xi32>,
    %get3A_3595 = vector.shape_cast %get3A_3594 : vector<1x16xi32> to vector<16xi32>
    %get3A_3596 = arith.constant 24 : i32
    %get3A_3597 = arith.index_cast %get3A_3596 : i32 to index
    %get3A_3598 = arith.constant 16 : index
    %get3A_3599 = tpu.vector_load %arg7[%get3A_3597, %get3A_3598] {strides = array<i32>} : memref<26x128xi32, #tpu.memory_space<vmem>>, vector<1x16xi32>,
    %get3A_3600 = vector.shape_cast %get3A_3599 : vector<1x16xi32> to vector<16xi32>
    %add3A_3601 = arith.addi %get3A_3595, %get3A_3600 : vector<16xi32>
    %swap3A_3602 = arith.constant 24 : i32
    %swap3A_3603 = arith.index_cast %swap3A_3602 : i32 to index
    %swap3A_3604 = arith.constant 16 : index
    %swap3A_3605 = tpu.vector_load %arg6[%swap3A_3603, %swap3A_3604] {strides = array<i32>} : memref<26x128xi32, #tpu.memory_space<vmem>>, vector<1x16xi32>,
    %swap3A_3606 = vector.shape_cast %swap3A_3605 : vector<1x16xi32> to vector<16xi32>
    %swap3A_3607 = vector.shape_cast %add3A_3601 : vector<16xi32> to vector<1x16xi32>
    tpu.vector_store %arg6[%swap3A_3603, %swap3A_3604], %swap3A_3607 {strides = array<i32>} : memref<26x128xi32, #tpu.memory_space<vmem>>, vector<1x16xi32>,
    %get3A_3608 = arith.constant 24 : i32
    %get3A_3609 = arith.index_cast %get3A_3608 : i32 to index
    %get3A_3610 = arith.constant 32 : index
    %get3A_3611 = tpu.vector_load %arg6[%get3A_3609, %get3A_3610] {strides = array<i32>} : memref<26x128xi32, #tpu.memory_space<vmem>>, vector<1x16xi32>,
    %get3A_3612 = vector.shape_cast %get3A_3611 : vector<1x16xi32> to vector<16xi32>
    %get3A_3613 = arith.constant 24 : i32
    %get3A_3614 = arith.index_cast %get3A_3613 : i32 to index
    %get3A_3615 = arith.constant 32 : index
    %get3A_3616 = tpu.vector_load %arg7[%get3A_3614, %get3A_3615] {strides = array<i32>} : memref<26x128xi32, #tpu.memory_space<vmem>>, vector<1x16xi32>,
    %get3A_3617 = vector.shape_cast %get3A_3616 : vector<1x16xi32> to vector<16xi32>
    %add3A_3618 = arith.addi %get3A_3612, %get3A_3617 : vector<16xi32>
    %swap3A_3619 = arith.constant 24 : i32
    %swap3A_3620 = arith.index_cast %swap3A_3619 : i32 to index
    %swap3A_3621 = arith.constant 32 : index
    %swap3A_3622 = tpu.vector_load %arg6[%swap3A_3620, %swap3A_3621] {strides = array<i32>} : memref<26x128xi32, #tpu.memory_space<vmem>>, vector<1x16xi32>,
    %swap3A_3623 = vector.shape_cast %swap3A_3622 : vector<1x16xi32> to vector<16xi32>
    %swap3A_3624 = vector.shape_cast %add3A_3618 : vector<16xi32> to vector<1x16xi32>
    tpu.vector_store %arg6[%swap3A_3620, %swap3A_3621], %swap3A_3624 {strides = array<i32>} : memref<26x128xi32, #tpu.memory_space<vmem>>, vector<1x16xi32>,
    %get3A_3625 = arith.constant 24 : i32
    %get3A_3626 = arith.index_cast %get3A_3625 : i32 to index
    %get3A_3627 = arith.constant 48 : index
    %get3A_3628 = tpu.vector_load %arg6[%get3A_3626, %get3A_3627] {strides = array<i32>} : memref<26x128xi32, #tpu.memory_space<vmem>>, vector<1x16xi32>,
    %get3A_3629 = vector.shape_cast %get3A_3628 : vector<1x16xi32> to vector<16xi32>
    %get3A_3630 = arith.constant 24 : i32
    %get3A_3631 = arith.index_cast %get3A_3630 : i32 to index
    %get3A_3632 = arith.constant 48 : index
    %get3A_3633 = tpu.vector_load %arg7[%get3A_3631, %get3A_3632] {strides = array<i32>} : memref<26x128xi32, #tpu.memory_space<vmem>>, vector<1x16xi32>,
    %get3A_3634 = vector.shape_cast %get3A_3633 : vector<1x16xi32> to vector<16xi32>
    %add3A_3635 = arith.addi %get3A_3629, %get3A_3634 : vector<16xi32>
    %swap3A_3636 = arith.constant 24 : i32
    %swap3A_3637 = arith.index_cast %swap3A_3636 : i32 to index
    %swap3A_3638 = arith.constant 48 : index
    %swap3A_3639 = tpu.vector_load %arg6[%swap3A_3637, %swap3A_3638] {strides = array<i32>} : memref<26x128xi32, #tpu.memory_space<vmem>>, vector<1x16xi32>,
    %swap3A_3640 = vector.shape_cast %swap3A_3639 : vector<1x16xi32> to vector<16xi32>
    %swap3A_3641 = vector.shape_cast %add3A_3635 : vector<16xi32> to vector<1x16xi32>
    tpu.vector_store %arg6[%swap3A_3637, %swap3A_3638], %swap3A_3641 {strides = array<i32>} : memref<26x128xi32, #tpu.memory_space<vmem>>, vector<1x16xi32>,
    %get3A_3642 = arith.constant 24 : i32
    %get3A_3643 = arith.index_cast %get3A_3642 : i32 to index
    %get3A_3644 = arith.constant 64 : index
    %get3A_3645 = tpu.vector_load %arg6[%get3A_3643, %get3A_3644] {strides = array<i32>} : memref<26x128xi32, #tpu.memory_space<vmem>>, vector<1x16xi32>,
    %get3A_3646 = vector.shape_cast %get3A_3645 : vector<1x16xi32> to vector<16xi32>
    %get3A_3647 = arith.constant 24 : i32
    %get3A_3648 = arith.index_cast %get3A_3647 : i32 to index
    %get3A_3649 = arith.constant 64 : index
    %get3A_3650 = tpu.vector_load %arg7[%get3A_3648, %get3A_3649] {strides = array<i32>} : memref<26x128xi32, #tpu.memory_space<vmem>>, vector<1x16xi32>,
    %get3A_3651 = vector.shape_cast %get3A_3650 : vector<1x16xi32> to vector<16xi32>
    %add3A_3652 = arith.addi %get3A_3646, %get3A_3651 : vector<16xi32>
    %swap3A_3653 = arith.constant 24 : i32
    %swap3A_3654 = arith.index_cast %swap3A_3653 : i32 to index
    %swap3A_3655 = arith.constant 64 : index
    %swap3A_3656 = tpu.vector_load %arg6[%swap3A_3654, %swap3A_3655] {strides = array<i32>} : memref<26x128xi32, #tpu.memory_space<vmem>>, vector<1x16xi32>,
    %swap3A_3657 = vector.shape_cast %swap3A_3656 : vector<1x16xi32> to vector<16xi32>
    %swap3A_3658 = vector.shape_cast %add3A_3652 : vector<16xi32> to vector<1x16xi32>
    tpu.vector_store %arg6[%swap3A_3654, %swap3A_3655], %swap3A_3658 {strides = array<i32>} : memref<26x128xi32, #tpu.memory_space<vmem>>, vector<1x16xi32>,
    %get3A_3659 = arith.constant 24 : i32
    %get3A_3660 = arith.index_cast %get3A_3659 : i32 to index
    %get3A_3661 = arith.constant 80 : index
    %get3A_3662 = tpu.vector_load %arg6[%get3A_3660, %get3A_3661] {strides = array<i32>} : memref<26x128xi32, #tpu.memory_space<vmem>>, vector<1x16xi32>,
    %get3A_3663 = vector.shape_cast %get3A_3662 : vector<1x16xi32> to vector<16xi32>
    %get3A_3664 = arith.constant 24 : i32
    %get3A_3665 = arith.index_cast %get3A_3664 : i32 to index
    %get3A_3666 = arith.constant 80 : index
    %get3A_3667 = tpu.vector_load %arg7[%get3A_3665, %get3A_3666] {strides = array<i32>} : memref<26x128xi32, #tpu.memory_space<vmem>>, vector<1x16xi32>,
    %get3A_3668 = vector.shape_cast %get3A_3667 : vector<1x16xi32> to vector<16xi32>
    %add3A_3669 = arith.addi %get3A_3663, %get3A_3668 : vector<16xi32>
    %swap3A_3670 = arith.constant 24 : i32
    %swap3A_3671 = arith.index_cast %swap3A_3670 : i32 to index
    %swap3A_3672 = arith.constant 80 : index
    %swap3A_3673 = tpu.vector_load %arg6[%swap3A_3671, %swap3A_3672] {strides = array<i32>} : memref<26x128xi32, #tpu.memory_space<vmem>>, vector<1x16xi32>,
    %swap3A_3674 = vector.shape_cast %swap3A_3673 : vector<1x16xi32> to vector<16xi32>
    %swap3A_3675 = vector.shape_cast %add3A_3669 : vector<16xi32> to vector<1x16xi32>
    tpu.vector_store %arg6[%swap3A_3671, %swap3A_3672], %swap3A_3675 {strides = array<i32>} : memref<26x128xi32, #tpu.memory_space<vmem>>, vector<1x16xi32>,
    %get3A_3676 = arith.constant 24 : i32
    %get3A_3677 = arith.index_cast %get3A_3676 : i32 to index
    %get3A_3678 = arith.constant 96 : index
    %get3A_3679 = tpu.vector_load %arg6[%get3A_3677, %get3A_3678] {strides = array<i32>} : memref<26x128xi32, #tpu.memory_space<vmem>>, vector<1x16xi32>,
    %get3A_3680 = vector.shape_cast %get3A_3679 : vector<1x16xi32> to vector<16xi32>
    %get3A_3681 = arith.constant 24 : i32
    %get3A_3682 = arith.index_cast %get3A_3681 : i32 to index
    %get3A_3683 = arith.constant 96 : index
    %get3A_3684 = tpu.vector_load %arg7[%get3A_3682, %get3A_3683] {strides = array<i32>} : memref<26x128xi32, #tpu.memory_space<vmem>>, vector<1x16xi32>,
    %get3A_3685 = vector.shape_cast %get3A_3684 : vector<1x16xi32> to vector<16xi32>
    %add3A_3686 = arith.addi %get3A_3680, %get3A_3685 : vector<16xi32>
    %swap3A_3687 = arith.constant 24 : i32
    %swap3A_3688 = arith.index_cast %swap3A_3687 : i32 to index
    %swap3A_3689 = arith.constant 96 : index
    %swap3A_3690 = tpu.vector_load %arg6[%swap3A_3688, %swap3A_3689] {strides = array<i32>} : memref<26x128xi32, #tpu.memory_space<vmem>>, vector<1x16xi32>,
    %swap3A_3691 = vector.shape_cast %swap3A_3690 : vector<1x16xi32> to vector<16xi32>
    %swap3A_3692 = vector.shape_cast %add3A_3686 : vector<16xi32> to vector<1x16xi32>
    tpu.vector_store %arg6[%swap3A_3688, %swap3A_3689], %swap3A_3692 {strides = array<i32>} : memref<26x128xi32, #tpu.memory_space<vmem>>, vector<1x16xi32>,
    %get3A_3693 = arith.constant 24 : i32
    %get3A_3694 = arith.index_cast %get3A_3693 : i32 to index
    %get3A_3695 = arith.constant 112 : index
    %get3A_3696 = tpu.vector_load %arg6[%get3A_3694, %get3A_3695] {strides = array<i32>} : memref<26x128xi32, #tpu.memory_space<vmem>>, vector<1x16xi32>,
    %get3A_3697 = vector.shape_cast %get3A_3696 : vector<1x16xi32> to vector<16xi32>
    %get3A_3698 = arith.constant 24 : i32
    %get3A_3699 = arith.index_cast %get3A_3698 : i32 to index
    %get3A_3700 = arith.constant 112 : index
    %get3A_3701 = tpu.vector_load %arg7[%get3A_3699, %get3A_3700] {strides = array<i32>} : memref<26x128xi32, #tpu.memory_space<vmem>>, vector<1x16xi32>,
    %get3A_3702 = vector.shape_cast %get3A_3701 : vector<1x16xi32> to vector<16xi32>
    %add3A_3703 = arith.addi %get3A_3697, %get3A_3702 : vector<16xi32>
    %swap3A_3704 = arith.constant 24 : i32
    %swap3A_3705 = arith.index_cast %swap3A_3704 : i32 to index
    %swap3A_3706 = arith.constant 112 : index
    %swap3A_3707 = tpu.vector_load %arg6[%swap3A_3705, %swap3A_3706] {strides = array<i32>} : memref<26x128xi32, #tpu.memory_space<vmem>>, vector<1x16xi32>,
    %swap3A_3708 = vector.shape_cast %swap3A_3707 : vector<1x16xi32> to vector<16xi32>
    %swap3A_3709 = vector.shape_cast %add3A_3703 : vector<16xi32> to vector<1x16xi32>
    tpu.vector_store %arg6[%swap3A_3705, %swap3A_3706], %swap3A_3709 {strides = array<i32>} : memref<26x128xi32, #tpu.memory_space<vmem>>, vector<1x16xi32>,
    %dma_start3A_3710 = arith.constant 24 : i32
    %dma_start3A_3711 = arith.constant 12 : i32
    %dma_start3A_3712 = arith.constant 3072 : i32
    %dma_start3A_3713 = arith.constant 0 : i32
    %dma_start3A_3714 = tpu.memref_slice %arg8[%dma_start3A_3712, %dma_start3A_3713] : memref<3328x32xf32, #tpu.memory_space<vmem>> -> memref<128x32xf32, #tpu.memory_space<vmem>>
    %dma_start3A_3715 = arith.constant 0 : i32
    %dma_start3A_3716 = tpu.memref_slice %arg6[%dma_start3A_3710, %dma_start3A_3715] : memref<26x128xi32, #tpu.memory_space<vmem>> -> memref<1x128xi32, #tpu.memory_space<vmem>>
    %dma_start3A_3717 = tpu.memref_squeeze %dma_start3A_3716 : memref<1x128xi32, #tpu.memory_space<vmem>> -> memref<128xi32, #tpu.memory_space<vmem>>
    %dma_start3A_3718 = arith.constant 0 : i32
    %dma_start3A_3719 = arith.constant 0 : i32
    %dma_start3A_3720 = tpu.memref_slice %arg2[%dma_start3A_3718, %dma_start3A_3719] : memref<2600000x32xf32, #tpu.memory_space<hbm>> -> memref<2600000x32xf32, #tpu.memory_space<hbm>>
    %dma_start3A_3721 = tpu.memref_slice %arg9[%dma_start3A_3711] : memref<13x!tpu.dma_semaphore, #tpu.memory_space<semaphore_mem>> -> memref<1x!tpu.dma_semaphore, #tpu.memory_space<semaphore_mem>>
    %dma_start3A_3722 = tpu.memref_squeeze %dma_start3A_3721 : memref<1x!tpu.dma_semaphore, #tpu.memory_space<semaphore_mem>> -> memref<!tpu.dma_semaphore, #tpu.memory_space<semaphore_mem>>
    tpu.enqueue_indirect_dma source(%dma_start3A_3720 : memref<2600000x32xf32, #tpu.memory_space<hbm>>) target(%dma_start3A_3714 : memref<128x32xf32, #tpu.memory_space<vmem>>) offsets(%dma_start3A_3717 : memref<128xi32, #tpu.memory_space<vmem>>) semaphore(%dma_start3A_3722 : memref<!tpu.dma_semaphore, #tpu.memory_space<semaphore_mem>>)
    %get3A_3723 = arith.constant 25 : i32
    %get3A_3724 = arith.index_cast %get3A_3723 : i32 to index
    %get3A_3725 = arith.constant 0 : index
    %get3A_3726 = tpu.vector_load %arg6[%get3A_3724, %get3A_3725] {strides = array<i32>} : memref<26x128xi32, #tpu.memory_space<vmem>>, vector<1x16xi32>,
    %get3A_3727 = vector.shape_cast %get3A_3726 : vector<1x16xi32> to vector<16xi32>
    %get3A_3728 = arith.constant 25 : i32
    %get3A_3729 = arith.index_cast %get3A_3728 : i32 to index
    %get3A_3730 = arith.constant 0 : index
    %get3A_3731 = tpu.vector_load %arg7[%get3A_3729, %get3A_3730] {strides = array<i32>} : memref<26x128xi32, #tpu.memory_space<vmem>>, vector<1x16xi32>,
    %get3A_3732 = vector.shape_cast %get3A_3731 : vector<1x16xi32> to vector<16xi32>
    %add3A_3733 = arith.addi %get3A_3727, %get3A_3732 : vector<16xi32>
    %swap3A_3734 = arith.constant 25 : i32
    %swap3A_3735 = arith.index_cast %swap3A_3734 : i32 to index
    %swap3A_3736 = arith.constant 0 : index
    %swap3A_3737 = tpu.vector_load %arg6[%swap3A_3735, %swap3A_3736] {strides = array<i32>} : memref<26x128xi32, #tpu.memory_space<vmem>>, vector<1x16xi32>,
    %swap3A_3738 = vector.shape_cast %swap3A_3737 : vector<1x16xi32> to vector<16xi32>
    %swap3A_3739 = vector.shape_cast %add3A_3733 : vector<16xi32> to vector<1x16xi32>
    tpu.vector_store %arg6[%swap3A_3735, %swap3A_3736], %swap3A_3739 {strides = array<i32>} : memref<26x128xi32, #tpu.memory_space<vmem>>, vector<1x16xi32>,
    %get3A_3740 = arith.constant 25 : i32
    %get3A_3741 = arith.index_cast %get3A_3740 : i32 to index
    %get3A_3742 = arith.constant 16 : index
    %get3A_3743 = tpu.vector_load %arg6[%get3A_3741, %get3A_3742] {strides = array<i32>} : memref<26x128xi32, #tpu.memory_space<vmem>>, vector<1x16xi32>,
    %get3A_3744 = vector.shape_cast %get3A_3743 : vector<1x16xi32> to vector<16xi32>
    %get3A_3745 = arith.constant 25 : i32
    %get3A_3746 = arith.index_cast %get3A_3745 : i32 to index
    %get3A_3747 = arith.constant 16 : index
    %get3A_3748 = tpu.vector_load %arg7[%get3A_3746, %get3A_3747] {strides = array<i32>} : memref<26x128xi32, #tpu.memory_space<vmem>>, vector<1x16xi32>,
    %get3A_3749 = vector.shape_cast %get3A_3748 : vector<1x16xi32> to vector<16xi32>
    %add3A_3750 = arith.addi %get3A_3744, %get3A_3749 : vector<16xi32>
    %swap3A_3751 = arith.constant 25 : i32
    %swap3A_3752 = arith.index_cast %swap3A_3751 : i32 to index
    %swap3A_3753 = arith.constant 16 : index
    %swap3A_3754 = tpu.vector_load %arg6[%swap3A_3752, %swap3A_3753] {strides = array<i32>} : memref<26x128xi32, #tpu.memory_space<vmem>>, vector<1x16xi32>,
    %swap3A_3755 = vector.shape_cast %swap3A_3754 : vector<1x16xi32> to vector<16xi32>
    %swap3A_3756 = vector.shape_cast %add3A_3750 : vector<16xi32> to vector<1x16xi32>
    tpu.vector_store %arg6[%swap3A_3752, %swap3A_3753], %swap3A_3756 {strides = array<i32>} : memref<26x128xi32, #tpu.memory_space<vmem>>, vector<1x16xi32>,
    %get3A_3757 = arith.constant 25 : i32
    %get3A_3758 = arith.index_cast %get3A_3757 : i32 to index
    %get3A_3759 = arith.constant 32 : index
    %get3A_3760 = tpu.vector_load %arg6[%get3A_3758, %get3A_3759] {strides = array<i32>} : memref<26x128xi32, #tpu.memory_space<vmem>>, vector<1x16xi32>,
    %get3A_3761 = vector.shape_cast %get3A_3760 : vector<1x16xi32> to vector<16xi32>
    %get3A_3762 = arith.constant 25 : i32
    %get3A_3763 = arith.index_cast %get3A_3762 : i32 to index
    %get3A_3764 = arith.constant 32 : index
    %get3A_3765 = tpu.vector_load %arg7[%get3A_3763, %get3A_3764] {strides = array<i32>} : memref<26x128xi32, #tpu.memory_space<vmem>>, vector<1x16xi32>,
    %get3A_3766 = vector.shape_cast %get3A_3765 : vector<1x16xi32> to vector<16xi32>
    %add3A_3767 = arith.addi %get3A_3761, %get3A_3766 : vector<16xi32>
    %swap3A_3768 = arith.constant 25 : i32
    %swap3A_3769 = arith.index_cast %swap3A_3768 : i32 to index
    %swap3A_3770 = arith.constant 32 : index
    %swap3A_3771 = tpu.vector_load %arg6[%swap3A_3769, %swap3A_3770] {strides = array<i32>} : memref<26x128xi32, #tpu.memory_space<vmem>>, vector<1x16xi32>,
    %swap3A_3772 = vector.shape_cast %swap3A_3771 : vector<1x16xi32> to vector<16xi32>
    %swap3A_3773 = vector.shape_cast %add3A_3767 : vector<16xi32> to vector<1x16xi32>
    tpu.vector_store %arg6[%swap3A_3769, %swap3A_3770], %swap3A_3773 {strides = array<i32>} : memref<26x128xi32, #tpu.memory_space<vmem>>, vector<1x16xi32>,
    %get3A_3774 = arith.constant 25 : i32
    %get3A_3775 = arith.index_cast %get3A_3774 : i32 to index
    %get3A_3776 = arith.constant 48 : index
    %get3A_3777 = tpu.vector_load %arg6[%get3A_3775, %get3A_3776] {strides = array<i32>} : memref<26x128xi32, #tpu.memory_space<vmem>>, vector<1x16xi32>,
    %get3A_3778 = vector.shape_cast %get3A_3777 : vector<1x16xi32> to vector<16xi32>
    %get3A_3779 = arith.constant 25 : i32
    %get3A_3780 = arith.index_cast %get3A_3779 : i32 to index
    %get3A_3781 = arith.constant 48 : index
    %get3A_3782 = tpu.vector_load %arg7[%get3A_3780, %get3A_3781] {strides = array<i32>} : memref<26x128xi32, #tpu.memory_space<vmem>>, vector<1x16xi32>,
    %get3A_3783 = vector.shape_cast %get3A_3782 : vector<1x16xi32> to vector<16xi32>
    %add3A_3784 = arith.addi %get3A_3778, %get3A_3783 : vector<16xi32>
    %swap3A_3785 = arith.constant 25 : i32
    %swap3A_3786 = arith.index_cast %swap3A_3785 : i32 to index
    %swap3A_3787 = arith.constant 48 : index
    %swap3A_3788 = tpu.vector_load %arg6[%swap3A_3786, %swap3A_3787] {strides = array<i32>} : memref<26x128xi32, #tpu.memory_space<vmem>>, vector<1x16xi32>,
    %swap3A_3789 = vector.shape_cast %swap3A_3788 : vector<1x16xi32> to vector<16xi32>
    %swap3A_3790 = vector.shape_cast %add3A_3784 : vector<16xi32> to vector<1x16xi32>
    tpu.vector_store %arg6[%swap3A_3786, %swap3A_3787], %swap3A_3790 {strides = array<i32>} : memref<26x128xi32, #tpu.memory_space<vmem>>, vector<1x16xi32>,
    %get3A_3791 = arith.constant 25 : i32
    %get3A_3792 = arith.index_cast %get3A_3791 : i32 to index
    %get3A_3793 = arith.constant 64 : index
    %get3A_3794 = tpu.vector_load %arg6[%get3A_3792, %get3A_3793] {strides = array<i32>} : memref<26x128xi32, #tpu.memory_space<vmem>>, vector<1x16xi32>,
    %get3A_3795 = vector.shape_cast %get3A_3794 : vector<1x16xi32> to vector<16xi32>
    %get3A_3796 = arith.constant 25 : i32
    %get3A_3797 = arith.index_cast %get3A_3796 : i32 to index
    %get3A_3798 = arith.constant 64 : index
    %get3A_3799 = tpu.vector_load %arg7[%get3A_3797, %get3A_3798] {strides = array<i32>} : memref<26x128xi32, #tpu.memory_space<vmem>>, vector<1x16xi32>,
    %get3A_3800 = vector.shape_cast %get3A_3799 : vector<1x16xi32> to vector<16xi32>
    %add3A_3801 = arith.addi %get3A_3795, %get3A_3800 : vector<16xi32>
    %swap3A_3802 = arith.constant 25 : i32
    %swap3A_3803 = arith.index_cast %swap3A_3802 : i32 to index
    %swap3A_3804 = arith.constant 64 : index
    %swap3A_3805 = tpu.vector_load %arg6[%swap3A_3803, %swap3A_3804] {strides = array<i32>} : memref<26x128xi32, #tpu.memory_space<vmem>>, vector<1x16xi32>,
    %swap3A_3806 = vector.shape_cast %swap3A_3805 : vector<1x16xi32> to vector<16xi32>
    %swap3A_3807 = vector.shape_cast %add3A_3801 : vector<16xi32> to vector<1x16xi32>
    tpu.vector_store %arg6[%swap3A_3803, %swap3A_3804], %swap3A_3807 {strides = array<i32>} : memref<26x128xi32, #tpu.memory_space<vmem>>, vector<1x16xi32>,
    %get3A_3808 = arith.constant 25 : i32
    %get3A_3809 = arith.index_cast %get3A_3808 : i32 to index
    %get3A_3810 = arith.constant 80 : index
    %get3A_3811 = tpu.vector_load %arg6[%get3A_3809, %get3A_3810] {strides = array<i32>} : memref<26x128xi32, #tpu.memory_space<vmem>>, vector<1x16xi32>,
    %get3A_3812 = vector.shape_cast %get3A_3811 : vector<1x16xi32> to vector<16xi32>
    %get3A_3813 = arith.constant 25 : i32
    %get3A_3814 = arith.index_cast %get3A_3813 : i32 to index
    %get3A_3815 = arith.constant 80 : index
    %get3A_3816 = tpu.vector_load %arg7[%get3A_3814, %get3A_3815] {strides = array<i32>} : memref<26x128xi32, #tpu.memory_space<vmem>>, vector<1x16xi32>,
    %get3A_3817 = vector.shape_cast %get3A_3816 : vector<1x16xi32> to vector<16xi32>
    %add3A_3818 = arith.addi %get3A_3812, %get3A_3817 : vector<16xi32>
    %swap3A_3819 = arith.constant 25 : i32
    %swap3A_3820 = arith.index_cast %swap3A_3819 : i32 to index
    %swap3A_3821 = arith.constant 80 : index
    %swap3A_3822 = tpu.vector_load %arg6[%swap3A_3820, %swap3A_3821] {strides = array<i32>} : memref<26x128xi32, #tpu.memory_space<vmem>>, vector<1x16xi32>,
    %swap3A_3823 = vector.shape_cast %swap3A_3822 : vector<1x16xi32> to vector<16xi32>
    %swap3A_3824 = vector.shape_cast %add3A_3818 : vector<16xi32> to vector<1x16xi32>
    tpu.vector_store %arg6[%swap3A_3820, %swap3A_3821], %swap3A_3824 {strides = array<i32>} : memref<26x128xi32, #tpu.memory_space<vmem>>, vector<1x16xi32>,
    %get3A_3825 = arith.constant 25 : i32
    %get3A_3826 = arith.index_cast %get3A_3825 : i32 to index
    %get3A_3827 = arith.constant 96 : index
    %get3A_3828 = tpu.vector_load %arg6[%get3A_3826, %get3A_3827] {strides = array<i32>} : memref<26x128xi32, #tpu.memory_space<vmem>>, vector<1x16xi32>,
    %get3A_3829 = vector.shape_cast %get3A_3828 : vector<1x16xi32> to vector<16xi32>
    %get3A_3830 = arith.constant 25 : i32
    %get3A_3831 = arith.index_cast %get3A_3830 : i32 to index
    %get3A_3832 = arith.constant 96 : index
    %get3A_3833 = tpu.vector_load %arg7[%get3A_3831, %get3A_3832] {strides = array<i32>} : memref<26x128xi32, #tpu.memory_space<vmem>>, vector<1x16xi32>,
    %get3A_3834 = vector.shape_cast %get3A_3833 : vector<1x16xi32> to vector<16xi32>
    %add3A_3835 = arith.addi %get3A_3829, %get3A_3834 : vector<16xi32>
    %swap3A_3836 = arith.constant 25 : i32
    %swap3A_3837 = arith.index_cast %swap3A_3836 : i32 to index
    %swap3A_3838 = arith.constant 96 : index
    %swap3A_3839 = tpu.vector_load %arg6[%swap3A_3837, %swap3A_3838] {strides = array<i32>} : memref<26x128xi32, #tpu.memory_space<vmem>>, vector<1x16xi32>,
    %swap3A_3840 = vector.shape_cast %swap3A_3839 : vector<1x16xi32> to vector<16xi32>
    %swap3A_3841 = vector.shape_cast %add3A_3835 : vector<16xi32> to vector<1x16xi32>
    tpu.vector_store %arg6[%swap3A_3837, %swap3A_3838], %swap3A_3841 {strides = array<i32>} : memref<26x128xi32, #tpu.memory_space<vmem>>, vector<1x16xi32>,
    %get3A_3842 = arith.constant 25 : i32
    %get3A_3843 = arith.index_cast %get3A_3842 : i32 to index
    %get3A_3844 = arith.constant 112 : index
    %get3A_3845 = tpu.vector_load %arg6[%get3A_3843, %get3A_3844] {strides = array<i32>} : memref<26x128xi32, #tpu.memory_space<vmem>>, vector<1x16xi32>,
    %get3A_3846 = vector.shape_cast %get3A_3845 : vector<1x16xi32> to vector<16xi32>
    %get3A_3847 = arith.constant 25 : i32
    %get3A_3848 = arith.index_cast %get3A_3847 : i32 to index
    %get3A_3849 = arith.constant 112 : index
    %get3A_3850 = tpu.vector_load %arg7[%get3A_3848, %get3A_3849] {strides = array<i32>} : memref<26x128xi32, #tpu.memory_space<vmem>>, vector<1x16xi32>,
    %get3A_3851 = vector.shape_cast %get3A_3850 : vector<1x16xi32> to vector<16xi32>
    %add3A_3852 = arith.addi %get3A_3846, %get3A_3851 : vector<16xi32>
    %swap3A_3853 = arith.constant 25 : i32
    %swap3A_3854 = arith.index_cast %swap3A_3853 : i32 to index
    %swap3A_3855 = arith.constant 112 : index
    %swap3A_3856 = tpu.vector_load %arg6[%swap3A_3854, %swap3A_3855] {strides = array<i32>} : memref<26x128xi32, #tpu.memory_space<vmem>>, vector<1x16xi32>,
    %swap3A_3857 = vector.shape_cast %swap3A_3856 : vector<1x16xi32> to vector<16xi32>
    %swap3A_3858 = vector.shape_cast %add3A_3852 : vector<16xi32> to vector<1x16xi32>
    tpu.vector_store %arg6[%swap3A_3854, %swap3A_3855], %swap3A_3858 {strides = array<i32>} : memref<26x128xi32, #tpu.memory_space<vmem>>, vector<1x16xi32>,
    %dma_start3A_3859 = arith.constant 25 : i32
    %dma_start3A_3860 = arith.constant 12 : i32
    %dma_start3A_3861 = arith.constant 3200 : i32
    %dma_start3A_3862 = arith.constant 0 : i32
    %dma_start3A_3863 = tpu.memref_slice %arg8[%dma_start3A_3861, %dma_start3A_3862] : memref<3328x32xf32, #tpu.memory_space<vmem>> -> memref<128x32xf32, #tpu.memory_space<vmem>>
    %dma_start3A_3864 = arith.constant 0 : i32
    %dma_start3A_3865 = tpu.memref_slice %arg6[%dma_start3A_3859, %dma_start3A_3864] : memref<26x128xi32, #tpu.memory_space<vmem>> -> memref<1x128xi32, #tpu.memory_space<vmem>>
    %dma_start3A_3866 = tpu.memref_squeeze %dma_start3A_3865 : memref<1x128xi32, #tpu.memory_space<vmem>> -> memref<128xi32, #tpu.memory_space<vmem>>
    %dma_start3A_3867 = arith.constant 0 : i32
    %dma_start3A_3868 = arith.constant 0 : i32
    %dma_start3A_3869 = tpu.memref_slice %arg2[%dma_start3A_3867, %dma_start3A_3868] : memref<2600000x32xf32, #tpu.memory_space<hbm>> -> memref<2600000x32xf32, #tpu.memory_space<hbm>>
    %dma_start3A_3870 = tpu.memref_slice %arg9[%dma_start3A_3860] : memref<13x!tpu.dma_semaphore, #tpu.memory_space<semaphore_mem>> -> memref<1x!tpu.dma_semaphore, #tpu.memory_space<semaphore_mem>>
    %dma_start3A_3871 = tpu.memref_squeeze %dma_start3A_3870 : memref<1x!tpu.dma_semaphore, #tpu.memory_space<semaphore_mem>> -> memref<!tpu.dma_semaphore, #tpu.memory_space<semaphore_mem>>
    tpu.enqueue_indirect_dma source(%dma_start3A_3869 : memref<2600000x32xf32, #tpu.memory_space<hbm>>) target(%dma_start3A_3863 : memref<128x32xf32, #tpu.memory_space<vmem>>) offsets(%dma_start3A_3866 : memref<128xi32, #tpu.memory_space<vmem>>) semaphore(%dma_start3A_3871 : memref<!tpu.dma_semaphore, #tpu.memory_space<semaphore_mem>>)
    %dma_wait3A = arith.constant 0 : i32
    %dma_wait3A_3872 = arith.constant 0 : i32
    %dma_wait3A_3873 = arith.constant 0 : i32
    %dma_wait3A_3874 = arith.constant 0 : i32
    %dma_wait3A_3875 = tpu.memref_slice %arg8[%dma_wait3A_3873, %dma_wait3A_3874] : memref<3328x32xf32, #tpu.memory_space<vmem>> -> memref<128x32xf32, #tpu.memory_space<vmem>>
    %dma_wait3A_3876 = arith.constant 0 : i32
    %dma_wait3A_3877 = tpu.memref_slice %arg6[%dma_wait3A, %dma_wait3A_3876] : memref<26x128xi32, #tpu.memory_space<vmem>> -> memref<1x128xi32, #tpu.memory_space<vmem>>
    %dma_wait3A_3878 = tpu.memref_squeeze %dma_wait3A_3877 : memref<1x128xi32, #tpu.memory_space<vmem>> -> memref<128xi32, #tpu.memory_space<vmem>>
    %dma_wait3A_3879 = arith.constant 0 : i32
    %dma_wait3A_3880 = arith.constant 0 : i32
    %dma_wait3A_3881 = tpu.memref_slice %arg2[%dma_wait3A_3879, %dma_wait3A_3880] : memref<2600000x32xf32, #tpu.memory_space<hbm>> -> memref<2600000x32xf32, #tpu.memory_space<hbm>>
    %dma_wait3A_3882 = tpu.memref_slice %arg9[%dma_wait3A_3872] : memref<13x!tpu.dma_semaphore, #tpu.memory_space<semaphore_mem>> -> memref<1x!tpu.dma_semaphore, #tpu.memory_space<semaphore_mem>>
    %dma_wait3A_3883 = tpu.memref_squeeze %dma_wait3A_3882 : memref<1x!tpu.dma_semaphore, #tpu.memory_space<semaphore_mem>> -> memref<!tpu.dma_semaphore, #tpu.memory_space<semaphore_mem>>
    tpu.wait_indirect_dma semaphore(%dma_wait3A_3883 : memref<!tpu.dma_semaphore, #tpu.memory_space<semaphore_mem>>) src(%dma_wait3A_3881 : memref<2600000x32xf32, #tpu.memory_space<hbm>>) dst(%dma_wait3A_3875 : memref<128x32xf32, #tpu.memory_space<vmem>>)
    %dma_wait3A_3884 = arith.constant 1 : i32
    %dma_wait3A_3885 = arith.constant 0 : i32
    %dma_wait3A_3886 = arith.constant 128 : i32
    %dma_wait3A_3887 = arith.constant 0 : i32
    %dma_wait3A_3888 = tpu.memref_slice %arg8[%dma_wait3A_3886, %dma_wait3A_3887] : memref<3328x32xf32, #tpu.memory_space<vmem>> -> memref<128x32xf32, #tpu.memory_space<vmem>>
    %dma_wait3A_3889 = arith.constant 0 : i32
    %dma_wait3A_3890 = tpu.memref_slice %arg6[%dma_wait3A_3884, %dma_wait3A_3889] : memref<26x128xi32, #tpu.memory_space<vmem>> -> memref<1x128xi32, #tpu.memory_space<vmem>>
    %dma_wait3A_3891 = tpu.memref_squeeze %dma_wait3A_3890 : memref<1x128xi32, #tpu.memory_space<vmem>> -> memref<128xi32, #tpu.memory_space<vmem>>
    %dma_wait3A_3892 = arith.constant 0 : i32
    %dma_wait3A_3893 = arith.constant 0 : i32
    %dma_wait3A_3894 = tpu.memref_slice %arg2[%dma_wait3A_3892, %dma_wait3A_3893] : memref<2600000x32xf32, #tpu.memory_space<hbm>> -> memref<2600000x32xf32, #tpu.memory_space<hbm>>
    %dma_wait3A_3895 = tpu.memref_slice %arg9[%dma_wait3A_3885] : memref<13x!tpu.dma_semaphore, #tpu.memory_space<semaphore_mem>> -> memref<1x!tpu.dma_semaphore, #tpu.memory_space<semaphore_mem>>
    %dma_wait3A_3896 = tpu.memref_squeeze %dma_wait3A_3895 : memref<1x!tpu.dma_semaphore, #tpu.memory_space<semaphore_mem>> -> memref<!tpu.dma_semaphore, #tpu.memory_space<semaphore_mem>>
    tpu.wait_indirect_dma semaphore(%dma_wait3A_3896 : memref<!tpu.dma_semaphore, #tpu.memory_space<semaphore_mem>>) src(%dma_wait3A_3894 : memref<2600000x32xf32, #tpu.memory_space<hbm>>) dst(%dma_wait3A_3888 : memref<128x32xf32, #tpu.memory_space<vmem>>)
    %mul3A_3897 = arith.constant 3328 : i32
    %mul3A_3898 = arith.muli %add3A, %mul3A_3897 : i32
    %add3A_3899 = arith.constant 0 : i32
    %add3A_3900 = arith.addi %mul3A_3898, %add3A_3899 : i32
    %dma_start3A_3901 = arith.constant 0 : i32
    %dma_start3A_3902 = arith.constant 0 : i32
    %dma_start3A_3903 = tpu.memref_slice %arg8[%dma_start3A_3901, %dma_start3A_3902] : memref<3328x32xf32, #tpu.memory_space<vmem>> -> memref<256x32xf32, #tpu.memory_space<vmem>>
    %dma_start3A_3904 = arith.constant 0 : i32
    %dma_start3A_3905 = tpu.memref_slice %arg5[%add3A_3900, %dma_start3A_3904] : memref<106496x32xf32, #tpu.memory_space<hbm>> -> memref<256x32xf32, #tpu.memory_space<hbm>>
    %dma_start3A_3906 = arith.constant 0 : i32
    %dma_start3A_3907 = tpu.memref_slice %arg5[%add3A_3900, %dma_start3A_3906] : memref<106496x32xf32, #tpu.memory_space<hbm>> -> memref<256x32xf32, #tpu.memory_space<hbm>>
    %dma_start3A_3908 = arith.constant 0 : i32
    %dma_start3A_3909 = arith.constant 0 : i32
    %dma_start3A_3910 = tpu.memref_slice %arg8[%dma_start3A_3908, %dma_start3A_3909] : memref<3328x32xf32, #tpu.memory_space<vmem>> -> memref<256x32xf32, #tpu.memory_space<vmem>>
    tpu.enqueue_dma source(%dma_start3A_3910 : memref<256x32xf32, #tpu.memory_space<vmem>>) target(%dma_start3A_3907 : memref<256x32xf32, #tpu.memory_space<hbm>>) target_semaphore(%arg10 : memref<!tpu.dma_semaphore, #tpu.memory_space<semaphore_mem>>)
    %dma_wait3A_3911 = arith.constant 2 : i32
    %dma_wait3A_3912 = arith.constant 1 : i32
    %dma_wait3A_3913 = arith.constant 256 : i32
    %dma_wait3A_3914 = arith.constant 0 : i32
    %dma_wait3A_3915 = tpu.memref_slice %arg8[%dma_wait3A_3913, %dma_wait3A_3914] : memref<3328x32xf32, #tpu.memory_space<vmem>> -> memref<128x32xf32, #tpu.memory_space<vmem>>
    %dma_wait3A_3916 = arith.constant 0 : i32
    %dma_wait3A_3917 = tpu.memref_slice %arg6[%dma_wait3A_3911, %dma_wait3A_3916] : memref<26x128xi32, #tpu.memory_space<vmem>> -> memref<1x128xi32, #tpu.memory_space<vmem>>
    %dma_wait3A_3918 = tpu.memref_squeeze %dma_wait3A_3917 : memref<1x128xi32, #tpu.memory_space<vmem>> -> memref<128xi32, #tpu.memory_space<vmem>>
    %dma_wait3A_3919 = arith.constant 0 : i32
    %dma_wait3A_3920 = arith.constant 0 : i32
    %dma_wait3A_3921 = tpu.memref_slice %arg2[%dma_wait3A_3919, %dma_wait3A_3920] : memref<2600000x32xf32, #tpu.memory_space<hbm>> -> memref<2600000x32xf32, #tpu.memory_space<hbm>>
    %dma_wait3A_3922 = tpu.memref_slice %arg9[%dma_wait3A_3912] : memref<13x!tpu.dma_semaphore, #tpu.memory_space<semaphore_mem>> -> memref<1x!tpu.dma_semaphore, #tpu.memory_space<semaphore_mem>>
    %dma_wait3A_3923 = tpu.memref_squeeze %dma_wait3A_3922 : memref<1x!tpu.dma_semaphore, #tpu.memory_space<semaphore_mem>> -> memref<!tpu.dma_semaphore, #tpu.memory_space<semaphore_mem>>
    tpu.wait_indirect_dma semaphore(%dma_wait3A_3923 : memref<!tpu.dma_semaphore, #tpu.memory_space<semaphore_mem>>) src(%dma_wait3A_3921 : memref<2600000x32xf32, #tpu.memory_space<hbm>>) dst(%dma_wait3A_3915 : memref<128x32xf32, #tpu.memory_space<vmem>>)
    %dma_wait3A_3924 = arith.constant 3 : i32
    %dma_wait3A_3925 = arith.constant 1 : i32
    %dma_wait3A_3926 = arith.constant 384 : i32
    %dma_wait3A_3927 = arith.constant 0 : i32
    %dma_wait3A_3928 = tpu.memref_slice %arg8[%dma_wait3A_3926, %dma_wait3A_3927] : memref<3328x32xf32, #tpu.memory_space<vmem>> -> memref<128x32xf32, #tpu.memory_space<vmem>>
    %dma_wait3A_3929 = arith.constant 0 : i32
    %dma_wait3A_3930 = tpu.memref_slice %arg6[%dma_wait3A_3924, %dma_wait3A_3929] : memref<26x128xi32, #tpu.memory_space<vmem>> -> memref<1x128xi32, #tpu.memory_space<vmem>>
    %dma_wait3A_3931 = tpu.memref_squeeze %dma_wait3A_3930 : memref<1x128xi32, #tpu.memory_space<vmem>> -> memref<128xi32, #tpu.memory_space<vmem>>
    %dma_wait3A_3932 = arith.constant 0 : i32
    %dma_wait3A_3933 = arith.constant 0 : i32
    %dma_wait3A_3934 = tpu.memref_slice %arg2[%dma_wait3A_3932, %dma_wait3A_3933] : memref<2600000x32xf32, #tpu.memory_space<hbm>> -> memref<2600000x32xf32, #tpu.memory_space<hbm>>
    %dma_wait3A_3935 = tpu.memref_slice %arg9[%dma_wait3A_3925] : memref<13x!tpu.dma_semaphore, #tpu.memory_space<semaphore_mem>> -> memref<1x!tpu.dma_semaphore, #tpu.memory_space<semaphore_mem>>
    %dma_wait3A_3936 = tpu.memref_squeeze %dma_wait3A_3935 : memref<1x!tpu.dma_semaphore, #tpu.memory_space<semaphore_mem>> -> memref<!tpu.dma_semaphore, #tpu.memory_space<semaphore_mem>>
    tpu.wait_indirect_dma semaphore(%dma_wait3A_3936 : memref<!tpu.dma_semaphore, #tpu.memory_space<semaphore_mem>>) src(%dma_wait3A_3934 : memref<2600000x32xf32, #tpu.memory_space<hbm>>) dst(%dma_wait3A_3928 : memref<128x32xf32, #tpu.memory_space<vmem>>)
    %mul3A_3937 = arith.constant 3328 : i32
    %mul3A_3938 = arith.muli %add3A, %mul3A_3937 : i32
    %add3A_3939 = arith.constant 256 : i32
    %add3A_3940 = arith.addi %mul3A_3938, %add3A_3939 : i32
    %dma_start3A_3941 = arith.constant 256 : i32
    %dma_start3A_3942 = arith.constant 0 : i32
    %dma_start3A_3943 = tpu.memref_slice %arg8[%dma_start3A_3941, %dma_start3A_3942] : memref<3328x32xf32, #tpu.memory_space<vmem>> -> memref<256x32xf32, #tpu.memory_space<vmem>>
    %dma_start3A_3944 = arith.constant 0 : i32
    %dma_start3A_3945 = tpu.memref_slice %arg5[%add3A_3940, %dma_start3A_3944] : memref<106496x32xf32, #tpu.memory_space<hbm>> -> memref<256x32xf32, #tpu.memory_space<hbm>>
    %dma_start3A_3946 = arith.constant 0 : i32
    %dma_start3A_3947 = tpu.memref_slice %arg5[%add3A_3940, %dma_start3A_3946] : memref<106496x32xf32, #tpu.memory_space<hbm>> -> memref<256x32xf32, #tpu.memory_space<hbm>>
    %dma_start3A_3948 = arith.constant 256 : i32
    %dma_start3A_3949 = arith.constant 0 : i32
    %dma_start3A_3950 = tpu.memref_slice %arg8[%dma_start3A_3948, %dma_start3A_3949] : memref<3328x32xf32, #tpu.memory_space<vmem>> -> memref<256x32xf32, #tpu.memory_space<vmem>>
    tpu.enqueue_dma source(%dma_start3A_3950 : memref<256x32xf32, #tpu.memory_space<vmem>>) target(%dma_start3A_3947 : memref<256x32xf32, #tpu.memory_space<hbm>>) target_semaphore(%arg10 : memref<!tpu.dma_semaphore, #tpu.memory_space<semaphore_mem>>)
    %dma_wait3A_3951 = arith.constant 4 : i32
    %dma_wait3A_3952 = arith.constant 2 : i32
    %dma_wait3A_3953 = arith.constant 512 : i32
    %dma_wait3A_3954 = arith.constant 0 : i32
    %dma_wait3A_3955 = tpu.memref_slice %arg8[%dma_wait3A_3953, %dma_wait3A_3954] : memref<3328x32xf32, #tpu.memory_space<vmem>> -> memref<128x32xf32, #tpu.memory_space<vmem>>
    %dma_wait3A_3956 = arith.constant 0 : i32
    %dma_wait3A_3957 = tpu.memref_slice %arg6[%dma_wait3A_3951, %dma_wait3A_3956] : memref<26x128xi32, #tpu.memory_space<vmem>> -> memref<1x128xi32, #tpu.memory_space<vmem>>
    %dma_wait3A_3958 = tpu.memref_squeeze %dma_wait3A_3957 : memref<1x128xi32, #tpu.memory_space<vmem>> -> memref<128xi32, #tpu.memory_space<vmem>>
    %dma_wait3A_3959 = arith.constant 0 : i32
    %dma_wait3A_3960 = arith.constant 0 : i32
    %dma_wait3A_3961 = tpu.memref_slice %arg2[%dma_wait3A_3959, %dma_wait3A_3960] : memref<2600000x32xf32, #tpu.memory_space<hbm>> -> memref<2600000x32xf32, #tpu.memory_space<hbm>>
    %dma_wait3A_3962 = tpu.memref_slice %arg9[%dma_wait3A_3952] : memref<13x!tpu.dma_semaphore, #tpu.memory_space<semaphore_mem>> -> memref<1x!tpu.dma_semaphore, #tpu.memory_space<semaphore_mem>>
    %dma_wait3A_3963 = tpu.memref_squeeze %dma_wait3A_3962 : memref<1x!tpu.dma_semaphore, #tpu.memory_space<semaphore_mem>> -> memref<!tpu.dma_semaphore, #tpu.memory_space<semaphore_mem>>
    tpu.wait_indirect_dma semaphore(%dma_wait3A_3963 : memref<!tpu.dma_semaphore, #tpu.memory_space<semaphore_mem>>) src(%dma_wait3A_3961 : memref<2600000x32xf32, #tpu.memory_space<hbm>>) dst(%dma_wait3A_3955 : memref<128x32xf32, #tpu.memory_space<vmem>>)
    %dma_wait3A_3964 = arith.constant 5 : i32
    %dma_wait3A_3965 = arith.constant 2 : i32
    %dma_wait3A_3966 = arith.constant 640 : i32
    %dma_wait3A_3967 = arith.constant 0 : i32
    %dma_wait3A_3968 = tpu.memref_slice %arg8[%dma_wait3A_3966, %dma_wait3A_3967] : memref<3328x32xf32, #tpu.memory_space<vmem>> -> memref<128x32xf32, #tpu.memory_space<vmem>>
    %dma_wait3A_3969 = arith.constant 0 : i32
    %dma_wait3A_3970 = tpu.memref_slice %arg6[%dma_wait3A_3964, %dma_wait3A_3969] : memref<26x128xi32, #tpu.memory_space<vmem>> -> memref<1x128xi32, #tpu.memory_space<vmem>>
    %dma_wait3A_3971 = tpu.memref_squeeze %dma_wait3A_3970 : memref<1x128xi32, #tpu.memory_space<vmem>> -> memref<128xi32, #tpu.memory_space<vmem>>
    %dma_wait3A_3972 = arith.constant 0 : i32
    %dma_wait3A_3973 = arith.constant 0 : i32
    %dma_wait3A_3974 = tpu.memref_slice %arg2[%dma_wait3A_3972, %dma_wait3A_3973] : memref<2600000x32xf32, #tpu.memory_space<hbm>> -> memref<2600000x32xf32, #tpu.memory_space<hbm>>
    %dma_wait3A_3975 = tpu.memref_slice %arg9[%dma_wait3A_3965] : memref<13x!tpu.dma_semaphore, #tpu.memory_space<semaphore_mem>> -> memref<1x!tpu.dma_semaphore, #tpu.memory_space<semaphore_mem>>
    %dma_wait3A_3976 = tpu.memref_squeeze %dma_wait3A_3975 : memref<1x!tpu.dma_semaphore, #tpu.memory_space<semaphore_mem>> -> memref<!tpu.dma_semaphore, #tpu.memory_space<semaphore_mem>>
    tpu.wait_indirect_dma semaphore(%dma_wait3A_3976 : memref<!tpu.dma_semaphore, #tpu.memory_space<semaphore_mem>>) src(%dma_wait3A_3974 : memref<2600000x32xf32, #tpu.memory_space<hbm>>) dst(%dma_wait3A_3968 : memref<128x32xf32, #tpu.memory_space<vmem>>)
    %mul3A_3977 = arith.constant 3328 : i32
    %mul3A_3978 = arith.muli %add3A, %mul3A_3977 : i32
    %add3A_3979 = arith.constant 512 : i32
    %add3A_3980 = arith.addi %mul3A_3978, %add3A_3979 : i32
    %dma_start3A_3981 = arith.constant 512 : i32
    %dma_start3A_3982 = arith.constant 0 : i32
    %dma_start3A_3983 = tpu.memref_slice %arg8[%dma_start3A_3981, %dma_start3A_3982] : memref<3328x32xf32, #tpu.memory_space<vmem>> -> memref<256x32xf32, #tpu.memory_space<vmem>>
    %dma_start3A_3984 = arith.constant 0 : i32
    %dma_start3A_3985 = tpu.memref_slice %arg5[%add3A_3980, %dma_start3A_3984] : memref<106496x32xf32, #tpu.memory_space<hbm>> -> memref<256x32xf32, #tpu.memory_space<hbm>>
    %dma_start3A_3986 = arith.constant 0 : i32
    %dma_start3A_3987 = tpu.memref_slice %arg5[%add3A_3980, %dma_start3A_3986] : memref<106496x32xf32, #tpu.memory_space<hbm>> -> memref<256x32xf32, #tpu.memory_space<hbm>>
    %dma_start3A_3988 = arith.constant 512 : i32
    %dma_start3A_3989 = arith.constant 0 : i32
    %dma_start3A_3990 = tpu.memref_slice %arg8[%dma_start3A_3988, %dma_start3A_3989] : memref<3328x32xf32, #tpu.memory_space<vmem>> -> memref<256x32xf32, #tpu.memory_space<vmem>>
    tpu.enqueue_dma source(%dma_start3A_3990 : memref<256x32xf32, #tpu.memory_space<vmem>>) target(%dma_start3A_3987 : memref<256x32xf32, #tpu.memory_space<hbm>>) target_semaphore(%arg10 : memref<!tpu.dma_semaphore, #tpu.memory_space<semaphore_mem>>)
    %dma_wait3A_3991 = arith.constant 6 : i32
    %dma_wait3A_3992 = arith.constant 3 : i32
    %dma_wait3A_3993 = arith.constant 768 : i32
    %dma_wait3A_3994 = arith.constant 0 : i32
    %dma_wait3A_3995 = tpu.memref_slice %arg8[%dma_wait3A_3993, %dma_wait3A_3994] : memref<3328x32xf32, #tpu.memory_space<vmem>> -> memref<128x32xf32, #tpu.memory_space<vmem>>
    %dma_wait3A_3996 = arith.constant 0 : i32
    %dma_wait3A_3997 = tpu.memref_slice %arg6[%dma_wait3A_3991, %dma_wait3A_3996] : memref<26x128xi32, #tpu.memory_space<vmem>> -> memref<1x128xi32, #tpu.memory_space<vmem>>
    %dma_wait3A_3998 = tpu.memref_squeeze %dma_wait3A_3997 : memref<1x128xi32, #tpu.memory_space<vmem>> -> memref<128xi32, #tpu.memory_space<vmem>>
    %dma_wait3A_3999 = arith.constant 0 : i32
    %dma_wait3A_4000 = arith.constant 0 : i32
    %dma_wait3A_4001 = tpu.memref_slice %arg2[%dma_wait3A_3999, %dma_wait3A_4000] : memref<2600000x32xf32, #tpu.memory_space<hbm>> -> memref<2600000x32xf32, #tpu.memory_space<hbm>>
    %dma_wait3A_4002 = tpu.memref_slice %arg9[%dma_wait3A_3992] : memref<13x!tpu.dma_semaphore, #tpu.memory_space<semaphore_mem>> -> memref<1x!tpu.dma_semaphore, #tpu.memory_space<semaphore_mem>>
    %dma_wait3A_4003 = tpu.memref_squeeze %dma_wait3A_4002 : memref<1x!tpu.dma_semaphore, #tpu.memory_space<semaphore_mem>> -> memref<!tpu.dma_semaphore, #tpu.memory_space<semaphore_mem>>
    tpu.wait_indirect_dma semaphore(%dma_wait3A_4003 : memref<!tpu.dma_semaphore, #tpu.memory_space<semaphore_mem>>) src(%dma_wait3A_4001 : memref<2600000x32xf32, #tpu.memory_space<hbm>>) dst(%dma_wait3A_3995 : memref<128x32xf32, #tpu.memory_space<vmem>>)
    %dma_wait3A_4004 = arith.constant 7 : i32
    %dma_wait3A_4005 = arith.constant 3 : i32
    %dma_wait3A_4006 = arith.constant 896 : i32
    %dma_wait3A_4007 = arith.constant 0 : i32
    %dma_wait3A_4008 = tpu.memref_slice %arg8[%dma_wait3A_4006, %dma_wait3A_4007] : memref<3328x32xf32, #tpu.memory_space<vmem>> -> memref<128x32xf32, #tpu.memory_space<vmem>>
    %dma_wait3A_4009 = arith.constant 0 : i32
    %dma_wait3A_4010 = tpu.memref_slice %arg6[%dma_wait3A_4004, %dma_wait3A_4009] : memref<26x128xi32, #tpu.memory_space<vmem>> -> memref<1x128xi32, #tpu.memory_space<vmem>>
    %dma_wait3A_4011 = tpu.memref_squeeze %dma_wait3A_4010 : memref<1x128xi32, #tpu.memory_space<vmem>> -> memref<128xi32, #tpu.memory_space<vmem>>
    %dma_wait3A_4012 = arith.constant 0 : i32
    %dma_wait3A_4013 = arith.constant 0 : i32
    %dma_wait3A_4014 = tpu.memref_slice %arg2[%dma_wait3A_4012, %dma_wait3A_4013] : memref<2600000x32xf32, #tpu.memory_space<hbm>> -> memref<2600000x32xf32, #tpu.memory_space<hbm>>
    %dma_wait3A_4015 = tpu.memref_slice %arg9[%dma_wait3A_4005] : memref<13x!tpu.dma_semaphore, #tpu.memory_space<semaphore_mem>> -> memref<1x!tpu.dma_semaphore, #tpu.memory_space<semaphore_mem>>
    %dma_wait3A_4016 = tpu.memref_squeeze %dma_wait3A_4015 : memref<1x!tpu.dma_semaphore, #tpu.memory_space<semaphore_mem>> -> memref<!tpu.dma_semaphore, #tpu.memory_space<semaphore_mem>>
    tpu.wait_indirect_dma semaphore(%dma_wait3A_4016 : memref<!tpu.dma_semaphore, #tpu.memory_space<semaphore_mem>>) src(%dma_wait3A_4014 : memref<2600000x32xf32, #tpu.memory_space<hbm>>) dst(%dma_wait3A_4008 : memref<128x32xf32, #tpu.memory_space<vmem>>)
    %mul3A_4017 = arith.constant 3328 : i32
    %mul3A_4018 = arith.muli %add3A, %mul3A_4017 : i32
    %add3A_4019 = arith.constant 768 : i32
    %add3A_4020 = arith.addi %mul3A_4018, %add3A_4019 : i32
    %dma_start3A_4021 = arith.constant 768 : i32
    %dma_start3A_4022 = arith.constant 0 : i32
    %dma_start3A_4023 = tpu.memref_slice %arg8[%dma_start3A_4021, %dma_start3A_4022] : memref<3328x32xf32, #tpu.memory_space<vmem>> -> memref<256x32xf32, #tpu.memory_space<vmem>>
    %dma_start3A_4024 = arith.constant 0 : i32
    %dma_start3A_4025 = tpu.memref_slice %arg5[%add3A_4020, %dma_start3A_4024] : memref<106496x32xf32, #tpu.memory_space<hbm>> -> memref<256x32xf32, #tpu.memory_space<hbm>>
    %dma_start3A_4026 = arith.constant 0 : i32
    %dma_start3A_4027 = tpu.memref_slice %arg5[%add3A_4020, %dma_start3A_4026] : memref<106496x32xf32, #tpu.memory_space<hbm>> -> memref<256x32xf32, #tpu.memory_space<hbm>>
    %dma_start3A_4028 = arith.constant 768 : i32
    %dma_start3A_4029 = arith.constant 0 : i32
    %dma_start3A_4030 = tpu.memref_slice %arg8[%dma_start3A_4028, %dma_start3A_4029] : memref<3328x32xf32, #tpu.memory_space<vmem>> -> memref<256x32xf32, #tpu.memory_space<vmem>>
    tpu.enqueue_dma source(%dma_start3A_4030 : memref<256x32xf32, #tpu.memory_space<vmem>>) target(%dma_start3A_4027 : memref<256x32xf32, #tpu.memory_space<hbm>>) target_semaphore(%arg10 : memref<!tpu.dma_semaphore, #tpu.memory_space<semaphore_mem>>)
    %dma_wait3A_4031 = arith.constant 8 : i32
    %dma_wait3A_4032 = arith.constant 4 : i32
    %dma_wait3A_4033 = arith.constant 1024 : i32
    %dma_wait3A_4034 = arith.constant 0 : i32
    %dma_wait3A_4035 = tpu.memref_slice %arg8[%dma_wait3A_4033, %dma_wait3A_4034] : memref<3328x32xf32, #tpu.memory_space<vmem>> -> memref<128x32xf32, #tpu.memory_space<vmem>>
    %dma_wait3A_4036 = arith.constant 0 : i32
    %dma_wait3A_4037 = tpu.memref_slice %arg6[%dma_wait3A_4031, %dma_wait3A_4036] : memref<26x128xi32, #tpu.memory_space<vmem>> -> memref<1x128xi32, #tpu.memory_space<vmem>>
    %dma_wait3A_4038 = tpu.memref_squeeze %dma_wait3A_4037 : memref<1x128xi32, #tpu.memory_space<vmem>> -> memref<128xi32, #tpu.memory_space<vmem>>
    %dma_wait3A_4039 = arith.constant 0 : i32
    %dma_wait3A_4040 = arith.constant 0 : i32
    %dma_wait3A_4041 = tpu.memref_slice %arg2[%dma_wait3A_4039, %dma_wait3A_4040] : memref<2600000x32xf32, #tpu.memory_space<hbm>> -> memref<2600000x32xf32, #tpu.memory_space<hbm>>
    %dma_wait3A_4042 = tpu.memref_slice %arg9[%dma_wait3A_4032] : memref<13x!tpu.dma_semaphore, #tpu.memory_space<semaphore_mem>> -> memref<1x!tpu.dma_semaphore, #tpu.memory_space<semaphore_mem>>
    %dma_wait3A_4043 = tpu.memref_squeeze %dma_wait3A_4042 : memref<1x!tpu.dma_semaphore, #tpu.memory_space<semaphore_mem>> -> memref<!tpu.dma_semaphore, #tpu.memory_space<semaphore_mem>>
    tpu.wait_indirect_dma semaphore(%dma_wait3A_4043 : memref<!tpu.dma_semaphore, #tpu.memory_space<semaphore_mem>>) src(%dma_wait3A_4041 : memref<2600000x32xf32, #tpu.memory_space<hbm>>) dst(%dma_wait3A_4035 : memref<128x32xf32, #tpu.memory_space<vmem>>)
    %dma_wait3A_4044 = arith.constant 9 : i32
    %dma_wait3A_4045 = arith.constant 4 : i32
    %dma_wait3A_4046 = arith.constant 1152 : i32
    %dma_wait3A_4047 = arith.constant 0 : i32
    %dma_wait3A_4048 = tpu.memref_slice %arg8[%dma_wait3A_4046, %dma_wait3A_4047] : memref<3328x32xf32, #tpu.memory_space<vmem>> -> memref<128x32xf32, #tpu.memory_space<vmem>>
    %dma_wait3A_4049 = arith.constant 0 : i32
    %dma_wait3A_4050 = tpu.memref_slice %arg6[%dma_wait3A_4044, %dma_wait3A_4049] : memref<26x128xi32, #tpu.memory_space<vmem>> -> memref<1x128xi32, #tpu.memory_space<vmem>>
    %dma_wait3A_4051 = tpu.memref_squeeze %dma_wait3A_4050 : memref<1x128xi32, #tpu.memory_space<vmem>> -> memref<128xi32, #tpu.memory_space<vmem>>
    %dma_wait3A_4052 = arith.constant 0 : i32
    %dma_wait3A_4053 = arith.constant 0 : i32
    %dma_wait3A_4054 = tpu.memref_slice %arg2[%dma_wait3A_4052, %dma_wait3A_4053] : memref<2600000x32xf32, #tpu.memory_space<hbm>> -> memref<2600000x32xf32, #tpu.memory_space<hbm>>
    %dma_wait3A_4055 = tpu.memref_slice %arg9[%dma_wait3A_4045] : memref<13x!tpu.dma_semaphore, #tpu.memory_space<semaphore_mem>> -> memref<1x!tpu.dma_semaphore, #tpu.memory_space<semaphore_mem>>
    %dma_wait3A_4056 = tpu.memref_squeeze %dma_wait3A_4055 : memref<1x!tpu.dma_semaphore, #tpu.memory_space<semaphore_mem>> -> memref<!tpu.dma_semaphore, #tpu.memory_space<semaphore_mem>>
    tpu.wait_indirect_dma semaphore(%dma_wait3A_4056 : memref<!tpu.dma_semaphore, #tpu.memory_space<semaphore_mem>>) src(%dma_wait3A_4054 : memref<2600000x32xf32, #tpu.memory_space<hbm>>) dst(%dma_wait3A_4048 : memref<128x32xf32, #tpu.memory_space<vmem>>)
    %mul3A_4057 = arith.constant 3328 : i32
    %mul3A_4058 = arith.muli %add3A, %mul3A_4057 : i32
    %add3A_4059 = arith.constant 1024 : i32
    %add3A_4060 = arith.addi %mul3A_4058, %add3A_4059 : i32
    %dma_start3A_4061 = arith.constant 1024 : i32
    %dma_start3A_4062 = arith.constant 0 : i32
    %dma_start3A_4063 = tpu.memref_slice %arg8[%dma_start3A_4061, %dma_start3A_4062] : memref<3328x32xf32, #tpu.memory_space<vmem>> -> memref<256x32xf32, #tpu.memory_space<vmem>>
    %dma_start3A_4064 = arith.constant 0 : i32
    %dma_start3A_4065 = tpu.memref_slice %arg5[%add3A_4060, %dma_start3A_4064] : memref<106496x32xf32, #tpu.memory_space<hbm>> -> memref<256x32xf32, #tpu.memory_space<hbm>>
    %dma_start3A_4066 = arith.constant 0 : i32
    %dma_start3A_4067 = tpu.memref_slice %arg5[%add3A_4060, %dma_start3A_4066] : memref<106496x32xf32, #tpu.memory_space<hbm>> -> memref<256x32xf32, #tpu.memory_space<hbm>>
    %dma_start3A_4068 = arith.constant 1024 : i32
    %dma_start3A_4069 = arith.constant 0 : i32
    %dma_start3A_4070 = tpu.memref_slice %arg8[%dma_start3A_4068, %dma_start3A_4069] : memref<3328x32xf32, #tpu.memory_space<vmem>> -> memref<256x32xf32, #tpu.memory_space<vmem>>
    tpu.enqueue_dma source(%dma_start3A_4070 : memref<256x32xf32, #tpu.memory_space<vmem>>) target(%dma_start3A_4067 : memref<256x32xf32, #tpu.memory_space<hbm>>) target_semaphore(%arg10 : memref<!tpu.dma_semaphore, #tpu.memory_space<semaphore_mem>>)
    %dma_wait3A_4071 = arith.constant 10 : i32
    %dma_wait3A_4072 = arith.constant 5 : i32
    %dma_wait3A_4073 = arith.constant 1280 : i32
    %dma_wait3A_4074 = arith.constant 0 : i32
    %dma_wait3A_4075 = tpu.memref_slice %arg8[%dma_wait3A_4073, %dma_wait3A_4074] : memref<3328x32xf32, #tpu.memory_space<vmem>> -> memref<128x32xf32, #tpu.memory_space<vmem>>
    %dma_wait3A_4076 = arith.constant 0 : i32
    %dma_wait3A_4077 = tpu.memref_slice %arg6[%dma_wait3A_4071, %dma_wait3A_4076] : memref<26x128xi32, #tpu.memory_space<vmem>> -> memref<1x128xi32, #tpu.memory_space<vmem>>
    %dma_wait3A_4078 = tpu.memref_squeeze %dma_wait3A_4077 : memref<1x128xi32, #tpu.memory_space<vmem>> -> memref<128xi32, #tpu.memory_space<vmem>>
    %dma_wait3A_4079 = arith.constant 0 : i32
    %dma_wait3A_4080 = arith.constant 0 : i32
    %dma_wait3A_4081 = tpu.memref_slice %arg2[%dma_wait3A_4079, %dma_wait3A_4080] : memref<2600000x32xf32, #tpu.memory_space<hbm>> -> memref<2600000x32xf32, #tpu.memory_space<hbm>>
    %dma_wait3A_4082 = tpu.memref_slice %arg9[%dma_wait3A_4072] : memref<13x!tpu.dma_semaphore, #tpu.memory_space<semaphore_mem>> -> memref<1x!tpu.dma_semaphore, #tpu.memory_space<semaphore_mem>>
    %dma_wait3A_4083 = tpu.memref_squeeze %dma_wait3A_4082 : memref<1x!tpu.dma_semaphore, #tpu.memory_space<semaphore_mem>> -> memref<!tpu.dma_semaphore, #tpu.memory_space<semaphore_mem>>
    tpu.wait_indirect_dma semaphore(%dma_wait3A_4083 : memref<!tpu.dma_semaphore, #tpu.memory_space<semaphore_mem>>) src(%dma_wait3A_4081 : memref<2600000x32xf32, #tpu.memory_space<hbm>>) dst(%dma_wait3A_4075 : memref<128x32xf32, #tpu.memory_space<vmem>>)
    %dma_wait3A_4084 = arith.constant 11 : i32
    %dma_wait3A_4085 = arith.constant 5 : i32
    %dma_wait3A_4086 = arith.constant 1408 : i32
    %dma_wait3A_4087 = arith.constant 0 : i32
    %dma_wait3A_4088 = tpu.memref_slice %arg8[%dma_wait3A_4086, %dma_wait3A_4087] : memref<3328x32xf32, #tpu.memory_space<vmem>> -> memref<128x32xf32, #tpu.memory_space<vmem>>
    %dma_wait3A_4089 = arith.constant 0 : i32
    %dma_wait3A_4090 = tpu.memref_slice %arg6[%dma_wait3A_4084, %dma_wait3A_4089] : memref<26x128xi32, #tpu.memory_space<vmem>> -> memref<1x128xi32, #tpu.memory_space<vmem>>
    %dma_wait3A_4091 = tpu.memref_squeeze %dma_wait3A_4090 : memref<1x128xi32, #tpu.memory_space<vmem>> -> memref<128xi32, #tpu.memory_space<vmem>>
    %dma_wait3A_4092 = arith.constant 0 : i32
    %dma_wait3A_4093 = arith.constant 0 : i32
    %dma_wait3A_4094 = tpu.memref_slice %arg2[%dma_wait3A_4092, %dma_wait3A_4093] : memref<2600000x32xf32, #tpu.memory_space<hbm>> -> memref<2600000x32xf32, #tpu.memory_space<hbm>>
    %dma_wait3A_4095 = tpu.memref_slice %arg9[%dma_wait3A_4085] : memref<13x!tpu.dma_semaphore, #tpu.memory_space<semaphore_mem>> -> memref<1x!tpu.dma_semaphore, #tpu.memory_space<semaphore_mem>>
    %dma_wait3A_4096 = tpu.memref_squeeze %dma_wait3A_4095 : memref<1x!tpu.dma_semaphore, #tpu.memory_space<semaphore_mem>> -> memref<!tpu.dma_semaphore, #tpu.memory_space<semaphore_mem>>
    tpu.wait_indirect_dma semaphore(%dma_wait3A_4096 : memref<!tpu.dma_semaphore, #tpu.memory_space<semaphore_mem>>) src(%dma_wait3A_4094 : memref<2600000x32xf32, #tpu.memory_space<hbm>>) dst(%dma_wait3A_4088 : memref<128x32xf32, #tpu.memory_space<vmem>>)
    %mul3A_4097 = arith.constant 3328 : i32
    %mul3A_4098 = arith.muli %add3A, %mul3A_4097 : i32
    %add3A_4099 = arith.constant 1280 : i32
    %add3A_4100 = arith.addi %mul3A_4098, %add3A_4099 : i32
    %dma_start3A_4101 = arith.constant 1280 : i32
    %dma_start3A_4102 = arith.constant 0 : i32
    %dma_start3A_4103 = tpu.memref_slice %arg8[%dma_start3A_4101, %dma_start3A_4102] : memref<3328x32xf32, #tpu.memory_space<vmem>> -> memref<256x32xf32, #tpu.memory_space<vmem>>
    %dma_start3A_4104 = arith.constant 0 : i32
    %dma_start3A_4105 = tpu.memref_slice %arg5[%add3A_4100, %dma_start3A_4104] : memref<106496x32xf32, #tpu.memory_space<hbm>> -> memref<256x32xf32, #tpu.memory_space<hbm>>
    %dma_start3A_4106 = arith.constant 0 : i32
    %dma_start3A_4107 = tpu.memref_slice %arg5[%add3A_4100, %dma_start3A_4106] : memref<106496x32xf32, #tpu.memory_space<hbm>> -> memref<256x32xf32, #tpu.memory_space<hbm>>
    %dma_start3A_4108 = arith.constant 1280 : i32
    %dma_start3A_4109 = arith.constant 0 : i32
    %dma_start3A_4110 = tpu.memref_slice %arg8[%dma_start3A_4108, %dma_start3A_4109] : memref<3328x32xf32, #tpu.memory_space<vmem>> -> memref<256x32xf32, #tpu.memory_space<vmem>>
    tpu.enqueue_dma source(%dma_start3A_4110 : memref<256x32xf32, #tpu.memory_space<vmem>>) target(%dma_start3A_4107 : memref<256x32xf32, #tpu.memory_space<hbm>>) target_semaphore(%arg10 : memref<!tpu.dma_semaphore, #tpu.memory_space<semaphore_mem>>)
    %dma_wait3A_4111 = arith.constant 12 : i32
    %dma_wait3A_4112 = arith.constant 6 : i32
    %dma_wait3A_4113 = arith.constant 1536 : i32
    %dma_wait3A_4114 = arith.constant 0 : i32
    %dma_wait3A_4115 = tpu.memref_slice %arg8[%dma_wait3A_4113, %dma_wait3A_4114] : memref<3328x32xf32, #tpu.memory_space<vmem>> -> memref<128x32xf32, #tpu.memory_space<vmem>>
    %dma_wait3A_4116 = arith.constant 0 : i32
    %dma_wait3A_4117 = tpu.memref_slice %arg6[%dma_wait3A_4111, %dma_wait3A_4116] : memref<26x128xi32, #tpu.memory_space<vmem>> -> memref<1x128xi32, #tpu.memory_space<vmem>>
    %dma_wait3A_4118 = tpu.memref_squeeze %dma_wait3A_4117 : memref<1x128xi32, #tpu.memory_space<vmem>> -> memref<128xi32, #tpu.memory_space<vmem>>
    %dma_wait3A_4119 = arith.constant 0 : i32
    %dma_wait3A_4120 = arith.constant 0 : i32
    %dma_wait3A_4121 = tpu.memref_slice %arg2[%dma_wait3A_4119, %dma_wait3A_4120] : memref<2600000x32xf32, #tpu.memory_space<hbm>> -> memref<2600000x32xf32, #tpu.memory_space<hbm>>
    %dma_wait3A_4122 = tpu.memref_slice %arg9[%dma_wait3A_4112] : memref<13x!tpu.dma_semaphore, #tpu.memory_space<semaphore_mem>> -> memref<1x!tpu.dma_semaphore, #tpu.memory_space<semaphore_mem>>
    %dma_wait3A_4123 = tpu.memref_squeeze %dma_wait3A_4122 : memref<1x!tpu.dma_semaphore, #tpu.memory_space<semaphore_mem>> -> memref<!tpu.dma_semaphore, #tpu.memory_space<semaphore_mem>>
    tpu.wait_indirect_dma semaphore(%dma_wait3A_4123 : memref<!tpu.dma_semaphore, #tpu.memory_space<semaphore_mem>>) src(%dma_wait3A_4121 : memref<2600000x32xf32, #tpu.memory_space<hbm>>) dst(%dma_wait3A_4115 : memref<128x32xf32, #tpu.memory_space<vmem>>)
    %dma_wait3A_4124 = arith.constant 13 : i32
    %dma_wait3A_4125 = arith.constant 6 : i32
    %dma_wait3A_4126 = arith.constant 1664 : i32
    %dma_wait3A_4127 = arith.constant 0 : i32
    %dma_wait3A_4128 = tpu.memref_slice %arg8[%dma_wait3A_4126, %dma_wait3A_4127] : memref<3328x32xf32, #tpu.memory_space<vmem>> -> memref<128x32xf32, #tpu.memory_space<vmem>>
    %dma_wait3A_4129 = arith.constant 0 : i32
    %dma_wait3A_4130 = tpu.memref_slice %arg6[%dma_wait3A_4124, %dma_wait3A_4129] : memref<26x128xi32, #tpu.memory_space<vmem>> -> memref<1x128xi32, #tpu.memory_space<vmem>>
    %dma_wait3A_4131 = tpu.memref_squeeze %dma_wait3A_4130 : memref<1x128xi32, #tpu.memory_space<vmem>> -> memref<128xi32, #tpu.memory_space<vmem>>
    %dma_wait3A_4132 = arith.constant 0 : i32
    %dma_wait3A_4133 = arith.constant 0 : i32
    %dma_wait3A_4134 = tpu.memref_slice %arg2[%dma_wait3A_4132, %dma_wait3A_4133] : memref<2600000x32xf32, #tpu.memory_space<hbm>> -> memref<2600000x32xf32, #tpu.memory_space<hbm>>
    %dma_wait3A_4135 = tpu.memref_slice %arg9[%dma_wait3A_4125] : memref<13x!tpu.dma_semaphore, #tpu.memory_space<semaphore_mem>> -> memref<1x!tpu.dma_semaphore, #tpu.memory_space<semaphore_mem>>
    %dma_wait3A_4136 = tpu.memref_squeeze %dma_wait3A_4135 : memref<1x!tpu.dma_semaphore, #tpu.memory_space<semaphore_mem>> -> memref<!tpu.dma_semaphore, #tpu.memory_space<semaphore_mem>>
    tpu.wait_indirect_dma semaphore(%dma_wait3A_4136 : memref<!tpu.dma_semaphore, #tpu.memory_space<semaphore_mem>>) src(%dma_wait3A_4134 : memref<2600000x32xf32, #tpu.memory_space<hbm>>) dst(%dma_wait3A_4128 : memref<128x32xf32, #tpu.memory_space<vmem>>)
    %mul3A_4137 = arith.constant 3328 : i32
    %mul3A_4138 = arith.muli %add3A, %mul3A_4137 : i32
    %add3A_4139 = arith.constant 1536 : i32
    %add3A_4140 = arith.addi %mul3A_4138, %add3A_4139 : i32
    %dma_start3A_4141 = arith.constant 1536 : i32
    %dma_start3A_4142 = arith.constant 0 : i32
    %dma_start3A_4143 = tpu.memref_slice %arg8[%dma_start3A_4141, %dma_start3A_4142] : memref<3328x32xf32, #tpu.memory_space<vmem>> -> memref<256x32xf32, #tpu.memory_space<vmem>>
    %dma_start3A_4144 = arith.constant 0 : i32
    %dma_start3A_4145 = tpu.memref_slice %arg5[%add3A_4140, %dma_start3A_4144] : memref<106496x32xf32, #tpu.memory_space<hbm>> -> memref<256x32xf32, #tpu.memory_space<hbm>>
    %dma_start3A_4146 = arith.constant 0 : i32
    %dma_start3A_4147 = tpu.memref_slice %arg5[%add3A_4140, %dma_start3A_4146] : memref<106496x32xf32, #tpu.memory_space<hbm>> -> memref<256x32xf32, #tpu.memory_space<hbm>>
    %dma_start3A_4148 = arith.constant 1536 : i32
    %dma_start3A_4149 = arith.constant 0 : i32
    %dma_start3A_4150 = tpu.memref_slice %arg8[%dma_start3A_4148, %dma_start3A_4149] : memref<3328x32xf32, #tpu.memory_space<vmem>> -> memref<256x32xf32, #tpu.memory_space<vmem>>
    tpu.enqueue_dma source(%dma_start3A_4150 : memref<256x32xf32, #tpu.memory_space<vmem>>) target(%dma_start3A_4147 : memref<256x32xf32, #tpu.memory_space<hbm>>) target_semaphore(%arg10 : memref<!tpu.dma_semaphore, #tpu.memory_space<semaphore_mem>>)
    %dma_wait3A_4151 = arith.constant 14 : i32
    %dma_wait3A_4152 = arith.constant 7 : i32
    %dma_wait3A_4153 = arith.constant 1792 : i32
    %dma_wait3A_4154 = arith.constant 0 : i32
    %dma_wait3A_4155 = tpu.memref_slice %arg8[%dma_wait3A_4153, %dma_wait3A_4154] : memref<3328x32xf32, #tpu.memory_space<vmem>> -> memref<128x32xf32, #tpu.memory_space<vmem>>
    %dma_wait3A_4156 = arith.constant 0 : i32
    %dma_wait3A_4157 = tpu.memref_slice %arg6[%dma_wait3A_4151, %dma_wait3A_4156] : memref<26x128xi32, #tpu.memory_space<vmem>> -> memref<1x128xi32, #tpu.memory_space<vmem>>
    %dma_wait3A_4158 = tpu.memref_squeeze %dma_wait3A_4157 : memref<1x128xi32, #tpu.memory_space<vmem>> -> memref<128xi32, #tpu.memory_space<vmem>>
    %dma_wait3A_4159 = arith.constant 0 : i32
    %dma_wait3A_4160 = arith.constant 0 : i32
    %dma_wait3A_4161 = tpu.memref_slice %arg2[%dma_wait3A_4159, %dma_wait3A_4160] : memref<2600000x32xf32, #tpu.memory_space<hbm>> -> memref<2600000x32xf32, #tpu.memory_space<hbm>>
    %dma_wait3A_4162 = tpu.memref_slice %arg9[%dma_wait3A_4152] : memref<13x!tpu.dma_semaphore, #tpu.memory_space<semaphore_mem>> -> memref<1x!tpu.dma_semaphore, #tpu.memory_space<semaphore_mem>>
    %dma_wait3A_4163 = tpu.memref_squeeze %dma_wait3A_4162 : memref<1x!tpu.dma_semaphore, #tpu.memory_space<semaphore_mem>> -> memref<!tpu.dma_semaphore, #tpu.memory_space<semaphore_mem>>
    tpu.wait_indirect_dma semaphore(%dma_wait3A_4163 : memref<!tpu.dma_semaphore, #tpu.memory_space<semaphore_mem>>) src(%dma_wait3A_4161 : memref<2600000x32xf32, #tpu.memory_space<hbm>>) dst(%dma_wait3A_4155 : memref<128x32xf32, #tpu.memory_space<vmem>>)
    %dma_wait3A_4164 = arith.constant 15 : i32
    %dma_wait3A_4165 = arith.constant 7 : i32
    %dma_wait3A_4166 = arith.constant 1920 : i32
    %dma_wait3A_4167 = arith.constant 0 : i32
    %dma_wait3A_4168 = tpu.memref_slice %arg8[%dma_wait3A_4166, %dma_wait3A_4167] : memref<3328x32xf32, #tpu.memory_space<vmem>> -> memref<128x32xf32, #tpu.memory_space<vmem>>
    %dma_wait3A_4169 = arith.constant 0 : i32
    %dma_wait3A_4170 = tpu.memref_slice %arg6[%dma_wait3A_4164, %dma_wait3A_4169] : memref<26x128xi32, #tpu.memory_space<vmem>> -> memref<1x128xi32, #tpu.memory_space<vmem>>
    %dma_wait3A_4171 = tpu.memref_squeeze %dma_wait3A_4170 : memref<1x128xi32, #tpu.memory_space<vmem>> -> memref<128xi32, #tpu.memory_space<vmem>>
    %dma_wait3A_4172 = arith.constant 0 : i32
    %dma_wait3A_4173 = arith.constant 0 : i32
    %dma_wait3A_4174 = tpu.memref_slice %arg2[%dma_wait3A_4172, %dma_wait3A_4173] : memref<2600000x32xf32, #tpu.memory_space<hbm>> -> memref<2600000x32xf32, #tpu.memory_space<hbm>>
    %dma_wait3A_4175 = tpu.memref_slice %arg9[%dma_wait3A_4165] : memref<13x!tpu.dma_semaphore, #tpu.memory_space<semaphore_mem>> -> memref<1x!tpu.dma_semaphore, #tpu.memory_space<semaphore_mem>>
    %dma_wait3A_4176 = tpu.memref_squeeze %dma_wait3A_4175 : memref<1x!tpu.dma_semaphore, #tpu.memory_space<semaphore_mem>> -> memref<!tpu.dma_semaphore, #tpu.memory_space<semaphore_mem>>
    tpu.wait_indirect_dma semaphore(%dma_wait3A_4176 : memref<!tpu.dma_semaphore, #tpu.memory_space<semaphore_mem>>) src(%dma_wait3A_4174 : memref<2600000x32xf32, #tpu.memory_space<hbm>>) dst(%dma_wait3A_4168 : memref<128x32xf32, #tpu.memory_space<vmem>>)
    %mul3A_4177 = arith.constant 3328 : i32
    %mul3A_4178 = arith.muli %add3A, %mul3A_4177 : i32
    %add3A_4179 = arith.constant 1792 : i32
    %add3A_4180 = arith.addi %mul3A_4178, %add3A_4179 : i32
    %dma_start3A_4181 = arith.constant 1792 : i32
    %dma_start3A_4182 = arith.constant 0 : i32
    %dma_start3A_4183 = tpu.memref_slice %arg8[%dma_start3A_4181, %dma_start3A_4182] : memref<3328x32xf32, #tpu.memory_space<vmem>> -> memref<256x32xf32, #tpu.memory_space<vmem>>
    %dma_start3A_4184 = arith.constant 0 : i32
    %dma_start3A_4185 = tpu.memref_slice %arg5[%add3A_4180, %dma_start3A_4184] : memref<106496x32xf32, #tpu.memory_space<hbm>> -> memref<256x32xf32, #tpu.memory_space<hbm>>
    %dma_start3A_4186 = arith.constant 0 : i32
    %dma_start3A_4187 = tpu.memref_slice %arg5[%add3A_4180, %dma_start3A_4186] : memref<106496x32xf32, #tpu.memory_space<hbm>> -> memref<256x32xf32, #tpu.memory_space<hbm>>
    %dma_start3A_4188 = arith.constant 1792 : i32
    %dma_start3A_4189 = arith.constant 0 : i32
    %dma_start3A_4190 = tpu.memref_slice %arg8[%dma_start3A_4188, %dma_start3A_4189] : memref<3328x32xf32, #tpu.memory_space<vmem>> -> memref<256x32xf32, #tpu.memory_space<vmem>>
    tpu.enqueue_dma source(%dma_start3A_4190 : memref<256x32xf32, #tpu.memory_space<vmem>>) target(%dma_start3A_4187 : memref<256x32xf32, #tpu.memory_space<hbm>>) target_semaphore(%arg10 : memref<!tpu.dma_semaphore, #tpu.memory_space<semaphore_mem>>)
    %dma_wait3A_4191 = arith.constant 16 : i32
    %dma_wait3A_4192 = arith.constant 8 : i32
    %dma_wait3A_4193 = arith.constant 2048 : i32
    %dma_wait3A_4194 = arith.constant 0 : i32
    %dma_wait3A_4195 = tpu.memref_slice %arg8[%dma_wait3A_4193, %dma_wait3A_4194] : memref<3328x32xf32, #tpu.memory_space<vmem>> -> memref<128x32xf32, #tpu.memory_space<vmem>>
    %dma_wait3A_4196 = arith.constant 0 : i32
    %dma_wait3A_4197 = tpu.memref_slice %arg6[%dma_wait3A_4191, %dma_wait3A_4196] : memref<26x128xi32, #tpu.memory_space<vmem>> -> memref<1x128xi32, #tpu.memory_space<vmem>>
    %dma_wait3A_4198 = tpu.memref_squeeze %dma_wait3A_4197 : memref<1x128xi32, #tpu.memory_space<vmem>> -> memref<128xi32, #tpu.memory_space<vmem>>
    %dma_wait3A_4199 = arith.constant 0 : i32
    %dma_wait3A_4200 = arith.constant 0 : i32
    %dma_wait3A_4201 = tpu.memref_slice %arg2[%dma_wait3A_4199, %dma_wait3A_4200] : memref<2600000x32xf32, #tpu.memory_space<hbm>> -> memref<2600000x32xf32, #tpu.memory_space<hbm>>
    %dma_wait3A_4202 = tpu.memref_slice %arg9[%dma_wait3A_4192] : memref<13x!tpu.dma_semaphore, #tpu.memory_space<semaphore_mem>> -> memref<1x!tpu.dma_semaphore, #tpu.memory_space<semaphore_mem>>
    %dma_wait3A_4203 = tpu.memref_squeeze %dma_wait3A_4202 : memref<1x!tpu.dma_semaphore, #tpu.memory_space<semaphore_mem>> -> memref<!tpu.dma_semaphore, #tpu.memory_space<semaphore_mem>>
    tpu.wait_indirect_dma semaphore(%dma_wait3A_4203 : memref<!tpu.dma_semaphore, #tpu.memory_space<semaphore_mem>>) src(%dma_wait3A_4201 : memref<2600000x32xf32, #tpu.memory_space<hbm>>) dst(%dma_wait3A_4195 : memref<128x32xf32, #tpu.memory_space<vmem>>)
    %dma_wait3A_4204 = arith.constant 17 : i32
    %dma_wait3A_4205 = arith.constant 8 : i32
    %dma_wait3A_4206 = arith.constant 2176 : i32
    %dma_wait3A_4207 = arith.constant 0 : i32
    %dma_wait3A_4208 = tpu.memref_slice %arg8[%dma_wait3A_4206, %dma_wait3A_4207] : memref<3328x32xf32, #tpu.memory_space<vmem>> -> memref<128x32xf32, #tpu.memory_space<vmem>>
    %dma_wait3A_4209 = arith.constant 0 : i32
    %dma_wait3A_4210 = tpu.memref_slice %arg6[%dma_wait3A_4204, %dma_wait3A_4209] : memref<26x128xi32, #tpu.memory_space<vmem>> -> memref<1x128xi32, #tpu.memory_space<vmem>>
    %dma_wait3A_4211 = tpu.memref_squeeze %dma_wait3A_4210 : memref<1x128xi32, #tpu.memory_space<vmem>> -> memref<128xi32, #tpu.memory_space<vmem>>
    %dma_wait3A_4212 = arith.constant 0 : i32
    %dma_wait3A_4213 = arith.constant 0 : i32
    %dma_wait3A_4214 = tpu.memref_slice %arg2[%dma_wait3A_4212, %dma_wait3A_4213] : memref<2600000x32xf32, #tpu.memory_space<hbm>> -> memref<2600000x32xf32, #tpu.memory_space<hbm>>
    %dma_wait3A_4215 = tpu.memref_slice %arg9[%dma_wait3A_4205] : memref<13x!tpu.dma_semaphore, #tpu.memory_space<semaphore_mem>> -> memref<1x!tpu.dma_semaphore, #tpu.memory_space<semaphore_mem>>
    %dma_wait3A_4216 = tpu.memref_squeeze %dma_wait3A_4215 : memref<1x!tpu.dma_semaphore, #tpu.memory_space<semaphore_mem>> -> memref<!tpu.dma_semaphore, #tpu.memory_space<semaphore_mem>>
    tpu.wait_indirect_dma semaphore(%dma_wait3A_4216 : memref<!tpu.dma_semaphore, #tpu.memory_space<semaphore_mem>>) src(%dma_wait3A_4214 : memref<2600000x32xf32, #tpu.memory_space<hbm>>) dst(%dma_wait3A_4208 : memref<128x32xf32, #tpu.memory_space<vmem>>)
    %mul3A_4217 = arith.constant 3328 : i32
    %mul3A_4218 = arith.muli %add3A, %mul3A_4217 : i32
    %add3A_4219 = arith.constant 2048 : i32
    %add3A_4220 = arith.addi %mul3A_4218, %add3A_4219 : i32
    %dma_start3A_4221 = arith.constant 2048 : i32
    %dma_start3A_4222 = arith.constant 0 : i32
    %dma_start3A_4223 = tpu.memref_slice %arg8[%dma_start3A_4221, %dma_start3A_4222] : memref<3328x32xf32, #tpu.memory_space<vmem>> -> memref<256x32xf32, #tpu.memory_space<vmem>>
    %dma_start3A_4224 = arith.constant 0 : i32
    %dma_start3A_4225 = tpu.memref_slice %arg5[%add3A_4220, %dma_start3A_4224] : memref<106496x32xf32, #tpu.memory_space<hbm>> -> memref<256x32xf32, #tpu.memory_space<hbm>>
    %dma_start3A_4226 = arith.constant 0 : i32
    %dma_start3A_4227 = tpu.memref_slice %arg5[%add3A_4220, %dma_start3A_4226] : memref<106496x32xf32, #tpu.memory_space<hbm>> -> memref<256x32xf32, #tpu.memory_space<hbm>>
    %dma_start3A_4228 = arith.constant 2048 : i32
    %dma_start3A_4229 = arith.constant 0 : i32
    %dma_start3A_4230 = tpu.memref_slice %arg8[%dma_start3A_4228, %dma_start3A_4229] : memref<3328x32xf32, #tpu.memory_space<vmem>> -> memref<256x32xf32, #tpu.memory_space<vmem>>
    tpu.enqueue_dma source(%dma_start3A_4230 : memref<256x32xf32, #tpu.memory_space<vmem>>) target(%dma_start3A_4227 : memref<256x32xf32, #tpu.memory_space<hbm>>) target_semaphore(%arg10 : memref<!tpu.dma_semaphore, #tpu.memory_space<semaphore_mem>>)
    %dma_wait3A_4231 = arith.constant 18 : i32
    %dma_wait3A_4232 = arith.constant 9 : i32
    %dma_wait3A_4233 = arith.constant 2304 : i32
    %dma_wait3A_4234 = arith.constant 0 : i32
    %dma_wait3A_4235 = tpu.memref_slice %arg8[%dma_wait3A_4233, %dma_wait3A_4234] : memref<3328x32xf32, #tpu.memory_space<vmem>> -> memref<128x32xf32, #tpu.memory_space<vmem>>
    %dma_wait3A_4236 = arith.constant 0 : i32
    %dma_wait3A_4237 = tpu.memref_slice %arg6[%dma_wait3A_4231, %dma_wait3A_4236] : memref<26x128xi32, #tpu.memory_space<vmem>> -> memref<1x128xi32, #tpu.memory_space<vmem>>
    %dma_wait3A_4238 = tpu.memref_squeeze %dma_wait3A_4237 : memref<1x128xi32, #tpu.memory_space<vmem>> -> memref<128xi32, #tpu.memory_space<vmem>>
    %dma_wait3A_4239 = arith.constant 0 : i32
    %dma_wait3A_4240 = arith.constant 0 : i32
    %dma_wait3A_4241 = tpu.memref_slice %arg2[%dma_wait3A_4239, %dma_wait3A_4240] : memref<2600000x32xf32, #tpu.memory_space<hbm>> -> memref<2600000x32xf32, #tpu.memory_space<hbm>>
    %dma_wait3A_4242 = tpu.memref_slice %arg9[%dma_wait3A_4232] : memref<13x!tpu.dma_semaphore, #tpu.memory_space<semaphore_mem>> -> memref<1x!tpu.dma_semaphore, #tpu.memory_space<semaphore_mem>>
    %dma_wait3A_4243 = tpu.memref_squeeze %dma_wait3A_4242 : memref<1x!tpu.dma_semaphore, #tpu.memory_space<semaphore_mem>> -> memref<!tpu.dma_semaphore, #tpu.memory_space<semaphore_mem>>
    tpu.wait_indirect_dma semaphore(%dma_wait3A_4243 : memref<!tpu.dma_semaphore, #tpu.memory_space<semaphore_mem>>) src(%dma_wait3A_4241 : memref<2600000x32xf32, #tpu.memory_space<hbm>>) dst(%dma_wait3A_4235 : memref<128x32xf32, #tpu.memory_space<vmem>>)
    %dma_wait3A_4244 = arith.constant 19 : i32
    %dma_wait3A_4245 = arith.constant 9 : i32
    %dma_wait3A_4246 = arith.constant 2432 : i32
    %dma_wait3A_4247 = arith.constant 0 : i32
    %dma_wait3A_4248 = tpu.memref_slice %arg8[%dma_wait3A_4246, %dma_wait3A_4247] : memref<3328x32xf32, #tpu.memory_space<vmem>> -> memref<128x32xf32, #tpu.memory_space<vmem>>
    %dma_wait3A_4249 = arith.constant 0 : i32
    %dma_wait3A_4250 = tpu.memref_slice %arg6[%dma_wait3A_4244, %dma_wait3A_4249] : memref<26x128xi32, #tpu.memory_space<vmem>> -> memref<1x128xi32, #tpu.memory_space<vmem>>
    %dma_wait3A_4251 = tpu.memref_squeeze %dma_wait3A_4250 : memref<1x128xi32, #tpu.memory_space<vmem>> -> memref<128xi32, #tpu.memory_space<vmem>>
    %dma_wait3A_4252 = arith.constant 0 : i32
    %dma_wait3A_4253 = arith.constant 0 : i32
    %dma_wait3A_4254 = tpu.memref_slice %arg2[%dma_wait3A_4252, %dma_wait3A_4253] : memref<2600000x32xf32, #tpu.memory_space<hbm>> -> memref<2600000x32xf32, #tpu.memory_space<hbm>>
    %dma_wait3A_4255 = tpu.memref_slice %arg9[%dma_wait3A_4245] : memref<13x!tpu.dma_semaphore, #tpu.memory_space<semaphore_mem>> -> memref<1x!tpu.dma_semaphore, #tpu.memory_space<semaphore_mem>>
    %dma_wait3A_4256 = tpu.memref_squeeze %dma_wait3A_4255 : memref<1x!tpu.dma_semaphore, #tpu.memory_space<semaphore_mem>> -> memref<!tpu.dma_semaphore, #tpu.memory_space<semaphore_mem>>
    tpu.wait_indirect_dma semaphore(%dma_wait3A_4256 : memref<!tpu.dma_semaphore, #tpu.memory_space<semaphore_mem>>) src(%dma_wait3A_4254 : memref<2600000x32xf32, #tpu.memory_space<hbm>>) dst(%dma_wait3A_4248 : memref<128x32xf32, #tpu.memory_space<vmem>>)
    %mul3A_4257 = arith.constant 3328 : i32
    %mul3A_4258 = arith.muli %add3A, %mul3A_4257 : i32
    %add3A_4259 = arith.constant 2304 : i32
    %add3A_4260 = arith.addi %mul3A_4258, %add3A_4259 : i32
    %dma_start3A_4261 = arith.constant 2304 : i32
    %dma_start3A_4262 = arith.constant 0 : i32
    %dma_start3A_4263 = tpu.memref_slice %arg8[%dma_start3A_4261, %dma_start3A_4262] : memref<3328x32xf32, #tpu.memory_space<vmem>> -> memref<256x32xf32, #tpu.memory_space<vmem>>
    %dma_start3A_4264 = arith.constant 0 : i32
    %dma_start3A_4265 = tpu.memref_slice %arg5[%add3A_4260, %dma_start3A_4264] : memref<106496x32xf32, #tpu.memory_space<hbm>> -> memref<256x32xf32, #tpu.memory_space<hbm>>
    %dma_start3A_4266 = arith.constant 0 : i32
    %dma_start3A_4267 = tpu.memref_slice %arg5[%add3A_4260, %dma_start3A_4266] : memref<106496x32xf32, #tpu.memory_space<hbm>> -> memref<256x32xf32, #tpu.memory_space<hbm>>
    %dma_start3A_4268 = arith.constant 2304 : i32
    %dma_start3A_4269 = arith.constant 0 : i32
    %dma_start3A_4270 = tpu.memref_slice %arg8[%dma_start3A_4268, %dma_start3A_4269] : memref<3328x32xf32, #tpu.memory_space<vmem>> -> memref<256x32xf32, #tpu.memory_space<vmem>>
    tpu.enqueue_dma source(%dma_start3A_4270 : memref<256x32xf32, #tpu.memory_space<vmem>>) target(%dma_start3A_4267 : memref<256x32xf32, #tpu.memory_space<hbm>>) target_semaphore(%arg10 : memref<!tpu.dma_semaphore, #tpu.memory_space<semaphore_mem>>)
    %dma_wait3A_4271 = arith.constant 20 : i32
    %dma_wait3A_4272 = arith.constant 10 : i32
    %dma_wait3A_4273 = arith.constant 2560 : i32
    %dma_wait3A_4274 = arith.constant 0 : i32
    %dma_wait3A_4275 = tpu.memref_slice %arg8[%dma_wait3A_4273, %dma_wait3A_4274] : memref<3328x32xf32, #tpu.memory_space<vmem>> -> memref<128x32xf32, #tpu.memory_space<vmem>>
    %dma_wait3A_4276 = arith.constant 0 : i32
    %dma_wait3A_4277 = tpu.memref_slice %arg6[%dma_wait3A_4271, %dma_wait3A_4276] : memref<26x128xi32, #tpu.memory_space<vmem>> -> memref<1x128xi32, #tpu.memory_space<vmem>>
    %dma_wait3A_4278 = tpu.memref_squeeze %dma_wait3A_4277 : memref<1x128xi32, #tpu.memory_space<vmem>> -> memref<128xi32, #tpu.memory_space<vmem>>
    %dma_wait3A_4279 = arith.constant 0 : i32
    %dma_wait3A_4280 = arith.constant 0 : i32
    %dma_wait3A_4281 = tpu.memref_slice %arg2[%dma_wait3A_4279, %dma_wait3A_4280] : memref<2600000x32xf32, #tpu.memory_space<hbm>> -> memref<2600000x32xf32, #tpu.memory_space<hbm>>
    %dma_wait3A_4282 = tpu.memref_slice %arg9[%dma_wait3A_4272] : memref<13x!tpu.dma_semaphore, #tpu.memory_space<semaphore_mem>> -> memref<1x!tpu.dma_semaphore, #tpu.memory_space<semaphore_mem>>
    %dma_wait3A_4283 = tpu.memref_squeeze %dma_wait3A_4282 : memref<1x!tpu.dma_semaphore, #tpu.memory_space<semaphore_mem>> -> memref<!tpu.dma_semaphore, #tpu.memory_space<semaphore_mem>>
    tpu.wait_indirect_dma semaphore(%dma_wait3A_4283 : memref<!tpu.dma_semaphore, #tpu.memory_space<semaphore_mem>>) src(%dma_wait3A_4281 : memref<2600000x32xf32, #tpu.memory_space<hbm>>) dst(%dma_wait3A_4275 : memref<128x32xf32, #tpu.memory_space<vmem>>)
    %dma_wait3A_4284 = arith.constant 21 : i32
    %dma_wait3A_4285 = arith.constant 10 : i32
    %dma_wait3A_4286 = arith.constant 2688 : i32
    %dma_wait3A_4287 = arith.constant 0 : i32
    %dma_wait3A_4288 = tpu.memref_slice %arg8[%dma_wait3A_4286, %dma_wait3A_4287] : memref<3328x32xf32, #tpu.memory_space<vmem>> -> memref<128x32xf32, #tpu.memory_space<vmem>>
    %dma_wait3A_4289 = arith.constant 0 : i32
    %dma_wait3A_4290 = tpu.memref_slice %arg6[%dma_wait3A_4284, %dma_wait3A_4289] : memref<26x128xi32, #tpu.memory_space<vmem>> -> memref<1x128xi32, #tpu.memory_space<vmem>>
    %dma_wait3A_4291 = tpu.memref_squeeze %dma_wait3A_4290 : memref<1x128xi32, #tpu.memory_space<vmem>> -> memref<128xi32, #tpu.memory_space<vmem>>
    %dma_wait3A_4292 = arith.constant 0 : i32
    %dma_wait3A_4293 = arith.constant 0 : i32
    %dma_wait3A_4294 = tpu.memref_slice %arg2[%dma_wait3A_4292, %dma_wait3A_4293] : memref<2600000x32xf32, #tpu.memory_space<hbm>> -> memref<2600000x32xf32, #tpu.memory_space<hbm>>
    %dma_wait3A_4295 = tpu.memref_slice %arg9[%dma_wait3A_4285] : memref<13x!tpu.dma_semaphore, #tpu.memory_space<semaphore_mem>> -> memref<1x!tpu.dma_semaphore, #tpu.memory_space<semaphore_mem>>
    %dma_wait3A_4296 = tpu.memref_squeeze %dma_wait3A_4295 : memref<1x!tpu.dma_semaphore, #tpu.memory_space<semaphore_mem>> -> memref<!tpu.dma_semaphore, #tpu.memory_space<semaphore_mem>>
    tpu.wait_indirect_dma semaphore(%dma_wait3A_4296 : memref<!tpu.dma_semaphore, #tpu.memory_space<semaphore_mem>>) src(%dma_wait3A_4294 : memref<2600000x32xf32, #tpu.memory_space<hbm>>) dst(%dma_wait3A_4288 : memref<128x32xf32, #tpu.memory_space<vmem>>)
    %mul3A_4297 = arith.constant 3328 : i32
    %mul3A_4298 = arith.muli %add3A, %mul3A_4297 : i32
    %add3A_4299 = arith.constant 2560 : i32
    %add3A_4300 = arith.addi %mul3A_4298, %add3A_4299 : i32
    %dma_start3A_4301 = arith.constant 2560 : i32
    %dma_start3A_4302 = arith.constant 0 : i32
    %dma_start3A_4303 = tpu.memref_slice %arg8[%dma_start3A_4301, %dma_start3A_4302] : memref<3328x32xf32, #tpu.memory_space<vmem>> -> memref<256x32xf32, #tpu.memory_space<vmem>>
    %dma_start3A_4304 = arith.constant 0 : i32
    %dma_start3A_4305 = tpu.memref_slice %arg5[%add3A_4300, %dma_start3A_4304] : memref<106496x32xf32, #tpu.memory_space<hbm>> -> memref<256x32xf32, #tpu.memory_space<hbm>>
    %dma_start3A_4306 = arith.constant 0 : i32
    %dma_start3A_4307 = tpu.memref_slice %arg5[%add3A_4300, %dma_start3A_4306] : memref<106496x32xf32, #tpu.memory_space<hbm>> -> memref<256x32xf32, #tpu.memory_space<hbm>>
    %dma_start3A_4308 = arith.constant 2560 : i32
    %dma_start3A_4309 = arith.constant 0 : i32
    %dma_start3A_4310 = tpu.memref_slice %arg8[%dma_start3A_4308, %dma_start3A_4309] : memref<3328x32xf32, #tpu.memory_space<vmem>> -> memref<256x32xf32, #tpu.memory_space<vmem>>
    tpu.enqueue_dma source(%dma_start3A_4310 : memref<256x32xf32, #tpu.memory_space<vmem>>) target(%dma_start3A_4307 : memref<256x32xf32, #tpu.memory_space<hbm>>) target_semaphore(%arg10 : memref<!tpu.dma_semaphore, #tpu.memory_space<semaphore_mem>>)
    %dma_wait3A_4311 = arith.constant 22 : i32
    %dma_wait3A_4312 = arith.constant 11 : i32
    %dma_wait3A_4313 = arith.constant 2816 : i32
    %dma_wait3A_4314 = arith.constant 0 : i32
    %dma_wait3A_4315 = tpu.memref_slice %arg8[%dma_wait3A_4313, %dma_wait3A_4314] : memref<3328x32xf32, #tpu.memory_space<vmem>> -> memref<128x32xf32, #tpu.memory_space<vmem>>
    %dma_wait3A_4316 = arith.constant 0 : i32
    %dma_wait3A_4317 = tpu.memref_slice %arg6[%dma_wait3A_4311, %dma_wait3A_4316] : memref<26x128xi32, #tpu.memory_space<vmem>> -> memref<1x128xi32, #tpu.memory_space<vmem>>
    %dma_wait3A_4318 = tpu.memref_squeeze %dma_wait3A_4317 : memref<1x128xi32, #tpu.memory_space<vmem>> -> memref<128xi32, #tpu.memory_space<vmem>>
    %dma_wait3A_4319 = arith.constant 0 : i32
    %dma_wait3A_4320 = arith.constant 0 : i32
    %dma_wait3A_4321 = tpu.memref_slice %arg2[%dma_wait3A_4319, %dma_wait3A_4320] : memref<2600000x32xf32, #tpu.memory_space<hbm>> -> memref<2600000x32xf32, #tpu.memory_space<hbm>>
    %dma_wait3A_4322 = tpu.memref_slice %arg9[%dma_wait3A_4312] : memref<13x!tpu.dma_semaphore, #tpu.memory_space<semaphore_mem>> -> memref<1x!tpu.dma_semaphore, #tpu.memory_space<semaphore_mem>>
    %dma_wait3A_4323 = tpu.memref_squeeze %dma_wait3A_4322 : memref<1x!tpu.dma_semaphore, #tpu.memory_space<semaphore_mem>> -> memref<!tpu.dma_semaphore, #tpu.memory_space<semaphore_mem>>
    tpu.wait_indirect_dma semaphore(%dma_wait3A_4323 : memref<!tpu.dma_semaphore, #tpu.memory_space<semaphore_mem>>) src(%dma_wait3A_4321 : memref<2600000x32xf32, #tpu.memory_space<hbm>>) dst(%dma_wait3A_4315 : memref<128x32xf32, #tpu.memory_space<vmem>>)
    %dma_wait3A_4324 = arith.constant 23 : i32
    %dma_wait3A_4325 = arith.constant 11 : i32
    %dma_wait3A_4326 = arith.constant 2944 : i32
    %dma_wait3A_4327 = arith.constant 0 : i32
    %dma_wait3A_4328 = tpu.memref_slice %arg8[%dma_wait3A_4326, %dma_wait3A_4327] : memref<3328x32xf32, #tpu.memory_space<vmem>> -> memref<128x32xf32, #tpu.memory_space<vmem>>
    %dma_wait3A_4329 = arith.constant 0 : i32
    %dma_wait3A_4330 = tpu.memref_slice %arg6[%dma_wait3A_4324, %dma_wait3A_4329] : memref<26x128xi32, #tpu.memory_space<vmem>> -> memref<1x128xi32, #tpu.memory_space<vmem>>
    %dma_wait3A_4331 = tpu.memref_squeeze %dma_wait3A_4330 : memref<1x128xi32, #tpu.memory_space<vmem>> -> memref<128xi32, #tpu.memory_space<vmem>>
    %dma_wait3A_4332 = arith.constant 0 : i32
    %dma_wait3A_4333 = arith.constant 0 : i32
    %dma_wait3A_4334 = tpu.memref_slice %arg2[%dma_wait3A_4332, %dma_wait3A_4333] : memref<2600000x32xf32, #tpu.memory_space<hbm>> -> memref<2600000x32xf32, #tpu.memory_space<hbm>>
    %dma_wait3A_4335 = tpu.memref_slice %arg9[%dma_wait3A_4325] : memref<13x!tpu.dma_semaphore, #tpu.memory_space<semaphore_mem>> -> memref<1x!tpu.dma_semaphore, #tpu.memory_space<semaphore_mem>>
    %dma_wait3A_4336 = tpu.memref_squeeze %dma_wait3A_4335 : memref<1x!tpu.dma_semaphore, #tpu.memory_space<semaphore_mem>> -> memref<!tpu.dma_semaphore, #tpu.memory_space<semaphore_mem>>
    tpu.wait_indirect_dma semaphore(%dma_wait3A_4336 : memref<!tpu.dma_semaphore, #tpu.memory_space<semaphore_mem>>) src(%dma_wait3A_4334 : memref<2600000x32xf32, #tpu.memory_space<hbm>>) dst(%dma_wait3A_4328 : memref<128x32xf32, #tpu.memory_space<vmem>>)
    %mul3A_4337 = arith.constant 3328 : i32
    %mul3A_4338 = arith.muli %add3A, %mul3A_4337 : i32
    %add3A_4339 = arith.constant 2816 : i32
    %add3A_4340 = arith.addi %mul3A_4338, %add3A_4339 : i32
    %dma_start3A_4341 = arith.constant 2816 : i32
    %dma_start3A_4342 = arith.constant 0 : i32
    %dma_start3A_4343 = tpu.memref_slice %arg8[%dma_start3A_4341, %dma_start3A_4342] : memref<3328x32xf32, #tpu.memory_space<vmem>> -> memref<256x32xf32, #tpu.memory_space<vmem>>
    %dma_start3A_4344 = arith.constant 0 : i32
    %dma_start3A_4345 = tpu.memref_slice %arg5[%add3A_4340, %dma_start3A_4344] : memref<106496x32xf32, #tpu.memory_space<hbm>> -> memref<256x32xf32, #tpu.memory_space<hbm>>
    %dma_start3A_4346 = arith.constant 0 : i32
    %dma_start3A_4347 = tpu.memref_slice %arg5[%add3A_4340, %dma_start3A_4346] : memref<106496x32xf32, #tpu.memory_space<hbm>> -> memref<256x32xf32, #tpu.memory_space<hbm>>
    %dma_start3A_4348 = arith.constant 2816 : i32
    %dma_start3A_4349 = arith.constant 0 : i32
    %dma_start3A_4350 = tpu.memref_slice %arg8[%dma_start3A_4348, %dma_start3A_4349] : memref<3328x32xf32, #tpu.memory_space<vmem>> -> memref<256x32xf32, #tpu.memory_space<vmem>>
    tpu.enqueue_dma source(%dma_start3A_4350 : memref<256x32xf32, #tpu.memory_space<vmem>>) target(%dma_start3A_4347 : memref<256x32xf32, #tpu.memory_space<hbm>>) target_semaphore(%arg10 : memref<!tpu.dma_semaphore, #tpu.memory_space<semaphore_mem>>)
    %dma_wait3A_4351 = arith.constant 24 : i32
    %dma_wait3A_4352 = arith.constant 12 : i32
    %dma_wait3A_4353 = arith.constant 3072 : i32
    %dma_wait3A_4354 = arith.constant 0 : i32
    %dma_wait3A_4355 = tpu.memref_slice %arg8[%dma_wait3A_4353, %dma_wait3A_4354] : memref<3328x32xf32, #tpu.memory_space<vmem>> -> memref<128x32xf32, #tpu.memory_space<vmem>>
    %dma_wait3A_4356 = arith.constant 0 : i32
    %dma_wait3A_4357 = tpu.memref_slice %arg6[%dma_wait3A_4351, %dma_wait3A_4356] : memref<26x128xi32, #tpu.memory_space<vmem>> -> memref<1x128xi32, #tpu.memory_space<vmem>>
    %dma_wait3A_4358 = tpu.memref_squeeze %dma_wait3A_4357 : memref<1x128xi32, #tpu.memory_space<vmem>> -> memref<128xi32, #tpu.memory_space<vmem>>
    %dma_wait3A_4359 = arith.constant 0 : i32
    %dma_wait3A_4360 = arith.constant 0 : i32
    %dma_wait3A_4361 = tpu.memref_slice %arg2[%dma_wait3A_4359, %dma_wait3A_4360] : memref<2600000x32xf32, #tpu.memory_space<hbm>> -> memref<2600000x32xf32, #tpu.memory_space<hbm>>
    %dma_wait3A_4362 = tpu.memref_slice %arg9[%dma_wait3A_4352] : memref<13x!tpu.dma_semaphore, #tpu.memory_space<semaphore_mem>> -> memref<1x!tpu.dma_semaphore, #tpu.memory_space<semaphore_mem>>
    %dma_wait3A_4363 = tpu.memref_squeeze %dma_wait3A_4362 : memref<1x!tpu.dma_semaphore, #tpu.memory_space<semaphore_mem>> -> memref<!tpu.dma_semaphore, #tpu.memory_space<semaphore_mem>>
    tpu.wait_indirect_dma semaphore(%dma_wait3A_4363 : memref<!tpu.dma_semaphore, #tpu.memory_space<semaphore_mem>>) src(%dma_wait3A_4361 : memref<2600000x32xf32, #tpu.memory_space<hbm>>) dst(%dma_wait3A_4355 : memref<128x32xf32, #tpu.memory_space<vmem>>)
    %dma_wait3A_4364 = arith.constant 25 : i32
    %dma_wait3A_4365 = arith.constant 12 : i32
    %dma_wait3A_4366 = arith.constant 3200 : i32
    %dma_wait3A_4367 = arith.constant 0 : i32
    %dma_wait3A_4368 = tpu.memref_slice %arg8[%dma_wait3A_4366, %dma_wait3A_4367] : memref<3328x32xf32, #tpu.memory_space<vmem>> -> memref<128x32xf32, #tpu.memory_space<vmem>>
    %dma_wait3A_4369 = arith.constant 0 : i32
    %dma_wait3A_4370 = tpu.memref_slice %arg6[%dma_wait3A_4364, %dma_wait3A_4369] : memref<26x128xi32, #tpu.memory_space<vmem>> -> memref<1x128xi32, #tpu.memory_space<vmem>>
    %dma_wait3A_4371 = tpu.memref_squeeze %dma_wait3A_4370 : memref<1x128xi32, #tpu.memory_space<vmem>> -> memref<128xi32, #tpu.memory_space<vmem>>
    %dma_wait3A_4372 = arith.constant 0 : i32
    %dma_wait3A_4373 = arith.constant 0 : i32
    %dma_wait3A_4374 = tpu.memref_slice %arg2[%dma_wait3A_4372, %dma_wait3A_4373] : memref<2600000x32xf32, #tpu.memory_space<hbm>> -> memref<2600000x32xf32, #tpu.memory_space<hbm>>
    %dma_wait3A_4375 = tpu.memref_slice %arg9[%dma_wait3A_4365] : memref<13x!tpu.dma_semaphore, #tpu.memory_space<semaphore_mem>> -> memref<1x!tpu.dma_semaphore, #tpu.memory_space<semaphore_mem>>
    %dma_wait3A_4376 = tpu.memref_squeeze %dma_wait3A_4375 : memref<1x!tpu.dma_semaphore, #tpu.memory_space<semaphore_mem>> -> memref<!tpu.dma_semaphore, #tpu.memory_space<semaphore_mem>>
    tpu.wait_indirect_dma semaphore(%dma_wait3A_4376 : memref<!tpu.dma_semaphore, #tpu.memory_space<semaphore_mem>>) src(%dma_wait3A_4374 : memref<2600000x32xf32, #tpu.memory_space<hbm>>) dst(%dma_wait3A_4368 : memref<128x32xf32, #tpu.memory_space<vmem>>)
    %mul3A_4377 = arith.constant 3328 : i32
    %mul3A_4378 = arith.muli %add3A, %mul3A_4377 : i32
    %add3A_4379 = arith.constant 3072 : i32
    %add3A_4380 = arith.addi %mul3A_4378, %add3A_4379 : i32
    %dma_start3A_4381 = arith.constant 3072 : i32
    %dma_start3A_4382 = arith.constant 0 : i32
    %dma_start3A_4383 = tpu.memref_slice %arg8[%dma_start3A_4381, %dma_start3A_4382] : memref<3328x32xf32, #tpu.memory_space<vmem>> -> memref<256x32xf32, #tpu.memory_space<vmem>>
    %dma_start3A_4384 = arith.constant 0 : i32
    %dma_start3A_4385 = tpu.memref_slice %arg5[%add3A_4380, %dma_start3A_4384] : memref<106496x32xf32, #tpu.memory_space<hbm>> -> memref<256x32xf32, #tpu.memory_space<hbm>>
    %dma_start3A_4386 = arith.constant 0 : i32
    %dma_start3A_4387 = tpu.memref_slice %arg5[%add3A_4380, %dma_start3A_4386] : memref<106496x32xf32, #tpu.memory_space<hbm>> -> memref<256x32xf32, #tpu.memory_space<hbm>>
    %dma_start3A_4388 = arith.constant 3072 : i32
    %dma_start3A_4389 = arith.constant 0 : i32
    %dma_start3A_4390 = tpu.memref_slice %arg8[%dma_start3A_4388, %dma_start3A_4389] : memref<3328x32xf32, #tpu.memory_space<vmem>> -> memref<256x32xf32, #tpu.memory_space<vmem>>
    tpu.enqueue_dma source(%dma_start3A_4390 : memref<256x32xf32, #tpu.memory_space<vmem>>) target(%dma_start3A_4387 : memref<256x32xf32, #tpu.memory_space<hbm>>) target_semaphore(%arg10 : memref<!tpu.dma_semaphore, #tpu.memory_space<semaphore_mem>>)
    %dma_wait3A_4391 = arith.constant 0 : i32
    %dma_wait3A_4392 = arith.constant 0 : i32
    %dma_wait3A_4393 = tpu.memref_slice %arg8[%dma_wait3A_4391, %dma_wait3A_4392] : memref<3328x32xf32, #tpu.memory_space<vmem>> -> memref<256x32xf32, #tpu.memory_space<vmem>>
    %dma_wait3A_4394 = arith.constant 0 : i32
    %dma_wait3A_4395 = tpu.memref_slice %arg5[%add3A_3900, %dma_wait3A_4394] : memref<106496x32xf32, #tpu.memory_space<hbm>> -> memref<256x32xf32, #tpu.memory_space<hbm>>
    %dma_wait3A_4396 = arith.constant 0 : i32
    %dma_wait3A_4397 = tpu.memref_slice %arg5[%add3A_3900, %dma_wait3A_4396] : memref<106496x32xf32, #tpu.memory_space<hbm>> -> memref<256x32xf32, #tpu.memory_space<hbm>>
    %dma_wait3A_4398 = arith.constant 0 : i32
    %dma_wait3A_4399 = arith.constant 0 : i32
    %dma_wait3A_4400 = tpu.memref_slice %arg8[%dma_wait3A_4398, %dma_wait3A_4399] : memref<3328x32xf32, #tpu.memory_space<vmem>> -> memref<256x32xf32, #tpu.memory_space<vmem>>
    tpu.wait_dma2 semaphore(%arg10 : memref<!tpu.dma_semaphore, #tpu.memory_space<semaphore_mem>>) src(%dma_wait3A_4400 : memref<256x32xf32, #tpu.memory_space<vmem>>) dst(%dma_wait3A_4397 : memref<256x32xf32, #tpu.memory_space<hbm>>)
    %dma_wait3A_4401 = arith.constant 256 : i32
    %dma_wait3A_4402 = arith.constant 0 : i32
    %dma_wait3A_4403 = tpu.memref_slice %arg8[%dma_wait3A_4401, %dma_wait3A_4402] : memref<3328x32xf32, #tpu.memory_space<vmem>> -> memref<256x32xf32, #tpu.memory_space<vmem>>
    %dma_wait3A_4404 = arith.constant 0 : i32
    %dma_wait3A_4405 = tpu.memref_slice %arg5[%add3A_3940, %dma_wait3A_4404] : memref<106496x32xf32, #tpu.memory_space<hbm>> -> memref<256x32xf32, #tpu.memory_space<hbm>>
    %dma_wait3A_4406 = arith.constant 0 : i32
    %dma_wait3A_4407 = tpu.memref_slice %arg5[%add3A_3940, %dma_wait3A_4406] : memref<106496x32xf32, #tpu.memory_space<hbm>> -> memref<256x32xf32, #tpu.memory_space<hbm>>
    %dma_wait3A_4408 = arith.constant 256 : i32
    %dma_wait3A_4409 = arith.constant 0 : i32
    %dma_wait3A_4410 = tpu.memref_slice %arg8[%dma_wait3A_4408, %dma_wait3A_4409] : memref<3328x32xf32, #tpu.memory_space<vmem>> -> memref<256x32xf32, #tpu.memory_space<vmem>>
    tpu.wait_dma2 semaphore(%arg10 : memref<!tpu.dma_semaphore, #tpu.memory_space<semaphore_mem>>) src(%dma_wait3A_4410 : memref<256x32xf32, #tpu.memory_space<vmem>>) dst(%dma_wait3A_4407 : memref<256x32xf32, #tpu.memory_space<hbm>>)
    %dma_wait3A_4411 = arith.constant 512 : i32
    %dma_wait3A_4412 = arith.constant 0 : i32
    %dma_wait3A_4413 = tpu.memref_slice %arg8[%dma_wait3A_4411, %dma_wait3A_4412] : memref<3328x32xf32, #tpu.memory_space<vmem>> -> memref<256x32xf32, #tpu.memory_space<vmem>>
    %dma_wait3A_4414 = arith.constant 0 : i32
    %dma_wait3A_4415 = tpu.memref_slice %arg5[%add3A_3980, %dma_wait3A_4414] : memref<106496x32xf32, #tpu.memory_space<hbm>> -> memref<256x32xf32, #tpu.memory_space<hbm>>
    %dma_wait3A_4416 = arith.constant 0 : i32
    %dma_wait3A_4417 = tpu.memref_slice %arg5[%add3A_3980, %dma_wait3A_4416] : memref<106496x32xf32, #tpu.memory_space<hbm>> -> memref<256x32xf32, #tpu.memory_space<hbm>>
    %dma_wait3A_4418 = arith.constant 512 : i32
    %dma_wait3A_4419 = arith.constant 0 : i32
    %dma_wait3A_4420 = tpu.memref_slice %arg8[%dma_wait3A_4418, %dma_wait3A_4419] : memref<3328x32xf32, #tpu.memory_space<vmem>> -> memref<256x32xf32, #tpu.memory_space<vmem>>
    tpu.wait_dma2 semaphore(%arg10 : memref<!tpu.dma_semaphore, #tpu.memory_space<semaphore_mem>>) src(%dma_wait3A_4420 : memref<256x32xf32, #tpu.memory_space<vmem>>) dst(%dma_wait3A_4417 : memref<256x32xf32, #tpu.memory_space<hbm>>)
    %dma_wait3A_4421 = arith.constant 768 : i32
    %dma_wait3A_4422 = arith.constant 0 : i32
    %dma_wait3A_4423 = tpu.memref_slice %arg8[%dma_wait3A_4421, %dma_wait3A_4422] : memref<3328x32xf32, #tpu.memory_space<vmem>> -> memref<256x32xf32, #tpu.memory_space<vmem>>
    %dma_wait3A_4424 = arith.constant 0 : i32
    %dma_wait3A_4425 = tpu.memref_slice %arg5[%add3A_4020, %dma_wait3A_4424] : memref<106496x32xf32, #tpu.memory_space<hbm>> -> memref<256x32xf32, #tpu.memory_space<hbm>>
    %dma_wait3A_4426 = arith.constant 0 : i32
    %dma_wait3A_4427 = tpu.memref_slice %arg5[%add3A_4020, %dma_wait3A_4426] : memref<106496x32xf32, #tpu.memory_space<hbm>> -> memref<256x32xf32, #tpu.memory_space<hbm>>
    %dma_wait3A_4428 = arith.constant 768 : i32
    %dma_wait3A_4429 = arith.constant 0 : i32
    %dma_wait3A_4430 = tpu.memref_slice %arg8[%dma_wait3A_4428, %dma_wait3A_4429] : memref<3328x32xf32, #tpu.memory_space<vmem>> -> memref<256x32xf32, #tpu.memory_space<vmem>>
    tpu.wait_dma2 semaphore(%arg10 : memref<!tpu.dma_semaphore, #tpu.memory_space<semaphore_mem>>) src(%dma_wait3A_4430 : memref<256x32xf32, #tpu.memory_space<vmem>>) dst(%dma_wait3A_4427 : memref<256x32xf32, #tpu.memory_space<hbm>>)
    %dma_wait3A_4431 = arith.constant 1024 : i32
    %dma_wait3A_4432 = arith.constant 0 : i32
    %dma_wait3A_4433 = tpu.memref_slice %arg8[%dma_wait3A_4431, %dma_wait3A_4432] : memref<3328x32xf32, #tpu.memory_space<vmem>> -> memref<256x32xf32, #tpu.memory_space<vmem>>
    %dma_wait3A_4434 = arith.constant 0 : i32
    %dma_wait3A_4435 = tpu.memref_slice %arg5[%add3A_4060, %dma_wait3A_4434] : memref<106496x32xf32, #tpu.memory_space<hbm>> -> memref<256x32xf32, #tpu.memory_space<hbm>>
    %dma_wait3A_4436 = arith.constant 0 : i32
    %dma_wait3A_4437 = tpu.memref_slice %arg5[%add3A_4060, %dma_wait3A_4436] : memref<106496x32xf32, #tpu.memory_space<hbm>> -> memref<256x32xf32, #tpu.memory_space<hbm>>
    %dma_wait3A_4438 = arith.constant 1024 : i32
    %dma_wait3A_4439 = arith.constant 0 : i32
    %dma_wait3A_4440 = tpu.memref_slice %arg8[%dma_wait3A_4438, %dma_wait3A_4439] : memref<3328x32xf32, #tpu.memory_space<vmem>> -> memref<256x32xf32, #tpu.memory_space<vmem>>
    tpu.wait_dma2 semaphore(%arg10 : memref<!tpu.dma_semaphore, #tpu.memory_space<semaphore_mem>>) src(%dma_wait3A_4440 : memref<256x32xf32, #tpu.memory_space<vmem>>) dst(%dma_wait3A_4437 : memref<256x32xf32, #tpu.memory_space<hbm>>)
    %dma_wait3A_4441 = arith.constant 1280 : i32
    %dma_wait3A_4442 = arith.constant 0 : i32
    %dma_wait3A_4443 = tpu.memref_slice %arg8[%dma_wait3A_4441, %dma_wait3A_4442] : memref<3328x32xf32, #tpu.memory_space<vmem>> -> memref<256x32xf32, #tpu.memory_space<vmem>>
    %dma_wait3A_4444 = arith.constant 0 : i32
    %dma_wait3A_4445 = tpu.memref_slice %arg5[%add3A_4100, %dma_wait3A_4444] : memref<106496x32xf32, #tpu.memory_space<hbm>> -> memref<256x32xf32, #tpu.memory_space<hbm>>
    %dma_wait3A_4446 = arith.constant 0 : i32
    %dma_wait3A_4447 = tpu.memref_slice %arg5[%add3A_4100, %dma_wait3A_4446] : memref<106496x32xf32, #tpu.memory_space<hbm>> -> memref<256x32xf32, #tpu.memory_space<hbm>>
    %dma_wait3A_4448 = arith.constant 1280 : i32
    %dma_wait3A_4449 = arith.constant 0 : i32
    %dma_wait3A_4450 = tpu.memref_slice %arg8[%dma_wait3A_4448, %dma_wait3A_4449] : memref<3328x32xf32, #tpu.memory_space<vmem>> -> memref<256x32xf32, #tpu.memory_space<vmem>>
    tpu.wait_dma2 semaphore(%arg10 : memref<!tpu.dma_semaphore, #tpu.memory_space<semaphore_mem>>) src(%dma_wait3A_4450 : memref<256x32xf32, #tpu.memory_space<vmem>>) dst(%dma_wait3A_4447 : memref<256x32xf32, #tpu.memory_space<hbm>>)
    %dma_wait3A_4451 = arith.constant 1536 : i32
    %dma_wait3A_4452 = arith.constant 0 : i32
    %dma_wait3A_4453 = tpu.memref_slice %arg8[%dma_wait3A_4451, %dma_wait3A_4452] : memref<3328x32xf32, #tpu.memory_space<vmem>> -> memref<256x32xf32, #tpu.memory_space<vmem>>
    %dma_wait3A_4454 = arith.constant 0 : i32
    %dma_wait3A_4455 = tpu.memref_slice %arg5[%add3A_4140, %dma_wait3A_4454] : memref<106496x32xf32, #tpu.memory_space<hbm>> -> memref<256x32xf32, #tpu.memory_space<hbm>>
    %dma_wait3A_4456 = arith.constant 0 : i32
    %dma_wait3A_4457 = tpu.memref_slice %arg5[%add3A_4140, %dma_wait3A_4456] : memref<106496x32xf32, #tpu.memory_space<hbm>> -> memref<256x32xf32, #tpu.memory_space<hbm>>
    %dma_wait3A_4458 = arith.constant 1536 : i32
    %dma_wait3A_4459 = arith.constant 0 : i32
    %dma_wait3A_4460 = tpu.memref_slice %arg8[%dma_wait3A_4458, %dma_wait3A_4459] : memref<3328x32xf32, #tpu.memory_space<vmem>> -> memref<256x32xf32, #tpu.memory_space<vmem>>
    tpu.wait_dma2 semaphore(%arg10 : memref<!tpu.dma_semaphore, #tpu.memory_space<semaphore_mem>>) src(%dma_wait3A_4460 : memref<256x32xf32, #tpu.memory_space<vmem>>) dst(%dma_wait3A_4457 : memref<256x32xf32, #tpu.memory_space<hbm>>)
    %dma_wait3A_4461 = arith.constant 1792 : i32
    %dma_wait3A_4462 = arith.constant 0 : i32
    %dma_wait3A_4463 = tpu.memref_slice %arg8[%dma_wait3A_4461, %dma_wait3A_4462] : memref<3328x32xf32, #tpu.memory_space<vmem>> -> memref<256x32xf32, #tpu.memory_space<vmem>>
    %dma_wait3A_4464 = arith.constant 0 : i32
    %dma_wait3A_4465 = tpu.memref_slice %arg5[%add3A_4180, %dma_wait3A_4464] : memref<106496x32xf32, #tpu.memory_space<hbm>> -> memref<256x32xf32, #tpu.memory_space<hbm>>
    %dma_wait3A_4466 = arith.constant 0 : i32
    %dma_wait3A_4467 = tpu.memref_slice %arg5[%add3A_4180, %dma_wait3A_4466] : memref<106496x32xf32, #tpu.memory_space<hbm>> -> memref<256x32xf32, #tpu.memory_space<hbm>>
    %dma_wait3A_4468 = arith.constant 1792 : i32
    %dma_wait3A_4469 = arith.constant 0 : i32
    %dma_wait3A_4470 = tpu.memref_slice %arg8[%dma_wait3A_4468, %dma_wait3A_4469] : memref<3328x32xf32, #tpu.memory_space<vmem>> -> memref<256x32xf32, #tpu.memory_space<vmem>>
    tpu.wait_dma2 semaphore(%arg10 : memref<!tpu.dma_semaphore, #tpu.memory_space<semaphore_mem>>) src(%dma_wait3A_4470 : memref<256x32xf32, #tpu.memory_space<vmem>>) dst(%dma_wait3A_4467 : memref<256x32xf32, #tpu.memory_space<hbm>>)
    %dma_wait3A_4471 = arith.constant 2048 : i32
    %dma_wait3A_4472 = arith.constant 0 : i32
    %dma_wait3A_4473 = tpu.memref_slice %arg8[%dma_wait3A_4471, %dma_wait3A_4472] : memref<3328x32xf32, #tpu.memory_space<vmem>> -> memref<256x32xf32, #tpu.memory_space<vmem>>
    %dma_wait3A_4474 = arith.constant 0 : i32
    %dma_wait3A_4475 = tpu.memref_slice %arg5[%add3A_4220, %dma_wait3A_4474] : memref<106496x32xf32, #tpu.memory_space<hbm>> -> memref<256x32xf32, #tpu.memory_space<hbm>>
    %dma_wait3A_4476 = arith.constant 0 : i32
    %dma_wait3A_4477 = tpu.memref_slice %arg5[%add3A_4220, %dma_wait3A_4476] : memref<106496x32xf32, #tpu.memory_space<hbm>> -> memref<256x32xf32, #tpu.memory_space<hbm>>
    %dma_wait3A_4478 = arith.constant 2048 : i32
    %dma_wait3A_4479 = arith.constant 0 : i32
    %dma_wait3A_4480 = tpu.memref_slice %arg8[%dma_wait3A_4478, %dma_wait3A_4479] : memref<3328x32xf32, #tpu.memory_space<vmem>> -> memref<256x32xf32, #tpu.memory_space<vmem>>
    tpu.wait_dma2 semaphore(%arg10 : memref<!tpu.dma_semaphore, #tpu.memory_space<semaphore_mem>>) src(%dma_wait3A_4480 : memref<256x32xf32, #tpu.memory_space<vmem>>) dst(%dma_wait3A_4477 : memref<256x32xf32, #tpu.memory_space<hbm>>)
    %dma_wait3A_4481 = arith.constant 2304 : i32
    %dma_wait3A_4482 = arith.constant 0 : i32
    %dma_wait3A_4483 = tpu.memref_slice %arg8[%dma_wait3A_4481, %dma_wait3A_4482] : memref<3328x32xf32, #tpu.memory_space<vmem>> -> memref<256x32xf32, #tpu.memory_space<vmem>>
    %dma_wait3A_4484 = arith.constant 0 : i32
    %dma_wait3A_4485 = tpu.memref_slice %arg5[%add3A_4260, %dma_wait3A_4484] : memref<106496x32xf32, #tpu.memory_space<hbm>> -> memref<256x32xf32, #tpu.memory_space<hbm>>
    %dma_wait3A_4486 = arith.constant 0 : i32
    %dma_wait3A_4487 = tpu.memref_slice %arg5[%add3A_4260, %dma_wait3A_4486] : memref<106496x32xf32, #tpu.memory_space<hbm>> -> memref<256x32xf32, #tpu.memory_space<hbm>>
    %dma_wait3A_4488 = arith.constant 2304 : i32
    %dma_wait3A_4489 = arith.constant 0 : i32
    %dma_wait3A_4490 = tpu.memref_slice %arg8[%dma_wait3A_4488, %dma_wait3A_4489] : memref<3328x32xf32, #tpu.memory_space<vmem>> -> memref<256x32xf32, #tpu.memory_space<vmem>>
    tpu.wait_dma2 semaphore(%arg10 : memref<!tpu.dma_semaphore, #tpu.memory_space<semaphore_mem>>) src(%dma_wait3A_4490 : memref<256x32xf32, #tpu.memory_space<vmem>>) dst(%dma_wait3A_4487 : memref<256x32xf32, #tpu.memory_space<hbm>>)
    %dma_wait3A_4491 = arith.constant 2560 : i32
    %dma_wait3A_4492 = arith.constant 0 : i32
    %dma_wait3A_4493 = tpu.memref_slice %arg8[%dma_wait3A_4491, %dma_wait3A_4492] : memref<3328x32xf32, #tpu.memory_space<vmem>> -> memref<256x32xf32, #tpu.memory_space<vmem>>
    %dma_wait3A_4494 = arith.constant 0 : i32
    %dma_wait3A_4495 = tpu.memref_slice %arg5[%add3A_4300, %dma_wait3A_4494] : memref<106496x32xf32, #tpu.memory_space<hbm>> -> memref<256x32xf32, #tpu.memory_space<hbm>>
    %dma_wait3A_4496 = arith.constant 0 : i32
    %dma_wait3A_4497 = tpu.memref_slice %arg5[%add3A_4300, %dma_wait3A_4496] : memref<106496x32xf32, #tpu.memory_space<hbm>> -> memref<256x32xf32, #tpu.memory_space<hbm>>
    %dma_wait3A_4498 = arith.constant 2560 : i32
    %dma_wait3A_4499 = arith.constant 0 : i32
    %dma_wait3A_4500 = tpu.memref_slice %arg8[%dma_wait3A_4498, %dma_wait3A_4499] : memref<3328x32xf32, #tpu.memory_space<vmem>> -> memref<256x32xf32, #tpu.memory_space<vmem>>
    tpu.wait_dma2 semaphore(%arg10 : memref<!tpu.dma_semaphore, #tpu.memory_space<semaphore_mem>>) src(%dma_wait3A_4500 : memref<256x32xf32, #tpu.memory_space<vmem>>) dst(%dma_wait3A_4497 : memref<256x32xf32, #tpu.memory_space<hbm>>)
    %dma_wait3A_4501 = arith.constant 2816 : i32
    %dma_wait3A_4502 = arith.constant 0 : i32
    %dma_wait3A_4503 = tpu.memref_slice %arg8[%dma_wait3A_4501, %dma_wait3A_4502] : memref<3328x32xf32, #tpu.memory_space<vmem>> -> memref<256x32xf32, #tpu.memory_space<vmem>>
    %dma_wait3A_4504 = arith.constant 0 : i32
    %dma_wait3A_4505 = tpu.memref_slice %arg5[%add3A_4340, %dma_wait3A_4504] : memref<106496x32xf32, #tpu.memory_space<hbm>> -> memref<256x32xf32, #tpu.memory_space<hbm>>
    %dma_wait3A_4506 = arith.constant 0 : i32
    %dma_wait3A_4507 = tpu.memref_slice %arg5[%add3A_4340, %dma_wait3A_4506] : memref<106496x32xf32, #tpu.memory_space<hbm>> -> memref<256x32xf32, #tpu.memory_space<hbm>>
    %dma_wait3A_4508 = arith.constant 2816 : i32
    %dma_wait3A_4509 = arith.constant 0 : i32
    %dma_wait3A_4510 = tpu.memref_slice %arg8[%dma_wait3A_4508, %dma_wait3A_4509] : memref<3328x32xf32, #tpu.memory_space<vmem>> -> memref<256x32xf32, #tpu.memory_space<vmem>>
    tpu.wait_dma2 semaphore(%arg10 : memref<!tpu.dma_semaphore, #tpu.memory_space<semaphore_mem>>) src(%dma_wait3A_4510 : memref<256x32xf32, #tpu.memory_space<vmem>>) dst(%dma_wait3A_4507 : memref<256x32xf32, #tpu.memory_space<hbm>>)
    %dma_wait3A_4511 = arith.constant 3072 : i32
    %dma_wait3A_4512 = arith.constant 0 : i32
    %dma_wait3A_4513 = tpu.memref_slice %arg8[%dma_wait3A_4511, %dma_wait3A_4512] : memref<3328x32xf32, #tpu.memory_space<vmem>> -> memref<256x32xf32, #tpu.memory_space<vmem>>
    %dma_wait3A_4514 = arith.constant 0 : i32
    %dma_wait3A_4515 = tpu.memref_slice %arg5[%add3A_4380, %dma_wait3A_4514] : memref<106496x32xf32, #tpu.memory_space<hbm>> -> memref<256x32xf32, #tpu.memory_space<hbm>>
    %dma_wait3A_4516 = arith.constant 0 : i32
    %dma_wait3A_4517 = tpu.memref_slice %arg5[%add3A_4380, %dma_wait3A_4516] : memref<106496x32xf32, #tpu.memory_space<hbm>> -> memref<256x32xf32, #tpu.memory_space<hbm>>
    %dma_wait3A_4518 = arith.constant 3072 : i32
    %dma_wait3A_4519 = arith.constant 0 : i32
    %dma_wait3A_4520 = tpu.memref_slice %arg8[%dma_wait3A_4518, %dma_wait3A_4519] : memref<3328x32xf32, #tpu.memory_space<vmem>> -> memref<256x32xf32, #tpu.memory_space<vmem>>
    tpu.wait_dma2 semaphore(%arg10 : memref<!tpu.dma_semaphore, #tpu.memory_space<semaphore_mem>>) src(%dma_wait3A_4520 : memref<256x32xf32, #tpu.memory_space<vmem>>) dst(%dma_wait3A_4517 : memref<256x32xf32, #tpu.memory_space<hbm>>)
    return
  }
}

</mosaic_0001>

<sc_bundles>
// kernel: _sc_gather.3.cloned.1.call-start
scs
__scs_entry_jumppad:
0x0: {  	(pc) =	sbr.rel $0x88, $3  }
0x1: {  	(tag) =	ssettag $0x0;
	lr =	simm.s32 $0x1  }
0x2: {  	[smem:$0x3F9E] =	sst lr;
	_ =	strace $0xD0000000  }
0x3: {  	_ = 	snop  }
0x4: {  	_ = 	snop  }
0x5: {  	_ = 	snop  }
0x6: {  	_ = 	snop  }
0x7: {  	_ = 	snop  }
__scs_overlays_trampoline_lowered:
0x8: {  	[smem:$0x3FAD] =	sst s0  }
0x9: {  	[smem:$0x3FAE] =	sst s1  }
0xa: {  	[smem:$0x3FAF] =	sst s2  }
0xb: {  	[smem:$0x3FB0] =	sst s3  }
0xc: {  	[smem:$0x3FB1] =	sst s4  }
0xd: {  	[smem:$0x3FB2] =	sst s5  }
0xe: {  	[smem:$0x3FB3] =	sst s6  }
0xf: {  	[smem:$0x3FB4] =	sst s7  }
0x10: {  	[smem:$0x3FB5] =	sst s8  }
0x11: {  	[smem:$0x3FB6] =	sst s9;
	s0 =	simm.s32 @!p0 $0x0  }
0x12: {  	s1 =	sld [smem:$0x3F9C];
	s0 =	simm.s32 @p0 $0x1  }
0x13: {  	[smem:$0x3FB7] =	sst s0;
	s0 =	simm.s32 @!p1 $0x0  }
0x14: {  	s2 =	sld [smem:$0x3F9B];
	s0 =	simm.s32 @p1 $0x1  }
0x15: {  	[smem:$0x3FB8] =	sst s0;
	s0 =	simm.s32 @!p2 $0x0  }
0x16: {  	s3 =	sld [smem:$0x3FDB];
	s0 =	simm.s32 @p2 $0x1  }
0x17: {  	s4 =	simm.s32 $0x1BF5;
	[smem:$0x3FBA] =	sst s0  }
0x18: {  	s0 =	sld [smem:$0x3F9D];
	_ =	swait.ge [sflag:s4], $0x0  }
0x19: {  	s7 =	sld [smem:$0x3F9E]  }
0x1a: {  	s8 =	sadd.s32 $0xFFFFE003, lr  }
0x1b: {  	s9 =	sadd.s32 $0xFFFFFEF7, lr;
	s5 =	simm.s32 $0xFFFFFFFF;
	p2 =	slt.u32 s8, $0xFFFFF086  }
0x1c: {  	p1 =	slt.u32 s9, $0xF7A;
	s5 =	simm.s32 @!p2 $0x0  }
0x1d: {  	s5 =	simm.s32 @p1 $0x1;
	p0 =	seq.s32 s7, s2  }
0x1e: {  	s7 =	smul.u32 @!p0 $0xF7A, s2;
	p2 =	seq.s32 @!p0 s5, $0x0  }
0x1f: {  	s9 =	smul.u32 $0xF7A, s1;
	s8 =	simm.s32 @!p0 $0x1BF5;
	p2 =	por !p2, p0  }
0x20: {  	[sflag:s8] =	ssyncset.s32 @!p0 $0xFFFFF086;
	s6 =	sadd.s32 @!p0 s3, s7;
	s7 =	simm.s32 @!p0 $0x108  }
0x21: {  	s3 =	sadd.s32 s3, s9;
	s6 =	sadd.s32 @!p0 $0x88, s6;
	s7 =	simm.s32 @p2 $0x1082  }
0x22: {  	[simem:s7], [sflag:s8] =	dma.local @!p0 [hbm:s6], $0xF7A  }
0x23: {  	s9 =	sor.u32 $0xD0000000, s2;
	s6 =	simm.s32 $0x108;
	_ =	swait.ge @!p0 [sflag:s8], $0x0  }
0x24: {  	s3 =	sadd.s32 $0x88, s3;
	s6 =	simm.s32 @!p1 $0x1082;
	[sflag:s4] =	ssyncset.s32 $0xFFFFF086  }
0x25: {  	[simem:s6], [sflag:s4] =	dma.local [hbm:s3], $0xF7A  }
0x26: {  	[smem:$0x3F9E] =	sst s1;
	(tag) =	ssettag s2;
	_ =	strace s9  }
0x27: {  	s1 =	sld [smem:$0x3FAE]  }
0x28: {  	s2 =	sld [smem:$0x3FAF]  }
0x29: {  	s4 =	sld [smem:$0x3FB1]  }
0x2a: {  	p0 =	seq.s32 s5, $0x0;
	s5 =	sld [smem:$0x3FB2]  }
0x2b: {  	s6 =	sld [smem:$0x3FB3]  }
0x2c: {  	s7 =	sld [smem:$0x3FB4]  }
0x2d: {  	s3 =	simm.s32 $0x108;
	s8 =	sld [smem:$0x3FB5]  }
0x2e: {  	s3 =	simm.s32 @!p0 $0x1082;
	s9 =	sld [smem:$0x3FB6]  }
0x2f: {  	lr =	sadd.s32 s0, s3;
	s0 =	sld [smem:$0x3FAD]  }
0x30: {  	s3 =	sld [smem:$0x3FB0]  }
0x31: {  	[smem:$0x3FB9] =	sst s10  }
0x32: {  	s10 =	sld [smem:$0x3FB7];
	_ =	sdelay $0x3  }
0x33: {  	p0 =	seq.s32 s10, $0x1;
	s10 =	sld [smem:$0x3FB9];
	_ =	sdelay $0x3  }
0x34: {  	[smem:$0x3FB9] =	sst s10  }
0x35: {  	s10 =	sld [smem:$0x3FB8];
	_ =	sdelay $0x3  }
0x36: {  	p1 =	seq.s32 s10, $0x1;
	s10 =	sld [smem:$0x3FB9];
	_ =	sdelay $0x3  }
0x37: {  	[smem:$0x3FB9] =	sst s10  }
0x38: {  	s10 =	sld [smem:$0x3FBA]  }
0x39: {  	_ = 	snop;
	(pc) =	sbr.ind lr, $3  }
0x3a: {  	_ = 	snop  }
0x3b: {  	_ = 	snop  }
0x3c: {  	p2 =	seq.s32 s10, $0x1;
	s10 =	sld [smem:$0x3FB9]  }
0x3d: {  	_ =	shalt  }
0x3e: {  	_ =	shalt  }
0x3f: {  	_ =	shalt  }
0x40: {  	_ =	shalt  }
0x41: {  	_ =	shalt  }
0x42: {  	_ =	shalt  }
0x43: {  	_ =	shalt  }
0x44: {  	_ =	shalt  }
0x45: {  	_ =	shalt  }
0x46: {  	_ =	shalt  }
0x47: {  	_ =	shalt  }
0x48: {  	_ =	shalt  }
0x49: {  	_ =	shalt  }
0x4a: {  	_ =	shalt  }
0x4b: {  	_ =	shalt  }
0x4c: {  	_ =	shalt  }
0x4d: {  	_ =	shalt  }
0x4e: {  	_ =	shalt  }
0x4f: {  	_ =	shalt  }
0x50: {  	_ =	shalt  }
0x51: {  	_ =	shalt  }
0x52: {  	_ =	shalt  }
0x53: {  	_ =	shalt  }
0x54: {  	_ =	shalt  }
0x55: {  	_ =	shalt  }
0x56: {  	_ =	shalt  }
0x57: {  	_ =	shalt  }
0x58: {  	_ =	shalt  }
0x59: {  	_ =	shalt  }
0x5a: {  	_ =	shalt  }
0x5b: {  	_ =	shalt  }
0x5c: {  	_ =	shalt  }
0x5d: {  	_ =	shalt  }
0x5e: {  	_ =	shalt  }
0x5f: {  	_ =	shalt  }
0x60: {  	_ =	shalt  }
0x61: {  	_ =	shalt  }
0x62: {  	_ =	shalt  }
0x63: {  	_ =	shalt  }
0x64: {  	_ =	shalt  }
0x65: {  	_ =	shalt  }
0x66: {  	_ =	shalt  }
0x67: {  	_ =	shalt  }
0x68: {  	_ =	shalt  }
0x69: {  	_ =	shalt  }
0x6a: {  	_ =	shalt  }
0x6b: {  	_ =	shalt  }
0x6c: {  	_ =	shalt  }
0x6d: {  	_ =	shalt  }
0x6e: {  	_ =	shalt  }
0x6f: {  	_ =	shalt  }
0x70: {  	_ =	shalt  }
0x71: {  	_ =	shalt  }
0x72: {  	_ =	shalt  }
0x73: {  	_ =	shalt  }
0x74: {  	_ =	shalt  }
0x75: {  	_ =	shalt  }
0x76: {  	_ =	shalt  }
0x77: {  	_ =	shalt  }
0x78: {  	_ =	shalt  }
0x79: {  	_ =	shalt  }
0x7a: {  	_ =	shalt  }
0x7b: {  	_ =	shalt  }
0x7c: {  	_ =	shalt  }
0x7d: {  	_ =	shalt  }
0x7e: {  	_ =	shalt  }
0x7f: {  	_ =	shalt  }
0x80: {  	_ =	shalt  }
0x81: {  	_ =	shalt  }
0x82: {  	_ =	shalt  }
0x83: {  	_ =	shalt  }
0x84: {  	_ =	shalt  }
0x85: {  	_ =	shalt  }
0x86: {  	_ =	shalt  }
0x87: {  	_ =	shalt  }
.Lfunc_end0:
.L_simem_size_0:
called_computation_lowered:
.L_overlay_start_0:
0x88: {  	s2 =	sld [smem:$0x3FD9]  }
0x89: {  	s3 =	sld [smem:$0x3FFE];
	_ =	sdelay $0x1  }
0x8a: {  	s1 =	srdreg.scid  }
0x8b: {  	s0 =	sand.u32 $0x1, s1  }
0x8c: {  	s17 =	sshll.u32 s0, $0xA;
	s2 =	sadd.s32 s3, s2  }
0x8d: {  	s2 =	sadd.s32 s2, s17  }
0x8e: {  	[smem:$0x3FC5] =	sst s2  }
0x8f: {  	_ = 	snop  }
0x90: {  	s2 =	sld [smem:$0x3FC7]  }
0x91: {  	s18 =	sld [smem:$0x3FD0];
	(tm) =	ssettm $0x1  }
0x92: {  	s4 =	sld [smem:$0x3FFB];
	_ =	sdelay $0x3  }
0x93: {  	_ =	strace s4  }
0x94: {  	s4 =	sld [smem:$0x3FFC];
	_ =	sdelay $0x3  }
0x95: {  	_ =	strace s4  }
0x96: {  	s4 =	sld [smem:$0x3FFD];
	_ =	sdelay $0x3  }
0x97: {  	_ =	strace s4  }
0x98: {  	_ =	strace $0x8FFFFFFF  }
0x99: {  	s19 =	sld [smem:$0x3FDB];
	_ =	sdelay $0x1  }
0x9a: {  	s5 =	simm.s32 $_scs_section_size  }
0x9b: {  	s6 =	simm.s32 $_size__tile_overlayer_lowered;
	s7 =	simm.s32 $_tile_overlayer_lowered  }
0x9c: {  	s22 =	simm.s32 $0x1BFF;
	s21 =	sshll.u32 s7, $0x1;
	s4 =	sadd.s32 s5, s19  }
0x9d: {  	s8 =	simm.s32 $0x0;
	s20 =	sshll.u32 s6, $0x1;
	s6 =	sadd.s32 s21, s4  }
0x9e: {  	[timem:s8], [sflag:s22] =	dma.local [hbm:s6], s20  }
0x9f: {  	_ =	swait.ge [sflag:s22], s20  }
0xa0: {  	s5 =	ssub.s32 $0x0, s20;
	[sflag:s22] =	ssyncset.done $0x0  }
0xa1: {  	[sflag:s22] =	ssyncadd.s32 s5;
	_ =	sdelay $0x1  }
0xa2: {  	s23 =	simm.s32 $0x1B8B  }
0xa3: {  	_ =	swait.ge [sflag:s23], $0x1  }
0xa4: {  	[sflag:s23] =	ssyncset.done $0x0  }
0xa5: {  	s25 =	simm.s32 $0x1B8E;
	s24 =	sld [smem:$0x3FFE];
	[sflag:s23] =	ssyncadd.s32 $0xFFFFFFFF  }
0xa6: {  	s26 =	simm.s32 $execute0_lowered;
	[smem:$0x3FD2] =	sst s25  }
0xa7: {  	s6 =	sshll.u32 s26, $0x1;
	_ =	strace $0x80000046;
	[dreg:$0x1] =	wrdreg $0xFFFFFFFF  }
0xa8: {  	s28 =	simm.s32 $_size_execute0_lowered;
	s4 =	sadd.s32 s4, s6;
	[dreg:$0x0] =	wrdreg $0x0  }
0xa9: {  	s6 =	sshll.u32 s28, $0x1;
	[dreg:$0x2] =	wrdreg s4  }
0xaa: {  	[dreg:$0x3] =	wrdreg s6  }
0xab: {  	[dreg:$0x4] =	wrdreg $0xC0  }
0xac: {  	_ =	task [dreg:s8], $0x5FFFF  }
0xad: {  	[dreg:$0x1] =	wrdreg $0xFFFFFFFF  }
0xae: {  	[dreg:$0x0] =	wrdreg $0x60  }
0xaf: {  	[dreg:$0x2] =	wrdreg s24  }
0xb0: {  	[dreg:$0x3] =	wrdreg s2  }
0xb1: {  	[dreg:$0x4] =	wrdreg s18  }
0xb2: {  	[dreg:$0x5] =	wrdreg $0x9  }
0xb3: {  	_ =	task.clear_ibuf [dreg:s8], $0x6FFFF;
	_ =	strace $0x90000046  }
0xb4: {  	s29 =	simm.s32 $0x9;
	_ =	strace $0x80000048  }
0xb5: {  	_ =	swait.ge [sflag:s29], $0x1  }
0xb6: {  	[sflag:s29] =	ssyncadd.s32 $0xFFFFFFFF  }
0xb7: {  	_ =	strace $0x90000048  }
0xb8: {  	_ =	sfence  }
0xb9: {  	s30 =	sld [smem:$0x0];
	_ =	sdelay $0x2  }
0xba: {  	s31 =	sshll.u32 s1, $0xD;
	s1 =	sshrl.u32 s1, $0x2  }
0xbb: {  	s3 =	sand.u32 $0x4000, s31;
	s1 =	sadd.s32 s1, s30  }
0xbc: {  	s0 =	sor.u32 s3, s0;
	s1 =	sshll.u32 s1, $0x11  }
0xbd: {  	s0 =	sor.u32 s1, s0  }
0xbe: {  	s0 =	sadd.s32 $0x8F2B, s0  }
0xbf: {  	[sflag:s0] =	ssyncadd.remote.s32 $0x1  }
0xc0: {  	_ =	sfence.sel $0xFFFF  }
0xc1: {  	[dreg:$0x0] =	wrdreg $0xFFFFFFFF;
	(pc) =	sbr.abs _section_cstart, $3  }
0xc2: {  	[dreg:$0x1] =	wrdreg $0xFFFFFFFF  }
0xc3: {  	_ =	task.clear_ibuf [dreg:s8], $0x2FFFF;
	_ =	strace $0x9FFFFFFF  }
0xc4: {  	(tm) =	ssettm $0x7FFFFFFF  }
0xc5: {  	_ =	shalt  }
tec
execute0_lowered:
.L_overlay_start_1:
0x0: {  	(tag) =	ssettag $0x1  }
0x1: {  	s0 =	rddreg [dreg:$0x0]  }
0x2: {  	s2 =	rddreg [dreg:$0x1]  }
0x3: {  	s4 =	rddreg [dreg:$0x2]  }
0x4: {  	[dreg:$0x4] =	wrdreg s2;
	s2 =	simm.s32 $0x0  }
0x5: {  	s9 =	simm.s32 $0xD00;
	[smem:$0x7FF] =	sst s2  }
0x6: {  	s10 =	simm.s32 $0x2A00;
	_ =	strace $0x80000047;
	[dreg:$0x13] =	wrdreg s9  }
0x7: {  	s11 =	simm.s32 $0x100;
	[dreg:$0x14] =	wrdreg s10  }
0x8: {  	s12 =	simm.s32 $0x180;
	[dreg:$0x15] =	wrdreg s11  }
0x9: {  	s13 =	simm.s32 $0x4A00;
	[dreg:$0x16] =	wrdreg s12  }
0xa: {  	s14 =	simm.s32 $0x200;
	[dreg:$0x17] =	wrdreg s13  }
0xb: {  	s15 =	simm.s32 $0x280;
	[dreg:$0x18] =	wrdreg s14  }
0xc: {  	s16 =	simm.s32 $0x6A00;
	[dreg:$0x19] =	wrdreg s15  }
0xd: {  	s17 =	simm.s32 $0x300;
	[dreg:$0x1a] =	wrdreg s16  }
0xe: {  	s18 =	simm.s32 $0x380;
	[dreg:$0x1b] =	wrdreg s17  }
0xf: {  	[dreg:$0x1c] =	wrdreg s18;
	s9 =	simm.s32 $0x780  }
0x10: {  	s1 =	srdreg.scid;
	s10 =	simm.s32 $0x10A00;
	[smem:$0x7ED] =	sst s9  }
0x11: {  	s3 =	stileid.u32;
	s11 =	simm.s32 $0x800;
	[smem:$0x7EE] =	sst s10  }
0x12: {  	s1 =	sand.u32 $0x1, s1;
	s13 =	simm.s32 $0x880;
	[smem:$0x7EF] =	sst s11  }
0x13: {  	s3 =	sshll.u32 s3, $0x1;
	s14 =	simm.s32 $0x12A00;
	[smem:$0x7F0] =	sst s13  }
0x14: {  	s3 =	sor.u32 s1, s3;
	s15 =	simm.s32 $0x900;
	[smem:$0x7F1] =	sst s14  }
0x15: {  	s5 =	smul.u32 $0x1A0, s3;
	s16 =	simm.s32 $0x980;
	[smem:$0x7F2] =	sst s15  }
0x16: {  	s6 =	smul.u32 $0x1A000, s3;
	s17 =	simm.s32 $0x14A00;
	[smem:$0x7F3] =	sst s16  }
0x17: {  	s3 =	smul.u32 $0x3400, s3;
	s18 =	simm.s32 $0xA00;
	[smem:$0x7F4] =	sst s17  }
0x18: {  	[smem:$0x7F5] =	sst s18  }
0x19: {  	s5 =	sadd.s32 s5, s0;
	s6 =	sshrl.u32 s6, $0x3;
	s3 =	sadd.s32 s4, s3  }
0x1a: {  	s5 =	sadd.s32 $0x600, s5;
	s4 =	sadd.s32 s4, s6;
	[dreg:$0x6] =	wrdreg s3  }
0x1b: {  	[dreg:$0x5] =	wrdreg s5;
	s19 =	sadd.s32 $0x400, s4  }
0x1c: {  	s20 =	sadd.s32 $0x800, s4;
	[dreg:$0x7] =	wrdreg s19  }
0x1d: {  	s21 =	sadd.s32 $0xC00, s4;
	[dreg:$0x8] =	wrdreg s20  }
0x1e: {  	s22 =	sadd.s32 $0x1000, s4;
	[dreg:$0x9] =	wrdreg s21  }
0x1f: {  	s23 =	sadd.s32 $0x1400, s4;
	[dreg:$0xa] =	wrdreg s22  }
0x20: {  	s24 =	sadd.s32 $0x1800, s4;
	[dreg:$0xb] =	wrdreg s23  }
0x21: {  	s25 =	sadd.s32 $0x1C00, s4;
	[dreg:$0xc] =	wrdreg s24  }
0x22: {  	s26 =	sadd.s32 $0x2000, s4;
	[dreg:$0xd] =	wrdreg s25  }
0x23: {  	s5 =	sadd.s32 $0x2400, s4;
	[dreg:$0xe] =	wrdreg s26  }
0x24: {  	s6 =	sadd.s32 $0x2800, s4;
	[dreg:$0xf] =	wrdreg s5  }
0x25: {  	s7 =	sadd.s32 $0x2C00, s4;
	[dreg:$0x10] =	wrdreg s6  }
0x26: {  	s8 =	sadd.s32 $0x3000, s4;
	[dreg:$0x11] =	wrdreg s7  }
0x27: {  	s28 =	simm.s32 $0x8;
	[dreg:$0x12] =	wrdreg s8;
	s19 =	simm.s32 $0x8A00  }
0x28: {  	s29 =	simm.s32 $0x9;
	s20 =	simm.s32 $0x400;
	[dreg:$0x1d] =	wrdreg s19  }
0x29: {  	s30 =	simm.s32 $0xA;
	s21 =	simm.s32 $0x480;
	[dreg:$0x1e] =	wrdreg s20  }
0x2a: {  	s31 =	simm.s32 $0xB;
	s22 =	simm.s32 $0xAA00;
	[dreg:$0x1f] =	wrdreg s21  }
0x2b: {  	s1 =	ssub.s32 $0x2, s1;
	s23 =	simm.s32 $0x500;
	[smem:$0x7E5] =	sst s22  }
0x2c: {  	s12 =	simm.s32 $0xF;
	s24 =	simm.s32 $0x580;
	[smem:$0x7E6] =	sst s23  }
0x2d: {  	s13 =	simm.s32 $0x7A00;
	s25 =	simm.s32 $0xCA00;
	[smem:$0x7E7] =	sst s24  }
0x2e: {  	s14 =	simm.s32 $0x9A00;
	s26 =	simm.s32 $0x600;
	[smem:$0x7E8] =	sst s25  }
0x2f: {  	s15 =	simm.s32 $0xBA00;
	s5 =	simm.s32 $0x680;
	[smem:$0x7E9] =	sst s26  }
0x30: {  	s16 =	simm.s32 $0xDA00;
	s6 =	simm.s32 $0xEA00;
	[smem:$0x7EA] =	sst s5  }
0x31: {  	s17 =	simm.s32 $0xFA00;
	s8 =	simm.s32 $0x700;
	[smem:$0x7EB] =	sst s6  }
0x32: {  	s18 =	simm.s32 $0x11A00;
	[smem:$0x7EC] =	sst s8;
	s19 =	simm.s32 $0xA80  }
0x33: {  	s10 =	simm.s32 $0x17A00;
	s20 =	simm.s32 $0x16A00;
	[smem:$0x7F6] =	sst s19  }
0x34: {  	s11 =	simm.s32 $0x19A00;
	s21 =	simm.s32 $0xB00;
	[smem:$0x7F7] =	sst s20  }
0x35: {  	s3 =	sadd.s32 $0x27ACA00, s0;
	s22 =	simm.s32 $0xB80;
	[smem:$0x7F8] =	sst s21  }
0x36: {  	s0 =	simm.s32 $0xD;
	s23 =	simm.s32 $0x18A00;
	[smem:$0x7F9] =	sst s22  }
0x37: {  	s7 =	sshrl.u32 s1, $0x1;
	s24 =	simm.s32 $0xC00;
	[smem:$0x7FA] =	sst s23  }
0x38: {  	s1 =	ssub.s32 s1, s7;
	s25 =	simm.s32 $0xC80;
	[smem:$0x7FB] =	sst s24  }
0x39: {  	s6 =	simm.s32 $0x80;
	s26 =	simm.s32 $0x1AA00;
	[smem:$0x7FC] =	sst s25  }
0x3a: {  	s7 =	simm.s32 $0xE;
	s4 =	smax.u32 s1, $0x1;
	[smem:$0x7FD] =	sst s26  }
0x3b: {  	s20 =	simm.s32 $0x1;
	s21 =	simm.s32 $0x2;
	s22 =	simm.s32 $0x3  }
0x3c: {  	s23 =	simm.s32 $0x4;
	s24 =	simm.s32 $0x5;
	s25 =	simm.s32 $0x6  }
0x3d: {  	s26 =	simm.s32 $0x7;
	s1 =	simm.s32 $0xC;
	s19 =	simm.s32 $0x13A00  }
.LBB2_1:
0x3e: {  	s8 =	rddreg [dreg:$0x5]  }
0x3f: {  	[tilespmem:s2], [sflag:$0xF] =	stream.linear.gather [hbm4b:s8+s2], $0xD00, $0x38;
	[tilespmem:$0x1BA00] =	vst v63  }
0x40: {  	_ =	swait.ge [sflag:s12], $0xD00  }
0x41: {  	s5 =	rddreg [dreg:$0x4];
	[sflag:s12] =	ssyncset.done $0x0  }
0x42: {  	s9 =	rddreg [dreg:$0x13];
	[sflag:s12] =	ssyncadd.s32 $0xFFFFF300  }
0x43: {  	[tilespmem:s9], [sflag:$0xF] =	stream.linear.gather [hbm4b:s5+s2], $0xD00, $0x38;
	[tilespmem:$0x1BA00] =	vst v63  }
0x44: {  	_ =	swait.ge [sflag:s12], $0xD00  }
0x45: {  	[sflag:s12] =	ssyncset.done $0x0  }
0x46: {  	[sflag:s12] =	ssyncadd.s32 $0xFFFFF300  }
0x47: {  	v0 =	vld [tilespmem:$0x0]  }
0x48: {  	v1 =	vld [tilespmem:$0xD00]  }
0x49: {  	v2 =	vld [tilespmem:$0x10]  }
0x4a: {  	v3 =	vld [tilespmem:$0xD10]  }
0x4b: {  	v4 =	vld [tilespmem:$0x20]  }
0x4c: {  	v5 =	vld [tilespmem:$0xD20]  }
0x4d: {  	v6 =	vld [tilespmem:$0x30]  }
0x4e: {  	v7 =	vld [tilespmem:$0xD30]  }
0x4f: {  	v8 =	vld [tilespmem:$0x40]  }
0x50: {  	v9 =	vld [tilespmem:$0xD40]  }
0x51: {  	v10 =	vld [tilespmem:$0x50]  }
0x52: {  	v11 =	vld [tilespmem:$0xD50]  }
0x53: {  	v12 =	vld [tilespmem:$0x60]  }
0x54: {  	v24 =	vld [tilespmem:$0xD60];
	v0 =	vadd.s32 v0, v1  }
0x55: {  	v26 =	vld [tilespmem:$0x70];
	v25 =	vadd.s32 v2, v3;
	[tilespmem:$0x0] =	vst v0  }
0x56: {  	v28 =	vld [tilespmem:$0xD70];
	v27 =	vadd.s32 v4, v5;
	[tilespmem:$0x10] =	vst v25  }
0x57: {  	v29 =	vadd.s32 v6, v7;
	[tilespmem:$0x20] =	vst v27  }
0x58: {  	v30 =	vadd.s32 v8, v9;
	[tilespmem:$0x30] =	vst v29  }
0x59: {  	v31 =	vadd.s32 v10, v11;
	[tilespmem:$0x40] =	vst v30  }
0x5a: {  	v32 =	vadd.s32 v12, v24;
	[tilespmem:$0x50] =	vst v31  }
0x5b: {  	v33 =	vadd.s32 v26, v28;
	[tilespmem:$0x60] =	vst v32  }
0x5c: {  	s5 =	simm.s32 $0x1A00;
	[tilespmem:$0x70] =	vst v33  }
0x5d: {  	[tilespmem:s5], [sflag:$0x1] =	stream.indirect.gather [hbm4b:s3+s6], $0x20, s2, s6, $0xb8;
	[tilespmem:$0x1BA00] =	vst v63  }
0x5e: {  	v34 =	vld [tilespmem:$0x80]  }
0x5f: {  	v35 =	vld [tilespmem:$0xD80]  }
0x60: {  	v36 =	vld [tilespmem:$0x90]  }
0x61: {  	v37 =	vld [tilespmem:$0xD90]  }
0x62: {  	v38 =	vld [tilespmem:$0xA0]  }
0x63: {  	v39 =	vld [tilespmem:$0xDA0]  }
0x64: {  	v40 =	vld [tilespmem:$0xB0]  }
0x65: {  	v41 =	vld [tilespmem:$0xDB0]  }
0x66: {  	v42 =	vld [tilespmem:$0xC0]  }
0x67: {  	v43 =	vld [tilespmem:$0xDC0]  }
0x68: {  	v44 =	vld [tilespmem:$0xD0]  }
0x69: {  	v45 =	vld [tilespmem:$0xDD0]  }
0x6a: {  	v46 =	vld [tilespmem:$0xE0]  }
0x6b: {  	v47 =	vld [tilespmem:$0xDE0];
	v0 =	vadd.s32 v34, v35  }
0x6c: {  	v49 =	vld [tilespmem:$0xF0];
	v48 =	vadd.s32 v36, v37;
	[tilespmem:$0x80] =	vst v0  }
0x6d: {  	v51 =	vld [tilespmem:$0xDF0];
	v50 =	vadd.s32 v38, v39;
	[tilespmem:$0x90] =	vst v48  }
0x6e: {  	v52 =	vadd.s32 v40, v41;
	[tilespmem:$0xA0] =	vst v50  }
0x6f: {  	v53 =	vadd.s32 v42, v43;
	[tilespmem:$0xB0] =	vst v52  }
0x70: {  	v54 =	vadd.s32 v44, v45;
	[tilespmem:$0xC0] =	vst v53  }
0x71: {  	v55 =	vadd.s32 v46, v47;
	[tilespmem:$0xD0] =	vst v54  }
0x72: {  	v56 =	vadd.s32 v49, v51;
	[tilespmem:$0xE0] =	vst v55  }
0x73: {  	s9 =	rddreg [dreg:$0x14];
	[tilespmem:$0xF0] =	vst v56  }
0x74: {  	[tilespmem:s9], [sflag:$0x1] =	stream.indirect.gather [hbm4b:s3+s6], $0x20, s6, s6, $0xb8;
	[tilespmem:$0x1BA00] =	vst v63  }
0x75: {  	v57 =	vld [tilespmem:$0x100]  }
0x76: {  	v58 =	vld [tilespmem:$0xE00]  }
0x77: {  	v59 =	vld [tilespmem:$0x110]  }
0x78: {  	v60 =	vld [tilespmem:$0xE10]  }
0x79: {  	v61 =	vld [tilespmem:$0x120]  }
0x7a: {  	v62 =	vld [tilespmem:$0xE20]  }
0x7b: {  	v63 =	vld [tilespmem:$0x130]  }
0x7c: {  	v16 =	vld [tilespmem:$0xE30]  }
0x7d: {  	v17 =	vld [tilespmem:$0x140]  }
0x7e: {  	v18 =	vld [tilespmem:$0xE40]  }
0x7f: {  	v19 =	vld [tilespmem:$0x150]  }
0x80: {  	v20 =	vld [tilespmem:$0xE50]  }
0x81: {  	v21 =	vld [tilespmem:$0x160]  }
0x82: {  	v22 =	vld [tilespmem:$0xE60];
	v0 =	vadd.s32 v57, v58  }
0x83: {  	v24 =	vld [tilespmem:$0x170];
	v23 =	vadd.s32 v59, v60;
	[tilespmem:$0x100] =	vst v0  }
0x84: {  	v26 =	vld [tilespmem:$0xE70];
	v25 =	vadd.s32 v61, v62;
	[tilespmem:$0x110] =	vst v23  }
0x85: {  	v27 =	vadd.s32 v63, v16;
	[tilespmem:$0x120] =	vst v25  }
0x86: {  	v28 =	vadd.s32 v17, v18;
	[tilespmem:$0x130] =	vst v27  }
0x87: {  	v29 =	vadd.s32 v19, v20;
	[tilespmem:$0x140] =	vst v28  }
0x88: {  	v30 =	vadd.s32 v21, v22;
	[tilespmem:$0x150] =	vst v29  }
0x89: {  	v31 =	vadd.s32 v24, v26;
	[tilespmem:$0x160] =	vst v30  }
0x8a: {  	s5 =	rddreg [dreg:$0x15];
	s9 =	simm.s32 $0x3A00;
	[tilespmem:$0x170] =	vst v31  }
0x8b: {  	[tilespmem:s9], [sflag:$0x2] =	stream.indirect.gather [hbm4b:s3+s6], $0x20, s5, s6, $0xb8;
	[tilespmem:$0x1BA00] =	vst v63  }
0x8c: {  	v32 =	vld [tilespmem:$0x180]  }
0x8d: {  	v33 =	vld [tilespmem:$0xE80]  }
0x8e: {  	v34 =	vld [tilespmem:$0x190]  }
0x8f: {  	v35 =	vld [tilespmem:$0xE90]  }
0x90: {  	v36 =	vld [tilespmem:$0x1A0]  }
0x91: {  	v37 =	vld [tilespmem:$0xEA0]  }
0x92: {  	v38 =	vld [tilespmem:$0x1B0]  }
0x93: {  	v39 =	vld [tilespmem:$0xEB0]  }
0x94: {  	v40 =	vld [tilespmem:$0x1C0]  }
0x95: {  	v41 =	vld [tilespmem:$0xEC0]  }
0x96: {  	v42 =	vld [tilespmem:$0x1D0]  }
0x97: {  	v43 =	vld [tilespmem:$0xED0]  }
0x98: {  	v44 =	vld [tilespmem:$0x1E0]  }
0x99: {  	v45 =	vld [tilespmem:$0xEE0];
	v0 =	vadd.s32 v32, v33  }
0x9a: {  	v47 =	vld [tilespmem:$0x1F0];
	v46 =	vadd.s32 v34, v35;
	[tilespmem:$0x180] =	vst v0  }
0x9b: {  	v49 =	vld [tilespmem:$0xEF0];
	v48 =	vadd.s32 v36, v37;
	[tilespmem:$0x190] =	vst v46  }
0x9c: {  	v50 =	vadd.s32 v38, v39;
	[tilespmem:$0x1A0] =	vst v48  }
0x9d: {  	v51 =	vadd.s32 v40, v41;
	[tilespmem:$0x1B0] =	vst v50  }
0x9e: {  	v52 =	vadd.s32 v42, v43;
	[tilespmem:$0x1C0] =	vst v51  }
0x9f: {  	v53 =	vadd.s32 v44, v45;
	[tilespmem:$0x1D0] =	vst v52  }
0xa0: {  	s9 =	rddreg [dreg:$0x16];
	v54 =	vadd.s32 v47, v49;
	[tilespmem:$0x1E0] =	vst v53  }
0xa1: {  	s5 =	rddreg [dreg:$0x17];
	[tilespmem:$0x1F0] =	vst v54  }
0xa2: {  	[tilespmem:s5], [sflag:$0x2] =	stream.indirect.gather [hbm4b:s3+s6], $0x20, s9, s6, $0xb8;
	[tilespmem:$0x1BA00] =	vst v63  }
0xa3: {  	v55 =	vld [tilespmem:$0x200]  }
0xa4: {  	v56 =	vld [tilespmem:$0xF00]  }
0xa5: {  	v57 =	vld [tilespmem:$0x210]  }
0xa6: {  	v58 =	vld [tilespmem:$0xF10]  }
0xa7: {  	v59 =	vld [tilespmem:$0x220]  }
0xa8: {  	v60 =	vld [tilespmem:$0xF20]  }
0xa9: {  	v61 =	vld [tilespmem:$0x230]  }
0xaa: {  	v62 =	vld [tilespmem:$0xF30]  }
0xab: {  	v63 =	vld [tilespmem:$0x240]  }
0xac: {  	v16 =	vld [tilespmem:$0xF40]  }
0xad: {  	v17 =	vld [tilespmem:$0x250]  }
0xae: {  	v18 =	vld [tilespmem:$0xF50]  }
0xaf: {  	v19 =	vld [tilespmem:$0x260]  }
0xb0: {  	v20 =	vld [tilespmem:$0xF60];
	v0 =	vadd.s32 v55, v56  }
0xb1: {  	v22 =	vld [tilespmem:$0x270];
	v21 =	vadd.s32 v57, v58;
	[tilespmem:$0x200] =	vst v0  }
0xb2: {  	v24 =	vld [tilespmem:$0xF70];
	v23 =	vadd.s32 v59, v60;
	[tilespmem:$0x210] =	vst v21  }
0xb3: {  	v25 =	vadd.s32 v61, v62;
	[tilespmem:$0x220] =	vst v23  }
0xb4: {  	v26 =	vadd.s32 v63, v16;
	[tilespmem:$0x230] =	vst v25  }
0xb5: {  	v27 =	vadd.s32 v17, v18;
	[tilespmem:$0x240] =	vst v26  }
0xb6: {  	v28 =	vadd.s32 v19, v20;
	[tilespmem:$0x250] =	vst v27  }
0xb7: {  	v29 =	vadd.s32 v22, v24;
	[tilespmem:$0x260] =	vst v28  }
0xb8: {  	s5 =	rddreg [dreg:$0x18];
	s9 =	simm.s32 $0x5A00;
	[tilespmem:$0x270] =	vst v29  }
0xb9: {  	[tilespmem:s9], [sflag:$0x3] =	stream.indirect.gather [hbm4b:s3+s6], $0x20, s5, s6, $0xb8;
	[tilespmem:$0x1BA00] =	vst v63  }
0xba: {  	v30 =	vld [tilespmem:$0x280]  }
0xbb: {  	v31 =	vld [tilespmem:$0xF80]  }
0xbc: {  	v32 =	vld [tilespmem:$0x290]  }
0xbd: {  	v33 =	vld [tilespmem:$0xF90]  }
0xbe: {  	v34 =	vld [tilespmem:$0x2A0]  }
0xbf: {  	v35 =	vld [tilespmem:$0xFA0]  }
0xc0: {  	v36 =	vld [tilespmem:$0x2B0]  }
0xc1: {  	v37 =	vld [tilespmem:$0xFB0]  }
0xc2: {  	v38 =	vld [tilespmem:$0x2C0]  }
0xc3: {  	v39 =	vld [tilespmem:$0xFC0]  }
0xc4: {  	v40 =	vld [tilespmem:$0x2D0]  }
0xc5: {  	v41 =	vld [tilespmem:$0xFD0]  }
0xc6: {  	v42 =	vld [tilespmem:$0x2E0]  }
0xc7: {  	v43 =	vld [tilespmem:$0xFE0];
	v0 =	vadd.s32 v30, v31  }
0xc8: {  	v45 =	vld [tilespmem:$0x2F0];
	v44 =	vadd.s32 v32, v33;
	[tilespmem:$0x280] =	vst v0  }
0xc9: {  	v47 =	vld [tilespmem:$0xFF0];
	v46 =	vadd.s32 v34, v35;
	[tilespmem:$0x290] =	vst v44  }
0xca: {  	v48 =	vadd.s32 v36, v37;
	[tilespmem:$0x2A0] =	vst v46  }
0xcb: {  	v49 =	vadd.s32 v38, v39;
	[tilespmem:$0x2B0] =	vst v48  }
0xcc: {  	v50 =	vadd.s32 v40, v41;
	[tilespmem:$0x2C0] =	vst v49  }
0xcd: {  	v51 =	vadd.s32 v42, v43;
	[tilespmem:$0x2D0] =	vst v50  }
0xce: {  	s9 =	rddreg [dreg:$0x19];
	v52 =	vadd.s32 v45, v47;
	[tilespmem:$0x2E0] =	vst v51  }
0xcf: {  	s5 =	rddreg [dreg:$0x1a];
	[tilespmem:$0x2F0] =	vst v52  }
0xd0: {  	[tilespmem:s5], [sflag:$0x3] =	stream.indirect.gather [hbm4b:s3+s6], $0x20, s9, s6, $0xb8;
	[tilespmem:$0x1BA00] =	vst v63  }
0xd1: {  	v53 =	vld [tilespmem:$0x300]  }
0xd2: {  	v54 =	vld [tilespmem:$0x1000]  }
0xd3: {  	v55 =	vld [tilespmem:$0x310]  }
0xd4: {  	v56 =	vld [tilespmem:$0x1010]  }
0xd5: {  	v57 =	vld [tilespmem:$0x320]  }
0xd6: {  	v58 =	vld [tilespmem:$0x1020]  }
0xd7: {  	v59 =	vld [tilespmem:$0x330]  }
0xd8: {  	v60 =	vld [tilespmem:$0x1030]  }
0xd9: {  	v61 =	vld [tilespmem:$0x340]  }
0xda: {  	v62 =	vld [tilespmem:$0x1040]  }
0xdb: {  	v63 =	vld [tilespmem:$0x350]  }
0xdc: {  	v16 =	vld [tilespmem:$0x1050]  }
0xdd: {  	v17 =	vld [tilespmem:$0x360]  }
0xde: {  	v18 =	vld [tilespmem:$0x1060];
	v0 =	vadd.s32 v53, v54  }
0xdf: {  	v20 =	vld [tilespmem:$0x370];
	v19 =	vadd.s32 v55, v56;
	[tilespmem:$0x300] =	vst v0  }
0xe0: {  	v22 =	vld [tilespmem:$0x1070];
	v21 =	vadd.s32 v57, v58;
	[tilespmem:$0x310] =	vst v19  }
0xe1: {  	v23 =	vadd.s32 v59, v60;
	[tilespmem:$0x320] =	vst v21  }
0xe2: {  	v24 =	vadd.s32 v61, v62;
	[tilespmem:$0x330] =	vst v23  }
0xe3: {  	v25 =	vadd.s32 v63, v16;
	[tilespmem:$0x340] =	vst v24  }
0xe4: {  	v26 =	vadd.s32 v17, v18;
	[tilespmem:$0x350] =	vst v25  }
0xe5: {  	v27 =	vadd.s32 v20, v22;
	[tilespmem:$0x360] =	vst v26  }
0xe6: {  	s5 =	rddreg [dreg:$0x1b];
	[tilespmem:$0x370] =	vst v27  }
0xe7: {  	[tilespmem:s13], [sflag:$0x4] =	stream.indirect.gather [hbm4b:s3+s6], $0x20, s5, s6, $0xb8;
	[tilespmem:$0x1BA00] =	vst v63  }
0xe8: {  	v28 =	vld [tilespmem:$0x380]  }
0xe9: {  	v29 =	vld [tilespmem:$0x1080]  }
0xea: {  	v30 =	vld [tilespmem:$0x390]  }
0xeb: {  	v31 =	vld [tilespmem:$0x1090]  }
0xec: {  	v32 =	vld [tilespmem:$0x3A0]  }
0xed: {  	v33 =	vld [tilespmem:$0x10A0]  }
0xee: {  	v34 =	vld [tilespmem:$0x3B0]  }
0xef: {  	v35 =	vld [tilespmem:$0x10B0]  }
0xf0: {  	v36 =	vld [tilespmem:$0x3C0]  }
0xf1: {  	v37 =	vld [tilespmem:$0x10C0]  }
0xf2: {  	v38 =	vld [tilespmem:$0x3D0]  }
0xf3: {  	v39 =	vld [tilespmem:$0x10D0]  }
0xf4: {  	v40 =	vld [tilespmem:$0x3E0]  }
0xf5: {  	v41 =	vld [tilespmem:$0x10E0];
	v0 =	vadd.s32 v28, v29  }
0xf6: {  	v43 =	vld [tilespmem:$0x3F0];
	v42 =	vadd.s32 v30, v31;
	[tilespmem:$0x380] =	vst v0  }
0xf7: {  	v45 =	vld [tilespmem:$0x10F0];
	v44 =	vadd.s32 v32, v33;
	[tilespmem:$0x390] =	vst v42  }
0xf8: {  	v46 =	vadd.s32 v34, v35;
	[tilespmem:$0x3A0] =	vst v44  }
0xf9: {  	v47 =	vadd.s32 v36, v37;
	[tilespmem:$0x3B0] =	vst v46  }
0xfa: {  	v48 =	vadd.s32 v38, v39;
	[tilespmem:$0x3C0] =	vst v47  }
0xfb: {  	v49 =	vadd.s32 v40, v41;
	[tilespmem:$0x3D0] =	vst v48  }
0xfc: {  	s9 =	rddreg [dreg:$0x1c];
	v50 =	vadd.s32 v43, v45;
	[tilespmem:$0x3E0] =	vst v49  }
0xfd: {  	s5 =	rddreg [dreg:$0x1d];
	[tilespmem:$0x3F0] =	vst v50  }
0xfe: {  	[tilespmem:s5], [sflag:$0x4] =	stream.indirect.gather [hbm4b:s3+s6], $0x20, s9, s6, $0xb8;
	[tilespmem:$0x1BA00] =	vst v63  }
0xff: {  	v51 =	vld [tilespmem:$0x400]  }
0x100: {  	v52 =	vld [tilespmem:$0x1100]  }
0x101: {  	v53 =	vld [tilespmem:$0x410]  }
0x102: {  	v54 =	vld [tilespmem:$0x1110]  }
0x103: {  	v55 =	vld [tilespmem:$0x420]  }
0x104: {  	v56 =	vld [tilespmem:$0x1120]  }
0x105: {  	v57 =	vld [tilespmem:$0x430]  }
0x106: {  	v58 =	vld [tilespmem:$0x1130]  }
0x107: {  	v59 =	vld [tilespmem:$0x440]  }
0x108: {  	v60 =	vld [tilespmem:$0x1140]  }
0x109: {  	v61 =	vld [tilespmem:$0x450]  }
0x10a: {  	v62 =	vld [tilespmem:$0x1150]  }
0x10b: {  	v63 =	vld [tilespmem:$0x460]  }
0x10c: {  	v13 =	vld [tilespmem:$0x1160];
	v0 =	vadd.s32 v51, v52  }
0x10d: {  	v15 =	vld [tilespmem:$0x470];
	v14 =	vadd.s32 v53, v54;
	[tilespmem:$0x400] =	vst v0  }
0x10e: {  	v17 =	vld [tilespmem:$0x1170];
	v16 =	vadd.s32 v55, v56;
	[tilespmem:$0x410] =	vst v14  }
0x10f: {  	v18 =	vadd.s32 v57, v58;
	[tilespmem:$0x420] =	vst v16  }
0x110: {  	v19 =	vadd.s32 v59, v60;
	[tilespmem:$0x430] =	vst v18  }
0x111: {  	v20 =	vadd.s32 v61, v62;
	[tilespmem:$0x440] =	vst v19  }
0x112: {  	v21 =	vadd.s32 v63, v13;
	[tilespmem:$0x450] =	vst v20  }
0x113: {  	v22 =	vadd.s32 v15, v17;
	[tilespmem:$0x460] =	vst v21  }
0x114: {  	s5 =	rddreg [dreg:$0x1e];
	[tilespmem:$0x470] =	vst v22  }
0x115: {  	[tilespmem:s14], [sflag:$0x5] =	stream.indirect.gather [hbm4b:s3+s6], $0x20, s5, s6, $0xb8;
	[tilespmem:$0x1BA00] =	vst v63  }
0x116: {  	v23 =	vld [tilespmem:$0x480]  }
0x117: {  	v24 =	vld [tilespmem:$0x1180]  }
0x118: {  	v25 =	vld [tilespmem:$0x490]  }
0x119: {  	v26 =	vld [tilespmem:$0x1190]  }
0x11a: {  	v27 =	vld [tilespmem:$0x4A0]  }
0x11b: {  	v28 =	vld [tilespmem:$0x11A0]  }
0x11c: {  	v29 =	vld [tilespmem:$0x4B0]  }
0x11d: {  	v30 =	vld [tilespmem:$0x11B0]  }
0x11e: {  	v31 =	vld [tilespmem:$0x4C0]  }
0x11f: {  	v32 =	vld [tilespmem:$0x11C0]  }
0x120: {  	v33 =	vld [tilespmem:$0x4D0]  }
0x121: {  	v34 =	vld [tilespmem:$0x11D0]  }
0x122: {  	v35 =	vld [tilespmem:$0x4E0]  }
0x123: {  	v36 =	vld [tilespmem:$0x11E0];
	v0 =	vadd.s32 v23, v24  }
0x124: {  	v38 =	vld [tilespmem:$0x4F0];
	v37 =	vadd.s32 v25, v26;
	[tilespmem:$0x480] =	vst v0  }
0x125: {  	v40 =	vld [tilespmem:$0x11F0];
	v39 =	vadd.s32 v27, v28;
	[tilespmem:$0x490] =	vst v37  }
0x126: {  	v41 =	vadd.s32 v29, v30;
	[tilespmem:$0x4A0] =	vst v39  }
0x127: {  	v42 =	vadd.s32 v31, v32;
	[tilespmem:$0x4B0] =	vst v41  }
0x128: {  	v43 =	vadd.s32 v33, v34;
	[tilespmem:$0x4C0] =	vst v42  }
0x129: {  	s5 =	sld [smem:$0x7E5];
	v44 =	vadd.s32 v35, v36;
	[tilespmem:$0x4D0] =	vst v43  }
0x12a: {  	v45 =	vadd.s32 v38, v40;
	[tilespmem:$0x4E0] =	vst v44  }
0x12b: {  	s9 =	rddreg [dreg:$0x1f];
	[tilespmem:$0x4F0] =	vst v45  }
0x12c: {  	[tilespmem:s5], [sflag:$0x5] =	stream.indirect.gather [hbm4b:s3+s6], $0x20, s9, s6, $0xb8;
	[tilespmem:$0x1BA00] =	vst v63  }
0x12d: {  	v46 =	vld [tilespmem:$0x500]  }
0x12e: {  	v47 =	vld [tilespmem:$0x1200]  }
0x12f: {  	v48 =	vld [tilespmem:$0x510]  }
0x130: {  	v49 =	vld [tilespmem:$0x1210]  }
0x131: {  	v50 =	vld [tilespmem:$0x520]  }
0x132: {  	v51 =	vld [tilespmem:$0x1220]  }
0x133: {  	v52 =	vld [tilespmem:$0x530]  }
0x134: {  	v53 =	vld [tilespmem:$0x1230]  }
0x135: {  	v54 =	vld [tilespmem:$0x540]  }
0x136: {  	v55 =	vld [tilespmem:$0x1240]  }
0x137: {  	v56 =	vld [tilespmem:$0x550]  }
0x138: {  	v57 =	vld [tilespmem:$0x1250]  }
0x139: {  	v58 =	vld [tilespmem:$0x560]  }
0x13a: {  	v59 =	vld [tilespmem:$0x1260];
	v0 =	vadd.s32 v46, v47  }
0x13b: {  	v61 =	vld [tilespmem:$0x570];
	v60 =	vadd.s32 v48, v49;
	[tilespmem:$0x500] =	vst v0  }
0x13c: {  	v63 =	vld [tilespmem:$0x1270];
	v62 =	vadd.s32 v50, v51;
	[tilespmem:$0x510] =	vst v60  }
0x13d: {  	v7 =	vadd.s32 v52, v53;
	[tilespmem:$0x520] =	vst v62  }
0x13e: {  	v9 =	vadd.s32 v54, v55;
	[tilespmem:$0x530] =	vst v7  }
0x13f: {  	v11 =	vadd.s32 v56, v57;
	[tilespmem:$0x540] =	vst v9  }
0x140: {  	s5 =	sld [smem:$0x7E6];
	v13 =	vadd.s32 v58, v59;
	[tilespmem:$0x550] =	vst v11  }
0x141: {  	v14 =	vadd.s32 v61, v63;
	[tilespmem:$0x560] =	vst v13  }
0x142: {  	[tilespmem:$0x570] =	vst v14  }
0x143: {  	[tilespmem:s15], [sflag:$0x6] =	stream.indirect.gather [hbm4b:s3+s6], $0x20, s5, s6, $0xb8;
	[tilespmem:$0x1BA00] =	vst v63  }
0x144: {  	v15 =	vld [tilespmem:$0x580]  }
0x145: {  	v16 =	vld [tilespmem:$0x1280];
	_ =	sdelay $0x4  }
0x146: {  	v0 =	vadd.s32 v15, v16  }
0x147: {  	[tilespmem:$0x580] =	vst v0  }
0x148: {  	v0 =	vld [tilespmem:$0x590]  }
0x149: {  	v17 =	vld [tilespmem:$0x1290]  }
0x14a: {  	v18 =	vld [tilespmem:$0x5A0]  }
0x14b: {  	v19 =	vld [tilespmem:$0x12A0]  }
0x14c: {  	v20 =	vld [tilespmem:$0x5B0]  }
0x14d: {  	v21 =	vld [tilespmem:$0x12B0]  }
0x14e: {  	v22 =	vld [tilespmem:$0x5C0]  }
0x14f: {  	v23 =	vld [tilespmem:$0x12C0]  }
0x150: {  	v24 =	vld [tilespmem:$0x5D0]  }
0x151: {  	v25 =	vld [tilespmem:$0x12D0]  }
0x152: {  	v26 =	vld [tilespmem:$0x5E0]  }
0x153: {  	v27 =	vld [tilespmem:$0x12E0]  }
0x154: {  	v28 =	vld [tilespmem:$0x5F0];
	v0 =	vadd.s32 v0, v17  }
0x155: {  	v30 =	vld [tilespmem:$0x12F0];
	v29 =	vadd.s32 v18, v19;
	[tilespmem:$0x590] =	vst v0  }
0x156: {  	v31 =	vadd.s32 v20, v21;
	[tilespmem:$0x5A0] =	vst v29  }
0x157: {  	v32 =	vadd.s32 v22, v23;
	[tilespmem:$0x5B0] =	vst v31  }
0x158: {  	s9 =	sld [smem:$0x7E7];
	v33 =	vadd.s32 v24, v25;
	[tilespmem:$0x5C0] =	vst v32  }
0x159: {  	s5 =	sld [smem:$0x7E8];
	v34 =	vadd.s32 v26, v27;
	[tilespmem:$0x5D0] =	vst v33  }
0x15a: {  	v35 =	vadd.s32 v28, v30;
	[tilespmem:$0x5E0] =	vst v34  }
0x15b: {  	[tilespmem:$0x5F0] =	vst v35  }
0x15c: {  	[tilespmem:s5], [sflag:$0x6] =	stream.indirect.gather [hbm4b:s3+s6], $0x20, s9, s6, $0xb8;
	[tilespmem:$0x1BA00] =	vst v63  }
0x15d: {  	v36 =	vld [tilespmem:$0x600]  }
0x15e: {  	v37 =	vld [tilespmem:$0x1300]  }
0x15f: {  	v38 =	vld [tilespmem:$0x610]  }
0x160: {  	v39 =	vld [tilespmem:$0x1310]  }
0x161: {  	v40 =	vld [tilespmem:$0x620]  }
0x162: {  	v41 =	vld [tilespmem:$0x1320]  }
0x163: {  	v42 =	vld [tilespmem:$0x630]  }
0x164: {  	v43 =	vld [tilespmem:$0x1330]  }
0x165: {  	v44 =	vld [tilespmem:$0x640]  }
0x166: {  	v45 =	vld [tilespmem:$0x1340]  }
0x167: {  	v46 =	vld [tilespmem:$0x650]  }
0x168: {  	v47 =	vld [tilespmem:$0x1350]  }
0x169: {  	v48 =	vld [tilespmem:$0x660]  }
0x16a: {  	v49 =	vld [tilespmem:$0x1360];
	v0 =	vadd.s32 v36, v37  }
0x16b: {  	v51 =	vld [tilespmem:$0x670];
	v50 =	vadd.s32 v38, v39;
	[tilespmem:$0x600] =	vst v0  }
0x16c: {  	v53 =	vld [tilespmem:$0x1370];
	v52 =	vadd.s32 v40, v41;
	[tilespmem:$0x610] =	vst v50  }
0x16d: {  	v54 =	vadd.s32 v42, v43;
	[tilespmem:$0x620] =	vst v52  }
0x16e: {  	v55 =	vadd.s32 v44, v45;
	[tilespmem:$0x630] =	vst v54  }
0x16f: {  	v56 =	vadd.s32 v46, v47;
	[tilespmem:$0x640] =	vst v55  }
0x170: {  	s5 =	sld [smem:$0x7E9];
	v57 =	vadd.s32 v48, v49;
	[tilespmem:$0x650] =	vst v56  }
0x171: {  	v58 =	vadd.s32 v51, v53;
	[tilespmem:$0x660] =	vst v57  }
0x172: {  	[tilespmem:$0x670] =	vst v58  }
0x173: {  	[tilespmem:s16], [sflag:$0x7] =	stream.indirect.gather [hbm4b:s3+s6], $0x20, s5, s6, $0xb8;
	[tilespmem:$0x1BA00] =	vst v63  }
0x174: {  	v59 =	vld [tilespmem:$0x680]  }
0x175: {  	v60 =	vld [tilespmem:$0x1380]  }
0x176: {  	v61 =	vld [tilespmem:$0x690]  }
0x177: {  	v62 =	vld [tilespmem:$0x1390]  }
0x178: {  	v63 =	vld [tilespmem:$0x6A0]  }
0x179: {  	v16 =	vld [tilespmem:$0x13A0]  }
0x17a: {  	v17 =	vld [tilespmem:$0x6B0]  }
0x17b: {  	v18 =	vld [tilespmem:$0x13B0]  }
0x17c: {  	v19 =	vld [tilespmem:$0x6C0]  }
0x17d: {  	v20 =	vld [tilespmem:$0x13C0]  }
0x17e: {  	v21 =	vld [tilespmem:$0x6D0]  }
0x17f: {  	v22 =	vld [tilespmem:$0x13D0]  }
0x180: {  	v23 =	vld [tilespmem:$0x6E0]  }
0x181: {  	v24 =	vld [tilespmem:$0x13E0];
	v0 =	vadd.s32 v59, v60  }
0x182: {  	v26 =	vld [tilespmem:$0x6F0];
	v25 =	vadd.s32 v61, v62;
	[tilespmem:$0x680] =	vst v0  }
0x183: {  	v28 =	vld [tilespmem:$0x13F0];
	v27 =	vadd.s32 v63, v16;
	[tilespmem:$0x690] =	vst v25  }
0x184: {  	v29 =	vadd.s32 v17, v18;
	[tilespmem:$0x6A0] =	vst v27  }
0x185: {  	v30 =	vadd.s32 v19, v20;
	[tilespmem:$0x6B0] =	vst v29  }
0x186: {  	s9 =	sld [smem:$0x7EA];
	v31 =	vadd.s32 v21, v22;
	[tilespmem:$0x6C0] =	vst v30  }
0x187: {  	s5 =	sld [smem:$0x7EB];
	v32 =	vadd.s32 v23, v24;
	[tilespmem:$0x6D0] =	vst v31  }
0x188: {  	v33 =	vadd.s32 v26, v28;
	[tilespmem:$0x6E0] =	vst v32  }
0x189: {  	[tilespmem:$0x6F0] =	vst v33  }
0x18a: {  	[tilespmem:s5], [sflag:$0x7] =	stream.indirect.gather [hbm4b:s3+s6], $0x20, s9, s6, $0xb8;
	[tilespmem:$0x1BA00] =	vst v63  }
0x18b: {  	v34 =	vld [tilespmem:$0x700]  }
0x18c: {  	v35 =	vld [tilespmem:$0x1400]  }
0x18d: {  	v36 =	vld [tilespmem:$0x710]  }
0x18e: {  	v37 =	vld [tilespmem:$0x1410]  }
0x18f: {  	v38 =	vld [tilespmem:$0x720]  }
0x190: {  	v39 =	vld [tilespmem:$0x1420]  }
0x191: {  	v40 =	vld [tilespmem:$0x730]  }
0x192: {  	v41 =	vld [tilespmem:$0x1430]  }
0x193: {  	v42 =	vld [tilespmem:$0x740]  }
0x194: {  	v43 =	vld [tilespmem:$0x1440]  }
0x195: {  	v44 =	vld [tilespmem:$0x750]  }
0x196: {  	v45 =	vld [tilespmem:$0x1450]  }
0x197: {  	v46 =	vld [tilespmem:$0x760]  }
0x198: {  	v47 =	vld [tilespmem:$0x1460];
	v0 =	vadd.s32 v34, v35  }
0x199: {  	v49 =	vld [tilespmem:$0x770];
	v48 =	vadd.s32 v36, v37;
	[tilespmem:$0x700] =	vst v0  }
0x19a: {  	v51 =	vld [tilespmem:$0x1470];
	v50 =	vadd.s32 v38, v39;
	[tilespmem:$0x710] =	vst v48  }
0x19b: {  	v52 =	vadd.s32 v40, v41;
	[tilespmem:$0x720] =	vst v50  }
0x19c: {  	v53 =	vadd.s32 v42, v43;
	[tilespmem:$0x730] =	vst v52  }
0x19d: {  	v54 =	vadd.s32 v44, v45;
	[tilespmem:$0x740] =	vst v53  }
0x19e: {  	s5 =	sld [smem:$0x7EC];
	v55 =	vadd.s32 v46, v47;
	[tilespmem:$0x750] =	vst v54  }
0x19f: {  	v56 =	vadd.s32 v49, v51;
	[tilespmem:$0x760] =	vst v55  }
0x1a0: {  	[tilespmem:$0x770] =	vst v56  }
0x1a1: {  	[tilespmem:s17], [sflag:$0x8] =	stream.indirect.gather [hbm4b:s3+s6], $0x20, s5, s6, $0xb8;
	[tilespmem:$0x1BA00] =	vst v63  }
0x1a2: {  	v57 =	vld [tilespmem:$0x780]  }
0x1a3: {  	v58 =	vld [tilespmem:$0x1480]  }
0x1a4: {  	v59 =	vld [tilespmem:$0x790]  }
0x1a5: {  	v60 =	vld [tilespmem:$0x1490]  }
0x1a6: {  	v61 =	vld [tilespmem:$0x7A0]  }
0x1a7: {  	v62 =	vld [tilespmem:$0x14A0]  }
0x1a8: {  	v63 =	vld [tilespmem:$0x7B0]  }
0x1a9: {  	v16 =	vld [tilespmem:$0x14B0]  }
0x1aa: {  	v17 =	vld [tilespmem:$0x7C0]  }
0x1ab: {  	v18 =	vld [tilespmem:$0x14C0]  }
0x1ac: {  	v19 =	vld [tilespmem:$0x7D0]  }
0x1ad: {  	v20 =	vld [tilespmem:$0x14D0]  }
0x1ae: {  	v21 =	vld [tilespmem:$0x7E0]  }
0x1af: {  	v22 =	vld [tilespmem:$0x14E0];
	v0 =	vadd.s32 v57, v58  }
0x1b0: {  	v24 =	vld [tilespmem:$0x7F0];
	v23 =	vadd.s32 v59, v60;
	[tilespmem:$0x780] =	vst v0  }
0x1b1: {  	v26 =	vld [tilespmem:$0x14F0];
	v25 =	vadd.s32 v61, v62;
	[tilespmem:$0x790] =	vst v23  }
0x1b2: {  	v27 =	vadd.s32 v63, v16;
	[tilespmem:$0x7A0] =	vst v25  }
0x1b3: {  	v28 =	vadd.s32 v17, v18;
	[tilespmem:$0x7B0] =	vst v27  }
0x1b4: {  	s9 =	sld [smem:$0x7ED];
	v29 =	vadd.s32 v19, v20;
	[tilespmem:$0x7C0] =	vst v28  }
0x1b5: {  	s5 =	sld [smem:$0x7EE];
	v30 =	vadd.s32 v21, v22;
	[tilespmem:$0x7D0] =	vst v29  }
0x1b6: {  	v31 =	vadd.s32 v24, v26;
	[tilespmem:$0x7E0] =	vst v30  }
0x1b7: {  	[tilespmem:$0x7F0] =	vst v31  }
0x1b8: {  	[tilespmem:s5], [sflag:$0x8] =	stream.indirect.gather [hbm4b:s3+s6], $0x20, s9, s6, $0xb8;
	[tilespmem:$0x1BA00] =	vst v63  }
0x1b9: {  	v32 =	vld [tilespmem:$0x800]  }
0x1ba: {  	v33 =	vld [tilespmem:$0x1500]  }
0x1bb: {  	v34 =	vld [tilespmem:$0x810]  }
0x1bc: {  	v35 =	vld [tilespmem:$0x1510]  }
0x1bd: {  	v36 =	vld [tilespmem:$0x820]  }
0x1be: {  	v37 =	vld [tilespmem:$0x1520]  }
0x1bf: {  	v38 =	vld [tilespmem:$0x830]  }
0x1c0: {  	v39 =	vld [tilespmem:$0x1530]  }
0x1c1: {  	v40 =	vld [tilespmem:$0x840]  }
0x1c2: {  	v41 =	vld [tilespmem:$0x1540]  }
0x1c3: {  	v42 =	vld [tilespmem:$0x850]  }
0x1c4: {  	v43 =	vld [tilespmem:$0x1550]  }
0x1c5: {  	v44 =	vld [tilespmem:$0x860]  }
0x1c6: {  	v45 =	vld [tilespmem:$0x1560];
	v0 =	vadd.s32 v32, v33  }
0x1c7: {  	v47 =	vld [tilespmem:$0x870];
	v46 =	vadd.s32 v34, v35;
	[tilespmem:$0x800] =	vst v0  }
0x1c8: {  	v49 =	vld [tilespmem:$0x1570];
	v48 =	vadd.s32 v36, v37;
	[tilespmem:$0x810] =	vst v46  }
0x1c9: {  	v50 =	vadd.s32 v38, v39;
	[tilespmem:$0x820] =	vst v48  }
0x1ca: {  	v51 =	vadd.s32 v40, v41;
	[tilespmem:$0x830] =	vst v50  }
0x1cb: {  	v52 =	vadd.s32 v42, v43;
	[tilespmem:$0x840] =	vst v51  }
0x1cc: {  	s5 =	sld [smem:$0x7EF];
	v53 =	vadd.s32 v44, v45;
	[tilespmem:$0x850] =	vst v52  }
0x1cd: {  	v54 =	vadd.s32 v47, v49;
	[tilespmem:$0x860] =	vst v53  }
0x1ce: {  	[tilespmem:$0x870] =	vst v54  }
0x1cf: {  	[tilespmem:s18], [sflag:$0x9] =	stream.indirect.gather [hbm4b:s3+s6], $0x20, s5, s6, $0xb8;
	[tilespmem:$0x1BA00] =	vst v63  }
0x1d0: {  	v55 =	vld [tilespmem:$0x880]  }
0x1d1: {  	v56 =	vld [tilespmem:$0x1580]  }
0x1d2: {  	v57 =	vld [tilespmem:$0x890]  }
0x1d3: {  	v58 =	vld [tilespmem:$0x1590]  }
0x1d4: {  	v59 =	vld [tilespmem:$0x8A0]  }
0x1d5: {  	v60 =	vld [tilespmem:$0x15A0]  }
0x1d6: {  	v61 =	vld [tilespmem:$0x8B0]  }
0x1d7: {  	v62 =	vld [tilespmem:$0x15B0]  }
0x1d8: {  	v63 =	vld [tilespmem:$0x8C0]  }
0x1d9: {  	v16 =	vld [tilespmem:$0x15C0]  }
0x1da: {  	v17 =	vld [tilespmem:$0x8D0]  }
0x1db: {  	v18 =	vld [tilespmem:$0x15D0]  }
0x1dc: {  	v19 =	vld [tilespmem:$0x8E0]  }
0x1dd: {  	v20 =	vld [tilespmem:$0x15E0];
	v0 =	vadd.s32 v55, v56  }
0x1de: {  	v22 =	vld [tilespmem:$0x8F0];
	v21 =	vadd.s32 v57, v58;
	[tilespmem:$0x880] =	vst v0  }
0x1df: {  	v24 =	vld [tilespmem:$0x15F0];
	v23 =	vadd.s32 v59, v60;
	[tilespmem:$0x890] =	vst v21  }
0x1e0: {  	v25 =	vadd.s32 v61, v62;
	[tilespmem:$0x8A0] =	vst v23  }
0x1e1: {  	v26 =	vadd.s32 v63, v16;
	[tilespmem:$0x8B0] =	vst v25  }
0x1e2: {  	s9 =	sld [smem:$0x7F0];
	v27 =	vadd.s32 v17, v18;
	[tilespmem:$0x8C0] =	vst v26  }
0x1e3: {  	s5 =	sld [smem:$0x7F1];
	v28 =	vadd.s32 v19, v20;
	[tilespmem:$0x8D0] =	vst v27  }
0x1e4: {  	v29 =	vadd.s32 v22, v24;
	[tilespmem:$0x8E0] =	vst v28  }
0x1e5: {  	[tilespmem:$0x8F0] =	vst v29  }
0x1e6: {  	[tilespmem:s5], [sflag:$0x9] =	stream.indirect.gather [hbm4b:s3+s6], $0x20, s9, s6, $0xb8;
	[tilespmem:$0x1BA00] =	vst v63  }
0x1e7: {  	v30 =	vld [tilespmem:$0x900]  }
0x1e8: {  	v31 =	vld [tilespmem:$0x1600]  }
0x1e9: {  	v32 =	vld [tilespmem:$0x910]  }
0x1ea: {  	v33 =	vld [tilespmem:$0x1610]  }
0x1eb: {  	v34 =	vld [tilespmem:$0x920]  }
0x1ec: {  	v35 =	vld [tilespmem:$0x1620]  }
0x1ed: {  	v36 =	vld [tilespmem:$0x930]  }
0x1ee: {  	v37 =	vld [tilespmem:$0x1630]  }
0x1ef: {  	v38 =	vld [tilespmem:$0x940]  }
0x1f0: {  	v39 =	vld [tilespmem:$0x1640]  }
0x1f1: {  	v40 =	vld [tilespmem:$0x950]  }
0x1f2: {  	v41 =	vld [tilespmem:$0x1650]  }
0x1f3: {  	v42 =	vld [tilespmem:$0x960]  }
0x1f4: {  	v43 =	vld [tilespmem:$0x1660];
	v0 =	vadd.s32 v30, v31  }
0x1f5: {  	v45 =	vld [tilespmem:$0x970];
	v44 =	vadd.s32 v32, v33;
	[tilespmem:$0x900] =	vst v0  }
0x1f6: {  	v47 =	vld [tilespmem:$0x1670];
	v46 =	vadd.s32 v34, v35;
	[tilespmem:$0x910] =	vst v44  }
0x1f7: {  	v48 =	vadd.s32 v36, v37;
	[tilespmem:$0x920] =	vst v46  }
0x1f8: {  	v49 =	vadd.s32 v38, v39;
	[tilespmem:$0x930] =	vst v48  }
0x1f9: {  	v50 =	vadd.s32 v40, v41;
	[tilespmem:$0x940] =	vst v49  }
0x1fa: {  	s5 =	sld [smem:$0x7F2];
	v51 =	vadd.s32 v42, v43;
	[tilespmem:$0x950] =	vst v50  }
0x1fb: {  	v52 =	vadd.s32 v45, v47;
	[tilespmem:$0x960] =	vst v51  }
0x1fc: {  	[tilespmem:$0x970] =	vst v52  }
0x1fd: {  	[tilespmem:s19], [sflag:$0xA] =	stream.indirect.gather [hbm4b:s3+s6], $0x20, s5, s6, $0xb8;
	[tilespmem:$0x1BA00] =	vst v63  }
0x1fe: {  	v53 =	vld [tilespmem:$0x980]  }
0x1ff: {  	v54 =	vld [tilespmem:$0x1680]  }
0x200: {  	v55 =	vld [tilespmem:$0x990]  }
0x201: {  	v56 =	vld [tilespmem:$0x1690]  }
0x202: {  	v57 =	vld [tilespmem:$0x9A0]  }
0x203: {  	v58 =	vld [tilespmem:$0x16A0]  }
0x204: {  	v59 =	vld [tilespmem:$0x9B0]  }
0x205: {  	v60 =	vld [tilespmem:$0x16B0]  }
0x206: {  	v61 =	vld [tilespmem:$0x9C0]  }
0x207: {  	v62 =	vld [tilespmem:$0x16C0]  }
0x208: {  	v63 =	vld [tilespmem:$0x9D0]  }
0x209: {  	v16 =	vld [tilespmem:$0x16D0]  }
0x20a: {  	v17 =	vld [tilespmem:$0x9E0]  }
0x20b: {  	v18 =	vld [tilespmem:$0x16E0];
	v0 =	vadd.s32 v53, v54  }
0x20c: {  	v20 =	vld [tilespmem:$0x9F0];
	v19 =	vadd.s32 v55, v56;
	[tilespmem:$0x980] =	vst v0  }
0x20d: {  	v22 =	vld [tilespmem:$0x16F0];
	v21 =	vadd.s32 v57, v58;
	[tilespmem:$0x990] =	vst v19  }
0x20e: {  	v23 =	vadd.s32 v59, v60;
	[tilespmem:$0x9A0] =	vst v21  }
0x20f: {  	v24 =	vadd.s32 v61, v62;
	[tilespmem:$0x9B0] =	vst v23  }
0x210: {  	s9 =	sld [smem:$0x7F3];
	v25 =	vadd.s32 v63, v16;
	[tilespmem:$0x9C0] =	vst v24  }
0x211: {  	s5 =	sld [smem:$0x7F4];
	v26 =	vadd.s32 v17, v18;
	[tilespmem:$0x9D0] =	vst v25  }
0x212: {  	v27 =	vadd.s32 v20, v22;
	[tilespmem:$0x9E0] =	vst v26  }
0x213: {  	[tilespmem:$0x9F0] =	vst v27  }
0x214: {  	[tilespmem:s5], [sflag:$0xA] =	stream.indirect.gather [hbm4b:s3+s6], $0x20, s9, s6, $0xb8;
	[tilespmem:$0x1BA00] =	vst v63  }
0x215: {  	v28 =	vld [tilespmem:$0xA00]  }
0x216: {  	v29 =	vld [tilespmem:$0x1700]  }
0x217: {  	v30 =	vld [tilespmem:$0xA10]  }
0x218: {  	v31 =	vld [tilespmem:$0x1710]  }
0x219: {  	v32 =	vld [tilespmem:$0xA20]  }
0x21a: {  	v33 =	vld [tilespmem:$0x1720]  }
0x21b: {  	v34 =	vld [tilespmem:$0xA30]  }
0x21c: {  	v35 =	vld [tilespmem:$0x1730]  }
0x21d: {  	v36 =	vld [tilespmem:$0xA40]  }
0x21e: {  	v37 =	vld [tilespmem:$0x1740]  }
0x21f: {  	v38 =	vld [tilespmem:$0xA50]  }
0x220: {  	v39 =	vld [tilespmem:$0x1750]  }
0x221: {  	v40 =	vld [tilespmem:$0xA60]  }
0x222: {  	v41 =	vld [tilespmem:$0x1760];
	v0 =	vadd.s32 v28, v29  }
0x223: {  	v43 =	vld [tilespmem:$0xA70];
	v42 =	vadd.s32 v30, v31;
	[tilespmem:$0xA00] =	vst v0  }
0x224: {  	v45 =	vld [tilespmem:$0x1770];
	v44 =	vadd.s32 v32, v33;
	[tilespmem:$0xA10] =	vst v42  }
0x225: {  	v46 =	vadd.s32 v34, v35;
	[tilespmem:$0xA20] =	vst v44  }
0x226: {  	v47 =	vadd.s32 v36, v37;
	[tilespmem:$0xA30] =	vst v46  }
0x227: {  	v48 =	vadd.s32 v38, v39;
	[tilespmem:$0xA40] =	vst v47  }
0x228: {  	s9 =	sld [smem:$0x7F5];
	v49 =	vadd.s32 v40, v41;
	[tilespmem:$0xA50] =	vst v48  }
0x229: {  	v50 =	vadd.s32 v43, v45;
	[tilespmem:$0xA60] =	vst v49  }
0x22a: {  	s5 =	simm.s32 $0x15A00;
	[tilespmem:$0xA70] =	vst v50  }
0x22b: {  	[tilespmem:s5], [sflag:$0xB] =	stream.indirect.gather [hbm4b:s3+s6], $0x20, s9, s6, $0xb8;
	[tilespmem:$0x1BA00] =	vst v63  }
0x22c: {  	v51 =	vld [tilespmem:$0xA80]  }
0x22d: {  	v52 =	vld [tilespmem:$0x1780]  }
0x22e: {  	v53 =	vld [tilespmem:$0xA90]  }
0x22f: {  	v54 =	vld [tilespmem:$0x1790]  }
0x230: {  	v55 =	vld [tilespmem:$0xAA0]  }
0x231: {  	v56 =	vld [tilespmem:$0x17A0]  }
0x232: {  	v57 =	vld [tilespmem:$0xAB0]  }
0x233: {  	v58 =	vld [tilespmem:$0x17B0]  }
0x234: {  	v59 =	vld [tilespmem:$0xAC0]  }
0x235: {  	v60 =	vld [tilespmem:$0x17C0]  }
0x236: {  	v61 =	vld [tilespmem:$0xAD0]  }
0x237: {  	v62 =	vld [tilespmem:$0x17D0]  }
0x238: {  	v63 =	vld [tilespmem:$0xAE0]  }
0x239: {  	v13 =	vld [tilespmem:$0x17E0];
	v0 =	vadd.s32 v51, v52  }
0x23a: {  	v15 =	vld [tilespmem:$0xAF0];
	v14 =	vadd.s32 v53, v54;
	[tilespmem:$0xA80] =	vst v0  }
0x23b: {  	v17 =	vld [tilespmem:$0x17F0];
	v16 =	vadd.s32 v55, v56;
	[tilespmem:$0xA90] =	vst v14  }
0x23c: {  	v18 =	vadd.s32 v57, v58;
	[tilespmem:$0xAA0] =	vst v16  }
0x23d: {  	v19 =	vadd.s32 v59, v60;
	[tilespmem:$0xAB0] =	vst v18  }
0x23e: {  	s8 =	sld [smem:$0x7F6];
	v20 =	vadd.s32 v61, v62;
	[tilespmem:$0xAC0] =	vst v19  }
0x23f: {  	s9 =	sld [smem:$0x7F7];
	v21 =	vadd.s32 v63, v13;
	[tilespmem:$0xAD0] =	vst v20  }
0x240: {  	v22 =	vadd.s32 v15, v17;
	[tilespmem:$0xAE0] =	vst v21  }
0x241: {  	[tilespmem:$0xAF0] =	vst v22  }
0x242: {  	[tilespmem:s9], [sflag:$0xB] =	stream.indirect.gather [hbm4b:s3+s6], $0x20, s8, s6, $0xb8;
	[tilespmem:$0x1BA00] =	vst v63  }
0x243: {  	v23 =	vld [tilespmem:$0xB00]  }
0x244: {  	v24 =	vld [tilespmem:$0x1800]  }
0x245: {  	v25 =	vld [tilespmem:$0xB10]  }
0x246: {  	v26 =	vld [tilespmem:$0x1810]  }
0x247: {  	v27 =	vld [tilespmem:$0xB20]  }
0x248: {  	v28 =	vld [tilespmem:$0x1820]  }
0x249: {  	v29 =	vld [tilespmem:$0xB30]  }
0x24a: {  	v30 =	vld [tilespmem:$0x1830]  }
0x24b: {  	v31 =	vld [tilespmem:$0xB40]  }
0x24c: {  	v32 =	vld [tilespmem:$0x1840]  }
0x24d: {  	v33 =	vld [tilespmem:$0xB50]  }
0x24e: {  	v34 =	vld [tilespmem:$0x1850]  }
0x24f: {  	v35 =	vld [tilespmem:$0xB60]  }
0x250: {  	v36 =	vld [tilespmem:$0x1860];
	v0 =	vadd.s32 v23, v24  }
0x251: {  	v38 =	vld [tilespmem:$0xB70];
	v37 =	vadd.s32 v25, v26;
	[tilespmem:$0xB00] =	vst v0  }
0x252: {  	v40 =	vld [tilespmem:$0x1870];
	v39 =	vadd.s32 v27, v28;
	[tilespmem:$0xB10] =	vst v37  }
0x253: {  	v41 =	vadd.s32 v29, v30;
	[tilespmem:$0xB20] =	vst v39  }
0x254: {  	v42 =	vadd.s32 v31, v32;
	[tilespmem:$0xB30] =	vst v41  }
0x255: {  	v43 =	vadd.s32 v33, v34;
	[tilespmem:$0xB40] =	vst v42  }
0x256: {  	s9 =	sld [smem:$0x7F8];
	v44 =	vadd.s32 v35, v36;
	[tilespmem:$0xB50] =	vst v43  }
0x257: {  	v45 =	vadd.s32 v38, v40;
	[tilespmem:$0xB60] =	vst v44  }
0x258: {  	[tilespmem:$0xB70] =	vst v45  }
0x259: {  	[tilespmem:s10], [sflag:$0xC] =	stream.indirect.gather [hbm4b:s3+s6], $0x20, s9, s6, $0xb8;
	[tilespmem:$0x1BA00] =	vst v63  }
0x25a: {  	v46 =	vld [tilespmem:$0xB80]  }
0x25b: {  	v47 =	vld [tilespmem:$0x1880]  }
0x25c: {  	v48 =	vld [tilespmem:$0xB90]  }
0x25d: {  	v49 =	vld [tilespmem:$0x1890]  }
0x25e: {  	v50 =	vld [tilespmem:$0xBA0]  }
0x25f: {  	v51 =	vld [tilespmem:$0x18A0]  }
0x260: {  	v52 =	vld [tilespmem:$0xBB0]  }
0x261: {  	v53 =	vld [tilespmem:$0x18B0]  }
0x262: {  	v54 =	vld [tilespmem:$0xBC0]  }
0x263: {  	v55 =	vld [tilespmem:$0x18C0]  }
0x264: {  	v56 =	vld [tilespmem:$0xBD0]  }
0x265: {  	v57 =	vld [tilespmem:$0x18D0]  }
0x266: {  	v58 =	vld [tilespmem:$0xBE0]  }
0x267: {  	v59 =	vld [tilespmem:$0x18E0];
	v0 =	vadd.s32 v46, v47  }
0x268: {  	v61 =	vld [tilespmem:$0xBF0];
	v60 =	vadd.s32 v48, v49;
	[tilespmem:$0xB80] =	vst v0  }
0x269: {  	v63 =	vld [tilespmem:$0x18F0];
	v62 =	vadd.s32 v50, v51;
	[tilespmem:$0xB90] =	vst v60  }
0x26a: {  	v13 =	vadd.s32 v52, v53;
	[tilespmem:$0xBA0] =	vst v62  }
0x26b: {  	v14 =	vadd.s32 v54, v55;
	[tilespmem:$0xBB0] =	vst v13  }
0x26c: {  	s8 =	sld [smem:$0x7F9];
	v15 =	vadd.s32 v56, v57;
	[tilespmem:$0xBC0] =	vst v14  }
0x26d: {  	s9 =	sld [smem:$0x7FA];
	v16 =	vadd.s32 v58, v59;
	[tilespmem:$0xBD0] =	vst v15  }
0x26e: {  	v17 =	vadd.s32 v61, v63;
	[tilespmem:$0xBE0] =	vst v16  }
0x26f: {  	[tilespmem:$0xBF0] =	vst v17  }
0x270: {  	[tilespmem:s9], [sflag:$0xC] =	stream.indirect.gather [hbm4b:s3+s6], $0x20, s8, s6, $0xb8;
	[tilespmem:$0x1BA00] =	vst v63  }
0x271: {  	v18 =	vld [tilespmem:$0xC00]  }
0x272: {  	v19 =	vld [tilespmem:$0x1900]  }
0x273: {  	v20 =	vld [tilespmem:$0xC10]  }
0x274: {  	v21 =	vld [tilespmem:$0x1910]  }
0x275: {  	v22 =	vld [tilespmem:$0xC20]  }
0x276: {  	v23 =	vld [tilespmem:$0x1920]  }
0x277: {  	v24 =	vld [tilespmem:$0xC30]  }
0x278: {  	v25 =	vld [tilespmem:$0x1930]  }
0x279: {  	v26 =	vld [tilespmem:$0xC40]  }
0x27a: {  	v27 =	vld [tilespmem:$0x1940]  }
0x27b: {  	v28 =	vld [tilespmem:$0xC50]  }
0x27c: {  	v29 =	vld [tilespmem:$0x1950]  }
0x27d: {  	v30 =	vld [tilespmem:$0xC60]  }
0x27e: {  	v31 =	vld [tilespmem:$0x1960];
	v0 =	vadd.s32 v18, v19  }
0x27f: {  	v33 =	vld [tilespmem:$0xC70];
	v32 =	vadd.s32 v20, v21;
	[tilespmem:$0xC00] =	vst v0  }
0x280: {  	v35 =	vld [tilespmem:$0x1970];
	v34 =	vadd.s32 v22, v23;
	[tilespmem:$0xC10] =	vst v32  }
0x281: {  	v36 =	vadd.s32 v24, v25;
	[tilespmem:$0xC20] =	vst v34  }
0x282: {  	v37 =	vadd.s32 v26, v27;
	[tilespmem:$0xC30] =	vst v36  }
0x283: {  	v38 =	vadd.s32 v28, v29;
	[tilespmem:$0xC40] =	vst v37  }
0x284: {  	s9 =	sld [smem:$0x7FB];
	v39 =	vadd.s32 v30, v31;
	[tilespmem:$0xC50] =	vst v38  }
0x285: {  	v40 =	vadd.s32 v33, v35;
	[tilespmem:$0xC60] =	vst v39  }
0x286: {  	[tilespmem:$0xC70] =	vst v40  }
0x287: {  	[tilespmem:s11], [sflag:$0xD] =	stream.indirect.gather [hbm4b:s3+s6], $0x20, s9, s6, $0xb8;
	[tilespmem:$0x1BA00] =	vst v63  }
0x288: {  	v41 =	vld [tilespmem:$0xC80]  }
0x289: {  	v42 =	vld [tilespmem:$0x1980]  }
0x28a: {  	v43 =	vld [tilespmem:$0xC90]  }
0x28b: {  	v44 =	vld [tilespmem:$0x1990]  }
0x28c: {  	v45 =	vld [tilespmem:$0xCA0]  }
0x28d: {  	v46 =	vld [tilespmem:$0x19A0]  }
0x28e: {  	v47 =	vld [tilespmem:$0xCB0]  }
0x28f: {  	v48 =	vld [tilespmem:$0x19B0]  }
0x290: {  	v49 =	vld [tilespmem:$0xCC0]  }
0x291: {  	v50 =	vld [tilespmem:$0x19C0]  }
0x292: {  	v51 =	vld [tilespmem:$0xCD0]  }
0x293: {  	v52 =	vld [tilespmem:$0x19D0]  }
0x294: {  	v53 =	vld [tilespmem:$0xCE0]  }
0x295: {  	v54 =	vld [tilespmem:$0x19E0];
	v0 =	vadd.s32 v41, v42  }
0x296: {  	v56 =	vld [tilespmem:$0xCF0];
	v55 =	vadd.s32 v43, v44;
	[tilespmem:$0xC80] =	vst v0  }
0x297: {  	v58 =	vld [tilespmem:$0x19F0];
	v57 =	vadd.s32 v45, v46;
	[tilespmem:$0xC90] =	vst v55  }
0x298: {  	v59 =	vadd.s32 v47, v48;
	[tilespmem:$0xCA0] =	vst v57  }
0x299: {  	v60 =	vadd.s32 v49, v50;
	[tilespmem:$0xCB0] =	vst v59  }
0x29a: {  	s8 =	sld [smem:$0x7FC];
	v61 =	vadd.s32 v51, v52;
	[tilespmem:$0xCC0] =	vst v60  }
0x29b: {  	s9 =	sld [smem:$0x7FD];
	v62 =	vadd.s32 v53, v54;
	[tilespmem:$0xCD0] =	vst v61  }
0x29c: {  	v63 =	vadd.s32 v56, v58;
	[tilespmem:$0xCE0] =	vst v62  }
0x29d: {  	[tilespmem:$0xCF0] =	vst v63  }
0x29e: {  	[tilespmem:s9], [sflag:$0xD] =	stream.indirect.gather [hbm4b:s3+s6], $0x20, s8, s6, $0xb8;
	[tilespmem:$0x1BA00] =	vst v63  }
0x29f: {  	_ =	swait.ge [sflag:s20], $0x1000  }
0x2a0: {  	[sflag:s20] =	ssyncset.done $0x0  }
0x2a1: {  	[sflag:s20] =	ssyncadd.s32 $0xFFFFF000  }
0x2a2: {  	_ =	swait.ge [sflag:s20], $0x1000  }
0x2a3: {  	[sflag:s20] =	ssyncset.done $0x0  }
0x2a4: {  	s9 =	simm.s32 $0x1A00;
	s8 =	rddreg [dreg:$0x6];
	[sflag:s20] =	ssyncadd.s32 $0xFFFFF000  }
0x2a5: {  	[hbm4b:s8+s2] =	stream.linear.scatter [tilespmem:s9], [sflag:$0xE], $0x2000, $0x38;
	[tilespmem:$0x1BA00] =	vst v63  }
0x2a6: {  	_ =	swait.ge [sflag:s21], $0x1000  }
0x2a7: {  	[sflag:s21] =	ssyncset.done $0x0  }
0x2a8: {  	[sflag:s21] =	ssyncadd.s32 $0xFFFFF000  }
0x2a9: {  	_ =	swait.ge [sflag:s21], $0x1000  }
0x2aa: {  	[sflag:s21] =	ssyncset.done $0x0  }
0x2ab: {  	s9 =	simm.s32 $0x3A00;
	s8 =	rddreg [dreg:$0x7];
	[sflag:s21] =	ssyncadd.s32 $0xFFFFF000  }
0x2ac: {  	[hbm4b:s8+s2] =	stream.linear.scatter [tilespmem:s9], [sflag:$0xE], $0x2000, $0x38;
	[tilespmem:$0x1BA00] =	vst v63  }
0x2ad: {  	_ =	swait.ge [sflag:s22], $0x1000  }
0x2ae: {  	[sflag:s22] =	ssyncset.done $0x0  }
0x2af: {  	[sflag:s22] =	ssyncadd.s32 $0xFFFFF000  }
0x2b0: {  	_ =	swait.ge [sflag:s22], $0x1000  }
0x2b1: {  	[sflag:s22] =	ssyncset.done $0x0  }
0x2b2: {  	s9 =	simm.s32 $0x5A00;
	s8 =	rddreg [dreg:$0x8];
	[sflag:s22] =	ssyncadd.s32 $0xFFFFF000  }
0x2b3: {  	[hbm4b:s8+s2] =	stream.linear.scatter [tilespmem:s9], [sflag:$0xE], $0x2000, $0x38;
	[tilespmem:$0x1BA00] =	vst v63  }
0x2b4: {  	_ =	swait.ge [sflag:s23], $0x1000  }
0x2b5: {  	[sflag:s23] =	ssyncset.done $0x0  }
0x2b6: {  	[sflag:s23] =	ssyncadd.s32 $0xFFFFF000  }
0x2b7: {  	_ =	swait.ge [sflag:s23], $0x1000  }
0x2b8: {  	[sflag:s23] =	ssyncset.done $0x0  }
0x2b9: {  	s9 =	rddreg [dreg:$0x9];
	[sflag:s23] =	ssyncadd.s32 $0xFFFFF000  }
0x2ba: {  	[hbm4b:s9+s2] =	stream.linear.scatter [tilespmem:s13], [sflag:$0xE], $0x2000, $0x38;
	[tilespmem:$0x1BA00] =	vst v63  }
0x2bb: {  	_ =	swait.ge [sflag:s24], $0x1000  }
0x2bc: {  	[sflag:s24] =	ssyncset.done $0x0  }
0x2bd: {  	[sflag:s24] =	ssyncadd.s32 $0xFFFFF000  }
0x2be: {  	_ =	swait.ge [sflag:s24], $0x1000  }
0x2bf: {  	[sflag:s24] =	ssyncset.done $0x0  }
0x2c0: {  	s9 =	rddreg [dreg:$0xa];
	[sflag:s24] =	ssyncadd.s32 $0xFFFFF000  }
0x2c1: {  	[hbm4b:s9+s2] =	stream.linear.scatter [tilespmem:s14], [sflag:$0xE], $0x2000, $0x38;
	[tilespmem:$0x1BA00] =	vst v63  }
0x2c2: {  	_ =	swait.ge [sflag:s25], $0x1000  }
0x2c3: {  	[sflag:s25] =	ssyncset.done $0x0  }
0x2c4: {  	[sflag:s25] =	ssyncadd.s32 $0xFFFFF000  }
0x2c5: {  	_ =	swait.ge [sflag:s25], $0x1000  }
0x2c6: {  	[sflag:s25] =	ssyncset.done $0x0  }
0x2c7: {  	s9 =	rddreg [dreg:$0xb];
	[sflag:s25] =	ssyncadd.s32 $0xFFFFF000  }
0x2c8: {  	[hbm4b:s9+s2] =	stream.linear.scatter [tilespmem:s15], [sflag:$0xE], $0x2000, $0x38;
	[tilespmem:$0x1BA00] =	vst v63  }
0x2c9: {  	_ =	swait.ge [sflag:s26], $0x1000  }
0x2ca: {  	[sflag:s26] =	ssyncset.done $0x0  }
0x2cb: {  	[sflag:s26] =	ssyncadd.s32 $0xFFFFF000  }
0x2cc: {  	_ =	swait.ge [sflag:s26], $0x1000  }
0x2cd: {  	[sflag:s26] =	ssyncset.done $0x0  }
0x2ce: {  	s9 =	rddreg [dreg:$0xc];
	[sflag:s26] =	ssyncadd.s32 $0xFFFFF000  }
0x2cf: {  	[hbm4b:s9+s2] =	stream.linear.scatter [tilespmem:s16], [sflag:$0xE], $0x2000, $0x38;
	[tilespmem:$0x1BA00] =	vst v63  }
0x2d0: {  	_ =	swait.ge [sflag:s28], $0x1000  }
0x2d1: {  	[sflag:s28] =	ssyncset.done $0x0  }
0x2d2: {  	[sflag:s28] =	ssyncadd.s32 $0xFFFFF000  }
0x2d3: {  	_ =	swait.ge [sflag:s28], $0x1000  }
0x2d4: {  	[sflag:s28] =	ssyncset.done $0x0  }
0x2d5: {  	s9 =	rddreg [dreg:$0xd];
	[sflag:s28] =	ssyncadd.s32 $0xFFFFF000  }
0x2d6: {  	[hbm4b:s9+s2] =	stream.linear.scatter [tilespmem:s17], [sflag:$0xE], $0x2000, $0x38;
	[tilespmem:$0x1BA00] =	vst v63  }
0x2d7: {  	_ =	swait.ge [sflag:s29], $0x1000  }
0x2d8: {  	[sflag:s29] =	ssyncset.done $0x0  }
0x2d9: {  	[sflag:s29] =	ssyncadd.s32 $0xFFFFF000  }
0x2da: {  	_ =	swait.ge [sflag:s29], $0x1000  }
0x2db: {  	[sflag:s29] =	ssyncset.done $0x0  }
0x2dc: {  	s9 =	rddreg [dreg:$0xe];
	[sflag:s29] =	ssyncadd.s32 $0xFFFFF000  }
0x2dd: {  	[hbm4b:s9+s2] =	stream.linear.scatter [tilespmem:s18], [sflag:$0xE], $0x2000, $0x38;
	[tilespmem:$0x1BA00] =	vst v63  }
0x2de: {  	_ =	swait.ge [sflag:s30], $0x1000  }
0x2df: {  	[sflag:s30] =	ssyncset.done $0x0  }
0x2e0: {  	[sflag:s30] =	ssyncadd.s32 $0xFFFFF000  }
0x2e1: {  	_ =	swait.ge [sflag:s30], $0x1000  }
0x2e2: {  	[sflag:s30] =	ssyncset.done $0x0  }
0x2e3: {  	s9 =	rddreg [dreg:$0xf];
	[sflag:s30] =	ssyncadd.s32 $0xFFFFF000  }
0x2e4: {  	[hbm4b:s9+s2] =	stream.linear.scatter [tilespmem:s19], [sflag:$0xE], $0x2000, $0x38;
	[tilespmem:$0x1BA00] =	vst v63  }
0x2e5: {  	_ =	swait.ge [sflag:s31], $0x1000  }
0x2e6: {  	[sflag:s31] =	ssyncset.done $0x0  }
0x2e7: {  	[sflag:s31] =	ssyncadd.s32 $0xFFFFF000  }
0x2e8: {  	_ =	swait.ge [sflag:s31], $0x1000  }
0x2e9: {  	[sflag:s31] =	ssyncset.done $0x0  }
0x2ea: {  	s9 =	rddreg [dreg:$0x10];
	[sflag:s31] =	ssyncadd.s32 $0xFFFFF000  }
0x2eb: {  	[hbm4b:s9+s2] =	stream.linear.scatter [tilespmem:s5], [sflag:$0xE], $0x2000, $0x38;
	[tilespmem:$0x1BA00] =	vst v63  }
0x2ec: {  	_ =	swait.ge [sflag:s1], $0x1000  }
0x2ed: {  	[sflag:s1] =	ssyncset.done $0x0  }
0x2ee: {  	[sflag:s1] =	ssyncadd.s32 $0xFFFFF000  }
0x2ef: {  	_ =	swait.ge [sflag:s1], $0x1000  }
0x2f0: {  	[sflag:s1] =	ssyncset.done $0x0  }
0x2f1: {  	s5 =	rddreg [dreg:$0x11];
	[sflag:s1] =	ssyncadd.s32 $0xFFFFF000  }
0x2f2: {  	[hbm4b:s5+s2] =	stream.linear.scatter [tilespmem:s10], [sflag:$0xE], $0x2000, $0x38;
	[tilespmem:$0x1BA00] =	vst v63  }
0x2f3: {  	_ =	swait.ge [sflag:s0], $0x1000  }
0x2f4: {  	[sflag:s0] =	ssyncset.done $0x0  }
0x2f5: {  	[sflag:s0] =	ssyncadd.s32 $0xFFFFF000  }
0x2f6: {  	_ =	swait.ge [sflag:s0], $0x1000  }
0x2f7: {  	[sflag:s0] =	ssyncset.done $0x0  }
0x2f8: {  	s9 =	rddreg [dreg:$0x12];
	[sflag:s0] =	ssyncadd.s32 $0xFFFFF000  }
0x2f9: {  	[hbm4b:s9+s2] =	stream.linear.scatter [tilespmem:s11], [sflag:$0xE], $0x2000, $0x38;
	[tilespmem:$0x1BA00] =	vst v63  }
0x2fa: {  	_ =	swait.ge [sflag:s7], $0x2000  }
0x2fb: {  	[sflag:s7] =	ssyncset.done $0x0  }
0x2fc: {  	[sflag:s7] =	ssyncadd.s32 $0xFFFFE000  }
0x2fd: {  	_ =	swait.ge [sflag:s7], $0x2000  }
0x2fe: {  	[sflag:s7] =	ssyncset.done $0x0  }
0x2ff: {  	[sflag:s7] =	ssyncadd.s32 $0xFFFFE000  }
0x300: {  	_ =	swait.ge [sflag:s7], $0x2000  }
0x301: {  	[sflag:s7] =	ssyncset.done $0x0  }
0x302: {  	[sflag:s7] =	ssyncadd.s32 $0xFFFFE000  }
0x303: {  	_ =	swait.ge [sflag:s7], $0x2000  }
0x304: {  	[sflag:s7] =	ssyncset.done $0x0  }
0x305: {  	[sflag:s7] =	ssyncadd.s32 $0xFFFFE000  }
0x306: {  	_ =	swait.ge [sflag:s7], $0x2000  }
0x307: {  	[sflag:s7] =	ssyncset.done $0x0  }
0x308: {  	[sflag:s7] =	ssyncadd.s32 $0xFFFFE000  }
0x309: {  	_ =	swait.ge [sflag:s7], $0x2000  }
0x30a: {  	[sflag:s7] =	ssyncset.done $0x0  }
0x30b: {  	[sflag:s7] =	ssyncadd.s32 $0xFFFFE000  }
0x30c: {  	_ =	swait.ge [sflag:s7], $0x2000  }
0x30d: {  	[sflag:s7] =	ssyncset.done $0x0  }
0x30e: {  	[sflag:s7] =	ssyncadd.s32 $0xFFFFE000  }
0x30f: {  	_ =	swait.ge [sflag:s7], $0x2000  }
0x310: {  	[sflag:s7] =	ssyncset.done $0x0  }
0x311: {  	[sflag:s7] =	ssyncadd.s32 $0xFFFFE000  }
0x312: {  	_ =	swait.ge [sflag:s7], $0x2000  }
0x313: {  	[sflag:s7] =	ssyncset.done $0x0  }
0x314: {  	[sflag:s7] =	ssyncadd.s32 $0xFFFFE000  }
0x315: {  	_ =	swait.ge [sflag:s7], $0x2000  }
0x316: {  	[sflag:s7] =	ssyncset.done $0x0  }
0x317: {  	[sflag:s7] =	ssyncadd.s32 $0xFFFFE000  }
0x318: {  	_ =	swait.ge [sflag:s7], $0x2000  }
0x319: {  	[sflag:s7] =	ssyncset.done $0x0  }
0x31a: {  	[sflag:s7] =	ssyncadd.s32 $0xFFFFE000  }
0x31b: {  	p0 =	sne.s32 s4, $0x1;
	_ =	swait.ge [sflag:s7], $0x2000  }
.Ltmp0:
0x31c: {  	[sflag:s7] =	ssyncset.done $0x0;
	(pc) =	sbr.rel @p0 .LBB2_1-.Ltmp0, $4  }
0x31d: {  	[sflag:s7] =	ssyncadd.s32 $0xFFFFE000  }
0x31e: {  	_ =	swait.ge [sflag:s7], $0x2000  }
0x31f: {  	[sflag:s7] =	ssyncset.done $0x0  }
0x320: {  	s4 =	sadd.s32 $0xFFFFFFFF, s4;
	[sflag:s7] =	ssyncadd.s32 $0xFFFFE000  }
0x321: {  	_ =	sfence.sel $0x180000  }
0x322: {  	[bflag:$0x0] =	sbarrier.arrive $0xFFFF  }
0x323: {  	_ =	strace $0x90000047  }
0x324: {  	s0 =	stileid.u32;
	[bflag:$0x2] =	sbarrier.arrive $0xFFFF  }
0x325: {  	p0 =	sne.s32 s0, $0x0;
	s0 =	rddreg [dreg:$0x3]  }
0x326: {  	s0 =	sadd.s32 @!p0 $0x100000, s0  }
0x327: {  	[sflag:s0] =	ssyncadd.tile.s32 @!p0 $0x1;
	_ =	shalt  }
.Lfunc_end2:
_tile_overlayer_lowered:
.L_overlay_start_2:
0x328: {  	(tag) =	ssettag $0x2  }
0x329: {  	s0 =	rddreg [dreg:$0x0];
	s2 =	stileid.u32  }
0x32a: {  	s1 =	rddreg [dreg:$0x1];
	p0 =	sne.s32 s2, $0x0  }
0x32b: {  	s3 =	rddreg [dreg:$0x2];
	[bflag:$0x3] =	sbarrier.arrive $0xFFFF;
	s2 =	simm.s32 @!p0 $0x1C0F  }
0x32c: {  	[timem:s3], [sflag:s2] =	dma.local @!p0 [hbm:s0], s1  }
0x32d: {  	s0 =	simm.s32 @!p0 $0xF  }
0x32e: {  	_ =	swait.ge @!p0 [sflag:s0], s1  }
0x32f: {  	s1 =	ssub.s32 @!p0 $0x0, s1;
	[sflag:s0] =	ssyncset.done @!p0 $0x0  }
0x330: {  	[sflag:s0] =	ssyncadd.s32 @!p0 s1  }
0x331: {  	[bflag:$0x3] =	sbarrier.arrive $0xFFFF  }
0x332: {  	_ =	shalt  }

</sc_bundles>
